<compile_context>
chip_gen: v7x
topology: tpu7x:2x2x1
jax: 0.10.2.dev20260603
libtpu: 0.0.44.dev20260713+nightly
codegen_flags: <defaults>
</compile_context>

<pallas_src>
import functools

import jax
import jax.numpy as jnp
from jax import lax
from jax.experimental import pallas as pl
from jax.experimental.pallas import tpu as pltpu
from jax.experimental.pallas import tpu_sc as plsc

_N = 1024
_NR = 512
_NW = 16
_CPT = 64


def _pack_body(hin_ref, hp_ref):
    sh32 = lax.broadcasted_iota(jnp.int32, (32, 1), 0)
    for w in range(_NW):
        blk = hin_ref[pl.ds(32 * w, 32), :].astype(jnp.int32)
        hp_ref[pl.ds(w, 1), :] = jnp.sum(blk << sh32, axis=0, keepdims=True)


_sc_mesh = plsc.VectorSubcoreMesh(core_axis_name="c", subcore_axis_name="s")


def _lane_perm(x, idx):
    dnums = lax.GatherDimensionNumbers(
        offset_dims=(), collapsed_slice_dims=(0,), start_index_map=(0,))
    return lax.gather(x, idx[:, None], dnums, (1,),
                      mode=lax.GatherScatterMode.PROMISE_IN_BOUNDS)


@functools.partial(
    pl.kernel,
    out_type=jax.ShapeDtypeStruct((_NW, _N), jnp.int32),
    mesh=_sc_mesh,
    scratch_types=[
        pltpu.VMEM((_N,), jnp.int32),
        pltpu.VMEM((_NW,), jnp.int32),
        pltpu.VMEM((_NW,), jnp.int32),
        pltpu.VMEM((_NW,), jnp.int32),
        pltpu.VMEM_SHARED((2, _NW, _NW), jnp.int32),
        pltpu.SemaphoreType.DMA,
    ],
)
def _p1_sc(hin, hout, flat, ctmp, rtmp, pivr, shared, dsem):
    i32 = jnp.int32
    s = lax.axis_index("s")
    core = lax.axis_index("c")
    iota16 = lax.broadcasted_iota(i32, (_NW,), 0)
    zero16 = iota16 * 0

    pltpu.sync_copy(hin.at[s], flat)

    def publish(col, slot):
        jl = col & (_CPT - 1)
        ctmp[...] = flat[pl.ds(_NW * jl, _NW)]
        pltpu.sync_copy(ctmp, shared.at[slot, s])

    pivr[...] = zero16 + _NR
    publish(i32(_N - 1), i32(0))
    plsc.subcore_barrier()

    iota_x = [iota16 ^ k for k in (1, 2, 4, 8)]

    def allmax(v):
        for ix in iota_x:
            v = jnp.maximum(v, _lane_perm(v, ix))
        return v

    def shrl(v, k):
        return lax.shift_right_logical(v, zero16 + k)

    def body(i, _):
        piv = pivr[...]
        col = _N - 1 - i
        pltpu.sync_copy(shared.at[lax.rem(i, 2), col >> 6], rtmp)
        c = rtmp[...]
        sh = piv - 32 * iota16
        wm = jnp.where(sh >= 32, i32(-1),
                       (i32(1) << jnp.maximum(jnp.minimum(sh, 31), 0)) - 1)
        masked = c & wm
        x = masked
        x = x | shrl(x, 1)
        x = x | shrl(x, 2)
        x = x | shrl(x, 4)
        x = x | shrl(x, 8)
        x = x | shrl(x, 16)
        top = x ^ shrl(x, 1)
        posw = (jnp.where((top & i32(-1431655766)) != 0, i32(1), i32(0))
                + jnp.where((top & i32(-858993460)) != 0, i32(2), i32(0))
                + jnp.where((top & i32(-252645136)) != 0, i32(4), i32(0))
                + jnp.where((top & i32(-16711936)) != 0, i32(8), i32(0))
                + jnp.where((top & i32(-65536)) != 0, i32(16), i32(0)))
        rowcand = jnp.where(masked != 0, 32 * iota16 + posw, -1)
        r1v = allmax(rowcand)
        fmask = jnp.where((r1v >= 0) & (piv > 0), i32(-1), i32(0))
        r1c = jnp.maximum(r1v, 0)
        w1v, b1v = r1c >> 5, r1c & 31
        r2v = jnp.maximum(piv - 1, 0)
        w2v, b2v = r2v >> 5, r2v & 31
        clr = (jnp.where(iota16 == w1v, i32(1) << b1v, 0)
               | jnp.where(iota16 == w2v, i32(1) << b2v, 0))
        pc = (c & ~clr) & fmask
        clrf = clr & fmask

        def colstep(cv):
            g1 = _lane_perm(cv, w1v)
            g2 = _lane_perm(cv, w2v)
            bit1 = (g1 >> b1v) & 1
            dd = bit1 ^ ((g2 >> b2v) & 1)
            return ((0 - dd) & clrf) ^ (pc & (0 - bit1))

        jl2 = (col - 1) & (_CPT - 1)
        o2 = _NW * jl2
        cv2 = flat[pl.ds(o2, _NW)]
        cv2 = cv2 ^ colstep(cv2)
        flat[pl.ds(o2, _NW)] = cv2
        ctmp[...] = cv2
        cp = pltpu.async_copy(ctmp, shared.at[lax.rem(i + 1, 2), s], dsem)
        for jl in range(_CPT):
            skip = jnp.where(jl2 == jl, i32(0), i32(-1))
            cv = flat[pl.ds(_NW * jl, _NW)]
            cv = cv ^ (colstep(cv) & skip)
            flat[pl.ds(_NW * jl, _NW)] = cv
        cp.wait()
        pivr[...] = jnp.where(fmask != 0, piv - 1, piv)
        plsc.subcore_barrier()
        return i32(0)

    lax.fori_loop(0, _N, body, i32(0))

    @pl.when(core == 0)
    def _():
        pltpu.sync_copy(flat, hout.at[s])


def _asm_body(hf_ref, g_ref, src_ref, u_ref, m_ref):
    i32 = jnp.int32
    f32 = jnp.float32
    sh32 = lax.broadcasted_iota(i32, (32, 1), 0)
    iota_w = lax.broadcasted_iota(i32, (_NW, 1), 0)
    lane_n = lax.broadcasted_iota(i32, (1, _N), 1)
    Hf = hf_ref[:, :]

    wnz = Hf != 0
    single = (Hf & (Hf - 1)) == 0
    all_single = jnp.all(single, axis=0, keepdims=True)
    nzcnt = jnp.sum(wnz.astype(i32), axis=0, keepdims=True)
    posw = (((Hf & i32(-1431655766)) != 0).astype(i32)
            + (((Hf & i32(-858993460)) != 0).astype(i32) << 1)
            + (((Hf & i32(-252645136)) != 0).astype(i32) << 2)
            + (((Hf & i32(-16711936)) != 0).astype(i32) << 3)
            + (((Hf & i32(-65536)) != 0).astype(i32) << 4))
    rowpos = jnp.sum(jnp.where(wnz, iota_w * 32 + posw, 0),
                     axis=0, keepdims=True)
    colid0 = jnp.where(all_single & (nzcnt == 1), rowpos, -1)

    big = i32(1) << 20
    i_col = lax.broadcasted_iota(i32, (_NR, 1), 0)
    fm = jnp.min(jnp.where(colid0 == i_col, lane_n, big),
                 axis=1, keepdims=True)
    ok = (fm == _N - _NR + i_col) | (fm >= big)
    i0 = jnp.min(jnp.where(ok, _NR, i_col))

    def p2_cond(carry):
        return carry[0] < _NR

    def p2_body(carry):
        i, colid, csv = carry
        m = colid == i
        cond = jnp.any(m)
        jstar = jnp.min(jnp.where(m, lane_n, big))
        jstar = jnp.where(cond, jstar, 0)
        cei = _N - _NR + i
        mA = lane_n == jstar
        mB = lane_n == cei
        cidB = jnp.sum(jnp.where(mB, colid, 0))
        cid_sw = jnp.where(mA, cidB, jnp.where(mB, i, colid))
        colid = jnp.where(cond, cid_sw, colid)
        sA = jnp.sum(jnp.where(mA, csv, 0))
        sB = jnp.sum(jnp.where(mB, csv, 0))
        cs_sw = jnp.where(mA, sB, jnp.where(mB, sA, csv))
        return i + 1, colid, jnp.where(cond, cs_sw, csv)

    _, _, csv = lax.while_loop(
        p2_cond, p2_body,
        (i0, colid0, lax.broadcasted_iota(i32, (1, _N), 1)))

    for w in range(_NW):
        g_ref[pl.ds(32 * w, 32), :] = (
            (Hf[w:w + 1, :] >> sh32) & 1).astype(f32)
    perm = (lax.broadcasted_iota(i32, (_N, _NR), 0)
            == csv[:, 0:_NR]).astype(f32)
    u_ref[:, :] = lax.dot_general(g_ref[:, :], perm,
                                  (((1,), (0,)), ((), ())),
                                  preferred_element_type=f32)
    csf = csv.astype(f32)
    eye = (lax.broadcasted_iota(i32, (_NR, _NR), 0)
           == lax.broadcasted_iota(i32, (_NR, _NR), 1)).astype(f32)
    cs_top = lax.dot_general(eye, csf[:, 0:_NR],
                             (((1,), (1,)), ((), ())),
                             preferred_element_type=f32)
    cs_bot = lax.dot_general(eye, csf[:, _NR:_N],
                             (((1,), (1,)), ((), ())),
                             preferred_element_type=f32)
    lane_ni = lax.broadcasted_iota(i32, (_NR, _N), 1)
    m_ref[:, :] = (cs_bot.astype(i32) == lane_ni).astype(f32)
    g_ref[:, :] = ((cs_top.astype(i32) == lane_ni).astype(f32)
                   + lax.dot_general(u_ref[:, :], m_ref[:, :],
                                     (((0,), (0,)), ((), ())),
                                     preferred_element_type=f32))
    src_ref[0:1, :] = csv[0:1, 0:_NR]


def kernel(H_input):
    planes = pl.pallas_call(
        _pack_body,
        out_shape=jax.ShapeDtypeStruct((_NW, _N), jnp.int32),
    )(H_input)
    packed = planes.reshape(_NW, _NW, _CPT).transpose(1, 2, 0).reshape(
        _NW, _N)
    hf3 = _p1_sc(packed)
    hf = hf3.reshape(_NW, _CPT, _NW).transpose(2, 0, 1).reshape(_NW, _N)
    g, src = pl.pallas_call(
        _asm_body,
        out_shape=[
            jax.ShapeDtypeStruct((_NR, _N), jnp.float32),
            jax.ShapeDtypeStruct((1, _NR), jnp.int32),
        ],
        scratch_shapes=[
            pltpu.VMEM((_NR, _NR), jnp.float32),
            pltpu.VMEM((_NR, _N), jnp.float32),
        ],
    )(hf)
    return g, src.reshape(_NR)

# --- scband reference (transcript-rebuilt; emitter-appended) ---
"""Pipeline reference for scband-gauss-jordan-gf2-42941083025869 (READ-ONLY COPY).

The authoritative reference and input builder live on the scoring server;
editing this copy changes nothing except your own understanding.
"""

import jax, jax.numpy as jnp
import numpy as np
from jax import lax

N = 1024
K = 512


def setup_inputs(seed: int = 0) -> dict:
    key = jax.random.key(seed)
    H_input = jax.random.randint(key, (N - K, N), 0, 2).astype(jnp.float32)
    return {"H_input": H_input}


def _gauss_jordan_gf2(H_input, n, k):
    nb_row = n - k
    nb_col = n
    H = H_input
    col_swap = jnp.arange(nb_col, dtype=jnp.int32)
    rows = jnp.arange(nb_row)

    # Phase 1: column-by-column GF(2) elimination (right to left)
    def phase1_body(i, carry):
        H, pivot_index = carry
        col_index = nb_col - 1 - i
        c = H[:, col_index]
        mask = (rows < pivot_index) & (c != 0)
        found = jnp.any(mask) & (pivot_index != 0)
        max_row_index = jnp.max(jnp.where(mask, rows, -1))
        new_pivot = pivot_index - 1
        max_row_index = jnp.where(found, max_row_index, new_pivot)
        dst = jnp.stack([max_row_index, new_pivot])
        src = jnp.stack([new_pivot, max_row_index])
        Hs = H.at[dst].set(H[src])
        pivot_row = Hs[new_pivot, :][None, :]
        pivot_col = Hs[:, col_index].at[new_pivot].set(0.0)[:, None]
        Hn = jnp.mod(Hs + pivot_col @ pivot_row, 2.0)
        H = jnp.where(found, Hn, H)
        pivot_index = jnp.where(found, new_pivot, pivot_index)
        return H, pivot_index

    H, _ = lax.fori_loop(0, nb_col, phase1_body, (H, jnp.int32(nb_row)))

    # Phase 2: move identity columns to the right block via column swaps
    def phase2_body(identity_index, carry):
        H, col_swap = carry
        base_col = (rows == identity_index).astype(jnp.float32)
        identity_check = jnp.sum(jnp.abs(H - base_col[:, None]), axis=0)
        cond = jnp.min(identity_check) == 0
        argmin_id_check = jnp.argmin(identity_check)
        current_eye_index = nb_col - nb_row + identity_index
        dst = jnp.stack([argmin_id_check, current_eye_index])
        src = jnp.stack([current_eye_index, argmin_id_check])
        Ht = H.T
        Ht = Ht.at[dst].set(Ht[src])
        Hn = Ht.T
        col_swap_n = col_swap.at[dst].set(col_swap[src])
        H = jnp.where(cond, Hn, H)
        col_swap = jnp.where(cond, col_swap_n, col_swap)
        return H, col_swap

    H, col_swap = lax.fori_loop(0, nb_row, phase2_body, (H, col_swap))

    # Build generator matrix
    H_parity = H[:, 0:k]
    G_sys = jnp.concatenate([jnp.eye(k, dtype=jnp.float32), H_parity.T], axis=1)
    G_nsys = G_sys.T
    G_nsys = G_nsys.at[col_swap].set(G_nsys)
    G_nsys = G_nsys.T
    src_index = col_swap[0:k]
    return G_nsys, src_index


def reference(H_input):
    return _gauss_jordan_gf2(H_input, N, K)

if __name__ == "__main__":
    import jax
    _d = setup_inputs()
    print(jax.jit(kernel)(*tuple(_d.values())))

</pallas_src>

<mosaic_0001>
#map = affine_map<(d0, d1) -> (0, 0)>
module attributes {stable_mosaic.version = 14 : i64} {
  func.func @_p1_sc(%arg0: i32, %arg1: i32, %arg2: memref<16x1024xi32, #tpu.memory_space<hbm>>, %arg3: memref<16x1024xi32, #tpu.memory_space<hbm>>, %arg4: memref<1024xi32, #tpu.memory_space<vmem>>, %arg5: memref<16xi32, #tpu.memory_space<vmem>>, %arg6: memref<16xi32, #tpu.memory_space<vmem>>, %arg7: memref<16xi32, #tpu.memory_space<vmem>>, %arg8: memref<2x16x16xi32, #tpu.memory_space<vmem_shared>>, %arg9: memref<!tpu.dma_semaphore, #tpu.memory_space<semaphore_mem>>) attributes {dimension_semantics = [#tpu.dimension_semantics<core_parallel>, #tpu.dimension_semantics<subcore_parallel>], iteration_bounds = array<i64: 2, 16>, scalar_prefetch = 0 : i64, scratch_operands = 6 : i64, tpu.core_type = #tpu.core_type<sc_vector_subcore>, window_params = [{transform_indices = #map}, {transform_indices = #map}]} {
    %iota3A = tpu.iota {dimensions = array<i32: 0>} : vector<16xi32>
    %mul3A = arith.constant 0 : i32
    %mul3A_0 = vector.broadcast %mul3A : i32 to vector<16xi32>
    %mul3A_1 = arith.muli %iota3A, %mul3A_0 : vector<16xi32>
    "tpu.region"() ({
      %run_scoped3A_36 = tpu.sem_alloc : memref<!tpu.dma_semaphore, #tpu.memory_space<semaphore_mem>>
      %dma_start3A = arith.constant 0 : i32
      %dma_start3A_37 = tpu.memref_slice %arg2[%arg1, %dma_start3A] : memref<16x1024xi32, #tpu.memory_space<hbm>> -> memref<1x1024xi32, #tpu.memory_space<hbm>>
      %dma_start3A_38 = tpu.memref_squeeze %dma_start3A_37 : memref<1x1024xi32, #tpu.memory_space<hbm>> -> memref<1024xi32, #tpu.memory_space<hbm>>
      %dma_start3A_39 = arith.constant 0 : i32
      %dma_start3A_40 = tpu.memref_slice %arg2[%arg1, %dma_start3A_39] : memref<16x1024xi32, #tpu.memory_space<hbm>> -> memref<1x1024xi32, #tpu.memory_space<hbm>>
      %dma_start3A_41 = tpu.memref_squeeze %dma_start3A_40 : memref<1x1024xi32, #tpu.memory_space<hbm>> -> memref<1024xi32, #tpu.memory_space<hbm>>
      tpu.enqueue_dma source(%dma_start3A_41 : memref<1024xi32, #tpu.memory_space<hbm>>) target(%arg4 : memref<1024xi32, #tpu.memory_space<vmem>>) target_semaphore(%run_scoped3A_36 : memref<!tpu.dma_semaphore, #tpu.memory_space<semaphore_mem>>)
      %dma_wait3A = arith.constant 0 : i32
      %dma_wait3A_42 = tpu.memref_slice %arg2[%arg1, %dma_wait3A] : memref<16x1024xi32, #tpu.memory_space<hbm>> -> memref<1x1024xi32, #tpu.memory_space<hbm>>
      %dma_wait3A_43 = tpu.memref_squeeze %dma_wait3A_42 : memref<1x1024xi32, #tpu.memory_space<hbm>> -> memref<1024xi32, #tpu.memory_space<hbm>>
      %dma_wait3A_44 = arith.constant 0 : i32
      %dma_wait3A_45 = tpu.memref_slice %arg2[%arg1, %dma_wait3A_44] : memref<16x1024xi32, #tpu.memory_space<hbm>> -> memref<1x1024xi32, #tpu.memory_space<hbm>>
      %dma_wait3A_46 = tpu.memref_squeeze %dma_wait3A_45 : memref<1x1024xi32, #tpu.memory_space<hbm>> -> memref<1024xi32, #tpu.memory_space<hbm>>
      tpu.wait_dma2 semaphore(%run_scoped3A_36 : memref<!tpu.dma_semaphore, #tpu.memory_space<semaphore_mem>>) src(%dma_wait3A_46 : memref<1024xi32, #tpu.memory_space<hbm>>) dst(%arg4 : memref<1024xi32, #tpu.memory_space<vmem>>)
      tpu.yield
    }) : () -> ()
    %add3A = arith.constant 512 : i32
    %add3A_2 = vector.broadcast %add3A : i32 to vector<16xi32>
    %add3A_3 = arith.addi %mul3A_1, %add3A_2 : vector<16xi32>
    %swap3A = arith.constant 0 : index
    %swap3A_4 = tpu.vector_load %arg7[%swap3A] {strides = array<i32>} : memref<16xi32, #tpu.memory_space<vmem>>, vector<16xi32>,
    %swap3A_5 = vector.shape_cast %swap3A_4 : vector<16xi32> to vector<16xi32>
    %swap3A_6 = vector.shape_cast %add3A_3 : vector<16xi32> to vector<16xi32>
    tpu.vector_store %arg7[%swap3A], %swap3A_6 {strides = array<i32>} : memref<16xi32, #tpu.memory_space<vmem>>, vector<16xi32>,
    %and3A = arith.constant 1023 : i32
    %and3A_7 = arith.constant 63 : i32
    %and3A_8 = arith.andi %and3A, %and3A_7 : i32
    %mul3A_9 = arith.constant 16 : i32
    %mul3A_10 = arith.muli %mul3A_9, %and3A_8 : i32
    %get3A = arith.index_cast %mul3A_10 : i32 to index
    %get3A_11 = tpu.vector_load %arg4[%get3A] {strides = array<i32>} : memref<1024xi32, #tpu.memory_space<vmem>>, vector<16xi32>,
    %get3A_12 = vector.shape_cast %get3A_11 : vector<16xi32> to vector<16xi32>
    %swap3A_13 = arith.constant 0 : index
    %swap3A_14 = tpu.vector_load %arg5[%swap3A_13] {strides = array<i32>} : memref<16xi32, #tpu.memory_space<vmem>>, vector<16xi32>,
    %swap3A_15 = vector.shape_cast %swap3A_14 : vector<16xi32> to vector<16xi32>
    %swap3A_16 = vector.shape_cast %get3A_12 : vector<16xi32> to vector<16xi32>
    tpu.vector_store %arg5[%swap3A_13], %swap3A_16 {strides = array<i32>} : memref<16xi32, #tpu.memory_space<vmem>>, vector<16xi32>,
    %run_scoped3A = arith.constant 0 : i32
    "tpu.region"() ({
      %run_scoped3A_36 = tpu.sem_alloc : memref<!tpu.dma_semaphore, #tpu.memory_space<semaphore_mem>>
      %dma_start3A = arith.constant 0 : i32
      %dma_start3A_37 = tpu.memref_slice %arg8[%run_scoped3A, %arg1, %dma_start3A] : memref<2x16x16xi32, #tpu.memory_space<vmem_shared>> -> memref<1x1x16xi32, #tpu.memory_space<vmem_shared>>
      %dma_start3A_38 = tpu.memref_squeeze %dma_start3A_37 : memref<1x1x16xi32, #tpu.memory_space<vmem_shared>> -> memref<16xi32, #tpu.memory_space<vmem_shared>>
      %dma_start3A_39 = arith.constant 0 : i32
      %dma_start3A_40 = tpu.memref_slice %arg8[%run_scoped3A, %arg1, %dma_start3A_39] : memref<2x16x16xi32, #tpu.memory_space<vmem_shared>> -> memref<1x1x16xi32, #tpu.memory_space<vmem_shared>>
      %dma_start3A_41 = tpu.memref_squeeze %dma_start3A_40 : memref<1x1x16xi32, #tpu.memory_space<vmem_shared>> -> memref<16xi32, #tpu.memory_space<vmem_shared>>
      tpu.enqueue_dma source(%arg5 : memref<16xi32, #tpu.memory_space<vmem>>) target(%dma_start3A_41 : memref<16xi32, #tpu.memory_space<vmem_shared>>) target_semaphore(%run_scoped3A_36 : memref<!tpu.dma_semaphore, #tpu.memory_space<semaphore_mem>>)
      %dma_wait3A = arith.constant 0 : i32
      %dma_wait3A_42 = tpu.memref_slice %arg8[%run_scoped3A, %arg1, %dma_wait3A] : memref<2x16x16xi32, #tpu.memory_space<vmem_shared>> -> memref<1x1x16xi32, #tpu.memory_space<vmem_shared>>
      %dma_wait3A_43 = tpu.memref_squeeze %dma_wait3A_42 : memref<1x1x16xi32, #tpu.memory_space<vmem_shared>> -> memref<16xi32, #tpu.memory_space<vmem_shared>>
      %dma_wait3A_44 = arith.constant 0 : i32
      %dma_wait3A_45 = tpu.memref_slice %arg8[%run_scoped3A, %arg1, %dma_wait3A_44] : memref<2x16x16xi32, #tpu.memory_space<vmem_shared>> -> memref<1x1x16xi32, #tpu.memory_space<vmem_shared>>
      %dma_wait3A_46 = tpu.memref_squeeze %dma_wait3A_45 : memref<1x1x16xi32, #tpu.memory_space<vmem_shared>> -> memref<16xi32, #tpu.memory_space<vmem_shared>>
      tpu.wait_dma2 semaphore(%run_scoped3A_36 : memref<!tpu.dma_semaphore, #tpu.memory_space<semaphore_mem>>) src(%arg5 : memref<16xi32, #tpu.memory_space<vmem>>) dst(%dma_wait3A_46 : memref<16xi32, #tpu.memory_space<vmem_shared>>)
      tpu.yield
    }) : () -> ()
    %barrier3A = arith.constant 0 : index
    tpu.barrier barrier_id(%barrier3A)
    %xor3A = arith.constant 1 : i32
    %xor3A_17 = vector.broadcast %xor3A : i32 to vector<16xi32>
    %xor3A_18 = arith.xori %iota3A, %xor3A_17 : vector<16xi32>
    %xor3A_19 = arith.constant 2 : i32
    %xor3A_20 = vector.broadcast %xor3A_19 : i32 to vector<16xi32>
    %xor3A_21 = arith.xori %iota3A, %xor3A_20 : vector<16xi32>
    %xor3A_22 = arith.constant 4 : i32
    %xor3A_23 = vector.broadcast %xor3A_22 : i32 to vector<16xi32>
    %xor3A_24 = arith.xori %iota3A, %xor3A_23 : vector<16xi32>
    %xor3A_25 = arith.constant 8 : i32
    %xor3A_26 = vector.broadcast %xor3A_25 : i32 to vector<16xi32>
    %xor3A_27 = arith.xori %iota3A, %xor3A_26 : vector<16xi32>
    %scan3A = arith.constant 0 : i32
    %scan3A_28 = arith.constant 0 : i32
    %scan3A_29 = arith.constant 1024 : i32
    %scan3A_30 = arith.addi %scan3A_28, %scan3A_29 : i32
    %scan3A_31 = arith.constant 1 : i32
    %scan3A_32 = scf.for %scan3A_36 = %scan3A_28 to %scan3A_30 step %scan3A_31 iter_args(%scan3A_37 = %scan3A) -> (i32)  : i32 {
      %get3A_38 = arith.constant 0 : index
      %get3A_39 = tpu.vector_load %arg7[%get3A_38] {strides = array<i32>} : memref<16xi32, #tpu.memory_space<vmem>>, vector<16xi32>,
      %get3A_40 = vector.shape_cast %get3A_39 : vector<16xi32> to vector<16xi32>
      %sub3A = arith.constant 1023 : i32
      %sub3A_41 = arith.subi %sub3A, %scan3A_36 : i32
      %rem3A = arith.constant 2 : i32
      %rem3A_42 = arith.remsi %scan3A_36, %rem3A : i32
      %shift_right_arithmetic3A = arith.constant 6 : i32
      %shift_right_arithmetic3A_43 = arith.shrsi %sub3A_41, %shift_right_arithmetic3A : i32
      "tpu.region"() ({
        %run_scoped3A_2790 = tpu.sem_alloc : memref<!tpu.dma_semaphore, #tpu.memory_space<semaphore_mem>>
        %dma_start3A_2791 = arith.constant 0 : i32
        %dma_start3A_2792 = tpu.memref_slice %arg8[%rem3A_42, %shift_right_arithmetic3A_43, %dma_start3A_2791] : memref<2x16x16xi32, #tpu.memory_space<vmem_shared>> -> memref<1x1x16xi32, #tpu.memory_space<vmem_shared>>
        %dma_start3A_2793 = tpu.memref_squeeze %dma_start3A_2792 : memref<1x1x16xi32, #tpu.memory_space<vmem_shared>> -> memref<16xi32, #tpu.memory_space<vmem_shared>>
        %dma_start3A_2794 = arith.constant 0 : i32
        %dma_start3A_2795 = tpu.memref_slice %arg8[%rem3A_42, %shift_right_arithmetic3A_43, %dma_start3A_2794] : memref<2x16x16xi32, #tpu.memory_space<vmem_shared>> -> memref<1x1x16xi32, #tpu.memory_space<vmem_shared>>
        %dma_start3A_2796 = tpu.memref_squeeze %dma_start3A_2795 : memref<1x1x16xi32, #tpu.memory_space<vmem_shared>> -> memref<16xi32, #tpu.memory_space<vmem_shared>>
        tpu.enqueue_dma source(%dma_start3A_2796 : memref<16xi32, #tpu.memory_space<vmem_shared>>) target(%arg6 : memref<16xi32, #tpu.memory_space<vmem>>) target_semaphore(%run_scoped3A_2790 : memref<!tpu.dma_semaphore, #tpu.memory_space<semaphore_mem>>)
        %dma_wait3A_2797 = arith.constant 0 : i32
        %dma_wait3A_2798 = tpu.memref_slice %arg8[%rem3A_42, %shift_right_arithmetic3A_43, %dma_wait3A_2797] : memref<2x16x16xi32, #tpu.memory_space<vmem_shared>> -> memref<1x1x16xi32, #tpu.memory_space<vmem_shared>>
        %dma_wait3A_2799 = tpu.memref_squeeze %dma_wait3A_2798 : memref<1x1x16xi32, #tpu.memory_space<vmem_shared>> -> memref<16xi32, #tpu.memory_space<vmem_shared>>
        %dma_wait3A_2800 = arith.constant 0 : i32
        %dma_wait3A_2801 = tpu.memref_slice %arg8[%rem3A_42, %shift_right_arithmetic3A_43, %dma_wait3A_2800] : memref<2x16x16xi32, #tpu.memory_space<vmem_shared>> -> memref<1x1x16xi32, #tpu.memory_space<vmem_shared>>
        %dma_wait3A_2802 = tpu.memref_squeeze %dma_wait3A_2801 : memref<1x1x16xi32, #tpu.memory_space<vmem_shared>> -> memref<16xi32, #tpu.memory_space<vmem_shared>>
        tpu.wait_dma2 semaphore(%run_scoped3A_2790 : memref<!tpu.dma_semaphore, #tpu.memory_space<semaphore_mem>>) src(%dma_wait3A_2802 : memref<16xi32, #tpu.memory_space<vmem_shared>>) dst(%arg6 : memref<16xi32, #tpu.memory_space<vmem>>)
        tpu.yield
      }) : () -> ()
      %get3A_44 = arith.constant 0 : index
      %get3A_45 = tpu.vector_load %arg6[%get3A_44] {strides = array<i32>} : memref<16xi32, #tpu.memory_space<vmem>>, vector<16xi32>,
      %get3A_46 = vector.shape_cast %get3A_45 : vector<16xi32> to vector<16xi32>
      %mul3A_47 = arith.constant 32 : i32
      %mul3A_48 = vector.broadcast %mul3A_47 : i32 to vector<16xi32>
      %mul3A_49 = arith.muli %mul3A_48, %iota3A : vector<16xi32>
      %sub3A_50 = arith.subi %get3A_40, %mul3A_49 : vector<16xi32>
      %ge3A = arith.constant 32 : i32
      %ge3A_51 = vector.broadcast %ge3A : i32 to vector<16xi32>
      %ge3A_52 = arith.cmpi sge, %sub3A_50, %ge3A_51 : vector<16xi32>
      %min3A = arith.constant 31 : i32
      %min3A_53 = vector.broadcast %min3A : i32 to vector<16xi32>
      %min3A_54 = arith.minsi %sub3A_50, %min3A_53 : vector<16xi32>
      %max3A = arith.constant 0 : i32
      %max3A_55 = vector.broadcast %max3A : i32 to vector<16xi32>
      %max3A_56 = arith.maxsi %min3A_54, %max3A_55 : vector<16xi32>
      %shift_left3A = arith.constant 1 : i32
      %shift_left3A_57 = vector.broadcast %shift_left3A : i32 to vector<16xi32>
      %shift_left3A_58 = arith.shli %shift_left3A_57, %max3A_56 : vector<16xi32>
      %sub3A_59 = arith.constant 1 : i32
      %sub3A_60 = vector.broadcast %sub3A_59 : i32 to vector<16xi32>
      %sub3A_61 = arith.subi %shift_left3A_58, %sub3A_60 : vector<16xi32>
      %jit3A = arith.constant -1 : i32
      %broadcast_in_dim3A = vector.broadcast %jit3A : i32 to vector<16xi32>
      %select_n3A = arith.select %ge3A_52, %broadcast_in_dim3A, %sub3A_61 : vector<16xi1>, vector<16xi32>
      %and3A_62 = arith.andi %get3A_46, %select_n3A : vector<16xi32>
      %add3A_63 = arith.constant 1 : i32
      %add3A_64 = vector.broadcast %add3A_63 : i32 to vector<16xi32>
      %add3A_65 = arith.addi %mul3A_1, %add3A_64 : vector<16xi32>
      %shift_right_logical3A = arith.shrui %and3A_62, %add3A_65 : vector<16xi32>
      %or3A = arith.ori %and3A_62, %shift_right_logical3A : vector<16xi32>
      %add3A_66 = arith.constant 2 : i32
      %add3A_67 = vector.broadcast %add3A_66 : i32 to vector<16xi32>
      %add3A_68 = arith.addi %mul3A_1, %add3A_67 : vector<16xi32>
      %shift_right_logical3A_69 = arith.shrui %or3A, %add3A_68 : vector<16xi32>
      %or3A_70 = arith.ori %or3A, %shift_right_logical3A_69 : vector<16xi32>
      %add3A_71 = arith.constant 4 : i32
      %add3A_72 = vector.broadcast %add3A_71 : i32 to vector<16xi32>
      %add3A_73 = arith.addi %mul3A_1, %add3A_72 : vector<16xi32>
      %shift_right_logical3A_74 = arith.shrui %or3A_70, %add3A_73 : vector<16xi32>
      %or3A_75 = arith.ori %or3A_70, %shift_right_logical3A_74 : vector<16xi32>
      %add3A_76 = arith.constant 8 : i32
      %add3A_77 = vector.broadcast %add3A_76 : i32 to vector<16xi32>
      %add3A_78 = arith.addi %mul3A_1, %add3A_77 : vector<16xi32>
      %shift_right_logical3A_79 = arith.shrui %or3A_75, %add3A_78 : vector<16xi32>
      %or3A_80 = arith.ori %or3A_75, %shift_right_logical3A_79 : vector<16xi32>
      %add3A_81 = arith.constant 16 : i32
      %add3A_82 = vector.broadcast %add3A_81 : i32 to vector<16xi32>
      %add3A_83 = arith.addi %mul3A_1, %add3A_82 : vector<16xi32>
      %shift_right_logical3A_84 = arith.shrui %or3A_80, %add3A_83 : vector<16xi32>
      %or3A_85 = arith.ori %or3A_80, %shift_right_logical3A_84 : vector<16xi32>
      %add3A_86 = arith.constant 1 : i32
      %add3A_87 = vector.broadcast %add3A_86 : i32 to vector<16xi32>
      %add3A_88 = arith.addi %mul3A_1, %add3A_87 : vector<16xi32>
      %shift_right_logical3A_89 = arith.shrui %or3A_85, %add3A_88 : vector<16xi32>
      %xor3A_90 = arith.xori %or3A_85, %shift_right_logical3A_89 : vector<16xi32>
      %and3A_91 = arith.constant -1431655766 : i32
      %and3A_92 = vector.broadcast %and3A_91 : i32 to vector<16xi32>
      %and3A_93 = arith.andi %xor3A_90, %and3A_92 : vector<16xi32>
      %ne3A = arith.constant 0 : i32
      %ne3A_94 = vector.broadcast %ne3A : i32 to vector<16xi32>
      %ne3A_95 = arith.cmpi ne, %and3A_93, %ne3A_94 : vector<16xi32>
      %jit3A_96 = arith.constant 1 : i32
      %jit3A_97 = arith.constant 0 : i32
      %broadcast_in_dim3A_98 = vector.broadcast %jit3A_96 : i32 to vector<16xi32>
      %broadcast_in_dim3A_99 = vector.broadcast %jit3A_97 : i32 to vector<16xi32>
      %select_n3A_100 = arith.select %ne3A_95, %broadcast_in_dim3A_98, %broadcast_in_dim3A_99 : vector<16xi1>, vector<16xi32>
      %and3A_101 = arith.constant -858993460 : i32
      %and3A_102 = vector.broadcast %and3A_101 : i32 to vector<16xi32>
      %and3A_103 = arith.andi %xor3A_90, %and3A_102 : vector<16xi32>
      %ne3A_104 = arith.constant 0 : i32
      %ne3A_105 = vector.broadcast %ne3A_104 : i32 to vector<16xi32>
      %ne3A_106 = arith.cmpi ne, %and3A_103, %ne3A_105 : vector<16xi32>
      %jit3A_107 = arith.constant 2 : i32
      %jit3A_108 = arith.constant 0 : i32
      %broadcast_in_dim3A_109 = vector.broadcast %jit3A_107 : i32 to vector<16xi32>
      %broadcast_in_dim3A_110 = vector.broadcast %jit3A_108 : i32 to vector<16xi32>
      %select_n3A_111 = arith.select %ne3A_106, %broadcast_in_dim3A_109, %broadcast_in_dim3A_110 : vector<16xi1>, vector<16xi32>
      %add3A_112 = arith.addi %select_n3A_100, %select_n3A_111 : vector<16xi32>
      %and3A_113 = arith.constant -252645136 : i32
      %and3A_114 = vector.broadcast %and3A_113 : i32 to vector<16xi32>
      %and3A_115 = arith.andi %xor3A_90, %and3A_114 : vector<16xi32>
      %ne3A_116 = arith.constant 0 : i32
      %ne3A_117 = vector.broadcast %ne3A_116 : i32 to vector<16xi32>
      %ne3A_118 = arith.cmpi ne, %and3A_115, %ne3A_117 : vector<16xi32>
      %jit3A_119 = arith.constant 4 : i32
      %jit3A_120 = arith.constant 0 : i32
      %broadcast_in_dim3A_121 = vector.broadcast %jit3A_119 : i32 to vector<16xi32>
      %broadcast_in_dim3A_122 = vector.broadcast %jit3A_120 : i32 to vector<16xi32>
      %select_n3A_123 = arith.select %ne3A_118, %broadcast_in_dim3A_121, %broadcast_in_dim3A_122 : vector<16xi1>, vector<16xi32>
      %add3A_124 = arith.addi %add3A_112, %select_n3A_123 : vector<16xi32>
      %and3A_125 = arith.constant -16711936 : i32
      %and3A_126 = vector.broadcast %and3A_125 : i32 to vector<16xi32>
      %and3A_127 = arith.andi %xor3A_90, %and3A_126 : vector<16xi32>
      %ne3A_128 = arith.constant 0 : i32
      %ne3A_129 = vector.broadcast %ne3A_128 : i32 to vector<16xi32>
      %ne3A_130 = arith.cmpi ne, %and3A_127, %ne3A_129 : vector<16xi32>
      %jit3A_131 = arith.constant 8 : i32
      %jit3A_132 = arith.constant 0 : i32
      %broadcast_in_dim3A_133 = vector.broadcast %jit3A_131 : i32 to vector<16xi32>
      %broadcast_in_dim3A_134 = vector.broadcast %jit3A_132 : i32 to vector<16xi32>
      %select_n3A_135 = arith.select %ne3A_130, %broadcast_in_dim3A_133, %broadcast_in_dim3A_134 : vector<16xi1>, vector<16xi32>
      %add3A_136 = arith.addi %add3A_124, %select_n3A_135 : vector<16xi32>
      %and3A_137 = arith.constant -65536 : i32
      %and3A_138 = vector.broadcast %and3A_137 : i32 to vector<16xi32>
      %and3A_139 = arith.andi %xor3A_90, %and3A_138 : vector<16xi32>
      %ne3A_140 = arith.constant 0 : i32
      %ne3A_141 = vector.broadcast %ne3A_140 : i32 to vector<16xi32>
      %ne3A_142 = arith.cmpi ne, %and3A_139, %ne3A_141 : vector<16xi32>
      %jit3A_143 = arith.constant 16 : i32
      %jit3A_144 = arith.constant 0 : i32
      %broadcast_in_dim3A_145 = vector.broadcast %jit3A_143 : i32 to vector<16xi32>
      %broadcast_in_dim3A_146 = vector.broadcast %jit3A_144 : i32 to vector<16xi32>
      %select_n3A_147 = arith.select %ne3A_142, %broadcast_in_dim3A_145, %broadcast_in_dim3A_146 : vector<16xi1>, vector<16xi32>
      %add3A_148 = arith.addi %add3A_136, %select_n3A_147 : vector<16xi32>
      %ne3A_149 = arith.constant 0 : i32
      %ne3A_150 = vector.broadcast %ne3A_149 : i32 to vector<16xi32>
      %ne3A_151 = arith.cmpi ne, %and3A_62, %ne3A_150 : vector<16xi32>
      %mul3A_152 = arith.constant 32 : i32
      %mul3A_153 = vector.broadcast %mul3A_152 : i32 to vector<16xi32>
      %mul3A_154 = arith.muli %mul3A_153, %iota3A : vector<16xi32>
      %add3A_155 = arith.addi %mul3A_154, %add3A_148 : vector<16xi32>
      %jit3A_156 = arith.constant -1 : i32
      %broadcast_in_dim3A_157 = vector.broadcast %jit3A_156 : i32 to vector<16xi32>
      %select_n3A_158 = arith.select %ne3A_151, %add3A_155, %broadcast_in_dim3A_157 : vector<16xi1>, vector<16xi32>
      %broadcast_in_dim3A_159 = vector.shape_cast %xor3A_18 : vector<16xi32> to vector<16x1xi32>
      %gather3A = vector.shape_cast %broadcast_in_dim3A_159 : vector<16x1xi32> to vector<16xi32>
      %gather3A_160 = tpu.dynamic_gather %select_n3A_158[%gather3A] in [0] : vector<16xi32>, vector<16xi32> -> vector<16xi32>
      %max3A_161 = arith.maxsi %select_n3A_158, %gather3A_160 : vector<16xi32>
      %broadcast_in_dim3A_162 = vector.shape_cast %xor3A_21 : vector<16xi32> to vector<16x1xi32>
      %gather3A_163 = vector.shape_cast %broadcast_in_dim3A_162 : vector<16x1xi32> to vector<16xi32>
      %gather3A_164 = tpu.dynamic_gather %max3A_161[%gather3A_163] in [0] : vector<16xi32>, vector<16xi32> -> vector<16xi32>
      %max3A_165 = arith.maxsi %max3A_161, %gather3A_164 : vector<16xi32>
      %broadcast_in_dim3A_166 = vector.shape_cast %xor3A_24 : vector<16xi32> to vector<16x1xi32>
      %gather3A_167 = vector.shape_cast %broadcast_in_dim3A_166 : vector<16x1xi32> to vector<16xi32>
      %gather3A_168 = tpu.dynamic_gather %max3A_165[%gather3A_167] in [0] : vector<16xi32>, vector<16xi32> -> vector<16xi32>
      %max3A_169 = arith.maxsi %max3A_165, %gather3A_168 : vector<16xi32>
      %broadcast_in_dim3A_170 = vector.shape_cast %xor3A_27 : vector<16xi32> to vector<16x1xi32>
      %gather3A_171 = vector.shape_cast %broadcast_in_dim3A_170 : vector<16x1xi32> to vector<16xi32>
      %gather3A_172 = tpu.dynamic_gather %max3A_169[%gather3A_171] in [0] : vector<16xi32>, vector<16xi32> -> vector<16xi32>
      %max3A_173 = arith.maxsi %max3A_169, %gather3A_172 : vector<16xi32>
      %ge3A_174 = arith.constant 0 : i32
      %ge3A_175 = vector.broadcast %ge3A_174 : i32 to vector<16xi32>
      %ge3A_176 = arith.cmpi sge, %max3A_173, %ge3A_175 : vector<16xi32>
      %gt3A = arith.constant 0 : i32
      %gt3A_177 = vector.broadcast %gt3A : i32 to vector<16xi32>
      %gt3A_178 = arith.cmpi sgt, %get3A_40, %gt3A_177 : vector<16xi32>
      %and3A_179 = arith.andi %ge3A_176, %gt3A_178 : vector<16xi1>
      %jit3A_180 = arith.constant -1 : i32
      %jit3A_181 = arith.constant 0 : i32
      %broadcast_in_dim3A_182 = vector.broadcast %jit3A_180 : i32 to vector<16xi32>
      %broadcast_in_dim3A_183 = vector.broadcast %jit3A_181 : i32 to vector<16xi32>
      %select_n3A_184 = arith.select %and3A_179, %broadcast_in_dim3A_182, %broadcast_in_dim3A_183 : vector<16xi1>, vector<16xi32>
      %max3A_185 = arith.constant 0 : i32
      %max3A_186 = vector.broadcast %max3A_185 : i32 to vector<16xi32>
      %max3A_187 = arith.maxsi %max3A_173, %max3A_186 : vector<16xi32>
      %shift_right_arithmetic3A_188 = arith.constant 5 : i32
      %shift_right_arithmetic3A_189 = vector.broadcast %shift_right_arithmetic3A_188 : i32 to vector<16xi32>
      %shift_right_arithmetic3A_190 = arith.shrsi %max3A_187, %shift_right_arithmetic3A_189 : vector<16xi32>
      %and3A_191 = arith.constant 31 : i32
      %and3A_192 = vector.broadcast %and3A_191 : i32 to vector<16xi32>
      %and3A_193 = arith.andi %max3A_187, %and3A_192 : vector<16xi32>
      %sub3A_194 = arith.constant 1 : i32
      %sub3A_195 = vector.broadcast %sub3A_194 : i32 to vector<16xi32>
      %sub3A_196 = arith.subi %get3A_40, %sub3A_195 : vector<16xi32>
      %max3A_197 = arith.constant 0 : i32
      %max3A_198 = vector.broadcast %max3A_197 : i32 to vector<16xi32>
      %max3A_199 = arith.maxsi %sub3A_196, %max3A_198 : vector<16xi32>
      %shift_right_arithmetic3A_200 = arith.constant 5 : i32
      %shift_right_arithmetic3A_201 = vector.broadcast %shift_right_arithmetic3A_200 : i32 to vector<16xi32>
      %shift_right_arithmetic3A_202 = arith.shrsi %max3A_199, %shift_right_arithmetic3A_201 : vector<16xi32>
      %and3A_203 = arith.constant 31 : i32
      %and3A_204 = vector.broadcast %and3A_203 : i32 to vector<16xi32>
      %and3A_205 = arith.andi %max3A_199, %and3A_204 : vector<16xi32>
      %eq3A_206 = arith.cmpi eq, %iota3A, %shift_right_arithmetic3A_190 : vector<16xi32>
      %shift_left3A_207 = arith.constant 1 : i32
      %shift_left3A_208 = vector.broadcast %shift_left3A_207 : i32 to vector<16xi32>
      %shift_left3A_209 = arith.shli %shift_left3A_208, %and3A_193 : vector<16xi32>
      %jit3A_210 = arith.constant 0 : i32
      %broadcast_in_dim3A_211 = vector.broadcast %jit3A_210 : i32 to vector<16xi32>
      %select_n3A_212 = arith.select %eq3A_206, %shift_left3A_209, %broadcast_in_dim3A_211 : vector<16xi1>, vector<16xi32>
      %eq3A_213 = arith.cmpi eq, %iota3A, %shift_right_arithmetic3A_202 : vector<16xi32>
      %shift_left3A_214 = arith.constant 1 : i32
      %shift_left3A_215 = vector.broadcast %shift_left3A_214 : i32 to vector<16xi32>
      %shift_left3A_216 = arith.shli %shift_left3A_215, %and3A_205 : vector<16xi32>
      %jit3A_217 = arith.constant 0 : i32
      %broadcast_in_dim3A_218 = vector.broadcast %jit3A_217 : i32 to vector<16xi32>
      %select_n3A_219 = arith.select %eq3A_213, %shift_left3A_216, %broadcast_in_dim3A_218 : vector<16xi1>, vector<16xi32>
      %or3A_220 = arith.ori %select_n3A_212, %select_n3A_219 : vector<16xi32>
      %not3A = arith.constant dense<-1> : vector<16xi32>
      %not3A_221 = arith.xori %or3A_220, %not3A : vector<16xi32>
      %and3A_222 = arith.andi %get3A_46, %not3A_221 : vector<16xi32>
      %and3A_223 = arith.andi %and3A_222, %select_n3A_184 : vector<16xi32>
      %and3A_224 = arith.andi %or3A_220, %select_n3A_184 : vector<16xi32>
      %sub3A_225 = arith.constant 1 : i32
      %sub3A_226 = arith.subi %sub3A_41, %sub3A_225 : i32
      %and3A_227 = arith.constant 63 : i32
      %and3A_228 = arith.andi %sub3A_226, %and3A_227 : i32
      %mul3A_229 = arith.constant 16 : i32
      %mul3A_230 = arith.muli %mul3A_229, %and3A_228 : i32
      %get3A_231 = arith.index_cast %mul3A_230 : i32 to index
      %get3A_232 = tpu.vector_load %arg4[%get3A_231] {strides = array<i32>} : memref<1024xi32, #tpu.memory_space<vmem>>, vector<16xi32>,
      %get3A_233 = vector.shape_cast %get3A_232 : vector<16xi32> to vector<16xi32>
      %broadcast_in_dim3A_234 = vector.shape_cast %shift_right_arithmetic3A_190 : vector<16xi32> to vector<16x1xi32>
      %gather3A_235 = vector.shape_cast %broadcast_in_dim3A_234 : vector<16x1xi32> to vector<16xi32>
      %gather3A_236 = tpu.dynamic_gather %get3A_233[%gather3A_235] in [0] : vector<16xi32>, vector<16xi32> -> vector<16xi32>
      %broadcast_in_dim3A_237 = vector.shape_cast %shift_right_arithmetic3A_202 : vector<16xi32> to vector<16x1xi32>
      %gather3A_238 = vector.shape_cast %broadcast_in_dim3A_237 : vector<16x1xi32> to vector<16xi32>
      %gather3A_239 = tpu.dynamic_gather %get3A_233[%gather3A_238] in [0] : vector<16xi32>, vector<16xi32> -> vector<16xi32>
      %shift_right_arithmetic3A_240 = arith.shrsi %gather3A_236, %and3A_193 : vector<16xi32>
      %and3A_241 = arith.constant 1 : i32
      %and3A_242 = vector.broadcast %and3A_241 : i32 to vector<16xi32>
      %and3A_243 = arith.andi %shift_right_arithmetic3A_240, %and3A_242 : vector<16xi32>
      %shift_right_arithmetic3A_244 = arith.shrsi %gather3A_239, %and3A_205 : vector<16xi32>
      %and3A_245 = arith.constant 1 : i32
      %and3A_246 = vector.broadcast %and3A_245 : i32 to vector<16xi32>
      %and3A_247 = arith.andi %shift_right_arithmetic3A_244, %and3A_246 : vector<16xi32>
      %xor3A_248 = arith.xori %and3A_243, %and3A_247 : vector<16xi32>
      %sub3A_249 = arith.constant 0 : i32
      %sub3A_250 = vector.broadcast %sub3A_249 : i32 to vector<16xi32>
      %sub3A_251 = arith.subi %sub3A_250, %xor3A_248 : vector<16xi32>
      %and3A_252 = arith.andi %sub3A_251, %and3A_224 : vector<16xi32>
      %sub3A_253 = arith.constant 0 : i32
      %sub3A_254 = vector.broadcast %sub3A_253 : i32 to vector<16xi32>
      %sub3A_255 = arith.subi %sub3A_254, %and3A_243 : vector<16xi32>
      %and3A_256 = arith.andi %and3A_223, %sub3A_255 : vector<16xi32>
      %xor3A_257 = arith.xori %and3A_252, %and3A_256 : vector<16xi32>
      %xor3A_258 = arith.xori %get3A_233, %xor3A_257 : vector<16xi32>
      %swap3A_259 = arith.index_cast %mul3A_230 : i32 to index
      %swap3A_260 = tpu.vector_load %arg4[%swap3A_259] {strides = array<i32>} : memref<1024xi32, #tpu.memory_space<vmem>>, vector<16xi32>,
      %swap3A_261 = vector.shape_cast %swap3A_260 : vector<16xi32> to vector<16xi32>
      %swap3A_262 = vector.shape_cast %xor3A_258 : vector<16xi32> to vector<16xi32>
      tpu.vector_store %arg4[%swap3A_259], %swap3A_262 {strides = array<i32>} : memref<1024xi32, #tpu.memory_space<vmem>>, vector<16xi32>,
      %swap3A_263 = arith.constant 0 : index
      %swap3A_264 = tpu.vector_load %arg5[%swap3A_263] {strides = array<i32>} : memref<16xi32, #tpu.memory_space<vmem>>, vector<16xi32>,
      %swap3A_265 = vector.shape_cast %swap3A_264 : vector<16xi32> to vector<16xi32>
      %swap3A_266 = vector.shape_cast %xor3A_258 : vector<16xi32> to vector<16xi32>
      tpu.vector_store %arg5[%swap3A_263], %swap3A_266 {strides = array<i32>} : memref<16xi32, #tpu.memory_space<vmem>>, vector<16xi32>,
      %add3A_267 = arith.constant 1 : i32
      %add3A_268 = arith.addi %scan3A_36, %add3A_267 : i32
      %rem3A_269 = arith.constant 2 : i32
      %rem3A_270 = arith.remsi %add3A_268, %rem3A_269 : i32
      %dma_start3A = arith.constant 0 : i32
      %dma_start3A_271 = tpu.memref_slice %arg8[%rem3A_270, %arg1, %dma_start3A] : memref<2x16x16xi32, #tpu.memory_space<vmem_shared>> -> memref<1x1x16xi32, #tpu.memory_space<vmem_shared>>
      %dma_start3A_272 = tpu.memref_squeeze %dma_start3A_271 : memref<1x1x16xi32, #tpu.memory_space<vmem_shared>> -> memref<16xi32, #tpu.memory_space<vmem_shared>>
      %dma_start3A_273 = arith.constant 0 : i32
      %dma_start3A_274 = tpu.memref_slice %arg8[%rem3A_270, %arg1, %dma_start3A_273] : memref<2x16x16xi32, #tpu.memory_space<vmem_shared>> -> memref<1x1x16xi32, #tpu.memory_space<vmem_shared>>
      %dma_start3A_275 = tpu.memref_squeeze %dma_start3A_274 : memref<1x1x16xi32, #tpu.memory_space<vmem_shared>> -> memref<16xi32, #tpu.memory_space<vmem_shared>>
      tpu.enqueue_dma source(%arg5 : memref<16xi32, #tpu.memory_space<vmem>>) target(%dma_start3A_275 : memref<16xi32, #tpu.memory_space<vmem_shared>>) target_semaphore(%arg9 : memref<!tpu.dma_semaphore, #tpu.memory_space<semaphore_mem>>)
      %eq3A_276 = arith.constant 0 : i32
      %eq3A_277 = arith.cmpi eq, %and3A_228, %eq3A_276 : i32
      %jit3A_278 = arith.constant 0 : i32
      %jit3A_279 = arith.constant -1 : i32
      %select_n3A_280 = arith.select %eq3A_277, %jit3A_278, %jit3A_279 : i32
      %get3A_281 = arith.constant 0 : index
      %get3A_282 = tpu.vector_load %arg4[%get3A_281] {strides = array<i32>} : memref<1024xi32, #tpu.memory_space<vmem>>, vector<16xi32>,
      %get3A_283 = vector.shape_cast %get3A_282 : vector<16xi32> to vector<16xi32>
      %broadcast_in_dim3A_284 = vector.shape_cast %shift_right_arithmetic3A_190 : vector<16xi32> to vector<16x1xi32>
      %gather3A_285 = vector.shape_cast %broadcast_in_dim3A_284 : vector<16x1xi32> to vector<16xi32>
      %gather3A_286 = tpu.dynamic_gather %get3A_283[%gather3A_285] in [0] : vector<16xi32>, vector<16xi32> -> vector<16xi32>
      %broadcast_in_dim3A_287 = vector.shape_cast %shift_right_arithmetic3A_202 : vector<16xi32> to vector<16x1xi32>
      %gather3A_288 = vector.shape_cast %broadcast_in_dim3A_287 : vector<16x1xi32> to vector<16xi32>
      %gather3A_289 = tpu.dynamic_gather %get3A_283[%gather3A_288] in [0] : vector<16xi32>, vector<16xi32> -> vector<16xi32>
      %shift_right_arithmetic3A_290 = arith.shrsi %gather3A_286, %and3A_193 : vector<16xi32>
      %and3A_291 = arith.constant 1 : i32
      %and3A_292 = vector.broadcast %and3A_291 : i32 to vector<16xi32>
      %and3A_293 = arith.andi %shift_right_arithmetic3A_290, %and3A_292 : vector<16xi32>
      %shift_right_arithmetic3A_294 = arith.shrsi %gather3A_289, %and3A_205 : vector<16xi32>
      %and3A_295 = arith.constant 1 : i32
      %and3A_296 = vector.broadcast %and3A_295 : i32 to vector<16xi32>
      %and3A_297 = arith.andi %shift_right_arithmetic3A_294, %and3A_296 : vector<16xi32>
      %xor3A_298 = arith.xori %and3A_293, %and3A_297 : vector<16xi32>
      %sub3A_299 = arith.constant 0 : i32
      %sub3A_300 = vector.broadcast %sub3A_299 : i32 to vector<16xi32>
      %sub3A_301 = arith.subi %sub3A_300, %xor3A_298 : vector<16xi32>
      %and3A_302 = arith.andi %sub3A_301, %and3A_224 : vector<16xi32>
      %sub3A_303 = arith.constant 0 : i32
      %sub3A_304 = vector.broadcast %sub3A_303 : i32 to vector<16xi32>
      %sub3A_305 = arith.subi %sub3A_304, %and3A_293 : vector<16xi32>
      %and3A_306 = arith.andi %and3A_223, %sub3A_305 : vector<16xi32>
      %xor3A_307 = arith.xori %and3A_302, %and3A_306 : vector<16xi32>
      %and3A_308 = vector.broadcast %select_n3A_280 : i32 to vector<16xi32>
      %and3A_309 = arith.andi %xor3A_307, %and3A_308 : vector<16xi32>
      %xor3A_310 = arith.xori %get3A_283, %and3A_309 : vector<16xi32>
      %swap3A_311 = arith.constant 0 : index
      %swap3A_312 = tpu.vector_load %arg4[%swap3A_311] {strides = array<i32>} : memref<1024xi32, #tpu.memory_space<vmem>>, vector<16xi32>,
      %swap3A_313 = vector.shape_cast %swap3A_312 : vector<16xi32> to vector<16xi32>
      %swap3A_314 = vector.shape_cast %xor3A_310 : vector<16xi32> to vector<16xi32>
      tpu.vector_store %arg4[%swap3A_311], %swap3A_314 {strides = array<i32>} : memref<1024xi32, #tpu.memory_space<vmem>>, vector<16xi32>,
      %eq3A_315 = arith.constant 1 : i32
      %eq3A_316 = arith.cmpi eq, %and3A_228, %eq3A_315 : i32
      %jit3A_317 = arith.constant 0 : i32
      %jit3A_318 = arith.constant -1 : i32
      %select_n3A_319 = arith.select %eq3A_316, %jit3A_317, %jit3A_318 : i32
      %get3A_320 = arith.constant 16 : index
      %get3A_321 = tpu.vector_load %arg4[%get3A_320] {strides = array<i32>} : memref<1024xi32, #tpu.memory_space<vmem>>, vector<16xi32>,
      %get3A_322 = vector.shape_cast %get3A_321 : vector<16xi32> to vector<16xi32>
      %broadcast_in_dim3A_323 = vector.shape_cast %shift_right_arithmetic3A_190 : vector<16xi32> to vector<16x1xi32>
      %gather3A_324 = vector.shape_cast %broadcast_in_dim3A_323 : vector<16x1xi32> to vector<16xi32>
      %gather3A_325 = tpu.dynamic_gather %get3A_322[%gather3A_324] in [0] : vector<16xi32>, vector<16xi32> -> vector<16xi32>
      %broadcast_in_dim3A_326 = vector.shape_cast %shift_right_arithmetic3A_202 : vector<16xi32> to vector<16x1xi32>
      %gather3A_327 = vector.shape_cast %broadcast_in_dim3A_326 : vector<16x1xi32> to vector<16xi32>
      %gather3A_328 = tpu.dynamic_gather %get3A_322[%gather3A_327] in [0] : vector<16xi32>, vector<16xi32> -> vector<16xi32>
      %shift_right_arithmetic3A_329 = arith.shrsi %gather3A_325, %and3A_193 : vector<16xi32>
      %and3A_330 = arith.constant 1 : i32
      %and3A_331 = vector.broadcast %and3A_330 : i32 to vector<16xi32>
      %and3A_332 = arith.andi %shift_right_arithmetic3A_329, %and3A_331 : vector<16xi32>
      %shift_right_arithmetic3A_333 = arith.shrsi %gather3A_328, %and3A_205 : vector<16xi32>
      %and3A_334 = arith.constant 1 : i32
      %and3A_335 = vector.broadcast %and3A_334 : i32 to vector<16xi32>
      %and3A_336 = arith.andi %shift_right_arithmetic3A_333, %and3A_335 : vector<16xi32>
      %xor3A_337 = arith.xori %and3A_332, %and3A_336 : vector<16xi32>
      %sub3A_338 = arith.constant 0 : i32
      %sub3A_339 = vector.broadcast %sub3A_338 : i32 to vector<16xi32>
      %sub3A_340 = arith.subi %sub3A_339, %xor3A_337 : vector<16xi32>
      %and3A_341 = arith.andi %sub3A_340, %and3A_224 : vector<16xi32>
      %sub3A_342 = arith.constant 0 : i32
      %sub3A_343 = vector.broadcast %sub3A_342 : i32 to vector<16xi32>
      %sub3A_344 = arith.subi %sub3A_343, %and3A_332 : vector<16xi32>
      %and3A_345 = arith.andi %and3A_223, %sub3A_344 : vector<16xi32>
      %xor3A_346 = arith.xori %and3A_341, %and3A_345 : vector<16xi32>
      %and3A_347 = vector.broadcast %select_n3A_319 : i32 to vector<16xi32>
      %and3A_348 = arith.andi %xor3A_346, %and3A_347 : vector<16xi32>
      %xor3A_349 = arith.xori %get3A_322, %and3A_348 : vector<16xi32>
      %swap3A_350 = arith.constant 16 : index
      %swap3A_351 = tpu.vector_load %arg4[%swap3A_350] {strides = array<i32>} : memref<1024xi32, #tpu.memory_space<vmem>>, vector<16xi32>,
      %swap3A_352 = vector.shape_cast %swap3A_351 : vector<16xi32> to vector<16xi32>
      %swap3A_353 = vector.shape_cast %xor3A_349 : vector<16xi32> to vector<16xi32>
      tpu.vector_store %arg4[%swap3A_350], %swap3A_353 {strides = array<i32>} : memref<1024xi32, #tpu.memory_space<vmem>>, vector<16xi32>,
      %eq3A_354 = arith.constant 2 : i32
      %eq3A_355 = arith.cmpi eq, %and3A_228, %eq3A_354 : i32
      %jit3A_356 = arith.constant 0 : i32
      %jit3A_357 = arith.constant -1 : i32
      %select_n3A_358 = arith.select %eq3A_355, %jit3A_356, %jit3A_357 : i32
      %get3A_359 = arith.constant 32 : index
      %get3A_360 = tpu.vector_load %arg4[%get3A_359] {strides = array<i32>} : memref<1024xi32, #tpu.memory_space<vmem>>, vector<16xi32>,
      %get3A_361 = vector.shape_cast %get3A_360 : vector<16xi32> to vector<16xi32>
      %broadcast_in_dim3A_362 = vector.shape_cast %shift_right_arithmetic3A_190 : vector<16xi32> to vector<16x1xi32>
      %gather3A_363 = vector.shape_cast %broadcast_in_dim3A_362 : vector<16x1xi32> to vector<16xi32>
      %gather3A_364 = tpu.dynamic_gather %get3A_361[%gather3A_363] in [0] : vector<16xi32>, vector<16xi32> -> vector<16xi32>
      %broadcast_in_dim3A_365 = vector.shape_cast %shift_right_arithmetic3A_202 : vector<16xi32> to vector<16x1xi32>
      %gather3A_366 = vector.shape_cast %broadcast_in_dim3A_365 : vector<16x1xi32> to vector<16xi32>
      %gather3A_367 = tpu.dynamic_gather %get3A_361[%gather3A_366] in [0] : vector<16xi32>, vector<16xi32> -> vector<16xi32>
      %shift_right_arithmetic3A_368 = arith.shrsi %gather3A_364, %and3A_193 : vector<16xi32>
      %and3A_369 = arith.constant 1 : i32
      %and3A_370 = vector.broadcast %and3A_369 : i32 to vector<16xi32>
      %and3A_371 = arith.andi %shift_right_arithmetic3A_368, %and3A_370 : vector<16xi32>
      %shift_right_arithmetic3A_372 = arith.shrsi %gather3A_367, %and3A_205 : vector<16xi32>
      %and3A_373 = arith.constant 1 : i32
      %and3A_374 = vector.broadcast %and3A_373 : i32 to vector<16xi32>
      %and3A_375 = arith.andi %shift_right_arithmetic3A_372, %and3A_374 : vector<16xi32>
      %xor3A_376 = arith.xori %and3A_371, %and3A_375 : vector<16xi32>
      %sub3A_377 = arith.constant 0 : i32
      %sub3A_378 = vector.broadcast %sub3A_377 : i32 to vector<16xi32>
      %sub3A_379 = arith.subi %sub3A_378, %xor3A_376 : vector<16xi32>
      %and3A_380 = arith.andi %sub3A_379, %and3A_224 : vector<16xi32>
      %sub3A_381 = arith.constant 0 : i32
      %sub3A_382 = vector.broadcast %sub3A_381 : i32 to vector<16xi32>
      %sub3A_383 = arith.subi %sub3A_382, %and3A_371 : vector<16xi32>
      %and3A_384 = arith.andi %and3A_223, %sub3A_383 : vector<16xi32>
      %xor3A_385 = arith.xori %and3A_380, %and3A_384 : vector<16xi32>
      %and3A_386 = vector.broadcast %select_n3A_358 : i32 to vector<16xi32>
      %and3A_387 = arith.andi %xor3A_385, %and3A_386 : vector<16xi32>
      %xor3A_388 = arith.xori %get3A_361, %and3A_387 : vector<16xi32>
      %swap3A_389 = arith.constant 32 : index
      %swap3A_390 = tpu.vector_load %arg4[%swap3A_389] {strides = array<i32>} : memref<1024xi32, #tpu.memory_space<vmem>>, vector<16xi32>,
      %swap3A_391 = vector.shape_cast %swap3A_390 : vector<16xi32> to vector<16xi32>
      %swap3A_392 = vector.shape_cast %xor3A_388 : vector<16xi32> to vector<16xi32>
      tpu.vector_store %arg4[%swap3A_389], %swap3A_392 {strides = array<i32>} : memref<1024xi32, #tpu.memory_space<vmem>>, vector<16xi32>,
      %eq3A_393 = arith.constant 3 : i32
      %eq3A_394 = arith.cmpi eq, %and3A_228, %eq3A_393 : i32
      %jit3A_395 = arith.constant 0 : i32
      %jit3A_396 = arith.constant -1 : i32
      %select_n3A_397 = arith.select %eq3A_394, %jit3A_395, %jit3A_396 : i32
      %get3A_398 = arith.constant 48 : index
      %get3A_399 = tpu.vector_load %arg4[%get3A_398] {strides = array<i32>} : memref<1024xi32, #tpu.memory_space<vmem>>, vector<16xi32>,
      %get3A_400 = vector.shape_cast %get3A_399 : vector<16xi32> to vector<16xi32>
      %broadcast_in_dim3A_401 = vector.shape_cast %shift_right_arithmetic3A_190 : vector<16xi32> to vector<16x1xi32>
      %gather3A_402 = vector.shape_cast %broadcast_in_dim3A_401 : vector<16x1xi32> to vector<16xi32>
      %gather3A_403 = tpu.dynamic_gather %get3A_400[%gather3A_402] in [0] : vector<16xi32>, vector<16xi32> -> vector<16xi32>
      %broadcast_in_dim3A_404 = vector.shape_cast %shift_right_arithmetic3A_202 : vector<16xi32> to vector<16x1xi32>
      %gather3A_405 = vector.shape_cast %broadcast_in_dim3A_404 : vector<16x1xi32> to vector<16xi32>
      %gather3A_406 = tpu.dynamic_gather %get3A_400[%gather3A_405] in [0] : vector<16xi32>, vector<16xi32> -> vector<16xi32>
      %shift_right_arithmetic3A_407 = arith.shrsi %gather3A_403, %and3A_193 : vector<16xi32>
      %and3A_408 = arith.constant 1 : i32
      %and3A_409 = vector.broadcast %and3A_408 : i32 to vector<16xi32>
      %and3A_410 = arith.andi %shift_right_arithmetic3A_407, %and3A_409 : vector<16xi32>
      %shift_right_arithmetic3A_411 = arith.shrsi %gather3A_406, %and3A_205 : vector<16xi32>
      %and3A_412 = arith.constant 1 : i32
      %and3A_413 = vector.broadcast %and3A_412 : i32 to vector<16xi32>
      %and3A_414 = arith.andi %shift_right_arithmetic3A_411, %and3A_413 : vector<16xi32>
      %xor3A_415 = arith.xori %and3A_410, %and3A_414 : vector<16xi32>
      %sub3A_416 = arith.constant 0 : i32
      %sub3A_417 = vector.broadcast %sub3A_416 : i32 to vector<16xi32>
      %sub3A_418 = arith.subi %sub3A_417, %xor3A_415 : vector<16xi32>
      %and3A_419 = arith.andi %sub3A_418, %and3A_224 : vector<16xi32>
      %sub3A_420 = arith.constant 0 : i32
      %sub3A_421 = vector.broadcast %sub3A_420 : i32 to vector<16xi32>
      %sub3A_422 = arith.subi %sub3A_421, %and3A_410 : vector<16xi32>
      %and3A_423 = arith.andi %and3A_223, %sub3A_422 : vector<16xi32>
      %xor3A_424 = arith.xori %and3A_419, %and3A_423 : vector<16xi32>
      %and3A_425 = vector.broadcast %select_n3A_397 : i32 to vector<16xi32>
      %and3A_426 = arith.andi %xor3A_424, %and3A_425 : vector<16xi32>
      %xor3A_427 = arith.xori %get3A_400, %and3A_426 : vector<16xi32>
      %swap3A_428 = arith.constant 48 : index
      %swap3A_429 = tpu.vector_load %arg4[%swap3A_428] {strides = array<i32>} : memref<1024xi32, #tpu.memory_space<vmem>>, vector<16xi32>,
      %swap3A_430 = vector.shape_cast %swap3A_429 : vector<16xi32> to vector<16xi32>
      %swap3A_431 = vector.shape_cast %xor3A_427 : vector<16xi32> to vector<16xi32>
      tpu.vector_store %arg4[%swap3A_428], %swap3A_431 {strides = array<i32>} : memref<1024xi32, #tpu.memory_space<vmem>>, vector<16xi32>,
      %eq3A_432 = arith.constant 4 : i32
      %eq3A_433 = arith.cmpi eq, %and3A_228, %eq3A_432 : i32
      %jit3A_434 = arith.constant 0 : i32
      %jit3A_435 = arith.constant -1 : i32
      %select_n3A_436 = arith.select %eq3A_433, %jit3A_434, %jit3A_435 : i32
      %get3A_437 = arith.constant 64 : index
      %get3A_438 = tpu.vector_load %arg4[%get3A_437] {strides = array<i32>} : memref<1024xi32, #tpu.memory_space<vmem>>, vector<16xi32>,
      %get3A_439 = vector.shape_cast %get3A_438 : vector<16xi32> to vector<16xi32>
      %broadcast_in_dim3A_440 = vector.shape_cast %shift_right_arithmetic3A_190 : vector<16xi32> to vector<16x1xi32>
      %gather3A_441 = vector.shape_cast %broadcast_in_dim3A_440 : vector<16x1xi32> to vector<16xi32>
      %gather3A_442 = tpu.dynamic_gather %get3A_439[%gather3A_441] in [0] : vector<16xi32>, vector<16xi32> -> vector<16xi32>
      %broadcast_in_dim3A_443 = vector.shape_cast %shift_right_arithmetic3A_202 : vector<16xi32> to vector<16x1xi32>
      %gather3A_444 = vector.shape_cast %broadcast_in_dim3A_443 : vector<16x1xi32> to vector<16xi32>
      %gather3A_445 = tpu.dynamic_gather %get3A_439[%gather3A_444] in [0] : vector<16xi32>, vector<16xi32> -> vector<16xi32>
      %shift_right_arithmetic3A_446 = arith.shrsi %gather3A_442, %and3A_193 : vector<16xi32>
      %and3A_447 = arith.constant 1 : i32
      %and3A_448 = vector.broadcast %and3A_447 : i32 to vector<16xi32>
      %and3A_449 = arith.andi %shift_right_arithmetic3A_446, %and3A_448 : vector<16xi32>
      %shift_right_arithmetic3A_450 = arith.shrsi %gather3A_445, %and3A_205 : vector<16xi32>
      %and3A_451 = arith.constant 1 : i32
      %and3A_452 = vector.broadcast %and3A_451 : i32 to vector<16xi32>
      %and3A_453 = arith.andi %shift_right_arithmetic3A_450, %and3A_452 : vector<16xi32>
      %xor3A_454 = arith.xori %and3A_449, %and3A_453 : vector<16xi32>
      %sub3A_455 = arith.constant 0 : i32
      %sub3A_456 = vector.broadcast %sub3A_455 : i32 to vector<16xi32>
      %sub3A_457 = arith.subi %sub3A_456, %xor3A_454 : vector<16xi32>
      %and3A_458 = arith.andi %sub3A_457, %and3A_224 : vector<16xi32>
      %sub3A_459 = arith.constant 0 : i32
      %sub3A_460 = vector.broadcast %sub3A_459 : i32 to vector<16xi32>
      %sub3A_461 = arith.subi %sub3A_460, %and3A_449 : vector<16xi32>
      %and3A_462 = arith.andi %and3A_223, %sub3A_461 : vector<16xi32>
      %xor3A_463 = arith.xori %and3A_458, %and3A_462 : vector<16xi32>
      %and3A_464 = vector.broadcast %select_n3A_436 : i32 to vector<16xi32>
      %and3A_465 = arith.andi %xor3A_463, %and3A_464 : vector<16xi32>
      %xor3A_466 = arith.xori %get3A_439, %and3A_465 : vector<16xi32>
      %swap3A_467 = arith.constant 64 : index
      %swap3A_468 = tpu.vector_load %arg4[%swap3A_467] {strides = array<i32>} : memref<1024xi32, #tpu.memory_space<vmem>>, vector<16xi32>,
      %swap3A_469 = vector.shape_cast %swap3A_468 : vector<16xi32> to vector<16xi32>
      %swap3A_470 = vector.shape_cast %xor3A_466 : vector<16xi32> to vector<16xi32>
      tpu.vector_store %arg4[%swap3A_467], %swap3A_470 {strides = array<i32>} : memref<1024xi32, #tpu.memory_space<vmem>>, vector<16xi32>,
      %eq3A_471 = arith.constant 5 : i32
      %eq3A_472 = arith.cmpi eq, %and3A_228, %eq3A_471 : i32
      %jit3A_473 = arith.constant 0 : i32
      %jit3A_474 = arith.constant -1 : i32
      %select_n3A_475 = arith.select %eq3A_472, %jit3A_473, %jit3A_474 : i32
      %get3A_476 = arith.constant 80 : index
      %get3A_477 = tpu.vector_load %arg4[%get3A_476] {strides = array<i32>} : memref<1024xi32, #tpu.memory_space<vmem>>, vector<16xi32>,
      %get3A_478 = vector.shape_cast %get3A_477 : vector<16xi32> to vector<16xi32>
      %broadcast_in_dim3A_479 = vector.shape_cast %shift_right_arithmetic3A_190 : vector<16xi32> to vector<16x1xi32>
      %gather3A_480 = vector.shape_cast %broadcast_in_dim3A_479 : vector<16x1xi32> to vector<16xi32>
      %gather3A_481 = tpu.dynamic_gather %get3A_478[%gather3A_480] in [0] : vector<16xi32>, vector<16xi32> -> vector<16xi32>
      %broadcast_in_dim3A_482 = vector.shape_cast %shift_right_arithmetic3A_202 : vector<16xi32> to vector<16x1xi32>
      %gather3A_483 = vector.shape_cast %broadcast_in_dim3A_482 : vector<16x1xi32> to vector<16xi32>
      %gather3A_484 = tpu.dynamic_gather %get3A_478[%gather3A_483] in [0] : vector<16xi32>, vector<16xi32> -> vector<16xi32>
      %shift_right_arithmetic3A_485 = arith.shrsi %gather3A_481, %and3A_193 : vector<16xi32>
      %and3A_486 = arith.constant 1 : i32
      %and3A_487 = vector.broadcast %and3A_486 : i32 to vector<16xi32>
      %and3A_488 = arith.andi %shift_right_arithmetic3A_485, %and3A_487 : vector<16xi32>
      %shift_right_arithmetic3A_489 = arith.shrsi %gather3A_484, %and3A_205 : vector<16xi32>
      %and3A_490 = arith.constant 1 : i32
      %and3A_491 = vector.broadcast %and3A_490 : i32 to vector<16xi32>
      %and3A_492 = arith.andi %shift_right_arithmetic3A_489, %and3A_491 : vector<16xi32>
      %xor3A_493 = arith.xori %and3A_488, %and3A_492 : vector<16xi32>
      %sub3A_494 = arith.constant 0 : i32
      %sub3A_495 = vector.broadcast %sub3A_494 : i32 to vector<16xi32>
      %sub3A_496 = arith.subi %sub3A_495, %xor3A_493 : vector<16xi32>
      %and3A_497 = arith.andi %sub3A_496, %and3A_224 : vector<16xi32>
      %sub3A_498 = arith.constant 0 : i32
      %sub3A_499 = vector.broadcast %sub3A_498 : i32 to vector<16xi32>
      %sub3A_500 = arith.subi %sub3A_499, %and3A_488 : vector<16xi32>
      %and3A_501 = arith.andi %and3A_223, %sub3A_500 : vector<16xi32>
      %xor3A_502 = arith.xori %and3A_497, %and3A_501 : vector<16xi32>
      %and3A_503 = vector.broadcast %select_n3A_475 : i32 to vector<16xi32>
      %and3A_504 = arith.andi %xor3A_502, %and3A_503 : vector<16xi32>
      %xor3A_505 = arith.xori %get3A_478, %and3A_504 : vector<16xi32>
      %swap3A_506 = arith.constant 80 : index
      %swap3A_507 = tpu.vector_load %arg4[%swap3A_506] {strides = array<i32>} : memref<1024xi32, #tpu.memory_space<vmem>>, vector<16xi32>,
      %swap3A_508 = vector.shape_cast %swap3A_507 : vector<16xi32> to vector<16xi32>
      %swap3A_509 = vector.shape_cast %xor3A_505 : vector<16xi32> to vector<16xi32>
      tpu.vector_store %arg4[%swap3A_506], %swap3A_509 {strides = array<i32>} : memref<1024xi32, #tpu.memory_space<vmem>>, vector<16xi32>,
      %eq3A_510 = arith.constant 6 : i32
      %eq3A_511 = arith.cmpi eq, %and3A_228, %eq3A_510 : i32
      %jit3A_512 = arith.constant 0 : i32
      %jit3A_513 = arith.constant -1 : i32
      %select_n3A_514 = arith.select %eq3A_511, %jit3A_512, %jit3A_513 : i32
      %get3A_515 = arith.constant 96 : index
      %get3A_516 = tpu.vector_load %arg4[%get3A_515] {strides = array<i32>} : memref<1024xi32, #tpu.memory_space<vmem>>, vector<16xi32>,
      %get3A_517 = vector.shape_cast %get3A_516 : vector<16xi32> to vector<16xi32>
      %broadcast_in_dim3A_518 = vector.shape_cast %shift_right_arithmetic3A_190 : vector<16xi32> to vector<16x1xi32>
      %gather3A_519 = vector.shape_cast %broadcast_in_dim3A_518 : vector<16x1xi32> to vector<16xi32>
      %gather3A_520 = tpu.dynamic_gather %get3A_517[%gather3A_519] in [0] : vector<16xi32>, vector<16xi32> -> vector<16xi32>
      %broadcast_in_dim3A_521 = vector.shape_cast %shift_right_arithmetic3A_202 : vector<16xi32> to vector<16x1xi32>
      %gather3A_522 = vector.shape_cast %broadcast_in_dim3A_521 : vector<16x1xi32> to vector<16xi32>
      %gather3A_523 = tpu.dynamic_gather %get3A_517[%gather3A_522] in [0] : vector<16xi32>, vector<16xi32> -> vector<16xi32>
      %shift_right_arithmetic3A_524 = arith.shrsi %gather3A_520, %and3A_193 : vector<16xi32>
      %and3A_525 = arith.constant 1 : i32
      %and3A_526 = vector.broadcast %and3A_525 : i32 to vector<16xi32>
      %and3A_527 = arith.andi %shift_right_arithmetic3A_524, %and3A_526 : vector<16xi32>
      %shift_right_arithmetic3A_528 = arith.shrsi %gather3A_523, %and3A_205 : vector<16xi32>
      %and3A_529 = arith.constant 1 : i32
      %and3A_530 = vector.broadcast %and3A_529 : i32 to vector<16xi32>
      %and3A_531 = arith.andi %shift_right_arithmetic3A_528, %and3A_530 : vector<16xi32>
      %xor3A_532 = arith.xori %and3A_527, %and3A_531 : vector<16xi32>
      %sub3A_533 = arith.constant 0 : i32
      %sub3A_534 = vector.broadcast %sub3A_533 : i32 to vector<16xi32>
      %sub3A_535 = arith.subi %sub3A_534, %xor3A_532 : vector<16xi32>
      %and3A_536 = arith.andi %sub3A_535, %and3A_224 : vector<16xi32>
      %sub3A_537 = arith.constant 0 : i32
      %sub3A_538 = vector.broadcast %sub3A_537 : i32 to vector<16xi32>
      %sub3A_539 = arith.subi %sub3A_538, %and3A_527 : vector<16xi32>
      %and3A_540 = arith.andi %and3A_223, %sub3A_539 : vector<16xi32>
      %xor3A_541 = arith.xori %and3A_536, %and3A_540 : vector<16xi32>
      %and3A_542 = vector.broadcast %select_n3A_514 : i32 to vector<16xi32>
      %and3A_543 = arith.andi %xor3A_541, %and3A_542 : vector<16xi32>
      %xor3A_544 = arith.xori %get3A_517, %and3A_543 : vector<16xi32>
      %swap3A_545 = arith.constant 96 : index
      %swap3A_546 = tpu.vector_load %arg4[%swap3A_545] {strides = array<i32>} : memref<1024xi32, #tpu.memory_space<vmem>>, vector<16xi32>,
      %swap3A_547 = vector.shape_cast %swap3A_546 : vector<16xi32> to vector<16xi32>
      %swap3A_548 = vector.shape_cast %xor3A_544 : vector<16xi32> to vector<16xi32>
      tpu.vector_store %arg4[%swap3A_545], %swap3A_548 {strides = array<i32>} : memref<1024xi32, #tpu.memory_space<vmem>>, vector<16xi32>,
      %eq3A_549 = arith.constant 7 : i32
      %eq3A_550 = arith.cmpi eq, %and3A_228, %eq3A_549 : i32
      %jit3A_551 = arith.constant 0 : i32
      %jit3A_552 = arith.constant -1 : i32
      %select_n3A_553 = arith.select %eq3A_550, %jit3A_551, %jit3A_552 : i32
      %get3A_554 = arith.constant 112 : index
      %get3A_555 = tpu.vector_load %arg4[%get3A_554] {strides = array<i32>} : memref<1024xi32, #tpu.memory_space<vmem>>, vector<16xi32>,
      %get3A_556 = vector.shape_cast %get3A_555 : vector<16xi32> to vector<16xi32>
      %broadcast_in_dim3A_557 = vector.shape_cast %shift_right_arithmetic3A_190 : vector<16xi32> to vector<16x1xi32>
      %gather3A_558 = vector.shape_cast %broadcast_in_dim3A_557 : vector<16x1xi32> to vector<16xi32>
      %gather3A_559 = tpu.dynamic_gather %get3A_556[%gather3A_558] in [0] : vector<16xi32>, vector<16xi32> -> vector<16xi32>
      %broadcast_in_dim3A_560 = vector.shape_cast %shift_right_arithmetic3A_202 : vector<16xi32> to vector<16x1xi32>
      %gather3A_561 = vector.shape_cast %broadcast_in_dim3A_560 : vector<16x1xi32> to vector<16xi32>
      %gather3A_562 = tpu.dynamic_gather %get3A_556[%gather3A_561] in [0] : vector<16xi32>, vector<16xi32> -> vector<16xi32>
      %shift_right_arithmetic3A_563 = arith.shrsi %gather3A_559, %and3A_193 : vector<16xi32>
      %and3A_564 = arith.constant 1 : i32
      %and3A_565 = vector.broadcast %and3A_564 : i32 to vector<16xi32>
      %and3A_566 = arith.andi %shift_right_arithmetic3A_563, %and3A_565 : vector<16xi32>
      %shift_right_arithmetic3A_567 = arith.shrsi %gather3A_562, %and3A_205 : vector<16xi32>
      %and3A_568 = arith.constant 1 : i32
      %and3A_569 = vector.broadcast %and3A_568 : i32 to vector<16xi32>
      %and3A_570 = arith.andi %shift_right_arithmetic3A_567, %and3A_569 : vector<16xi32>
      %xor3A_571 = arith.xori %and3A_566, %and3A_570 : vector<16xi32>
      %sub3A_572 = arith.constant 0 : i32
      %sub3A_573 = vector.broadcast %sub3A_572 : i32 to vector<16xi32>
      %sub3A_574 = arith.subi %sub3A_573, %xor3A_571 : vector<16xi32>
      %and3A_575 = arith.andi %sub3A_574, %and3A_224 : vector<16xi32>
      %sub3A_576 = arith.constant 0 : i32
      %sub3A_577 = vector.broadcast %sub3A_576 : i32 to vector<16xi32>
      %sub3A_578 = arith.subi %sub3A_577, %and3A_566 : vector<16xi32>
      %and3A_579 = arith.andi %and3A_223, %sub3A_578 : vector<16xi32>
      %xor3A_580 = arith.xori %and3A_575, %and3A_579 : vector<16xi32>
      %and3A_581 = vector.broadcast %select_n3A_553 : i32 to vector<16xi32>
      %and3A_582 = arith.andi %xor3A_580, %and3A_581 : vector<16xi32>
      %xor3A_583 = arith.xori %get3A_556, %and3A_582 : vector<16xi32>
      %swap3A_584 = arith.constant 112 : index
      %swap3A_585 = tpu.vector_load %arg4[%swap3A_584] {strides = array<i32>} : memref<1024xi32, #tpu.memory_space<vmem>>, vector<16xi32>,
      %swap3A_586 = vector.shape_cast %swap3A_585 : vector<16xi32> to vector<16xi32>
      %swap3A_587 = vector.shape_cast %xor3A_583 : vector<16xi32> to vector<16xi32>
      tpu.vector_store %arg4[%swap3A_584], %swap3A_587 {strides = array<i32>} : memref<1024xi32, #tpu.memory_space<vmem>>, vector<16xi32>,
      %eq3A_588 = arith.constant 8 : i32
      %eq3A_589 = arith.cmpi eq, %and3A_228, %eq3A_588 : i32
      %jit3A_590 = arith.constant 0 : i32
      %jit3A_591 = arith.constant -1 : i32
      %select_n3A_592 = arith.select %eq3A_589, %jit3A_590, %jit3A_591 : i32
      %get3A_593 = arith.constant 128 : index
      %get3A_594 = tpu.vector_load %arg4[%get3A_593] {strides = array<i32>} : memref<1024xi32, #tpu.memory_space<vmem>>, vector<16xi32>,
      %get3A_595 = vector.shape_cast %get3A_594 : vector<16xi32> to vector<16xi32>
      %broadcast_in_dim3A_596 = vector.shape_cast %shift_right_arithmetic3A_190 : vector<16xi32> to vector<16x1xi32>
      %gather3A_597 = vector.shape_cast %broadcast_in_dim3A_596 : vector<16x1xi32> to vector<16xi32>
      %gather3A_598 = tpu.dynamic_gather %get3A_595[%gather3A_597] in [0] : vector<16xi32>, vector<16xi32> -> vector<16xi32>
      %broadcast_in_dim3A_599 = vector.shape_cast %shift_right_arithmetic3A_202 : vector<16xi32> to vector<16x1xi32>
      %gather3A_600 = vector.shape_cast %broadcast_in_dim3A_599 : vector<16x1xi32> to vector<16xi32>
      %gather3A_601 = tpu.dynamic_gather %get3A_595[%gather3A_600] in [0] : vector<16xi32>, vector<16xi32> -> vector<16xi32>
      %shift_right_arithmetic3A_602 = arith.shrsi %gather3A_598, %and3A_193 : vector<16xi32>
      %and3A_603 = arith.constant 1 : i32
      %and3A_604 = vector.broadcast %and3A_603 : i32 to vector<16xi32>
      %and3A_605 = arith.andi %shift_right_arithmetic3A_602, %and3A_604 : vector<16xi32>
      %shift_right_arithmetic3A_606 = arith.shrsi %gather3A_601, %and3A_205 : vector<16xi32>
      %and3A_607 = arith.constant 1 : i32
      %and3A_608 = vector.broadcast %and3A_607 : i32 to vector<16xi32>
      %and3A_609 = arith.andi %shift_right_arithmetic3A_606, %and3A_608 : vector<16xi32>
      %xor3A_610 = arith.xori %and3A_605, %and3A_609 : vector<16xi32>
      %sub3A_611 = arith.constant 0 : i32
      %sub3A_612 = vector.broadcast %sub3A_611 : i32 to vector<16xi32>
      %sub3A_613 = arith.subi %sub3A_612, %xor3A_610 : vector<16xi32>
      %and3A_614 = arith.andi %sub3A_613, %and3A_224 : vector<16xi32>
      %sub3A_615 = arith.constant 0 : i32
      %sub3A_616 = vector.broadcast %sub3A_615 : i32 to vector<16xi32>
      %sub3A_617 = arith.subi %sub3A_616, %and3A_605 : vector<16xi32>
      %and3A_618 = arith.andi %and3A_223, %sub3A_617 : vector<16xi32>
      %xor3A_619 = arith.xori %and3A_614, %and3A_618 : vector<16xi32>
      %and3A_620 = vector.broadcast %select_n3A_592 : i32 to vector<16xi32>
      %and3A_621 = arith.andi %xor3A_619, %and3A_620 : vector<16xi32>
      %xor3A_622 = arith.xori %get3A_595, %and3A_621 : vector<16xi32>
      %swap3A_623 = arith.constant 128 : index
      %swap3A_624 = tpu.vector_load %arg4[%swap3A_623] {strides = array<i32>} : memref<1024xi32, #tpu.memory_space<vmem>>, vector<16xi32>,
      %swap3A_625 = vector.shape_cast %swap3A_624 : vector<16xi32> to vector<16xi32>
      %swap3A_626 = vector.shape_cast %xor3A_622 : vector<16xi32> to vector<16xi32>
      tpu.vector_store %arg4[%swap3A_623], %swap3A_626 {strides = array<i32>} : memref<1024xi32, #tpu.memory_space<vmem>>, vector<16xi32>,
      %eq3A_627 = arith.constant 9 : i32
      %eq3A_628 = arith.cmpi eq, %and3A_228, %eq3A_627 : i32
      %jit3A_629 = arith.constant 0 : i32
      %jit3A_630 = arith.constant -1 : i32
      %select_n3A_631 = arith.select %eq3A_628, %jit3A_629, %jit3A_630 : i32
      %get3A_632 = arith.constant 144 : index
      %get3A_633 = tpu.vector_load %arg4[%get3A_632] {strides = array<i32>} : memref<1024xi32, #tpu.memory_space<vmem>>, vector<16xi32>,
      %get3A_634 = vector.shape_cast %get3A_633 : vector<16xi32> to vector<16xi32>
      %broadcast_in_dim3A_635 = vector.shape_cast %shift_right_arithmetic3A_190 : vector<16xi32> to vector<16x1xi32>
      %gather3A_636 = vector.shape_cast %broadcast_in_dim3A_635 : vector<16x1xi32> to vector<16xi32>
      %gather3A_637 = tpu.dynamic_gather %get3A_634[%gather3A_636] in [0] : vector<16xi32>, vector<16xi32> -> vector<16xi32>
      %broadcast_in_dim3A_638 = vector.shape_cast %shift_right_arithmetic3A_202 : vector<16xi32> to vector<16x1xi32>
      %gather3A_639 = vector.shape_cast %broadcast_in_dim3A_638 : vector<16x1xi32> to vector<16xi32>
      %gather3A_640 = tpu.dynamic_gather %get3A_634[%gather3A_639] in [0] : vector<16xi32>, vector<16xi32> -> vector<16xi32>
      %shift_right_arithmetic3A_641 = arith.shrsi %gather3A_637, %and3A_193 : vector<16xi32>
      %and3A_642 = arith.constant 1 : i32
      %and3A_643 = vector.broadcast %and3A_642 : i32 to vector<16xi32>
      %and3A_644 = arith.andi %shift_right_arithmetic3A_641, %and3A_643 : vector<16xi32>
      %shift_right_arithmetic3A_645 = arith.shrsi %gather3A_640, %and3A_205 : vector<16xi32>
      %and3A_646 = arith.constant 1 : i32
      %and3A_647 = vector.broadcast %and3A_646 : i32 to vector<16xi32>
      %and3A_648 = arith.andi %shift_right_arithmetic3A_645, %and3A_647 : vector<16xi32>
      %xor3A_649 = arith.xori %and3A_644, %and3A_648 : vector<16xi32>
      %sub3A_650 = arith.constant 0 : i32
      %sub3A_651 = vector.broadcast %sub3A_650 : i32 to vector<16xi32>
      %sub3A_652 = arith.subi %sub3A_651, %xor3A_649 : vector<16xi32>
      %and3A_653 = arith.andi %sub3A_652, %and3A_224 : vector<16xi32>
      %sub3A_654 = arith.constant 0 : i32
      %sub3A_655 = vector.broadcast %sub3A_654 : i32 to vector<16xi32>
      %sub3A_656 = arith.subi %sub3A_655, %and3A_644 : vector<16xi32>
      %and3A_657 = arith.andi %and3A_223, %sub3A_656 : vector<16xi32>
      %xor3A_658 = arith.xori %and3A_653, %and3A_657 : vector<16xi32>
      %and3A_659 = vector.broadcast %select_n3A_631 : i32 to vector<16xi32>
      %and3A_660 = arith.andi %xor3A_658, %and3A_659 : vector<16xi32>
      %xor3A_661 = arith.xori %get3A_634, %and3A_660 : vector<16xi32>
      %swap3A_662 = arith.constant 144 : index
      %swap3A_663 = tpu.vector_load %arg4[%swap3A_662] {strides = array<i32>} : memref<1024xi32, #tpu.memory_space<vmem>>, vector<16xi32>,
      %swap3A_664 = vector.shape_cast %swap3A_663 : vector<16xi32> to vector<16xi32>
      %swap3A_665 = vector.shape_cast %xor3A_661 : vector<16xi32> to vector<16xi32>
      tpu.vector_store %arg4[%swap3A_662], %swap3A_665 {strides = array<i32>} : memref<1024xi32, #tpu.memory_space<vmem>>, vector<16xi32>,
      %eq3A_666 = arith.constant 10 : i32
      %eq3A_667 = arith.cmpi eq, %and3A_228, %eq3A_666 : i32
      %jit3A_668 = arith.constant 0 : i32
      %jit3A_669 = arith.constant -1 : i32
      %select_n3A_670 = arith.select %eq3A_667, %jit3A_668, %jit3A_669 : i32
      %get3A_671 = arith.constant 160 : index
      %get3A_672 = tpu.vector_load %arg4[%get3A_671] {strides = array<i32>} : memref<1024xi32, #tpu.memory_space<vmem>>, vector<16xi32>,
      %get3A_673 = vector.shape_cast %get3A_672 : vector<16xi32> to vector<16xi32>
      %broadcast_in_dim3A_674 = vector.shape_cast %shift_right_arithmetic3A_190 : vector<16xi32> to vector<16x1xi32>
      %gather3A_675 = vector.shape_cast %broadcast_in_dim3A_674 : vector<16x1xi32> to vector<16xi32>
      %gather3A_676 = tpu.dynamic_gather %get3A_673[%gather3A_675] in [0] : vector<16xi32>, vector<16xi32> -> vector<16xi32>
      %broadcast_in_dim3A_677 = vector.shape_cast %shift_right_arithmetic3A_202 : vector<16xi32> to vector<16x1xi32>
      %gather3A_678 = vector.shape_cast %broadcast_in_dim3A_677 : vector<16x1xi32> to vector<16xi32>
      %gather3A_679 = tpu.dynamic_gather %get3A_673[%gather3A_678] in [0] : vector<16xi32>, vector<16xi32> -> vector<16xi32>
      %shift_right_arithmetic3A_680 = arith.shrsi %gather3A_676, %and3A_193 : vector<16xi32>
      %and3A_681 = arith.constant 1 : i32
      %and3A_682 = vector.broadcast %and3A_681 : i32 to vector<16xi32>
      %and3A_683 = arith.andi %shift_right_arithmetic3A_680, %and3A_682 : vector<16xi32>
      %shift_right_arithmetic3A_684 = arith.shrsi %gather3A_679, %and3A_205 : vector<16xi32>
      %and3A_685 = arith.constant 1 : i32
      %and3A_686 = vector.broadcast %and3A_685 : i32 to vector<16xi32>
      %and3A_687 = arith.andi %shift_right_arithmetic3A_684, %and3A_686 : vector<16xi32>
      %xor3A_688 = arith.xori %and3A_683, %and3A_687 : vector<16xi32>
      %sub3A_689 = arith.constant 0 : i32
      %sub3A_690 = vector.broadcast %sub3A_689 : i32 to vector<16xi32>
      %sub3A_691 = arith.subi %sub3A_690, %xor3A_688 : vector<16xi32>
      %and3A_692 = arith.andi %sub3A_691, %and3A_224 : vector<16xi32>
      %sub3A_693 = arith.constant 0 : i32
      %sub3A_694 = vector.broadcast %sub3A_693 : i32 to vector<16xi32>
      %sub3A_695 = arith.subi %sub3A_694, %and3A_683 : vector<16xi32>
      %and3A_696 = arith.andi %and3A_223, %sub3A_695 : vector<16xi32>
      %xor3A_697 = arith.xori %and3A_692, %and3A_696 : vector<16xi32>
      %and3A_698 = vector.broadcast %select_n3A_670 : i32 to vector<16xi32>
      %and3A_699 = arith.andi %xor3A_697, %and3A_698 : vector<16xi32>
      %xor3A_700 = arith.xori %get3A_673, %and3A_699 : vector<16xi32>
      %swap3A_701 = arith.constant 160 : index
      %swap3A_702 = tpu.vector_load %arg4[%swap3A_701] {strides = array<i32>} : memref<1024xi32, #tpu.memory_space<vmem>>, vector<16xi32>,
      %swap3A_703 = vector.shape_cast %swap3A_702 : vector<16xi32> to vector<16xi32>
      %swap3A_704 = vector.shape_cast %xor3A_700 : vector<16xi32> to vector<16xi32>
      tpu.vector_store %arg4[%swap3A_701], %swap3A_704 {strides = array<i32>} : memref<1024xi32, #tpu.memory_space<vmem>>, vector<16xi32>,
      %eq3A_705 = arith.constant 11 : i32
      %eq3A_706 = arith.cmpi eq, %and3A_228, %eq3A_705 : i32
      %jit3A_707 = arith.constant 0 : i32
      %jit3A_708 = arith.constant -1 : i32
      %select_n3A_709 = arith.select %eq3A_706, %jit3A_707, %jit3A_708 : i32
      %get3A_710 = arith.constant 176 : index
      %get3A_711 = tpu.vector_load %arg4[%get3A_710] {strides = array<i32>} : memref<1024xi32, #tpu.memory_space<vmem>>, vector<16xi32>,
      %get3A_712 = vector.shape_cast %get3A_711 : vector<16xi32> to vector<16xi32>
      %broadcast_in_dim3A_713 = vector.shape_cast %shift_right_arithmetic3A_190 : vector<16xi32> to vector<16x1xi32>
      %gather3A_714 = vector.shape_cast %broadcast_in_dim3A_713 : vector<16x1xi32> to vector<16xi32>
      %gather3A_715 = tpu.dynamic_gather %get3A_712[%gather3A_714] in [0] : vector<16xi32>, vector<16xi32> -> vector<16xi32>
      %broadcast_in_dim3A_716 = vector.shape_cast %shift_right_arithmetic3A_202 : vector<16xi32> to vector<16x1xi32>
      %gather3A_717 = vector.shape_cast %broadcast_in_dim3A_716 : vector<16x1xi32> to vector<16xi32>
      %gather3A_718 = tpu.dynamic_gather %get3A_712[%gather3A_717] in [0] : vector<16xi32>, vector<16xi32> -> vector<16xi32>
      %shift_right_arithmetic3A_719 = arith.shrsi %gather3A_715, %and3A_193 : vector<16xi32>
      %and3A_720 = arith.constant 1 : i32
      %and3A_721 = vector.broadcast %and3A_720 : i32 to vector<16xi32>
      %and3A_722 = arith.andi %shift_right_arithmetic3A_719, %and3A_721 : vector<16xi32>
      %shift_right_arithmetic3A_723 = arith.shrsi %gather3A_718, %and3A_205 : vector<16xi32>
      %and3A_724 = arith.constant 1 : i32
      %and3A_725 = vector.broadcast %and3A_724 : i32 to vector<16xi32>
      %and3A_726 = arith.andi %shift_right_arithmetic3A_723, %and3A_725 : vector<16xi32>
      %xor3A_727 = arith.xori %and3A_722, %and3A_726 : vector<16xi32>
      %sub3A_728 = arith.constant 0 : i32
      %sub3A_729 = vector.broadcast %sub3A_728 : i32 to vector<16xi32>
      %sub3A_730 = arith.subi %sub3A_729, %xor3A_727 : vector<16xi32>
      %and3A_731 = arith.andi %sub3A_730, %and3A_224 : vector<16xi32>
      %sub3A_732 = arith.constant 0 : i32
      %sub3A_733 = vector.broadcast %sub3A_732 : i32 to vector<16xi32>
      %sub3A_734 = arith.subi %sub3A_733, %and3A_722 : vector<16xi32>
      %and3A_735 = arith.andi %and3A_223, %sub3A_734 : vector<16xi32>
      %xor3A_736 = arith.xori %and3A_731, %and3A_735 : vector<16xi32>
      %and3A_737 = vector.broadcast %select_n3A_709 : i32 to vector<16xi32>
      %and3A_738 = arith.andi %xor3A_736, %and3A_737 : vector<16xi32>
      %xor3A_739 = arith.xori %get3A_712, %and3A_738 : vector<16xi32>
      %swap3A_740 = arith.constant 176 : index
      %swap3A_741 = tpu.vector_load %arg4[%swap3A_740] {strides = array<i32>} : memref<1024xi32, #tpu.memory_space<vmem>>, vector<16xi32>,
      %swap3A_742 = vector.shape_cast %swap3A_741 : vector<16xi32> to vector<16xi32>
      %swap3A_743 = vector.shape_cast %xor3A_739 : vector<16xi32> to vector<16xi32>
      tpu.vector_store %arg4[%swap3A_740], %swap3A_743 {strides = array<i32>} : memref<1024xi32, #tpu.memory_space<vmem>>, vector<16xi32>,
      %eq3A_744 = arith.constant 12 : i32
      %eq3A_745 = arith.cmpi eq, %and3A_228, %eq3A_744 : i32
      %jit3A_746 = arith.constant 0 : i32
      %jit3A_747 = arith.constant -1 : i32
      %select_n3A_748 = arith.select %eq3A_745, %jit3A_746, %jit3A_747 : i32
      %get3A_749 = arith.constant 192 : index
      %get3A_750 = tpu.vector_load %arg4[%get3A_749] {strides = array<i32>} : memref<1024xi32, #tpu.memory_space<vmem>>, vector<16xi32>,
      %get3A_751 = vector.shape_cast %get3A_750 : vector<16xi32> to vector<16xi32>
      %broadcast_in_dim3A_752 = vector.shape_cast %shift_right_arithmetic3A_190 : vector<16xi32> to vector<16x1xi32>
      %gather3A_753 = vector.shape_cast %broadcast_in_dim3A_752 : vector<16x1xi32> to vector<16xi32>
      %gather3A_754 = tpu.dynamic_gather %get3A_751[%gather3A_753] in [0] : vector<16xi32>, vector<16xi32> -> vector<16xi32>
      %broadcast_in_dim3A_755 = vector.shape_cast %shift_right_arithmetic3A_202 : vector<16xi32> to vector<16x1xi32>
      %gather3A_756 = vector.shape_cast %broadcast_in_dim3A_755 : vector<16x1xi32> to vector<16xi32>
      %gather3A_757 = tpu.dynamic_gather %get3A_751[%gather3A_756] in [0] : vector<16xi32>, vector<16xi32> -> vector<16xi32>
      %shift_right_arithmetic3A_758 = arith.shrsi %gather3A_754, %and3A_193 : vector<16xi32>
      %and3A_759 = arith.constant 1 : i32
      %and3A_760 = vector.broadcast %and3A_759 : i32 to vector<16xi32>
      %and3A_761 = arith.andi %shift_right_arithmetic3A_758, %and3A_760 : vector<16xi32>
      %shift_right_arithmetic3A_762 = arith.shrsi %gather3A_757, %and3A_205 : vector<16xi32>
      %and3A_763 = arith.constant 1 : i32
      %and3A_764 = vector.broadcast %and3A_763 : i32 to vector<16xi32>
      %and3A_765 = arith.andi %shift_right_arithmetic3A_762, %and3A_764 : vector<16xi32>
      %xor3A_766 = arith.xori %and3A_761, %and3A_765 : vector<16xi32>
      %sub3A_767 = arith.constant 0 : i32
      %sub3A_768 = vector.broadcast %sub3A_767 : i32 to vector<16xi32>
      %sub3A_769 = arith.subi %sub3A_768, %xor3A_766 : vector<16xi32>
      %and3A_770 = arith.andi %sub3A_769, %and3A_224 : vector<16xi32>
      %sub3A_771 = arith.constant 0 : i32
      %sub3A_772 = vector.broadcast %sub3A_771 : i32 to vector<16xi32>
      %sub3A_773 = arith.subi %sub3A_772, %and3A_761 : vector<16xi32>
      %and3A_774 = arith.andi %and3A_223, %sub3A_773 : vector<16xi32>
      %xor3A_775 = arith.xori %and3A_770, %and3A_774 : vector<16xi32>
      %and3A_776 = vector.broadcast %select_n3A_748 : i32 to vector<16xi32>
      %and3A_777 = arith.andi %xor3A_775, %and3A_776 : vector<16xi32>
      %xor3A_778 = arith.xori %get3A_751, %and3A_777 : vector<16xi32>
      %swap3A_779 = arith.constant 192 : index
      %swap3A_780 = tpu.vector_load %arg4[%swap3A_779] {strides = array<i32>} : memref<1024xi32, #tpu.memory_space<vmem>>, vector<16xi32>,
      %swap3A_781 = vector.shape_cast %swap3A_780 : vector<16xi32> to vector<16xi32>
      %swap3A_782 = vector.shape_cast %xor3A_778 : vector<16xi32> to vector<16xi32>
      tpu.vector_store %arg4[%swap3A_779], %swap3A_782 {strides = array<i32>} : memref<1024xi32, #tpu.memory_space<vmem>>, vector<16xi32>,
      %eq3A_783 = arith.constant 13 : i32
      %eq3A_784 = arith.cmpi eq, %and3A_228, %eq3A_783 : i32
      %jit3A_785 = arith.constant 0 : i32
      %jit3A_786 = arith.constant -1 : i32
      %select_n3A_787 = arith.select %eq3A_784, %jit3A_785, %jit3A_786 : i32
      %get3A_788 = arith.constant 208 : index
      %get3A_789 = tpu.vector_load %arg4[%get3A_788] {strides = array<i32>} : memref<1024xi32, #tpu.memory_space<vmem>>, vector<16xi32>,
      %get3A_790 = vector.shape_cast %get3A_789 : vector<16xi32> to vector<16xi32>
      %broadcast_in_dim3A_791 = vector.shape_cast %shift_right_arithmetic3A_190 : vector<16xi32> to vector<16x1xi32>
      %gather3A_792 = vector.shape_cast %broadcast_in_dim3A_791 : vector<16x1xi32> to vector<16xi32>
      %gather3A_793 = tpu.dynamic_gather %get3A_790[%gather3A_792] in [0] : vector<16xi32>, vector<16xi32> -> vector<16xi32>
      %broadcast_in_dim3A_794 = vector.shape_cast %shift_right_arithmetic3A_202 : vector<16xi32> to vector<16x1xi32>
      %gather3A_795 = vector.shape_cast %broadcast_in_dim3A_794 : vector<16x1xi32> to vector<16xi32>
      %gather3A_796 = tpu.dynamic_gather %get3A_790[%gather3A_795] in [0] : vector<16xi32>, vector<16xi32> -> vector<16xi32>
      %shift_right_arithmetic3A_797 = arith.shrsi %gather3A_793, %and3A_193 : vector<16xi32>
      %and3A_798 = arith.constant 1 : i32
      %and3A_799 = vector.broadcast %and3A_798 : i32 to vector<16xi32>
      %and3A_800 = arith.andi %shift_right_arithmetic3A_797, %and3A_799 : vector<16xi32>
      %shift_right_arithmetic3A_801 = arith.shrsi %gather3A_796, %and3A_205 : vector<16xi32>
      %and3A_802 = arith.constant 1 : i32
      %and3A_803 = vector.broadcast %and3A_802 : i32 to vector<16xi32>
      %and3A_804 = arith.andi %shift_right_arithmetic3A_801, %and3A_803 : vector<16xi32>
      %xor3A_805 = arith.xori %and3A_800, %and3A_804 : vector<16xi32>
      %sub3A_806 = arith.constant 0 : i32
      %sub3A_807 = vector.broadcast %sub3A_806 : i32 to vector<16xi32>
      %sub3A_808 = arith.subi %sub3A_807, %xor3A_805 : vector<16xi32>
      %and3A_809 = arith.andi %sub3A_808, %and3A_224 : vector<16xi32>
      %sub3A_810 = arith.constant 0 : i32
      %sub3A_811 = vector.broadcast %sub3A_810 : i32 to vector<16xi32>
      %sub3A_812 = arith.subi %sub3A_811, %and3A_800 : vector<16xi32>
      %and3A_813 = arith.andi %and3A_223, %sub3A_812 : vector<16xi32>
      %xor3A_814 = arith.xori %and3A_809, %and3A_813 : vector<16xi32>
      %and3A_815 = vector.broadcast %select_n3A_787 : i32 to vector<16xi32>
      %and3A_816 = arith.andi %xor3A_814, %and3A_815 : vector<16xi32>
      %xor3A_817 = arith.xori %get3A_790, %and3A_816 : vector<16xi32>
      %swap3A_818 = arith.constant 208 : index
      %swap3A_819 = tpu.vector_load %arg4[%swap3A_818] {strides = array<i32>} : memref<1024xi32, #tpu.memory_space<vmem>>, vector<16xi32>,
      %swap3A_820 = vector.shape_cast %swap3A_819 : vector<16xi32> to vector<16xi32>
      %swap3A_821 = vector.shape_cast %xor3A_817 : vector<16xi32> to vector<16xi32>
      tpu.vector_store %arg4[%swap3A_818], %swap3A_821 {strides = array<i32>} : memref<1024xi32, #tpu.memory_space<vmem>>, vector<16xi32>,
      %eq3A_822 = arith.constant 14 : i32
      %eq3A_823 = arith.cmpi eq, %and3A_228, %eq3A_822 : i32
      %jit3A_824 = arith.constant 0 : i32
      %jit3A_825 = arith.constant -1 : i32
      %select_n3A_826 = arith.select %eq3A_823, %jit3A_824, %jit3A_825 : i32
      %get3A_827 = arith.constant 224 : index
      %get3A_828 = tpu.vector_load %arg4[%get3A_827] {strides = array<i32>} : memref<1024xi32, #tpu.memory_space<vmem>>, vector<16xi32>,
      %get3A_829 = vector.shape_cast %get3A_828 : vector<16xi32> to vector<16xi32>
      %broadcast_in_dim3A_830 = vector.shape_cast %shift_right_arithmetic3A_190 : vector<16xi32> to vector<16x1xi32>
      %gather3A_831 = vector.shape_cast %broadcast_in_dim3A_830 : vector<16x1xi32> to vector<16xi32>
      %gather3A_832 = tpu.dynamic_gather %get3A_829[%gather3A_831] in [0] : vector<16xi32>, vector<16xi32> -> vector<16xi32>
      %broadcast_in_dim3A_833 = vector.shape_cast %shift_right_arithmetic3A_202 : vector<16xi32> to vector<16x1xi32>
      %gather3A_834 = vector.shape_cast %broadcast_in_dim3A_833 : vector<16x1xi32> to vector<16xi32>
      %gather3A_835 = tpu.dynamic_gather %get3A_829[%gather3A_834] in [0] : vector<16xi32>, vector<16xi32> -> vector<16xi32>
      %shift_right_arithmetic3A_836 = arith.shrsi %gather3A_832, %and3A_193 : vector<16xi32>
      %and3A_837 = arith.constant 1 : i32
      %and3A_838 = vector.broadcast %and3A_837 : i32 to vector<16xi32>
      %and3A_839 = arith.andi %shift_right_arithmetic3A_836, %and3A_838 : vector<16xi32>
      %shift_right_arithmetic3A_840 = arith.shrsi %gather3A_835, %and3A_205 : vector<16xi32>
      %and3A_841 = arith.constant 1 : i32
      %and3A_842 = vector.broadcast %and3A_841 : i32 to vector<16xi32>
      %and3A_843 = arith.andi %shift_right_arithmetic3A_840, %and3A_842 : vector<16xi32>
      %xor3A_844 = arith.xori %and3A_839, %and3A_843 : vector<16xi32>
      %sub3A_845 = arith.constant 0 : i32
      %sub3A_846 = vector.broadcast %sub3A_845 : i32 to vector<16xi32>
      %sub3A_847 = arith.subi %sub3A_846, %xor3A_844 : vector<16xi32>
      %and3A_848 = arith.andi %sub3A_847, %and3A_224 : vector<16xi32>
      %sub3A_849 = arith.constant 0 : i32
      %sub3A_850 = vector.broadcast %sub3A_849 : i32 to vector<16xi32>
      %sub3A_851 = arith.subi %sub3A_850, %and3A_839 : vector<16xi32>
      %and3A_852 = arith.andi %and3A_223, %sub3A_851 : vector<16xi32>
      %xor3A_853 = arith.xori %and3A_848, %and3A_852 : vector<16xi32>
      %and3A_854 = vector.broadcast %select_n3A_826 : i32 to vector<16xi32>
      %and3A_855 = arith.andi %xor3A_853, %and3A_854 : vector<16xi32>
      %xor3A_856 = arith.xori %get3A_829, %and3A_855 : vector<16xi32>
      %swap3A_857 = arith.constant 224 : index
      %swap3A_858 = tpu.vector_load %arg4[%swap3A_857] {strides = array<i32>} : memref<1024xi32, #tpu.memory_space<vmem>>, vector<16xi32>,
      %swap3A_859 = vector.shape_cast %swap3A_858 : vector<16xi32> to vector<16xi32>
      %swap3A_860 = vector.shape_cast %xor3A_856 : vector<16xi32> to vector<16xi32>
      tpu.vector_store %arg4[%swap3A_857], %swap3A_860 {strides = array<i32>} : memref<1024xi32, #tpu.memory_space<vmem>>, vector<16xi32>,
      %eq3A_861 = arith.constant 15 : i32
      %eq3A_862 = arith.cmpi eq, %and3A_228, %eq3A_861 : i32
      %jit3A_863 = arith.constant 0 : i32
      %jit3A_864 = arith.constant -1 : i32
      %select_n3A_865 = arith.select %eq3A_862, %jit3A_863, %jit3A_864 : i32
      %get3A_866 = arith.constant 240 : index
      %get3A_867 = tpu.vector_load %arg4[%get3A_866] {strides = array<i32>} : memref<1024xi32, #tpu.memory_space<vmem>>, vector<16xi32>,
      %get3A_868 = vector.shape_cast %get3A_867 : vector<16xi32> to vector<16xi32>
      %broadcast_in_dim3A_869 = vector.shape_cast %shift_right_arithmetic3A_190 : vector<16xi32> to vector<16x1xi32>
      %gather3A_870 = vector.shape_cast %broadcast_in_dim3A_869 : vector<16x1xi32> to vector<16xi32>
      %gather3A_871 = tpu.dynamic_gather %get3A_868[%gather3A_870] in [0] : vector<16xi32>, vector<16xi32> -> vector<16xi32>
      %broadcast_in_dim3A_872 = vector.shape_cast %shift_right_arithmetic3A_202 : vector<16xi32> to vector<16x1xi32>
      %gather3A_873 = vector.shape_cast %broadcast_in_dim3A_872 : vector<16x1xi32> to vector<16xi32>
      %gather3A_874 = tpu.dynamic_gather %get3A_868[%gather3A_873] in [0] : vector<16xi32>, vector<16xi32> -> vector<16xi32>
      %shift_right_arithmetic3A_875 = arith.shrsi %gather3A_871, %and3A_193 : vector<16xi32>
      %and3A_876 = arith.constant 1 : i32
      %and3A_877 = vector.broadcast %and3A_876 : i32 to vector<16xi32>
      %and3A_878 = arith.andi %shift_right_arithmetic3A_875, %and3A_877 : vector<16xi32>
      %shift_right_arithmetic3A_879 = arith.shrsi %gather3A_874, %and3A_205 : vector<16xi32>
      %and3A_880 = arith.constant 1 : i32
      %and3A_881 = vector.broadcast %and3A_880 : i32 to vector<16xi32>
      %and3A_882 = arith.andi %shift_right_arithmetic3A_879, %and3A_881 : vector<16xi32>
      %xor3A_883 = arith.xori %and3A_878, %and3A_882 : vector<16xi32>
      %sub3A_884 = arith.constant 0 : i32
      %sub3A_885 = vector.broadcast %sub3A_884 : i32 to vector<16xi32>
      %sub3A_886 = arith.subi %sub3A_885, %xor3A_883 : vector<16xi32>
      %and3A_887 = arith.andi %sub3A_886, %and3A_224 : vector<16xi32>
      %sub3A_888 = arith.constant 0 : i32
      %sub3A_889 = vector.broadcast %sub3A_888 : i32 to vector<16xi32>
      %sub3A_890 = arith.subi %sub3A_889, %and3A_878 : vector<16xi32>
      %and3A_891 = arith.andi %and3A_223, %sub3A_890 : vector<16xi32>
      %xor3A_892 = arith.xori %and3A_887, %and3A_891 : vector<16xi32>
      %and3A_893 = vector.broadcast %select_n3A_865 : i32 to vector<16xi32>
      %and3A_894 = arith.andi %xor3A_892, %and3A_893 : vector<16xi32>
      %xor3A_895 = arith.xori %get3A_868, %and3A_894 : vector<16xi32>
      %swap3A_896 = arith.constant 240 : index
      %swap3A_897 = tpu.vector_load %arg4[%swap3A_896] {strides = array<i32>} : memref<1024xi32, #tpu.memory_space<vmem>>, vector<16xi32>,
      %swap3A_898 = vector.shape_cast %swap3A_897 : vector<16xi32> to vector<16xi32>
      %swap3A_899 = vector.shape_cast %xor3A_895 : vector<16xi32> to vector<16xi32>
      tpu.vector_store %arg4[%swap3A_896], %swap3A_899 {strides = array<i32>} : memref<1024xi32, #tpu.memory_space<vmem>>, vector<16xi32>,
      %eq3A_900 = arith.constant 16 : i32
      %eq3A_901 = arith.cmpi eq, %and3A_228, %eq3A_900 : i32
      %jit3A_902 = arith.constant 0 : i32
      %jit3A_903 = arith.constant -1 : i32
      %select_n3A_904 = arith.select %eq3A_901, %jit3A_902, %jit3A_903 : i32
      %get3A_905 = arith.constant 256 : index
      %get3A_906 = tpu.vector_load %arg4[%get3A_905] {strides = array<i32>} : memref<1024xi32, #tpu.memory_space<vmem>>, vector<16xi32>,
      %get3A_907 = vector.shape_cast %get3A_906 : vector<16xi32> to vector<16xi32>
      %broadcast_in_dim3A_908 = vector.shape_cast %shift_right_arithmetic3A_190 : vector<16xi32> to vector<16x1xi32>
      %gather3A_909 = vector.shape_cast %broadcast_in_dim3A_908 : vector<16x1xi32> to vector<16xi32>
      %gather3A_910 = tpu.dynamic_gather %get3A_907[%gather3A_909] in [0] : vector<16xi32>, vector<16xi32> -> vector<16xi32>
      %broadcast_in_dim3A_911 = vector.shape_cast %shift_right_arithmetic3A_202 : vector<16xi32> to vector<16x1xi32>
      %gather3A_912 = vector.shape_cast %broadcast_in_dim3A_911 : vector<16x1xi32> to vector<16xi32>
      %gather3A_913 = tpu.dynamic_gather %get3A_907[%gather3A_912] in [0] : vector<16xi32>, vector<16xi32> -> vector<16xi32>
      %shift_right_arithmetic3A_914 = arith.shrsi %gather3A_910, %and3A_193 : vector<16xi32>
      %and3A_915 = arith.constant 1 : i32
      %and3A_916 = vector.broadcast %and3A_915 : i32 to vector<16xi32>
      %and3A_917 = arith.andi %shift_right_arithmetic3A_914, %and3A_916 : vector<16xi32>
      %shift_right_arithmetic3A_918 = arith.shrsi %gather3A_913, %and3A_205 : vector<16xi32>
      %and3A_919 = arith.constant 1 : i32
      %and3A_920 = vector.broadcast %and3A_919 : i32 to vector<16xi32>
      %and3A_921 = arith.andi %shift_right_arithmetic3A_918, %and3A_920 : vector<16xi32>
      %xor3A_922 = arith.xori %and3A_917, %and3A_921 : vector<16xi32>
      %sub3A_923 = arith.constant 0 : i32
      %sub3A_924 = vector.broadcast %sub3A_923 : i32 to vector<16xi32>
      %sub3A_925 = arith.subi %sub3A_924, %xor3A_922 : vector<16xi32>
      %and3A_926 = arith.andi %sub3A_925, %and3A_224 : vector<16xi32>
      %sub3A_927 = arith.constant 0 : i32
      %sub3A_928 = vector.broadcast %sub3A_927 : i32 to vector<16xi32>
      %sub3A_929 = arith.subi %sub3A_928, %and3A_917 : vector<16xi32>
      %and3A_930 = arith.andi %and3A_223, %sub3A_929 : vector<16xi32>
      %xor3A_931 = arith.xori %and3A_926, %and3A_930 : vector<16xi32>
      %and3A_932 = vector.broadcast %select_n3A_904 : i32 to vector<16xi32>
      %and3A_933 = arith.andi %xor3A_931, %and3A_932 : vector<16xi32>
      %xor3A_934 = arith.xori %get3A_907, %and3A_933 : vector<16xi32>
      %swap3A_935 = arith.constant 256 : index
      %swap3A_936 = tpu.vector_load %arg4[%swap3A_935] {strides = array<i32>} : memref<1024xi32, #tpu.memory_space<vmem>>, vector<16xi32>,
      %swap3A_937 = vector.shape_cast %swap3A_936 : vector<16xi32> to vector<16xi32>
      %swap3A_938 = vector.shape_cast %xor3A_934 : vector<16xi32> to vector<16xi32>
      tpu.vector_store %arg4[%swap3A_935], %swap3A_938 {strides = array<i32>} : memref<1024xi32, #tpu.memory_space<vmem>>, vector<16xi32>,
      %eq3A_939 = arith.constant 17 : i32
      %eq3A_940 = arith.cmpi eq, %and3A_228, %eq3A_939 : i32
      %jit3A_941 = arith.constant 0 : i32
      %jit3A_942 = arith.constant -1 : i32
      %select_n3A_943 = arith.select %eq3A_940, %jit3A_941, %jit3A_942 : i32
      %get3A_944 = arith.constant 272 : index
      %get3A_945 = tpu.vector_load %arg4[%get3A_944] {strides = array<i32>} : memref<1024xi32, #tpu.memory_space<vmem>>, vector<16xi32>,
      %get3A_946 = vector.shape_cast %get3A_945 : vector<16xi32> to vector<16xi32>
      %broadcast_in_dim3A_947 = vector.shape_cast %shift_right_arithmetic3A_190 : vector<16xi32> to vector<16x1xi32>
      %gather3A_948 = vector.shape_cast %broadcast_in_dim3A_947 : vector<16x1xi32> to vector<16xi32>
      %gather3A_949 = tpu.dynamic_gather %get3A_946[%gather3A_948] in [0] : vector<16xi32>, vector<16xi32> -> vector<16xi32>
      %broadcast_in_dim3A_950 = vector.shape_cast %shift_right_arithmetic3A_202 : vector<16xi32> to vector<16x1xi32>
      %gather3A_951 = vector.shape_cast %broadcast_in_dim3A_950 : vector<16x1xi32> to vector<16xi32>
      %gather3A_952 = tpu.dynamic_gather %get3A_946[%gather3A_951] in [0] : vector<16xi32>, vector<16xi32> -> vector<16xi32>
      %shift_right_arithmetic3A_953 = arith.shrsi %gather3A_949, %and3A_193 : vector<16xi32>
      %and3A_954 = arith.constant 1 : i32
      %and3A_955 = vector.broadcast %and3A_954 : i32 to vector<16xi32>
      %and3A_956 = arith.andi %shift_right_arithmetic3A_953, %and3A_955 : vector<16xi32>
      %shift_right_arithmetic3A_957 = arith.shrsi %gather3A_952, %and3A_205 : vector<16xi32>
      %and3A_958 = arith.constant 1 : i32
      %and3A_959 = vector.broadcast %and3A_958 : i32 to vector<16xi32>
      %and3A_960 = arith.andi %shift_right_arithmetic3A_957, %and3A_959 : vector<16xi32>
      %xor3A_961 = arith.xori %and3A_956, %and3A_960 : vector<16xi32>
      %sub3A_962 = arith.constant 0 : i32
      %sub3A_963 = vector.broadcast %sub3A_962 : i32 to vector<16xi32>
      %sub3A_964 = arith.subi %sub3A_963, %xor3A_961 : vector<16xi32>
      %and3A_965 = arith.andi %sub3A_964, %and3A_224 : vector<16xi32>
      %sub3A_966 = arith.constant 0 : i32
      %sub3A_967 = vector.broadcast %sub3A_966 : i32 to vector<16xi32>
      %sub3A_968 = arith.subi %sub3A_967, %and3A_956 : vector<16xi32>
      %and3A_969 = arith.andi %and3A_223, %sub3A_968 : vector<16xi32>
      %xor3A_970 = arith.xori %and3A_965, %and3A_969 : vector<16xi32>
      %and3A_971 = vector.broadcast %select_n3A_943 : i32 to vector<16xi32>
      %and3A_972 = arith.andi %xor3A_970, %and3A_971 : vector<16xi32>
      %xor3A_973 = arith.xori %get3A_946, %and3A_972 : vector<16xi32>
      %swap3A_974 = arith.constant 272 : index
      %swap3A_975 = tpu.vector_load %arg4[%swap3A_974] {strides = array<i32>} : memref<1024xi32, #tpu.memory_space<vmem>>, vector<16xi32>,
      %swap3A_976 = vector.shape_cast %swap3A_975 : vector<16xi32> to vector<16xi32>
      %swap3A_977 = vector.shape_cast %xor3A_973 : vector<16xi32> to vector<16xi32>
      tpu.vector_store %arg4[%swap3A_974], %swap3A_977 {strides = array<i32>} : memref<1024xi32, #tpu.memory_space<vmem>>, vector<16xi32>,
      %eq3A_978 = arith.constant 18 : i32
      %eq3A_979 = arith.cmpi eq, %and3A_228, %eq3A_978 : i32
      %jit3A_980 = arith.constant 0 : i32
      %jit3A_981 = arith.constant -1 : i32
      %select_n3A_982 = arith.select %eq3A_979, %jit3A_980, %jit3A_981 : i32
      %get3A_983 = arith.constant 288 : index
      %get3A_984 = tpu.vector_load %arg4[%get3A_983] {strides = array<i32>} : memref<1024xi32, #tpu.memory_space<vmem>>, vector<16xi32>,
      %get3A_985 = vector.shape_cast %get3A_984 : vector<16xi32> to vector<16xi32>
      %broadcast_in_dim3A_986 = vector.shape_cast %shift_right_arithmetic3A_190 : vector<16xi32> to vector<16x1xi32>
      %gather3A_987 = vector.shape_cast %broadcast_in_dim3A_986 : vector<16x1xi32> to vector<16xi32>
      %gather3A_988 = tpu.dynamic_gather %get3A_985[%gather3A_987] in [0] : vector<16xi32>, vector<16xi32> -> vector<16xi32>
      %broadcast_in_dim3A_989 = vector.shape_cast %shift_right_arithmetic3A_202 : vector<16xi32> to vector<16x1xi32>
      %gather3A_990 = vector.shape_cast %broadcast_in_dim3A_989 : vector<16x1xi32> to vector<16xi32>
      %gather3A_991 = tpu.dynamic_gather %get3A_985[%gather3A_990] in [0] : vector<16xi32>, vector<16xi32> -> vector<16xi32>
      %shift_right_arithmetic3A_992 = arith.shrsi %gather3A_988, %and3A_193 : vector<16xi32>
      %and3A_993 = arith.constant 1 : i32
      %and3A_994 = vector.broadcast %and3A_993 : i32 to vector<16xi32>
      %and3A_995 = arith.andi %shift_right_arithmetic3A_992, %and3A_994 : vector<16xi32>
      %shift_right_arithmetic3A_996 = arith.shrsi %gather3A_991, %and3A_205 : vector<16xi32>
      %and3A_997 = arith.constant 1 : i32
      %and3A_998 = vector.broadcast %and3A_997 : i32 to vector<16xi32>
      %and3A_999 = arith.andi %shift_right_arithmetic3A_996, %and3A_998 : vector<16xi32>
      %xor3A_1000 = arith.xori %and3A_995, %and3A_999 : vector<16xi32>
      %sub3A_1001 = arith.constant 0 : i32
      %sub3A_1002 = vector.broadcast %sub3A_1001 : i32 to vector<16xi32>
      %sub3A_1003 = arith.subi %sub3A_1002, %xor3A_1000 : vector<16xi32>
      %and3A_1004 = arith.andi %sub3A_1003, %and3A_224 : vector<16xi32>
      %sub3A_1005 = arith.constant 0 : i32
      %sub3A_1006 = vector.broadcast %sub3A_1005 : i32 to vector<16xi32>
      %sub3A_1007 = arith.subi %sub3A_1006, %and3A_995 : vector<16xi32>
      %and3A_1008 = arith.andi %and3A_223, %sub3A_1007 : vector<16xi32>
      %xor3A_1009 = arith.xori %and3A_1004, %and3A_1008 : vector<16xi32>
      %and3A_1010 = vector.broadcast %select_n3A_982 : i32 to vector<16xi32>
      %and3A_1011 = arith.andi %xor3A_1009, %and3A_1010 : vector<16xi32>
      %xor3A_1012 = arith.xori %get3A_985, %and3A_1011 : vector<16xi32>
      %swap3A_1013 = arith.constant 288 : index
      %swap3A_1014 = tpu.vector_load %arg4[%swap3A_1013] {strides = array<i32>} : memref<1024xi32, #tpu.memory_space<vmem>>, vector<16xi32>,
      %swap3A_1015 = vector.shape_cast %swap3A_1014 : vector<16xi32> to vector<16xi32>
      %swap3A_1016 = vector.shape_cast %xor3A_1012 : vector<16xi32> to vector<16xi32>
      tpu.vector_store %arg4[%swap3A_1013], %swap3A_1016 {strides = array<i32>} : memref<1024xi32, #tpu.memory_space<vmem>>, vector<16xi32>,
      %eq3A_1017 = arith.constant 19 : i32
      %eq3A_1018 = arith.cmpi eq, %and3A_228, %eq3A_1017 : i32
      %jit3A_1019 = arith.constant 0 : i32
      %jit3A_1020 = arith.constant -1 : i32
      %select_n3A_1021 = arith.select %eq3A_1018, %jit3A_1019, %jit3A_1020 : i32
      %get3A_1022 = arith.constant 304 : index
      %get3A_1023 = tpu.vector_load %arg4[%get3A_1022] {strides = array<i32>} : memref<1024xi32, #tpu.memory_space<vmem>>, vector<16xi32>,
      %get3A_1024 = vector.shape_cast %get3A_1023 : vector<16xi32> to vector<16xi32>
      %broadcast_in_dim3A_1025 = vector.shape_cast %shift_right_arithmetic3A_190 : vector<16xi32> to vector<16x1xi32>
      %gather3A_1026 = vector.shape_cast %broadcast_in_dim3A_1025 : vector<16x1xi32> to vector<16xi32>
      %gather3A_1027 = tpu.dynamic_gather %get3A_1024[%gather3A_1026] in [0] : vector<16xi32>, vector<16xi32> -> vector<16xi32>
      %broadcast_in_dim3A_1028 = vector.shape_cast %shift_right_arithmetic3A_202 : vector<16xi32> to vector<16x1xi32>
      %gather3A_1029 = vector.shape_cast %broadcast_in_dim3A_1028 : vector<16x1xi32> to vector<16xi32>
      %gather3A_1030 = tpu.dynamic_gather %get3A_1024[%gather3A_1029] in [0] : vector<16xi32>, vector<16xi32> -> vector<16xi32>
      %shift_right_arithmetic3A_1031 = arith.shrsi %gather3A_1027, %and3A_193 : vector<16xi32>
      %and3A_1032 = arith.constant 1 : i32
      %and3A_1033 = vector.broadcast %and3A_1032 : i32 to vector<16xi32>
      %and3A_1034 = arith.andi %shift_right_arithmetic3A_1031, %and3A_1033 : vector<16xi32>
      %shift_right_arithmetic3A_1035 = arith.shrsi %gather3A_1030, %and3A_205 : vector<16xi32>
      %and3A_1036 = arith.constant 1 : i32
      %and3A_1037 = vector.broadcast %and3A_1036 : i32 to vector<16xi32>
      %and3A_1038 = arith.andi %shift_right_arithmetic3A_1035, %and3A_1037 : vector<16xi32>
      %xor3A_1039 = arith.xori %and3A_1034, %and3A_1038 : vector<16xi32>
      %sub3A_1040 = arith.constant 0 : i32
      %sub3A_1041 = vector.broadcast %sub3A_1040 : i32 to vector<16xi32>
      %sub3A_1042 = arith.subi %sub3A_1041, %xor3A_1039 : vector<16xi32>
      %and3A_1043 = arith.andi %sub3A_1042, %and3A_224 : vector<16xi32>
      %sub3A_1044 = arith.constant 0 : i32
      %sub3A_1045 = vector.broadcast %sub3A_1044 : i32 to vector<16xi32>
      %sub3A_1046 = arith.subi %sub3A_1045, %and3A_1034 : vector<16xi32>
      %and3A_1047 = arith.andi %and3A_223, %sub3A_1046 : vector<16xi32>
      %xor3A_1048 = arith.xori %and3A_1043, %and3A_1047 : vector<16xi32>
      %and3A_1049 = vector.broadcast %select_n3A_1021 : i32 to vector<16xi32>
      %and3A_1050 = arith.andi %xor3A_1048, %and3A_1049 : vector<16xi32>
      %xor3A_1051 = arith.xori %get3A_1024, %and3A_1050 : vector<16xi32>
      %swap3A_1052 = arith.constant 304 : index
      %swap3A_1053 = tpu.vector_load %arg4[%swap3A_1052] {strides = array<i32>} : memref<1024xi32, #tpu.memory_space<vmem>>, vector<16xi32>,
      %swap3A_1054 = vector.shape_cast %swap3A_1053 : vector<16xi32> to vector<16xi32>
      %swap3A_1055 = vector.shape_cast %xor3A_1051 : vector<16xi32> to vector<16xi32>
      tpu.vector_store %arg4[%swap3A_1052], %swap3A_1055 {strides = array<i32>} : memref<1024xi32, #tpu.memory_space<vmem>>, vector<16xi32>,
      %eq3A_1056 = arith.constant 20 : i32
      %eq3A_1057 = arith.cmpi eq, %and3A_228, %eq3A_1056 : i32
      %jit3A_1058 = arith.constant 0 : i32
      %jit3A_1059 = arith.constant -1 : i32
      %select_n3A_1060 = arith.select %eq3A_1057, %jit3A_1058, %jit3A_1059 : i32
      %get3A_1061 = arith.constant 320 : index
      %get3A_1062 = tpu.vector_load %arg4[%get3A_1061] {strides = array<i32>} : memref<1024xi32, #tpu.memory_space<vmem>>, vector<16xi32>,
      %get3A_1063 = vector.shape_cast %get3A_1062 : vector<16xi32> to vector<16xi32>
      %broadcast_in_dim3A_1064 = vector.shape_cast %shift_right_arithmetic3A_190 : vector<16xi32> to vector<16x1xi32>
      %gather3A_1065 = vector.shape_cast %broadcast_in_dim3A_1064 : vector<16x1xi32> to vector<16xi32>
      %gather3A_1066 = tpu.dynamic_gather %get3A_1063[%gather3A_1065] in [0] : vector<16xi32>, vector<16xi32> -> vector<16xi32>
      %broadcast_in_dim3A_1067 = vector.shape_cast %shift_right_arithmetic3A_202 : vector<16xi32> to vector<16x1xi32>
      %gather3A_1068 = vector.shape_cast %broadcast_in_dim3A_1067 : vector<16x1xi32> to vector<16xi32>
      %gather3A_1069 = tpu.dynamic_gather %get3A_1063[%gather3A_1068] in [0] : vector<16xi32>, vector<16xi32> -> vector<16xi32>
      %shift_right_arithmetic3A_1070 = arith.shrsi %gather3A_1066, %and3A_193 : vector<16xi32>
      %and3A_1071 = arith.constant 1 : i32
      %and3A_1072 = vector.broadcast %and3A_1071 : i32 to vector<16xi32>
      %and3A_1073 = arith.andi %shift_right_arithmetic3A_1070, %and3A_1072 : vector<16xi32>
      %shift_right_arithmetic3A_1074 = arith.shrsi %gather3A_1069, %and3A_205 : vector<16xi32>
      %and3A_1075 = arith.constant 1 : i32
      %and3A_1076 = vector.broadcast %and3A_1075 : i32 to vector<16xi32>
      %and3A_1077 = arith.andi %shift_right_arithmetic3A_1074, %and3A_1076 : vector<16xi32>
      %xor3A_1078 = arith.xori %and3A_1073, %and3A_1077 : vector<16xi32>
      %sub3A_1079 = arith.constant 0 : i32
      %sub3A_1080 = vector.broadcast %sub3A_1079 : i32 to vector<16xi32>
      %sub3A_1081 = arith.subi %sub3A_1080, %xor3A_1078 : vector<16xi32>
      %and3A_1082 = arith.andi %sub3A_1081, %and3A_224 : vector<16xi32>
      %sub3A_1083 = arith.constant 0 : i32
      %sub3A_1084 = vector.broadcast %sub3A_1083 : i32 to vector<16xi32>
      %sub3A_1085 = arith.subi %sub3A_1084, %and3A_1073 : vector<16xi32>
      %and3A_1086 = arith.andi %and3A_223, %sub3A_1085 : vector<16xi32>
      %xor3A_1087 = arith.xori %and3A_1082, %and3A_1086 : vector<16xi32>
      %and3A_1088 = vector.broadcast %select_n3A_1060 : i32 to vector<16xi32>
      %and3A_1089 = arith.andi %xor3A_1087, %and3A_1088 : vector<16xi32>
      %xor3A_1090 = arith.xori %get3A_1063, %and3A_1089 : vector<16xi32>
      %swap3A_1091 = arith.constant 320 : index
      %swap3A_1092 = tpu.vector_load %arg4[%swap3A_1091] {strides = array<i32>} : memref<1024xi32, #tpu.memory_space<vmem>>, vector<16xi32>,
      %swap3A_1093 = vector.shape_cast %swap3A_1092 : vector<16xi32> to vector<16xi32>
      %swap3A_1094 = vector.shape_cast %xor3A_1090 : vector<16xi32> to vector<16xi32>
      tpu.vector_store %arg4[%swap3A_1091], %swap3A_1094 {strides = array<i32>} : memref<1024xi32, #tpu.memory_space<vmem>>, vector<16xi32>,
      %eq3A_1095 = arith.constant 21 : i32
      %eq3A_1096 = arith.cmpi eq, %and3A_228, %eq3A_1095 : i32
      %jit3A_1097 = arith.constant 0 : i32
      %jit3A_1098 = arith.constant -1 : i32
      %select_n3A_1099 = arith.select %eq3A_1096, %jit3A_1097, %jit3A_1098 : i32
      %get3A_1100 = arith.constant 336 : index
      %get3A_1101 = tpu.vector_load %arg4[%get3A_1100] {strides = array<i32>} : memref<1024xi32, #tpu.memory_space<vmem>>, vector<16xi32>,
      %get3A_1102 = vector.shape_cast %get3A_1101 : vector<16xi32> to vector<16xi32>
      %broadcast_in_dim3A_1103 = vector.shape_cast %shift_right_arithmetic3A_190 : vector<16xi32> to vector<16x1xi32>
      %gather3A_1104 = vector.shape_cast %broadcast_in_dim3A_1103 : vector<16x1xi32> to vector<16xi32>
      %gather3A_1105 = tpu.dynamic_gather %get3A_1102[%gather3A_1104] in [0] : vector<16xi32>, vector<16xi32> -> vector<16xi32>
      %broadcast_in_dim3A_1106 = vector.shape_cast %shift_right_arithmetic3A_202 : vector<16xi32> to vector<16x1xi32>
      %gather3A_1107 = vector.shape_cast %broadcast_in_dim3A_1106 : vector<16x1xi32> to vector<16xi32>
      %gather3A_1108 = tpu.dynamic_gather %get3A_1102[%gather3A_1107] in [0] : vector<16xi32>, vector<16xi32> -> vector<16xi32>
      %shift_right_arithmetic3A_1109 = arith.shrsi %gather3A_1105, %and3A_193 : vector<16xi32>
      %and3A_1110 = arith.constant 1 : i32
      %and3A_1111 = vector.broadcast %and3A_1110 : i32 to vector<16xi32>
      %and3A_1112 = arith.andi %shift_right_arithmetic3A_1109, %and3A_1111 : vector<16xi32>
      %shift_right_arithmetic3A_1113 = arith.shrsi %gather3A_1108, %and3A_205 : vector<16xi32>
      %and3A_1114 = arith.constant 1 : i32
      %and3A_1115 = vector.broadcast %and3A_1114 : i32 to vector<16xi32>
      %and3A_1116 = arith.andi %shift_right_arithmetic3A_1113, %and3A_1115 : vector<16xi32>
      %xor3A_1117 = arith.xori %and3A_1112, %and3A_1116 : vector<16xi32>
      %sub3A_1118 = arith.constant 0 : i32
      %sub3A_1119 = vector.broadcast %sub3A_1118 : i32 to vector<16xi32>
      %sub3A_1120 = arith.subi %sub3A_1119, %xor3A_1117 : vector<16xi32>
      %and3A_1121 = arith.andi %sub3A_1120, %and3A_224 : vector<16xi32>
      %sub3A_1122 = arith.constant 0 : i32
      %sub3A_1123 = vector.broadcast %sub3A_1122 : i32 to vector<16xi32>
      %sub3A_1124 = arith.subi %sub3A_1123, %and3A_1112 : vector<16xi32>
      %and3A_1125 = arith.andi %and3A_223, %sub3A_1124 : vector<16xi32>
      %xor3A_1126 = arith.xori %and3A_1121, %and3A_1125 : vector<16xi32>
      %and3A_1127 = vector.broadcast %select_n3A_1099 : i32 to vector<16xi32>
      %and3A_1128 = arith.andi %xor3A_1126, %and3A_1127 : vector<16xi32>
      %xor3A_1129 = arith.xori %get3A_1102, %and3A_1128 : vector<16xi32>
      %swap3A_1130 = arith.constant 336 : index
      %swap3A_1131 = tpu.vector_load %arg4[%swap3A_1130] {strides = array<i32>} : memref<1024xi32, #tpu.memory_space<vmem>>, vector<16xi32>,
      %swap3A_1132 = vector.shape_cast %swap3A_1131 : vector<16xi32> to vector<16xi32>
      %swap3A_1133 = vector.shape_cast %xor3A_1129 : vector<16xi32> to vector<16xi32>
      tpu.vector_store %arg4[%swap3A_1130], %swap3A_1133 {strides = array<i32>} : memref<1024xi32, #tpu.memory_space<vmem>>, vector<16xi32>,
      %eq3A_1134 = arith.constant 22 : i32
      %eq3A_1135 = arith.cmpi eq, %and3A_228, %eq3A_1134 : i32
      %jit3A_1136 = arith.constant 0 : i32
      %jit3A_1137 = arith.constant -1 : i32
      %select_n3A_1138 = arith.select %eq3A_1135, %jit3A_1136, %jit3A_1137 : i32
      %get3A_1139 = arith.constant 352 : index
      %get3A_1140 = tpu.vector_load %arg4[%get3A_1139] {strides = array<i32>} : memref<1024xi32, #tpu.memory_space<vmem>>, vector<16xi32>,
      %get3A_1141 = vector.shape_cast %get3A_1140 : vector<16xi32> to vector<16xi32>
      %broadcast_in_dim3A_1142 = vector.shape_cast %shift_right_arithmetic3A_190 : vector<16xi32> to vector<16x1xi32>
      %gather3A_1143 = vector.shape_cast %broadcast_in_dim3A_1142 : vector<16x1xi32> to vector<16xi32>
      %gather3A_1144 = tpu.dynamic_gather %get3A_1141[%gather3A_1143] in [0] : vector<16xi32>, vector<16xi32> -> vector<16xi32>
      %broadcast_in_dim3A_1145 = vector.shape_cast %shift_right_arithmetic3A_202 : vector<16xi32> to vector<16x1xi32>
      %gather3A_1146 = vector.shape_cast %broadcast_in_dim3A_1145 : vector<16x1xi32> to vector<16xi32>
      %gather3A_1147 = tpu.dynamic_gather %get3A_1141[%gather3A_1146] in [0] : vector<16xi32>, vector<16xi32> -> vector<16xi32>
      %shift_right_arithmetic3A_1148 = arith.shrsi %gather3A_1144, %and3A_193 : vector<16xi32>
      %and3A_1149 = arith.constant 1 : i32
      %and3A_1150 = vector.broadcast %and3A_1149 : i32 to vector<16xi32>
      %and3A_1151 = arith.andi %shift_right_arithmetic3A_1148, %and3A_1150 : vector<16xi32>
      %shift_right_arithmetic3A_1152 = arith.shrsi %gather3A_1147, %and3A_205 : vector<16xi32>
      %and3A_1153 = arith.constant 1 : i32
      %and3A_1154 = vector.broadcast %and3A_1153 : i32 to vector<16xi32>
      %and3A_1155 = arith.andi %shift_right_arithmetic3A_1152, %and3A_1154 : vector<16xi32>
      %xor3A_1156 = arith.xori %and3A_1151, %and3A_1155 : vector<16xi32>
      %sub3A_1157 = arith.constant 0 : i32
      %sub3A_1158 = vector.broadcast %sub3A_1157 : i32 to vector<16xi32>
      %sub3A_1159 = arith.subi %sub3A_1158, %xor3A_1156 : vector<16xi32>
      %and3A_1160 = arith.andi %sub3A_1159, %and3A_224 : vector<16xi32>
      %sub3A_1161 = arith.constant 0 : i32
      %sub3A_1162 = vector.broadcast %sub3A_1161 : i32 to vector<16xi32>
      %sub3A_1163 = arith.subi %sub3A_1162, %and3A_1151 : vector<16xi32>
      %and3A_1164 = arith.andi %and3A_223, %sub3A_1163 : vector<16xi32>
      %xor3A_1165 = arith.xori %and3A_1160, %and3A_1164 : vector<16xi32>
      %and3A_1166 = vector.broadcast %select_n3A_1138 : i32 to vector<16xi32>
      %and3A_1167 = arith.andi %xor3A_1165, %and3A_1166 : vector<16xi32>
      %xor3A_1168 = arith.xori %get3A_1141, %and3A_1167 : vector<16xi32>
      %swap3A_1169 = arith.constant 352 : index
      %swap3A_1170 = tpu.vector_load %arg4[%swap3A_1169] {strides = array<i32>} : memref<1024xi32, #tpu.memory_space<vmem>>, vector<16xi32>,
      %swap3A_1171 = vector.shape_cast %swap3A_1170 : vector<16xi32> to vector<16xi32>
      %swap3A_1172 = vector.shape_cast %xor3A_1168 : vector<16xi32> to vector<16xi32>
      tpu.vector_store %arg4[%swap3A_1169], %swap3A_1172 {strides = array<i32>} : memref<1024xi32, #tpu.memory_space<vmem>>, vector<16xi32>,
      %eq3A_1173 = arith.constant 23 : i32
      %eq3A_1174 = arith.cmpi eq, %and3A_228, %eq3A_1173 : i32
      %jit3A_1175 = arith.constant 0 : i32
      %jit3A_1176 = arith.constant -1 : i32
      %select_n3A_1177 = arith.select %eq3A_1174, %jit3A_1175, %jit3A_1176 : i32
      %get3A_1178 = arith.constant 368 : index
      %get3A_1179 = tpu.vector_load %arg4[%get3A_1178] {strides = array<i32>} : memref<1024xi32, #tpu.memory_space<vmem>>, vector<16xi32>,
      %get3A_1180 = vector.shape_cast %get3A_1179 : vector<16xi32> to vector<16xi32>
      %broadcast_in_dim3A_1181 = vector.shape_cast %shift_right_arithmetic3A_190 : vector<16xi32> to vector<16x1xi32>
      %gather3A_1182 = vector.shape_cast %broadcast_in_dim3A_1181 : vector<16x1xi32> to vector<16xi32>
      %gather3A_1183 = tpu.dynamic_gather %get3A_1180[%gather3A_1182] in [0] : vector<16xi32>, vector<16xi32> -> vector<16xi32>
      %broadcast_in_dim3A_1184 = vector.shape_cast %shift_right_arithmetic3A_202 : vector<16xi32> to vector<16x1xi32>
      %gather3A_1185 = vector.shape_cast %broadcast_in_dim3A_1184 : vector<16x1xi32> to vector<16xi32>
      %gather3A_1186 = tpu.dynamic_gather %get3A_1180[%gather3A_1185] in [0] : vector<16xi32>, vector<16xi32> -> vector<16xi32>
      %shift_right_arithmetic3A_1187 = arith.shrsi %gather3A_1183, %and3A_193 : vector<16xi32>
      %and3A_1188 = arith.constant 1 : i32
      %and3A_1189 = vector.broadcast %and3A_1188 : i32 to vector<16xi32>
      %and3A_1190 = arith.andi %shift_right_arithmetic3A_1187, %and3A_1189 : vector<16xi32>
      %shift_right_arithmetic3A_1191 = arith.shrsi %gather3A_1186, %and3A_205 : vector<16xi32>
      %and3A_1192 = arith.constant 1 : i32
      %and3A_1193 = vector.broadcast %and3A_1192 : i32 to vector<16xi32>
      %and3A_1194 = arith.andi %shift_right_arithmetic3A_1191, %and3A_1193 : vector<16xi32>
      %xor3A_1195 = arith.xori %and3A_1190, %and3A_1194 : vector<16xi32>
      %sub3A_1196 = arith.constant 0 : i32
      %sub3A_1197 = vector.broadcast %sub3A_1196 : i32 to vector<16xi32>
      %sub3A_1198 = arith.subi %sub3A_1197, %xor3A_1195 : vector<16xi32>
      %and3A_1199 = arith.andi %sub3A_1198, %and3A_224 : vector<16xi32>
      %sub3A_1200 = arith.constant 0 : i32
      %sub3A_1201 = vector.broadcast %sub3A_1200 : i32 to vector<16xi32>
      %sub3A_1202 = arith.subi %sub3A_1201, %and3A_1190 : vector<16xi32>
      %and3A_1203 = arith.andi %and3A_223, %sub3A_1202 : vector<16xi32>
      %xor3A_1204 = arith.xori %and3A_1199, %and3A_1203 : vector<16xi32>
      %and3A_1205 = vector.broadcast %select_n3A_1177 : i32 to vector<16xi32>
      %and3A_1206 = arith.andi %xor3A_1204, %and3A_1205 : vector<16xi32>
      %xor3A_1207 = arith.xori %get3A_1180, %and3A_1206 : vector<16xi32>
      %swap3A_1208 = arith.constant 368 : index
      %swap3A_1209 = tpu.vector_load %arg4[%swap3A_1208] {strides = array<i32>} : memref<1024xi32, #tpu.memory_space<vmem>>, vector<16xi32>,
      %swap3A_1210 = vector.shape_cast %swap3A_1209 : vector<16xi32> to vector<16xi32>
      %swap3A_1211 = vector.shape_cast %xor3A_1207 : vector<16xi32> to vector<16xi32>
      tpu.vector_store %arg4[%swap3A_1208], %swap3A_1211 {strides = array<i32>} : memref<1024xi32, #tpu.memory_space<vmem>>, vector<16xi32>,
      %eq3A_1212 = arith.constant 24 : i32
      %eq3A_1213 = arith.cmpi eq, %and3A_228, %eq3A_1212 : i32
      %jit3A_1214 = arith.constant 0 : i32
      %jit3A_1215 = arith.constant -1 : i32
      %select_n3A_1216 = arith.select %eq3A_1213, %jit3A_1214, %jit3A_1215 : i32
      %get3A_1217 = arith.constant 384 : index
      %get3A_1218 = tpu.vector_load %arg4[%get3A_1217] {strides = array<i32>} : memref<1024xi32, #tpu.memory_space<vmem>>, vector<16xi32>,
      %get3A_1219 = vector.shape_cast %get3A_1218 : vector<16xi32> to vector<16xi32>
      %broadcast_in_dim3A_1220 = vector.shape_cast %shift_right_arithmetic3A_190 : vector<16xi32> to vector<16x1xi32>
      %gather3A_1221 = vector.shape_cast %broadcast_in_dim3A_1220 : vector<16x1xi32> to vector<16xi32>
      %gather3A_1222 = tpu.dynamic_gather %get3A_1219[%gather3A_1221] in [0] : vector<16xi32>, vector<16xi32> -> vector<16xi32>
      %broadcast_in_dim3A_1223 = vector.shape_cast %shift_right_arithmetic3A_202 : vector<16xi32> to vector<16x1xi32>
      %gather3A_1224 = vector.shape_cast %broadcast_in_dim3A_1223 : vector<16x1xi32> to vector<16xi32>
      %gather3A_1225 = tpu.dynamic_gather %get3A_1219[%gather3A_1224] in [0] : vector<16xi32>, vector<16xi32> -> vector<16xi32>
      %shift_right_arithmetic3A_1226 = arith.shrsi %gather3A_1222, %and3A_193 : vector<16xi32>
      %and3A_1227 = arith.constant 1 : i32
      %and3A_1228 = vector.broadcast %and3A_1227 : i32 to vector<16xi32>
      %and3A_1229 = arith.andi %shift_right_arithmetic3A_1226, %and3A_1228 : vector<16xi32>
      %shift_right_arithmetic3A_1230 = arith.shrsi %gather3A_1225, %and3A_205 : vector<16xi32>
      %and3A_1231 = arith.constant 1 : i32
      %and3A_1232 = vector.broadcast %and3A_1231 : i32 to vector<16xi32>
      %and3A_1233 = arith.andi %shift_right_arithmetic3A_1230, %and3A_1232 : vector<16xi32>
      %xor3A_1234 = arith.xori %and3A_1229, %and3A_1233 : vector<16xi32>
      %sub3A_1235 = arith.constant 0 : i32
      %sub3A_1236 = vector.broadcast %sub3A_1235 : i32 to vector<16xi32>
      %sub3A_1237 = arith.subi %sub3A_1236, %xor3A_1234 : vector<16xi32>
      %and3A_1238 = arith.andi %sub3A_1237, %and3A_224 : vector<16xi32>
      %sub3A_1239 = arith.constant 0 : i32
      %sub3A_1240 = vector.broadcast %sub3A_1239 : i32 to vector<16xi32>
      %sub3A_1241 = arith.subi %sub3A_1240, %and3A_1229 : vector<16xi32>
      %and3A_1242 = arith.andi %and3A_223, %sub3A_1241 : vector<16xi32>
      %xor3A_1243 = arith.xori %and3A_1238, %and3A_1242 : vector<16xi32>
      %and3A_1244 = vector.broadcast %select_n3A_1216 : i32 to vector<16xi32>
      %and3A_1245 = arith.andi %xor3A_1243, %and3A_1244 : vector<16xi32>
      %xor3A_1246 = arith.xori %get3A_1219, %and3A_1245 : vector<16xi32>
      %swap3A_1247 = arith.constant 384 : index
      %swap3A_1248 = tpu.vector_load %arg4[%swap3A_1247] {strides = array<i32>} : memref<1024xi32, #tpu.memory_space<vmem>>, vector<16xi32>,
      %swap3A_1249 = vector.shape_cast %swap3A_1248 : vector<16xi32> to vector<16xi32>
      %swap3A_1250 = vector.shape_cast %xor3A_1246 : vector<16xi32> to vector<16xi32>
      tpu.vector_store %arg4[%swap3A_1247], %swap3A_1250 {strides = array<i32>} : memref<1024xi32, #tpu.memory_space<vmem>>, vector<16xi32>,
      %eq3A_1251 = arith.constant 25 : i32
      %eq3A_1252 = arith.cmpi eq, %and3A_228, %eq3A_1251 : i32
      %jit3A_1253 = arith.constant 0 : i32
      %jit3A_1254 = arith.constant -1 : i32
      %select_n3A_1255 = arith.select %eq3A_1252, %jit3A_1253, %jit3A_1254 : i32
      %get3A_1256 = arith.constant 400 : index
      %get3A_1257 = tpu.vector_load %arg4[%get3A_1256] {strides = array<i32>} : memref<1024xi32, #tpu.memory_space<vmem>>, vector<16xi32>,
      %get3A_1258 = vector.shape_cast %get3A_1257 : vector<16xi32> to vector<16xi32>
      %broadcast_in_dim3A_1259 = vector.shape_cast %shift_right_arithmetic3A_190 : vector<16xi32> to vector<16x1xi32>
      %gather3A_1260 = vector.shape_cast %broadcast_in_dim3A_1259 : vector<16x1xi32> to vector<16xi32>
      %gather3A_1261 = tpu.dynamic_gather %get3A_1258[%gather3A_1260] in [0] : vector<16xi32>, vector<16xi32> -> vector<16xi32>
      %broadcast_in_dim3A_1262 = vector.shape_cast %shift_right_arithmetic3A_202 : vector<16xi32> to vector<16x1xi32>
      %gather3A_1263 = vector.shape_cast %broadcast_in_dim3A_1262 : vector<16x1xi32> to vector<16xi32>
      %gather3A_1264 = tpu.dynamic_gather %get3A_1258[%gather3A_1263] in [0] : vector<16xi32>, vector<16xi32> -> vector<16xi32>
      %shift_right_arithmetic3A_1265 = arith.shrsi %gather3A_1261, %and3A_193 : vector<16xi32>
      %and3A_1266 = arith.constant 1 : i32
      %and3A_1267 = vector.broadcast %and3A_1266 : i32 to vector<16xi32>
      %and3A_1268 = arith.andi %shift_right_arithmetic3A_1265, %and3A_1267 : vector<16xi32>
      %shift_right_arithmetic3A_1269 = arith.shrsi %gather3A_1264, %and3A_205 : vector<16xi32>
      %and3A_1270 = arith.constant 1 : i32
      %and3A_1271 = vector.broadcast %and3A_1270 : i32 to vector<16xi32>
      %and3A_1272 = arith.andi %shift_right_arithmetic3A_1269, %and3A_1271 : vector<16xi32>
      %xor3A_1273 = arith.xori %and3A_1268, %and3A_1272 : vector<16xi32>
      %sub3A_1274 = arith.constant 0 : i32
      %sub3A_1275 = vector.broadcast %sub3A_1274 : i32 to vector<16xi32>
      %sub3A_1276 = arith.subi %sub3A_1275, %xor3A_1273 : vector<16xi32>
      %and3A_1277 = arith.andi %sub3A_1276, %and3A_224 : vector<16xi32>
      %sub3A_1278 = arith.constant 0 : i32
      %sub3A_1279 = vector.broadcast %sub3A_1278 : i32 to vector<16xi32>
      %sub3A_1280 = arith.subi %sub3A_1279, %and3A_1268 : vector<16xi32>
      %and3A_1281 = arith.andi %and3A_223, %sub3A_1280 : vector<16xi32>
      %xor3A_1282 = arith.xori %and3A_1277, %and3A_1281 : vector<16xi32>
      %and3A_1283 = vector.broadcast %select_n3A_1255 : i32 to vector<16xi32>
      %and3A_1284 = arith.andi %xor3A_1282, %and3A_1283 : vector<16xi32>
      %xor3A_1285 = arith.xori %get3A_1258, %and3A_1284 : vector<16xi32>
      %swap3A_1286 = arith.constant 400 : index
      %swap3A_1287 = tpu.vector_load %arg4[%swap3A_1286] {strides = array<i32>} : memref<1024xi32, #tpu.memory_space<vmem>>, vector<16xi32>,
      %swap3A_1288 = vector.shape_cast %swap3A_1287 : vector<16xi32> to vector<16xi32>
      %swap3A_1289 = vector.shape_cast %xor3A_1285 : vector<16xi32> to vector<16xi32>
      tpu.vector_store %arg4[%swap3A_1286], %swap3A_1289 {strides = array<i32>} : memref<1024xi32, #tpu.memory_space<vmem>>, vector<16xi32>,
      %eq3A_1290 = arith.constant 26 : i32
      %eq3A_1291 = arith.cmpi eq, %and3A_228, %eq3A_1290 : i32
      %jit3A_1292 = arith.constant 0 : i32
      %jit3A_1293 = arith.constant -1 : i32
      %select_n3A_1294 = arith.select %eq3A_1291, %jit3A_1292, %jit3A_1293 : i32
      %get3A_1295 = arith.constant 416 : index
      %get3A_1296 = tpu.vector_load %arg4[%get3A_1295] {strides = array<i32>} : memref<1024xi32, #tpu.memory_space<vmem>>, vector<16xi32>,
      %get3A_1297 = vector.shape_cast %get3A_1296 : vector<16xi32> to vector<16xi32>
      %broadcast_in_dim3A_1298 = vector.shape_cast %shift_right_arithmetic3A_190 : vector<16xi32> to vector<16x1xi32>
      %gather3A_1299 = vector.shape_cast %broadcast_in_dim3A_1298 : vector<16x1xi32> to vector<16xi32>
      %gather3A_1300 = tpu.dynamic_gather %get3A_1297[%gather3A_1299] in [0] : vector<16xi32>, vector<16xi32> -> vector<16xi32>
      %broadcast_in_dim3A_1301 = vector.shape_cast %shift_right_arithmetic3A_202 : vector<16xi32> to vector<16x1xi32>
      %gather3A_1302 = vector.shape_cast %broadcast_in_dim3A_1301 : vector<16x1xi32> to vector<16xi32>
      %gather3A_1303 = tpu.dynamic_gather %get3A_1297[%gather3A_1302] in [0] : vector<16xi32>, vector<16xi32> -> vector<16xi32>
      %shift_right_arithmetic3A_1304 = arith.shrsi %gather3A_1300, %and3A_193 : vector<16xi32>
      %and3A_1305 = arith.constant 1 : i32
      %and3A_1306 = vector.broadcast %and3A_1305 : i32 to vector<16xi32>
      %and3A_1307 = arith.andi %shift_right_arithmetic3A_1304, %and3A_1306 : vector<16xi32>
      %shift_right_arithmetic3A_1308 = arith.shrsi %gather3A_1303, %and3A_205 : vector<16xi32>
      %and3A_1309 = arith.constant 1 : i32
      %and3A_1310 = vector.broadcast %and3A_1309 : i32 to vector<16xi32>
      %and3A_1311 = arith.andi %shift_right_arithmetic3A_1308, %and3A_1310 : vector<16xi32>
      %xor3A_1312 = arith.xori %and3A_1307, %and3A_1311 : vector<16xi32>
      %sub3A_1313 = arith.constant 0 : i32
      %sub3A_1314 = vector.broadcast %sub3A_1313 : i32 to vector<16xi32>
      %sub3A_1315 = arith.subi %sub3A_1314, %xor3A_1312 : vector<16xi32>
      %and3A_1316 = arith.andi %sub3A_1315, %and3A_224 : vector<16xi32>
      %sub3A_1317 = arith.constant 0 : i32
      %sub3A_1318 = vector.broadcast %sub3A_1317 : i32 to vector<16xi32>
      %sub3A_1319 = arith.subi %sub3A_1318, %and3A_1307 : vector<16xi32>
      %and3A_1320 = arith.andi %and3A_223, %sub3A_1319 : vector<16xi32>
      %xor3A_1321 = arith.xori %and3A_1316, %and3A_1320 : vector<16xi32>
      %and3A_1322 = vector.broadcast %select_n3A_1294 : i32 to vector<16xi32>
      %and3A_1323 = arith.andi %xor3A_1321, %and3A_1322 : vector<16xi32>
      %xor3A_1324 = arith.xori %get3A_1297, %and3A_1323 : vector<16xi32>
      %swap3A_1325 = arith.constant 416 : index
      %swap3A_1326 = tpu.vector_load %arg4[%swap3A_1325] {strides = array<i32>} : memref<1024xi32, #tpu.memory_space<vmem>>, vector<16xi32>,
      %swap3A_1327 = vector.shape_cast %swap3A_1326 : vector<16xi32> to vector<16xi32>
      %swap3A_1328 = vector.shape_cast %xor3A_1324 : vector<16xi32> to vector<16xi32>
      tpu.vector_store %arg4[%swap3A_1325], %swap3A_1328 {strides = array<i32>} : memref<1024xi32, #tpu.memory_space<vmem>>, vector<16xi32>,
      %eq3A_1329 = arith.constant 27 : i32
      %eq3A_1330 = arith.cmpi eq, %and3A_228, %eq3A_1329 : i32
      %jit3A_1331 = arith.constant 0 : i32
      %jit3A_1332 = arith.constant -1 : i32
      %select_n3A_1333 = arith.select %eq3A_1330, %jit3A_1331, %jit3A_1332 : i32
      %get3A_1334 = arith.constant 432 : index
      %get3A_1335 = tpu.vector_load %arg4[%get3A_1334] {strides = array<i32>} : memref<1024xi32, #tpu.memory_space<vmem>>, vector<16xi32>,
      %get3A_1336 = vector.shape_cast %get3A_1335 : vector<16xi32> to vector<16xi32>
      %broadcast_in_dim3A_1337 = vector.shape_cast %shift_right_arithmetic3A_190 : vector<16xi32> to vector<16x1xi32>
      %gather3A_1338 = vector.shape_cast %broadcast_in_dim3A_1337 : vector<16x1xi32> to vector<16xi32>
      %gather3A_1339 = tpu.dynamic_gather %get3A_1336[%gather3A_1338] in [0] : vector<16xi32>, vector<16xi32> -> vector<16xi32>
      %broadcast_in_dim3A_1340 = vector.shape_cast %shift_right_arithmetic3A_202 : vector<16xi32> to vector<16x1xi32>
      %gather3A_1341 = vector.shape_cast %broadcast_in_dim3A_1340 : vector<16x1xi32> to vector<16xi32>
      %gather3A_1342 = tpu.dynamic_gather %get3A_1336[%gather3A_1341] in [0] : vector<16xi32>, vector<16xi32> -> vector<16xi32>
      %shift_right_arithmetic3A_1343 = arith.shrsi %gather3A_1339, %and3A_193 : vector<16xi32>
      %and3A_1344 = arith.constant 1 : i32
      %and3A_1345 = vector.broadcast %and3A_1344 : i32 to vector<16xi32>
      %and3A_1346 = arith.andi %shift_right_arithmetic3A_1343, %and3A_1345 : vector<16xi32>
      %shift_right_arithmetic3A_1347 = arith.shrsi %gather3A_1342, %and3A_205 : vector<16xi32>
      %and3A_1348 = arith.constant 1 : i32
      %and3A_1349 = vector.broadcast %and3A_1348 : i32 to vector<16xi32>
      %and3A_1350 = arith.andi %shift_right_arithmetic3A_1347, %and3A_1349 : vector<16xi32>
      %xor3A_1351 = arith.xori %and3A_1346, %and3A_1350 : vector<16xi32>
      %sub3A_1352 = arith.constant 0 : i32
      %sub3A_1353 = vector.broadcast %sub3A_1352 : i32 to vector<16xi32>
      %sub3A_1354 = arith.subi %sub3A_1353, %xor3A_1351 : vector<16xi32>
      %and3A_1355 = arith.andi %sub3A_1354, %and3A_224 : vector<16xi32>
      %sub3A_1356 = arith.constant 0 : i32
      %sub3A_1357 = vector.broadcast %sub3A_1356 : i32 to vector<16xi32>
      %sub3A_1358 = arith.subi %sub3A_1357, %and3A_1346 : vector<16xi32>
      %and3A_1359 = arith.andi %and3A_223, %sub3A_1358 : vector<16xi32>
      %xor3A_1360 = arith.xori %and3A_1355, %and3A_1359 : vector<16xi32>
      %and3A_1361 = vector.broadcast %select_n3A_1333 : i32 to vector<16xi32>
      %and3A_1362 = arith.andi %xor3A_1360, %and3A_1361 : vector<16xi32>
      %xor3A_1363 = arith.xori %get3A_1336, %and3A_1362 : vector<16xi32>
      %swap3A_1364 = arith.constant 432 : index
      %swap3A_1365 = tpu.vector_load %arg4[%swap3A_1364] {strides = array<i32>} : memref<1024xi32, #tpu.memory_space<vmem>>, vector<16xi32>,
      %swap3A_1366 = vector.shape_cast %swap3A_1365 : vector<16xi32> to vector<16xi32>
      %swap3A_1367 = vector.shape_cast %xor3A_1363 : vector<16xi32> to vector<16xi32>
      tpu.vector_store %arg4[%swap3A_1364], %swap3A_1367 {strides = array<i32>} : memref<1024xi32, #tpu.memory_space<vmem>>, vector<16xi32>,
      %eq3A_1368 = arith.constant 28 : i32
      %eq3A_1369 = arith.cmpi eq, %and3A_228, %eq3A_1368 : i32
      %jit3A_1370 = arith.constant 0 : i32
      %jit3A_1371 = arith.constant -1 : i32
      %select_n3A_1372 = arith.select %eq3A_1369, %jit3A_1370, %jit3A_1371 : i32
      %get3A_1373 = arith.constant 448 : index
      %get3A_1374 = tpu.vector_load %arg4[%get3A_1373] {strides = array<i32>} : memref<1024xi32, #tpu.memory_space<vmem>>, vector<16xi32>,
      %get3A_1375 = vector.shape_cast %get3A_1374 : vector<16xi32> to vector<16xi32>
      %broadcast_in_dim3A_1376 = vector.shape_cast %shift_right_arithmetic3A_190 : vector<16xi32> to vector<16x1xi32>
      %gather3A_1377 = vector.shape_cast %broadcast_in_dim3A_1376 : vector<16x1xi32> to vector<16xi32>
      %gather3A_1378 = tpu.dynamic_gather %get3A_1375[%gather3A_1377] in [0] : vector<16xi32>, vector<16xi32> -> vector<16xi32>
      %broadcast_in_dim3A_1379 = vector.shape_cast %shift_right_arithmetic3A_202 : vector<16xi32> to vector<16x1xi32>
      %gather3A_1380 = vector.shape_cast %broadcast_in_dim3A_1379 : vector<16x1xi32> to vector<16xi32>
      %gather3A_1381 = tpu.dynamic_gather %get3A_1375[%gather3A_1380] in [0] : vector<16xi32>, vector<16xi32> -> vector<16xi32>
      %shift_right_arithmetic3A_1382 = arith.shrsi %gather3A_1378, %and3A_193 : vector<16xi32>
      %and3A_1383 = arith.constant 1 : i32
      %and3A_1384 = vector.broadcast %and3A_1383 : i32 to vector<16xi32>
      %and3A_1385 = arith.andi %shift_right_arithmetic3A_1382, %and3A_1384 : vector<16xi32>
      %shift_right_arithmetic3A_1386 = arith.shrsi %gather3A_1381, %and3A_205 : vector<16xi32>
      %and3A_1387 = arith.constant 1 : i32
      %and3A_1388 = vector.broadcast %and3A_1387 : i32 to vector<16xi32>
      %and3A_1389 = arith.andi %shift_right_arithmetic3A_1386, %and3A_1388 : vector<16xi32>
      %xor3A_1390 = arith.xori %and3A_1385, %and3A_1389 : vector<16xi32>
      %sub3A_1391 = arith.constant 0 : i32
      %sub3A_1392 = vector.broadcast %sub3A_1391 : i32 to vector<16xi32>
      %sub3A_1393 = arith.subi %sub3A_1392, %xor3A_1390 : vector<16xi32>
      %and3A_1394 = arith.andi %sub3A_1393, %and3A_224 : vector<16xi32>
      %sub3A_1395 = arith.constant 0 : i32
      %sub3A_1396 = vector.broadcast %sub3A_1395 : i32 to vector<16xi32>
      %sub3A_1397 = arith.subi %sub3A_1396, %and3A_1385 : vector<16xi32>
      %and3A_1398 = arith.andi %and3A_223, %sub3A_1397 : vector<16xi32>
      %xor3A_1399 = arith.xori %and3A_1394, %and3A_1398 : vector<16xi32>
      %and3A_1400 = vector.broadcast %select_n3A_1372 : i32 to vector<16xi32>
      %and3A_1401 = arith.andi %xor3A_1399, %and3A_1400 : vector<16xi32>
      %xor3A_1402 = arith.xori %get3A_1375, %and3A_1401 : vector<16xi32>
      %swap3A_1403 = arith.constant 448 : index
      %swap3A_1404 = tpu.vector_load %arg4[%swap3A_1403] {strides = array<i32>} : memref<1024xi32, #tpu.memory_space<vmem>>, vector<16xi32>,
      %swap3A_1405 = vector.shape_cast %swap3A_1404 : vector<16xi32> to vector<16xi32>
      %swap3A_1406 = vector.shape_cast %xor3A_1402 : vector<16xi32> to vector<16xi32>
      tpu.vector_store %arg4[%swap3A_1403], %swap3A_1406 {strides = array<i32>} : memref<1024xi32, #tpu.memory_space<vmem>>, vector<16xi32>,
      %eq3A_1407 = arith.constant 29 : i32
      %eq3A_1408 = arith.cmpi eq, %and3A_228, %eq3A_1407 : i32
      %jit3A_1409 = arith.constant 0 : i32
      %jit3A_1410 = arith.constant -1 : i32
      %select_n3A_1411 = arith.select %eq3A_1408, %jit3A_1409, %jit3A_1410 : i32
      %get3A_1412 = arith.constant 464 : index
      %get3A_1413 = tpu.vector_load %arg4[%get3A_1412] {strides = array<i32>} : memref<1024xi32, #tpu.memory_space<vmem>>, vector<16xi32>,
      %get3A_1414 = vector.shape_cast %get3A_1413 : vector<16xi32> to vector<16xi32>
      %broadcast_in_dim3A_1415 = vector.shape_cast %shift_right_arithmetic3A_190 : vector<16xi32> to vector<16x1xi32>
      %gather3A_1416 = vector.shape_cast %broadcast_in_dim3A_1415 : vector<16x1xi32> to vector<16xi32>
      %gather3A_1417 = tpu.dynamic_gather %get3A_1414[%gather3A_1416] in [0] : vector<16xi32>, vector<16xi32> -> vector<16xi32>
      %broadcast_in_dim3A_1418 = vector.shape_cast %shift_right_arithmetic3A_202 : vector<16xi32> to vector<16x1xi32>
      %gather3A_1419 = vector.shape_cast %broadcast_in_dim3A_1418 : vector<16x1xi32> to vector<16xi32>
      %gather3A_1420 = tpu.dynamic_gather %get3A_1414[%gather3A_1419] in [0] : vector<16xi32>, vector<16xi32> -> vector<16xi32>
      %shift_right_arithmetic3A_1421 = arith.shrsi %gather3A_1417, %and3A_193 : vector<16xi32>
      %and3A_1422 = arith.constant 1 : i32
      %and3A_1423 = vector.broadcast %and3A_1422 : i32 to vector<16xi32>
      %and3A_1424 = arith.andi %shift_right_arithmetic3A_1421, %and3A_1423 : vector<16xi32>
      %shift_right_arithmetic3A_1425 = arith.shrsi %gather3A_1420, %and3A_205 : vector<16xi32>
      %and3A_1426 = arith.constant 1 : i32
      %and3A_1427 = vector.broadcast %and3A_1426 : i32 to vector<16xi32>
      %and3A_1428 = arith.andi %shift_right_arithmetic3A_1425, %and3A_1427 : vector<16xi32>
      %xor3A_1429 = arith.xori %and3A_1424, %and3A_1428 : vector<16xi32>
      %sub3A_1430 = arith.constant 0 : i32
      %sub3A_1431 = vector.broadcast %sub3A_1430 : i32 to vector<16xi32>
      %sub3A_1432 = arith.subi %sub3A_1431, %xor3A_1429 : vector<16xi32>
      %and3A_1433 = arith.andi %sub3A_1432, %and3A_224 : vector<16xi32>
      %sub3A_1434 = arith.constant 0 : i32
      %sub3A_1435 = vector.broadcast %sub3A_1434 : i32 to vector<16xi32>
      %sub3A_1436 = arith.subi %sub3A_1435, %and3A_1424 : vector<16xi32>
      %and3A_1437 = arith.andi %and3A_223, %sub3A_1436 : vector<16xi32>
      %xor3A_1438 = arith.xori %and3A_1433, %and3A_1437 : vector<16xi32>
      %and3A_1439 = vector.broadcast %select_n3A_1411 : i32 to vector<16xi32>
      %and3A_1440 = arith.andi %xor3A_1438, %and3A_1439 : vector<16xi32>
      %xor3A_1441 = arith.xori %get3A_1414, %and3A_1440 : vector<16xi32>
      %swap3A_1442 = arith.constant 464 : index
      %swap3A_1443 = tpu.vector_load %arg4[%swap3A_1442] {strides = array<i32>} : memref<1024xi32, #tpu.memory_space<vmem>>, vector<16xi32>,
      %swap3A_1444 = vector.shape_cast %swap3A_1443 : vector<16xi32> to vector<16xi32>
      %swap3A_1445 = vector.shape_cast %xor3A_1441 : vector<16xi32> to vector<16xi32>
      tpu.vector_store %arg4[%swap3A_1442], %swap3A_1445 {strides = array<i32>} : memref<1024xi32, #tpu.memory_space<vmem>>, vector<16xi32>,
      %eq3A_1446 = arith.constant 30 : i32
      %eq3A_1447 = arith.cmpi eq, %and3A_228, %eq3A_1446 : i32
      %jit3A_1448 = arith.constant 0 : i32
      %jit3A_1449 = arith.constant -1 : i32
      %select_n3A_1450 = arith.select %eq3A_1447, %jit3A_1448, %jit3A_1449 : i32
      %get3A_1451 = arith.constant 480 : index
      %get3A_1452 = tpu.vector_load %arg4[%get3A_1451] {strides = array<i32>} : memref<1024xi32, #tpu.memory_space<vmem>>, vector<16xi32>,
      %get3A_1453 = vector.shape_cast %get3A_1452 : vector<16xi32> to vector<16xi32>
      %broadcast_in_dim3A_1454 = vector.shape_cast %shift_right_arithmetic3A_190 : vector<16xi32> to vector<16x1xi32>
      %gather3A_1455 = vector.shape_cast %broadcast_in_dim3A_1454 : vector<16x1xi32> to vector<16xi32>
      %gather3A_1456 = tpu.dynamic_gather %get3A_1453[%gather3A_1455] in [0] : vector<16xi32>, vector<16xi32> -> vector<16xi32>
      %broadcast_in_dim3A_1457 = vector.shape_cast %shift_right_arithmetic3A_202 : vector<16xi32> to vector<16x1xi32>
      %gather3A_1458 = vector.shape_cast %broadcast_in_dim3A_1457 : vector<16x1xi32> to vector<16xi32>
      %gather3A_1459 = tpu.dynamic_gather %get3A_1453[%gather3A_1458] in [0] : vector<16xi32>, vector<16xi32> -> vector<16xi32>
      %shift_right_arithmetic3A_1460 = arith.shrsi %gather3A_1456, %and3A_193 : vector<16xi32>
      %and3A_1461 = arith.constant 1 : i32
      %and3A_1462 = vector.broadcast %and3A_1461 : i32 to vector<16xi32>
      %and3A_1463 = arith.andi %shift_right_arithmetic3A_1460, %and3A_1462 : vector<16xi32>
      %shift_right_arithmetic3A_1464 = arith.shrsi %gather3A_1459, %and3A_205 : vector<16xi32>
      %and3A_1465 = arith.constant 1 : i32
      %and3A_1466 = vector.broadcast %and3A_1465 : i32 to vector<16xi32>
      %and3A_1467 = arith.andi %shift_right_arithmetic3A_1464, %and3A_1466 : vector<16xi32>
      %xor3A_1468 = arith.xori %and3A_1463, %and3A_1467 : vector<16xi32>
      %sub3A_1469 = arith.constant 0 : i32
      %sub3A_1470 = vector.broadcast %sub3A_1469 : i32 to vector<16xi32>
      %sub3A_1471 = arith.subi %sub3A_1470, %xor3A_1468 : vector<16xi32>
      %and3A_1472 = arith.andi %sub3A_1471, %and3A_224 : vector<16xi32>
      %sub3A_1473 = arith.constant 0 : i32
      %sub3A_1474 = vector.broadcast %sub3A_1473 : i32 to vector<16xi32>
      %sub3A_1475 = arith.subi %sub3A_1474, %and3A_1463 : vector<16xi32>
      %and3A_1476 = arith.andi %and3A_223, %sub3A_1475 : vector<16xi32>
      %xor3A_1477 = arith.xori %and3A_1472, %and3A_1476 : vector<16xi32>
      %and3A_1478 = vector.broadcast %select_n3A_1450 : i32 to vector<16xi32>
      %and3A_1479 = arith.andi %xor3A_1477, %and3A_1478 : vector<16xi32>
      %xor3A_1480 = arith.xori %get3A_1453, %and3A_1479 : vector<16xi32>
      %swap3A_1481 = arith.constant 480 : index
      %swap3A_1482 = tpu.vector_load %arg4[%swap3A_1481] {strides = array<i32>} : memref<1024xi32, #tpu.memory_space<vmem>>, vector<16xi32>,
      %swap3A_1483 = vector.shape_cast %swap3A_1482 : vector<16xi32> to vector<16xi32>
      %swap3A_1484 = vector.shape_cast %xor3A_1480 : vector<16xi32> to vector<16xi32>
      tpu.vector_store %arg4[%swap3A_1481], %swap3A_1484 {strides = array<i32>} : memref<1024xi32, #tpu.memory_space<vmem>>, vector<16xi32>,
      %eq3A_1485 = arith.constant 31 : i32
      %eq3A_1486 = arith.cmpi eq, %and3A_228, %eq3A_1485 : i32
      %jit3A_1487 = arith.constant 0 : i32
      %jit3A_1488 = arith.constant -1 : i32
      %select_n3A_1489 = arith.select %eq3A_1486, %jit3A_1487, %jit3A_1488 : i32
      %get3A_1490 = arith.constant 496 : index
      %get3A_1491 = tpu.vector_load %arg4[%get3A_1490] {strides = array<i32>} : memref<1024xi32, #tpu.memory_space<vmem>>, vector<16xi32>,
      %get3A_1492 = vector.shape_cast %get3A_1491 : vector<16xi32> to vector<16xi32>
      %broadcast_in_dim3A_1493 = vector.shape_cast %shift_right_arithmetic3A_190 : vector<16xi32> to vector<16x1xi32>
      %gather3A_1494 = vector.shape_cast %broadcast_in_dim3A_1493 : vector<16x1xi32> to vector<16xi32>
      %gather3A_1495 = tpu.dynamic_gather %get3A_1492[%gather3A_1494] in [0] : vector<16xi32>, vector<16xi32> -> vector<16xi32>
      %broadcast_in_dim3A_1496 = vector.shape_cast %shift_right_arithmetic3A_202 : vector<16xi32> to vector<16x1xi32>
      %gather3A_1497 = vector.shape_cast %broadcast_in_dim3A_1496 : vector<16x1xi32> to vector<16xi32>
      %gather3A_1498 = tpu.dynamic_gather %get3A_1492[%gather3A_1497] in [0] : vector<16xi32>, vector<16xi32> -> vector<16xi32>
      %shift_right_arithmetic3A_1499 = arith.shrsi %gather3A_1495, %and3A_193 : vector<16xi32>
      %and3A_1500 = arith.constant 1 : i32
      %and3A_1501 = vector.broadcast %and3A_1500 : i32 to vector<16xi32>
      %and3A_1502 = arith.andi %shift_right_arithmetic3A_1499, %and3A_1501 : vector<16xi32>
      %shift_right_arithmetic3A_1503 = arith.shrsi %gather3A_1498, %and3A_205 : vector<16xi32>
      %and3A_1504 = arith.constant 1 : i32
      %and3A_1505 = vector.broadcast %and3A_1504 : i32 to vector<16xi32>
      %and3A_1506 = arith.andi %shift_right_arithmetic3A_1503, %and3A_1505 : vector<16xi32>
      %xor3A_1507 = arith.xori %and3A_1502, %and3A_1506 : vector<16xi32>
      %sub3A_1508 = arith.constant 0 : i32
      %sub3A_1509 = vector.broadcast %sub3A_1508 : i32 to vector<16xi32>
      %sub3A_1510 = arith.subi %sub3A_1509, %xor3A_1507 : vector<16xi32>
      %and3A_1511 = arith.andi %sub3A_1510, %and3A_224 : vector<16xi32>
      %sub3A_1512 = arith.constant 0 : i32
      %sub3A_1513 = vector.broadcast %sub3A_1512 : i32 to vector<16xi32>
      %sub3A_1514 = arith.subi %sub3A_1513, %and3A_1502 : vector<16xi32>
      %and3A_1515 = arith.andi %and3A_223, %sub3A_1514 : vector<16xi32>
      %xor3A_1516 = arith.xori %and3A_1511, %and3A_1515 : vector<16xi32>
      %and3A_1517 = vector.broadcast %select_n3A_1489 : i32 to vector<16xi32>
      %and3A_1518 = arith.andi %xor3A_1516, %and3A_1517 : vector<16xi32>
      %xor3A_1519 = arith.xori %get3A_1492, %and3A_1518 : vector<16xi32>
      %swap3A_1520 = arith.constant 496 : index
      %swap3A_1521 = tpu.vector_load %arg4[%swap3A_1520] {strides = array<i32>} : memref<1024xi32, #tpu.memory_space<vmem>>, vector<16xi32>,
      %swap3A_1522 = vector.shape_cast %swap3A_1521 : vector<16xi32> to vector<16xi32>
      %swap3A_1523 = vector.shape_cast %xor3A_1519 : vector<16xi32> to vector<16xi32>
      tpu.vector_store %arg4[%swap3A_1520], %swap3A_1523 {strides = array<i32>} : memref<1024xi32, #tpu.memory_space<vmem>>, vector<16xi32>,
      %eq3A_1524 = arith.constant 32 : i32
      %eq3A_1525 = arith.cmpi eq, %and3A_228, %eq3A_1524 : i32
      %jit3A_1526 = arith.constant 0 : i32
      %jit3A_1527 = arith.constant -1 : i32
      %select_n3A_1528 = arith.select %eq3A_1525, %jit3A_1526, %jit3A_1527 : i32
      %get3A_1529 = arith.constant 512 : index
      %get3A_1530 = tpu.vector_load %arg4[%get3A_1529] {strides = array<i32>} : memref<1024xi32, #tpu.memory_space<vmem>>, vector<16xi32>,
      %get3A_1531 = vector.shape_cast %get3A_1530 : vector<16xi32> to vector<16xi32>
      %broadcast_in_dim3A_1532 = vector.shape_cast %shift_right_arithmetic3A_190 : vector<16xi32> to vector<16x1xi32>
      %gather3A_1533 = vector.shape_cast %broadcast_in_dim3A_1532 : vector<16x1xi32> to vector<16xi32>
      %gather3A_1534 = tpu.dynamic_gather %get3A_1531[%gather3A_1533] in [0] : vector<16xi32>, vector<16xi32> -> vector<16xi32>
      %broadcast_in_dim3A_1535 = vector.shape_cast %shift_right_arithmetic3A_202 : vector<16xi32> to vector<16x1xi32>
      %gather3A_1536 = vector.shape_cast %broadcast_in_dim3A_1535 : vector<16x1xi32> to vector<16xi32>
      %gather3A_1537 = tpu.dynamic_gather %get3A_1531[%gather3A_1536] in [0] : vector<16xi32>, vector<16xi32> -> vector<16xi32>
      %shift_right_arithmetic3A_1538 = arith.shrsi %gather3A_1534, %and3A_193 : vector<16xi32>
      %and3A_1539 = arith.constant 1 : i32
      %and3A_1540 = vector.broadcast %and3A_1539 : i32 to vector<16xi32>
      %and3A_1541 = arith.andi %shift_right_arithmetic3A_1538, %and3A_1540 : vector<16xi32>
      %shift_right_arithmetic3A_1542 = arith.shrsi %gather3A_1537, %and3A_205 : vector<16xi32>
      %and3A_1543 = arith.constant 1 : i32
      %and3A_1544 = vector.broadcast %and3A_1543 : i32 to vector<16xi32>
      %and3A_1545 = arith.andi %shift_right_arithmetic3A_1542, %and3A_1544 : vector<16xi32>
      %xor3A_1546 = arith.xori %and3A_1541, %and3A_1545 : vector<16xi32>
      %sub3A_1547 = arith.constant 0 : i32
      %sub3A_1548 = vector.broadcast %sub3A_1547 : i32 to vector<16xi32>
      %sub3A_1549 = arith.subi %sub3A_1548, %xor3A_1546 : vector<16xi32>
      %and3A_1550 = arith.andi %sub3A_1549, %and3A_224 : vector<16xi32>
      %sub3A_1551 = arith.constant 0 : i32
      %sub3A_1552 = vector.broadcast %sub3A_1551 : i32 to vector<16xi32>
      %sub3A_1553 = arith.subi %sub3A_1552, %and3A_1541 : vector<16xi32>
      %and3A_1554 = arith.andi %and3A_223, %sub3A_1553 : vector<16xi32>
      %xor3A_1555 = arith.xori %and3A_1550, %and3A_1554 : vector<16xi32>
      %and3A_1556 = vector.broadcast %select_n3A_1528 : i32 to vector<16xi32>
      %and3A_1557 = arith.andi %xor3A_1555, %and3A_1556 : vector<16xi32>
      %xor3A_1558 = arith.xori %get3A_1531, %and3A_1557 : vector<16xi32>
      %swap3A_1559 = arith.constant 512 : index
      %swap3A_1560 = tpu.vector_load %arg4[%swap3A_1559] {strides = array<i32>} : memref<1024xi32, #tpu.memory_space<vmem>>, vector<16xi32>,
      %swap3A_1561 = vector.shape_cast %swap3A_1560 : vector<16xi32> to vector<16xi32>
      %swap3A_1562 = vector.shape_cast %xor3A_1558 : vector<16xi32> to vector<16xi32>
      tpu.vector_store %arg4[%swap3A_1559], %swap3A_1562 {strides = array<i32>} : memref<1024xi32, #tpu.memory_space<vmem>>, vector<16xi32>,
      %eq3A_1563 = arith.constant 33 : i32
      %eq3A_1564 = arith.cmpi eq, %and3A_228, %eq3A_1563 : i32
      %jit3A_1565 = arith.constant 0 : i32
      %jit3A_1566 = arith.constant -1 : i32
      %select_n3A_1567 = arith.select %eq3A_1564, %jit3A_1565, %jit3A_1566 : i32
      %get3A_1568 = arith.constant 528 : index
      %get3A_1569 = tpu.vector_load %arg4[%get3A_1568] {strides = array<i32>} : memref<1024xi32, #tpu.memory_space<vmem>>, vector<16xi32>,
      %get3A_1570 = vector.shape_cast %get3A_1569 : vector<16xi32> to vector<16xi32>
      %broadcast_in_dim3A_1571 = vector.shape_cast %shift_right_arithmetic3A_190 : vector<16xi32> to vector<16x1xi32>
      %gather3A_1572 = vector.shape_cast %broadcast_in_dim3A_1571 : vector<16x1xi32> to vector<16xi32>
      %gather3A_1573 = tpu.dynamic_gather %get3A_1570[%gather3A_1572] in [0] : vector<16xi32>, vector<16xi32> -> vector<16xi32>
      %broadcast_in_dim3A_1574 = vector.shape_cast %shift_right_arithmetic3A_202 : vector<16xi32> to vector<16x1xi32>
      %gather3A_1575 = vector.shape_cast %broadcast_in_dim3A_1574 : vector<16x1xi32> to vector<16xi32>
      %gather3A_1576 = tpu.dynamic_gather %get3A_1570[%gather3A_1575] in [0] : vector<16xi32>, vector<16xi32> -> vector<16xi32>
      %shift_right_arithmetic3A_1577 = arith.shrsi %gather3A_1573, %and3A_193 : vector<16xi32>
      %and3A_1578 = arith.constant 1 : i32
      %and3A_1579 = vector.broadcast %and3A_1578 : i32 to vector<16xi32>
      %and3A_1580 = arith.andi %shift_right_arithmetic3A_1577, %and3A_1579 : vector<16xi32>
      %shift_right_arithmetic3A_1581 = arith.shrsi %gather3A_1576, %and3A_205 : vector<16xi32>
      %and3A_1582 = arith.constant 1 : i32
      %and3A_1583 = vector.broadcast %and3A_1582 : i32 to vector<16xi32>
      %and3A_1584 = arith.andi %shift_right_arithmetic3A_1581, %and3A_1583 : vector<16xi32>
      %xor3A_1585 = arith.xori %and3A_1580, %and3A_1584 : vector<16xi32>
      %sub3A_1586 = arith.constant 0 : i32
      %sub3A_1587 = vector.broadcast %sub3A_1586 : i32 to vector<16xi32>
      %sub3A_1588 = arith.subi %sub3A_1587, %xor3A_1585 : vector<16xi32>
      %and3A_1589 = arith.andi %sub3A_1588, %and3A_224 : vector<16xi32>
      %sub3A_1590 = arith.constant 0 : i32
      %sub3A_1591 = vector.broadcast %sub3A_1590 : i32 to vector<16xi32>
      %sub3A_1592 = arith.subi %sub3A_1591, %and3A_1580 : vector<16xi32>
      %and3A_1593 = arith.andi %and3A_223, %sub3A_1592 : vector<16xi32>
      %xor3A_1594 = arith.xori %and3A_1589, %and3A_1593 : vector<16xi32>
      %and3A_1595 = vector.broadcast %select_n3A_1567 : i32 to vector<16xi32>
      %and3A_1596 = arith.andi %xor3A_1594, %and3A_1595 : vector<16xi32>
      %xor3A_1597 = arith.xori %get3A_1570, %and3A_1596 : vector<16xi32>
      %swap3A_1598 = arith.constant 528 : index
      %swap3A_1599 = tpu.vector_load %arg4[%swap3A_1598] {strides = array<i32>} : memref<1024xi32, #tpu.memory_space<vmem>>, vector<16xi32>,
      %swap3A_1600 = vector.shape_cast %swap3A_1599 : vector<16xi32> to vector<16xi32>
      %swap3A_1601 = vector.shape_cast %xor3A_1597 : vector<16xi32> to vector<16xi32>
      tpu.vector_store %arg4[%swap3A_1598], %swap3A_1601 {strides = array<i32>} : memref<1024xi32, #tpu.memory_space<vmem>>, vector<16xi32>,
      %eq3A_1602 = arith.constant 34 : i32
      %eq3A_1603 = arith.cmpi eq, %and3A_228, %eq3A_1602 : i32
      %jit3A_1604 = arith.constant 0 : i32
      %jit3A_1605 = arith.constant -1 : i32
      %select_n3A_1606 = arith.select %eq3A_1603, %jit3A_1604, %jit3A_1605 : i32
      %get3A_1607 = arith.constant 544 : index
      %get3A_1608 = tpu.vector_load %arg4[%get3A_1607] {strides = array<i32>} : memref<1024xi32, #tpu.memory_space<vmem>>, vector<16xi32>,
      %get3A_1609 = vector.shape_cast %get3A_1608 : vector<16xi32> to vector<16xi32>
      %broadcast_in_dim3A_1610 = vector.shape_cast %shift_right_arithmetic3A_190 : vector<16xi32> to vector<16x1xi32>
      %gather3A_1611 = vector.shape_cast %broadcast_in_dim3A_1610 : vector<16x1xi32> to vector<16xi32>
      %gather3A_1612 = tpu.dynamic_gather %get3A_1609[%gather3A_1611] in [0] : vector<16xi32>, vector<16xi32> -> vector<16xi32>
      %broadcast_in_dim3A_1613 = vector.shape_cast %shift_right_arithmetic3A_202 : vector<16xi32> to vector<16x1xi32>
      %gather3A_1614 = vector.shape_cast %broadcast_in_dim3A_1613 : vector<16x1xi32> to vector<16xi32>
      %gather3A_1615 = tpu.dynamic_gather %get3A_1609[%gather3A_1614] in [0] : vector<16xi32>, vector<16xi32> -> vector<16xi32>
      %shift_right_arithmetic3A_1616 = arith.shrsi %gather3A_1612, %and3A_193 : vector<16xi32>
      %and3A_1617 = arith.constant 1 : i32
      %and3A_1618 = vector.broadcast %and3A_1617 : i32 to vector<16xi32>
      %and3A_1619 = arith.andi %shift_right_arithmetic3A_1616, %and3A_1618 : vector<16xi32>
      %shift_right_arithmetic3A_1620 = arith.shrsi %gather3A_1615, %and3A_205 : vector<16xi32>
      %and3A_1621 = arith.constant 1 : i32
      %and3A_1622 = vector.broadcast %and3A_1621 : i32 to vector<16xi32>
      %and3A_1623 = arith.andi %shift_right_arithmetic3A_1620, %and3A_1622 : vector<16xi32>
      %xor3A_1624 = arith.xori %and3A_1619, %and3A_1623 : vector<16xi32>
      %sub3A_1625 = arith.constant 0 : i32
      %sub3A_1626 = vector.broadcast %sub3A_1625 : i32 to vector<16xi32>
      %sub3A_1627 = arith.subi %sub3A_1626, %xor3A_1624 : vector<16xi32>
      %and3A_1628 = arith.andi %sub3A_1627, %and3A_224 : vector<16xi32>
      %sub3A_1629 = arith.constant 0 : i32
      %sub3A_1630 = vector.broadcast %sub3A_1629 : i32 to vector<16xi32>
      %sub3A_1631 = arith.subi %sub3A_1630, %and3A_1619 : vector<16xi32>
      %and3A_1632 = arith.andi %and3A_223, %sub3A_1631 : vector<16xi32>
      %xor3A_1633 = arith.xori %and3A_1628, %and3A_1632 : vector<16xi32>
      %and3A_1634 = vector.broadcast %select_n3A_1606 : i32 to vector<16xi32>
      %and3A_1635 = arith.andi %xor3A_1633, %and3A_1634 : vector<16xi32>
      %xor3A_1636 = arith.xori %get3A_1609, %and3A_1635 : vector<16xi32>
      %swap3A_1637 = arith.constant 544 : index
      %swap3A_1638 = tpu.vector_load %arg4[%swap3A_1637] {strides = array<i32>} : memref<1024xi32, #tpu.memory_space<vmem>>, vector<16xi32>,
      %swap3A_1639 = vector.shape_cast %swap3A_1638 : vector<16xi32> to vector<16xi32>
      %swap3A_1640 = vector.shape_cast %xor3A_1636 : vector<16xi32> to vector<16xi32>
      tpu.vector_store %arg4[%swap3A_1637], %swap3A_1640 {strides = array<i32>} : memref<1024xi32, #tpu.memory_space<vmem>>, vector<16xi32>,
      %eq3A_1641 = arith.constant 35 : i32
      %eq3A_1642 = arith.cmpi eq, %and3A_228, %eq3A_1641 : i32
      %jit3A_1643 = arith.constant 0 : i32
      %jit3A_1644 = arith.constant -1 : i32
      %select_n3A_1645 = arith.select %eq3A_1642, %jit3A_1643, %jit3A_1644 : i32
      %get3A_1646 = arith.constant 560 : index
      %get3A_1647 = tpu.vector_load %arg4[%get3A_1646] {strides = array<i32>} : memref<1024xi32, #tpu.memory_space<vmem>>, vector<16xi32>,
      %get3A_1648 = vector.shape_cast %get3A_1647 : vector<16xi32> to vector<16xi32>
      %broadcast_in_dim3A_1649 = vector.shape_cast %shift_right_arithmetic3A_190 : vector<16xi32> to vector<16x1xi32>
      %gather3A_1650 = vector.shape_cast %broadcast_in_dim3A_1649 : vector<16x1xi32> to vector<16xi32>
      %gather3A_1651 = tpu.dynamic_gather %get3A_1648[%gather3A_1650] in [0] : vector<16xi32>, vector<16xi32> -> vector<16xi32>
      %broadcast_in_dim3A_1652 = vector.shape_cast %shift_right_arithmetic3A_202 : vector<16xi32> to vector<16x1xi32>
      %gather3A_1653 = vector.shape_cast %broadcast_in_dim3A_1652 : vector<16x1xi32> to vector<16xi32>
      %gather3A_1654 = tpu.dynamic_gather %get3A_1648[%gather3A_1653] in [0] : vector<16xi32>, vector<16xi32> -> vector<16xi32>
      %shift_right_arithmetic3A_1655 = arith.shrsi %gather3A_1651, %and3A_193 : vector<16xi32>
      %and3A_1656 = arith.constant 1 : i32
      %and3A_1657 = vector.broadcast %and3A_1656 : i32 to vector<16xi32>
      %and3A_1658 = arith.andi %shift_right_arithmetic3A_1655, %and3A_1657 : vector<16xi32>
      %shift_right_arithmetic3A_1659 = arith.shrsi %gather3A_1654, %and3A_205 : vector<16xi32>
      %and3A_1660 = arith.constant 1 : i32
      %and3A_1661 = vector.broadcast %and3A_1660 : i32 to vector<16xi32>
      %and3A_1662 = arith.andi %shift_right_arithmetic3A_1659, %and3A_1661 : vector<16xi32>
      %xor3A_1663 = arith.xori %and3A_1658, %and3A_1662 : vector<16xi32>
      %sub3A_1664 = arith.constant 0 : i32
      %sub3A_1665 = vector.broadcast %sub3A_1664 : i32 to vector<16xi32>
      %sub3A_1666 = arith.subi %sub3A_1665, %xor3A_1663 : vector<16xi32>
      %and3A_1667 = arith.andi %sub3A_1666, %and3A_224 : vector<16xi32>
      %sub3A_1668 = arith.constant 0 : i32
      %sub3A_1669 = vector.broadcast %sub3A_1668 : i32 to vector<16xi32>
      %sub3A_1670 = arith.subi %sub3A_1669, %and3A_1658 : vector<16xi32>
      %and3A_1671 = arith.andi %and3A_223, %sub3A_1670 : vector<16xi32>
      %xor3A_1672 = arith.xori %and3A_1667, %and3A_1671 : vector<16xi32>
      %and3A_1673 = vector.broadcast %select_n3A_1645 : i32 to vector<16xi32>
      %and3A_1674 = arith.andi %xor3A_1672, %and3A_1673 : vector<16xi32>
      %xor3A_1675 = arith.xori %get3A_1648, %and3A_1674 : vector<16xi32>
      %swap3A_1676 = arith.constant 560 : index
      %swap3A_1677 = tpu.vector_load %arg4[%swap3A_1676] {strides = array<i32>} : memref<1024xi32, #tpu.memory_space<vmem>>, vector<16xi32>,
      %swap3A_1678 = vector.shape_cast %swap3A_1677 : vector<16xi32> to vector<16xi32>
      %swap3A_1679 = vector.shape_cast %xor3A_1675 : vector<16xi32> to vector<16xi32>
      tpu.vector_store %arg4[%swap3A_1676], %swap3A_1679 {strides = array<i32>} : memref<1024xi32, #tpu.memory_space<vmem>>, vector<16xi32>,
      %eq3A_1680 = arith.constant 36 : i32
      %eq3A_1681 = arith.cmpi eq, %and3A_228, %eq3A_1680 : i32
      %jit3A_1682 = arith.constant 0 : i32
      %jit3A_1683 = arith.constant -1 : i32
      %select_n3A_1684 = arith.select %eq3A_1681, %jit3A_1682, %jit3A_1683 : i32
      %get3A_1685 = arith.constant 576 : index
      %get3A_1686 = tpu.vector_load %arg4[%get3A_1685] {strides = array<i32>} : memref<1024xi32, #tpu.memory_space<vmem>>, vector<16xi32>,
      %get3A_1687 = vector.shape_cast %get3A_1686 : vector<16xi32> to vector<16xi32>
      %broadcast_in_dim3A_1688 = vector.shape_cast %shift_right_arithmetic3A_190 : vector<16xi32> to vector<16x1xi32>
      %gather3A_1689 = vector.shape_cast %broadcast_in_dim3A_1688 : vector<16x1xi32> to vector<16xi32>
      %gather3A_1690 = tpu.dynamic_gather %get3A_1687[%gather3A_1689] in [0] : vector<16xi32>, vector<16xi32> -> vector<16xi32>
      %broadcast_in_dim3A_1691 = vector.shape_cast %shift_right_arithmetic3A_202 : vector<16xi32> to vector<16x1xi32>
      %gather3A_1692 = vector.shape_cast %broadcast_in_dim3A_1691 : vector<16x1xi32> to vector<16xi32>
      %gather3A_1693 = tpu.dynamic_gather %get3A_1687[%gather3A_1692] in [0] : vector<16xi32>, vector<16xi32> -> vector<16xi32>
      %shift_right_arithmetic3A_1694 = arith.shrsi %gather3A_1690, %and3A_193 : vector<16xi32>
      %and3A_1695 = arith.constant 1 : i32
      %and3A_1696 = vector.broadcast %and3A_1695 : i32 to vector<16xi32>
      %and3A_1697 = arith.andi %shift_right_arithmetic3A_1694, %and3A_1696 : vector<16xi32>
      %shift_right_arithmetic3A_1698 = arith.shrsi %gather3A_1693, %and3A_205 : vector<16xi32>
      %and3A_1699 = arith.constant 1 : i32
      %and3A_1700 = vector.broadcast %and3A_1699 : i32 to vector<16xi32>
      %and3A_1701 = arith.andi %shift_right_arithmetic3A_1698, %and3A_1700 : vector<16xi32>
      %xor3A_1702 = arith.xori %and3A_1697, %and3A_1701 : vector<16xi32>
      %sub3A_1703 = arith.constant 0 : i32
      %sub3A_1704 = vector.broadcast %sub3A_1703 : i32 to vector<16xi32>
      %sub3A_1705 = arith.subi %sub3A_1704, %xor3A_1702 : vector<16xi32>
      %and3A_1706 = arith.andi %sub3A_1705, %and3A_224 : vector<16xi32>
      %sub3A_1707 = arith.constant 0 : i32
      %sub3A_1708 = vector.broadcast %sub3A_1707 : i32 to vector<16xi32>
      %sub3A_1709 = arith.subi %sub3A_1708, %and3A_1697 : vector<16xi32>
      %and3A_1710 = arith.andi %and3A_223, %sub3A_1709 : vector<16xi32>
      %xor3A_1711 = arith.xori %and3A_1706, %and3A_1710 : vector<16xi32>
      %and3A_1712 = vector.broadcast %select_n3A_1684 : i32 to vector<16xi32>
      %and3A_1713 = arith.andi %xor3A_1711, %and3A_1712 : vector<16xi32>
      %xor3A_1714 = arith.xori %get3A_1687, %and3A_1713 : vector<16xi32>
      %swap3A_1715 = arith.constant 576 : index
      %swap3A_1716 = tpu.vector_load %arg4[%swap3A_1715] {strides = array<i32>} : memref<1024xi32, #tpu.memory_space<vmem>>, vector<16xi32>,
      %swap3A_1717 = vector.shape_cast %swap3A_1716 : vector<16xi32> to vector<16xi32>
      %swap3A_1718 = vector.shape_cast %xor3A_1714 : vector<16xi32> to vector<16xi32>
      tpu.vector_store %arg4[%swap3A_1715], %swap3A_1718 {strides = array<i32>} : memref<1024xi32, #tpu.memory_space<vmem>>, vector<16xi32>,
      %eq3A_1719 = arith.constant 37 : i32
      %eq3A_1720 = arith.cmpi eq, %and3A_228, %eq3A_1719 : i32
      %jit3A_1721 = arith.constant 0 : i32
      %jit3A_1722 = arith.constant -1 : i32
      %select_n3A_1723 = arith.select %eq3A_1720, %jit3A_1721, %jit3A_1722 : i32
      %get3A_1724 = arith.constant 592 : index
      %get3A_1725 = tpu.vector_load %arg4[%get3A_1724] {strides = array<i32>} : memref<1024xi32, #tpu.memory_space<vmem>>, vector<16xi32>,
      %get3A_1726 = vector.shape_cast %get3A_1725 : vector<16xi32> to vector<16xi32>
      %broadcast_in_dim3A_1727 = vector.shape_cast %shift_right_arithmetic3A_190 : vector<16xi32> to vector<16x1xi32>
      %gather3A_1728 = vector.shape_cast %broadcast_in_dim3A_1727 : vector<16x1xi32> to vector<16xi32>
      %gather3A_1729 = tpu.dynamic_gather %get3A_1726[%gather3A_1728] in [0] : vector<16xi32>, vector<16xi32> -> vector<16xi32>
      %broadcast_in_dim3A_1730 = vector.shape_cast %shift_right_arithmetic3A_202 : vector<16xi32> to vector<16x1xi32>
      %gather3A_1731 = vector.shape_cast %broadcast_in_dim3A_1730 : vector<16x1xi32> to vector<16xi32>
      %gather3A_1732 = tpu.dynamic_gather %get3A_1726[%gather3A_1731] in [0] : vector<16xi32>, vector<16xi32> -> vector<16xi32>
      %shift_right_arithmetic3A_1733 = arith.shrsi %gather3A_1729, %and3A_193 : vector<16xi32>
      %and3A_1734 = arith.constant 1 : i32
      %and3A_1735 = vector.broadcast %and3A_1734 : i32 to vector<16xi32>
      %and3A_1736 = arith.andi %shift_right_arithmetic3A_1733, %and3A_1735 : vector<16xi32>
      %shift_right_arithmetic3A_1737 = arith.shrsi %gather3A_1732, %and3A_205 : vector<16xi32>
      %and3A_1738 = arith.constant 1 : i32
      %and3A_1739 = vector.broadcast %and3A_1738 : i32 to vector<16xi32>
      %and3A_1740 = arith.andi %shift_right_arithmetic3A_1737, %and3A_1739 : vector<16xi32>
      %xor3A_1741 = arith.xori %and3A_1736, %and3A_1740 : vector<16xi32>
      %sub3A_1742 = arith.constant 0 : i32
      %sub3A_1743 = vector.broadcast %sub3A_1742 : i32 to vector<16xi32>
      %sub3A_1744 = arith.subi %sub3A_1743, %xor3A_1741 : vector<16xi32>
      %and3A_1745 = arith.andi %sub3A_1744, %and3A_224 : vector<16xi32>
      %sub3A_1746 = arith.constant 0 : i32
      %sub3A_1747 = vector.broadcast %sub3A_1746 : i32 to vector<16xi32>
      %sub3A_1748 = arith.subi %sub3A_1747, %and3A_1736 : vector<16xi32>
      %and3A_1749 = arith.andi %and3A_223, %sub3A_1748 : vector<16xi32>
      %xor3A_1750 = arith.xori %and3A_1745, %and3A_1749 : vector<16xi32>
      %and3A_1751 = vector.broadcast %select_n3A_1723 : i32 to vector<16xi32>
      %and3A_1752 = arith.andi %xor3A_1750, %and3A_1751 : vector<16xi32>
      %xor3A_1753 = arith.xori %get3A_1726, %and3A_1752 : vector<16xi32>
      %swap3A_1754 = arith.constant 592 : index
      %swap3A_1755 = tpu.vector_load %arg4[%swap3A_1754] {strides = array<i32>} : memref<1024xi32, #tpu.memory_space<vmem>>, vector<16xi32>,
      %swap3A_1756 = vector.shape_cast %swap3A_1755 : vector<16xi32> to vector<16xi32>
      %swap3A_1757 = vector.shape_cast %xor3A_1753 : vector<16xi32> to vector<16xi32>
      tpu.vector_store %arg4[%swap3A_1754], %swap3A_1757 {strides = array<i32>} : memref<1024xi32, #tpu.memory_space<vmem>>, vector<16xi32>,
      %eq3A_1758 = arith.constant 38 : i32
      %eq3A_1759 = arith.cmpi eq, %and3A_228, %eq3A_1758 : i32
      %jit3A_1760 = arith.constant 0 : i32
      %jit3A_1761 = arith.constant -1 : i32
      %select_n3A_1762 = arith.select %eq3A_1759, %jit3A_1760, %jit3A_1761 : i32
      %get3A_1763 = arith.constant 608 : index
      %get3A_1764 = tpu.vector_load %arg4[%get3A_1763] {strides = array<i32>} : memref<1024xi32, #tpu.memory_space<vmem>>, vector<16xi32>,
      %get3A_1765 = vector.shape_cast %get3A_1764 : vector<16xi32> to vector<16xi32>
      %broadcast_in_dim3A_1766 = vector.shape_cast %shift_right_arithmetic3A_190 : vector<16xi32> to vector<16x1xi32>
      %gather3A_1767 = vector.shape_cast %broadcast_in_dim3A_1766 : vector<16x1xi32> to vector<16xi32>
      %gather3A_1768 = tpu.dynamic_gather %get3A_1765[%gather3A_1767] in [0] : vector<16xi32>, vector<16xi32> -> vector<16xi32>
      %broadcast_in_dim3A_1769 = vector.shape_cast %shift_right_arithmetic3A_202 : vector<16xi32> to vector<16x1xi32>
      %gather3A_1770 = vector.shape_cast %broadcast_in_dim3A_1769 : vector<16x1xi32> to vector<16xi32>
      %gather3A_1771 = tpu.dynamic_gather %get3A_1765[%gather3A_1770] in [0] : vector<16xi32>, vector<16xi32> -> vector<16xi32>
      %shift_right_arithmetic3A_1772 = arith.shrsi %gather3A_1768, %and3A_193 : vector<16xi32>
      %and3A_1773 = arith.constant 1 : i32
      %and3A_1774 = vector.broadcast %and3A_1773 : i32 to vector<16xi32>
      %and3A_1775 = arith.andi %shift_right_arithmetic3A_1772, %and3A_1774 : vector<16xi32>
      %shift_right_arithmetic3A_1776 = arith.shrsi %gather3A_1771, %and3A_205 : vector<16xi32>
      %and3A_1777 = arith.constant 1 : i32
      %and3A_1778 = vector.broadcast %and3A_1777 : i32 to vector<16xi32>
      %and3A_1779 = arith.andi %shift_right_arithmetic3A_1776, %and3A_1778 : vector<16xi32>
      %xor3A_1780 = arith.xori %and3A_1775, %and3A_1779 : vector<16xi32>
      %sub3A_1781 = arith.constant 0 : i32
      %sub3A_1782 = vector.broadcast %sub3A_1781 : i32 to vector<16xi32>
      %sub3A_1783 = arith.subi %sub3A_1782, %xor3A_1780 : vector<16xi32>
      %and3A_1784 = arith.andi %sub3A_1783, %and3A_224 : vector<16xi32>
      %sub3A_1785 = arith.constant 0 : i32
      %sub3A_1786 = vector.broadcast %sub3A_1785 : i32 to vector<16xi32>
      %sub3A_1787 = arith.subi %sub3A_1786, %and3A_1775 : vector<16xi32>
      %and3A_1788 = arith.andi %and3A_223, %sub3A_1787 : vector<16xi32>
      %xor3A_1789 = arith.xori %and3A_1784, %and3A_1788 : vector<16xi32>
      %and3A_1790 = vector.broadcast %select_n3A_1762 : i32 to vector<16xi32>
      %and3A_1791 = arith.andi %xor3A_1789, %and3A_1790 : vector<16xi32>
      %xor3A_1792 = arith.xori %get3A_1765, %and3A_1791 : vector<16xi32>
      %swap3A_1793 = arith.constant 608 : index
      %swap3A_1794 = tpu.vector_load %arg4[%swap3A_1793] {strides = array<i32>} : memref<1024xi32, #tpu.memory_space<vmem>>, vector<16xi32>,
      %swap3A_1795 = vector.shape_cast %swap3A_1794 : vector<16xi32> to vector<16xi32>
      %swap3A_1796 = vector.shape_cast %xor3A_1792 : vector<16xi32> to vector<16xi32>
      tpu.vector_store %arg4[%swap3A_1793], %swap3A_1796 {strides = array<i32>} : memref<1024xi32, #tpu.memory_space<vmem>>, vector<16xi32>,
      %eq3A_1797 = arith.constant 39 : i32
      %eq3A_1798 = arith.cmpi eq, %and3A_228, %eq3A_1797 : i32
      %jit3A_1799 = arith.constant 0 : i32
      %jit3A_1800 = arith.constant -1 : i32
      %select_n3A_1801 = arith.select %eq3A_1798, %jit3A_1799, %jit3A_1800 : i32
      %get3A_1802 = arith.constant 624 : index
      %get3A_1803 = tpu.vector_load %arg4[%get3A_1802] {strides = array<i32>} : memref<1024xi32, #tpu.memory_space<vmem>>, vector<16xi32>,
      %get3A_1804 = vector.shape_cast %get3A_1803 : vector<16xi32> to vector<16xi32>
      %broadcast_in_dim3A_1805 = vector.shape_cast %shift_right_arithmetic3A_190 : vector<16xi32> to vector<16x1xi32>
      %gather3A_1806 = vector.shape_cast %broadcast_in_dim3A_1805 : vector<16x1xi32> to vector<16xi32>
      %gather3A_1807 = tpu.dynamic_gather %get3A_1804[%gather3A_1806] in [0] : vector<16xi32>, vector<16xi32> -> vector<16xi32>
      %broadcast_in_dim3A_1808 = vector.shape_cast %shift_right_arithmetic3A_202 : vector<16xi32> to vector<16x1xi32>
      %gather3A_1809 = vector.shape_cast %broadcast_in_dim3A_1808 : vector<16x1xi32> to vector<16xi32>
      %gather3A_1810 = tpu.dynamic_gather %get3A_1804[%gather3A_1809] in [0] : vector<16xi32>, vector<16xi32> -> vector<16xi32>
      %shift_right_arithmetic3A_1811 = arith.shrsi %gather3A_1807, %and3A_193 : vector<16xi32>
      %and3A_1812 = arith.constant 1 : i32
      %and3A_1813 = vector.broadcast %and3A_1812 : i32 to vector<16xi32>
      %and3A_1814 = arith.andi %shift_right_arithmetic3A_1811, %and3A_1813 : vector<16xi32>
      %shift_right_arithmetic3A_1815 = arith.shrsi %gather3A_1810, %and3A_205 : vector<16xi32>
      %and3A_1816 = arith.constant 1 : i32
      %and3A_1817 = vector.broadcast %and3A_1816 : i32 to vector<16xi32>
      %and3A_1818 = arith.andi %shift_right_arithmetic3A_1815, %and3A_1817 : vector<16xi32>
      %xor3A_1819 = arith.xori %and3A_1814, %and3A_1818 : vector<16xi32>
      %sub3A_1820 = arith.constant 0 : i32
      %sub3A_1821 = vector.broadcast %sub3A_1820 : i32 to vector<16xi32>
      %sub3A_1822 = arith.subi %sub3A_1821, %xor3A_1819 : vector<16xi32>
      %and3A_1823 = arith.andi %sub3A_1822, %and3A_224 : vector<16xi32>
      %sub3A_1824 = arith.constant 0 : i32
      %sub3A_1825 = vector.broadcast %sub3A_1824 : i32 to vector<16xi32>
      %sub3A_1826 = arith.subi %sub3A_1825, %and3A_1814 : vector<16xi32>
      %and3A_1827 = arith.andi %and3A_223, %sub3A_1826 : vector<16xi32>
      %xor3A_1828 = arith.xori %and3A_1823, %and3A_1827 : vector<16xi32>
      %and3A_1829 = vector.broadcast %select_n3A_1801 : i32 to vector<16xi32>
      %and3A_1830 = arith.andi %xor3A_1828, %and3A_1829 : vector<16xi32>
      %xor3A_1831 = arith.xori %get3A_1804, %and3A_1830 : vector<16xi32>
      %swap3A_1832 = arith.constant 624 : index
      %swap3A_1833 = tpu.vector_load %arg4[%swap3A_1832] {strides = array<i32>} : memref<1024xi32, #tpu.memory_space<vmem>>, vector<16xi32>,
      %swap3A_1834 = vector.shape_cast %swap3A_1833 : vector<16xi32> to vector<16xi32>
      %swap3A_1835 = vector.shape_cast %xor3A_1831 : vector<16xi32> to vector<16xi32>
      tpu.vector_store %arg4[%swap3A_1832], %swap3A_1835 {strides = array<i32>} : memref<1024xi32, #tpu.memory_space<vmem>>, vector<16xi32>,
      %eq3A_1836 = arith.constant 40 : i32
      %eq3A_1837 = arith.cmpi eq, %and3A_228, %eq3A_1836 : i32
      %jit3A_1838 = arith.constant 0 : i32
      %jit3A_1839 = arith.constant -1 : i32
      %select_n3A_1840 = arith.select %eq3A_1837, %jit3A_1838, %jit3A_1839 : i32
      %get3A_1841 = arith.constant 640 : index
      %get3A_1842 = tpu.vector_load %arg4[%get3A_1841] {strides = array<i32>} : memref<1024xi32, #tpu.memory_space<vmem>>, vector<16xi32>,
      %get3A_1843 = vector.shape_cast %get3A_1842 : vector<16xi32> to vector<16xi32>
      %broadcast_in_dim3A_1844 = vector.shape_cast %shift_right_arithmetic3A_190 : vector<16xi32> to vector<16x1xi32>
      %gather3A_1845 = vector.shape_cast %broadcast_in_dim3A_1844 : vector<16x1xi32> to vector<16xi32>
      %gather3A_1846 = tpu.dynamic_gather %get3A_1843[%gather3A_1845] in [0] : vector<16xi32>, vector<16xi32> -> vector<16xi32>
      %broadcast_in_dim3A_1847 = vector.shape_cast %shift_right_arithmetic3A_202 : vector<16xi32> to vector<16x1xi32>
      %gather3A_1848 = vector.shape_cast %broadcast_in_dim3A_1847 : vector<16x1xi32> to vector<16xi32>
      %gather3A_1849 = tpu.dynamic_gather %get3A_1843[%gather3A_1848] in [0] : vector<16xi32>, vector<16xi32> -> vector<16xi32>
      %shift_right_arithmetic3A_1850 = arith.shrsi %gather3A_1846, %and3A_193 : vector<16xi32>
      %and3A_1851 = arith.constant 1 : i32
      %and3A_1852 = vector.broadcast %and3A_1851 : i32 to vector<16xi32>
      %and3A_1853 = arith.andi %shift_right_arithmetic3A_1850, %and3A_1852 : vector<16xi32>
      %shift_right_arithmetic3A_1854 = arith.shrsi %gather3A_1849, %and3A_205 : vector<16xi32>
      %and3A_1855 = arith.constant 1 : i32
      %and3A_1856 = vector.broadcast %and3A_1855 : i32 to vector<16xi32>
      %and3A_1857 = arith.andi %shift_right_arithmetic3A_1854, %and3A_1856 : vector<16xi32>
      %xor3A_1858 = arith.xori %and3A_1853, %and3A_1857 : vector<16xi32>
      %sub3A_1859 = arith.constant 0 : i32
      %sub3A_1860 = vector.broadcast %sub3A_1859 : i32 to vector<16xi32>
      %sub3A_1861 = arith.subi %sub3A_1860, %xor3A_1858 : vector<16xi32>
      %and3A_1862 = arith.andi %sub3A_1861, %and3A_224 : vector<16xi32>
      %sub3A_1863 = arith.constant 0 : i32
      %sub3A_1864 = vector.broadcast %sub3A_1863 : i32 to vector<16xi32>
      %sub3A_1865 = arith.subi %sub3A_1864, %and3A_1853 : vector<16xi32>
      %and3A_1866 = arith.andi %and3A_223, %sub3A_1865 : vector<16xi32>
      %xor3A_1867 = arith.xori %and3A_1862, %and3A_1866 : vector<16xi32>
      %and3A_1868 = vector.broadcast %select_n3A_1840 : i32 to vector<16xi32>
      %and3A_1869 = arith.andi %xor3A_1867, %and3A_1868 : vector<16xi32>
      %xor3A_1870 = arith.xori %get3A_1843, %and3A_1869 : vector<16xi32>
      %swap3A_1871 = arith.constant 640 : index
      %swap3A_1872 = tpu.vector_load %arg4[%swap3A_1871] {strides = array<i32>} : memref<1024xi32, #tpu.memory_space<vmem>>, vector<16xi32>,
      %swap3A_1873 = vector.shape_cast %swap3A_1872 : vector<16xi32> to vector<16xi32>
      %swap3A_1874 = vector.shape_cast %xor3A_1870 : vector<16xi32> to vector<16xi32>
      tpu.vector_store %arg4[%swap3A_1871], %swap3A_1874 {strides = array<i32>} : memref<1024xi32, #tpu.memory_space<vmem>>, vector<16xi32>,
      %eq3A_1875 = arith.constant 41 : i32
      %eq3A_1876 = arith.cmpi eq, %and3A_228, %eq3A_1875 : i32
      %jit3A_1877 = arith.constant 0 : i32
      %jit3A_1878 = arith.constant -1 : i32
      %select_n3A_1879 = arith.select %eq3A_1876, %jit3A_1877, %jit3A_1878 : i32
      %get3A_1880 = arith.constant 656 : index
      %get3A_1881 = tpu.vector_load %arg4[%get3A_1880] {strides = array<i32>} : memref<1024xi32, #tpu.memory_space<vmem>>, vector<16xi32>,
      %get3A_1882 = vector.shape_cast %get3A_1881 : vector<16xi32> to vector<16xi32>
      %broadcast_in_dim3A_1883 = vector.shape_cast %shift_right_arithmetic3A_190 : vector<16xi32> to vector<16x1xi32>
      %gather3A_1884 = vector.shape_cast %broadcast_in_dim3A_1883 : vector<16x1xi32> to vector<16xi32>
      %gather3A_1885 = tpu.dynamic_gather %get3A_1882[%gather3A_1884] in [0] : vector<16xi32>, vector<16xi32> -> vector<16xi32>
      %broadcast_in_dim3A_1886 = vector.shape_cast %shift_right_arithmetic3A_202 : vector<16xi32> to vector<16x1xi32>
      %gather3A_1887 = vector.shape_cast %broadcast_in_dim3A_1886 : vector<16x1xi32> to vector<16xi32>
      %gather3A_1888 = tpu.dynamic_gather %get3A_1882[%gather3A_1887] in [0] : vector<16xi32>, vector<16xi32> -> vector<16xi32>
      %shift_right_arithmetic3A_1889 = arith.shrsi %gather3A_1885, %and3A_193 : vector<16xi32>
      %and3A_1890 = arith.constant 1 : i32
      %and3A_1891 = vector.broadcast %and3A_1890 : i32 to vector<16xi32>
      %and3A_1892 = arith.andi %shift_right_arithmetic3A_1889, %and3A_1891 : vector<16xi32>
      %shift_right_arithmetic3A_1893 = arith.shrsi %gather3A_1888, %and3A_205 : vector<16xi32>
      %and3A_1894 = arith.constant 1 : i32
      %and3A_1895 = vector.broadcast %and3A_1894 : i32 to vector<16xi32>
      %and3A_1896 = arith.andi %shift_right_arithmetic3A_1893, %and3A_1895 : vector<16xi32>
      %xor3A_1897 = arith.xori %and3A_1892, %and3A_1896 : vector<16xi32>
      %sub3A_1898 = arith.constant 0 : i32
      %sub3A_1899 = vector.broadcast %sub3A_1898 : i32 to vector<16xi32>
      %sub3A_1900 = arith.subi %sub3A_1899, %xor3A_1897 : vector<16xi32>
      %and3A_1901 = arith.andi %sub3A_1900, %and3A_224 : vector<16xi32>
      %sub3A_1902 = arith.constant 0 : i32
      %sub3A_1903 = vector.broadcast %sub3A_1902 : i32 to vector<16xi32>
      %sub3A_1904 = arith.subi %sub3A_1903, %and3A_1892 : vector<16xi32>
      %and3A_1905 = arith.andi %and3A_223, %sub3A_1904 : vector<16xi32>
      %xor3A_1906 = arith.xori %and3A_1901, %and3A_1905 : vector<16xi32>
      %and3A_1907 = vector.broadcast %select_n3A_1879 : i32 to vector<16xi32>
      %and3A_1908 = arith.andi %xor3A_1906, %and3A_1907 : vector<16xi32>
      %xor3A_1909 = arith.xori %get3A_1882, %and3A_1908 : vector<16xi32>
      %swap3A_1910 = arith.constant 656 : index
      %swap3A_1911 = tpu.vector_load %arg4[%swap3A_1910] {strides = array<i32>} : memref<1024xi32, #tpu.memory_space<vmem>>, vector<16xi32>,
      %swap3A_1912 = vector.shape_cast %swap3A_1911 : vector<16xi32> to vector<16xi32>
      %swap3A_1913 = vector.shape_cast %xor3A_1909 : vector<16xi32> to vector<16xi32>
      tpu.vector_store %arg4[%swap3A_1910], %swap3A_1913 {strides = array<i32>} : memref<1024xi32, #tpu.memory_space<vmem>>, vector<16xi32>,
      %eq3A_1914 = arith.constant 42 : i32
      %eq3A_1915 = arith.cmpi eq, %and3A_228, %eq3A_1914 : i32
      %jit3A_1916 = arith.constant 0 : i32
      %jit3A_1917 = arith.constant -1 : i32
      %select_n3A_1918 = arith.select %eq3A_1915, %jit3A_1916, %jit3A_1917 : i32
      %get3A_1919 = arith.constant 672 : index
      %get3A_1920 = tpu.vector_load %arg4[%get3A_1919] {strides = array<i32>} : memref<1024xi32, #tpu.memory_space<vmem>>, vector<16xi32>,
      %get3A_1921 = vector.shape_cast %get3A_1920 : vector<16xi32> to vector<16xi32>
      %broadcast_in_dim3A_1922 = vector.shape_cast %shift_right_arithmetic3A_190 : vector<16xi32> to vector<16x1xi32>
      %gather3A_1923 = vector.shape_cast %broadcast_in_dim3A_1922 : vector<16x1xi32> to vector<16xi32>
      %gather3A_1924 = tpu.dynamic_gather %get3A_1921[%gather3A_1923] in [0] : vector<16xi32>, vector<16xi32> -> vector<16xi32>
      %broadcast_in_dim3A_1925 = vector.shape_cast %shift_right_arithmetic3A_202 : vector<16xi32> to vector<16x1xi32>
      %gather3A_1926 = vector.shape_cast %broadcast_in_dim3A_1925 : vector<16x1xi32> to vector<16xi32>
      %gather3A_1927 = tpu.dynamic_gather %get3A_1921[%gather3A_1926] in [0] : vector<16xi32>, vector<16xi32> -> vector<16xi32>
      %shift_right_arithmetic3A_1928 = arith.shrsi %gather3A_1924, %and3A_193 : vector<16xi32>
      %and3A_1929 = arith.constant 1 : i32
      %and3A_1930 = vector.broadcast %and3A_1929 : i32 to vector<16xi32>
      %and3A_1931 = arith.andi %shift_right_arithmetic3A_1928, %and3A_1930 : vector<16xi32>
      %shift_right_arithmetic3A_1932 = arith.shrsi %gather3A_1927, %and3A_205 : vector<16xi32>
      %and3A_1933 = arith.constant 1 : i32
      %and3A_1934 = vector.broadcast %and3A_1933 : i32 to vector<16xi32>
      %and3A_1935 = arith.andi %shift_right_arithmetic3A_1932, %and3A_1934 : vector<16xi32>
      %xor3A_1936 = arith.xori %and3A_1931, %and3A_1935 : vector<16xi32>
      %sub3A_1937 = arith.constant 0 : i32
      %sub3A_1938 = vector.broadcast %sub3A_1937 : i32 to vector<16xi32>
      %sub3A_1939 = arith.subi %sub3A_1938, %xor3A_1936 : vector<16xi32>
      %and3A_1940 = arith.andi %sub3A_1939, %and3A_224 : vector<16xi32>
      %sub3A_1941 = arith.constant 0 : i32
      %sub3A_1942 = vector.broadcast %sub3A_1941 : i32 to vector<16xi32>
      %sub3A_1943 = arith.subi %sub3A_1942, %and3A_1931 : vector<16xi32>
      %and3A_1944 = arith.andi %and3A_223, %sub3A_1943 : vector<16xi32>
      %xor3A_1945 = arith.xori %and3A_1940, %and3A_1944 : vector<16xi32>
      %and3A_1946 = vector.broadcast %select_n3A_1918 : i32 to vector<16xi32>
      %and3A_1947 = arith.andi %xor3A_1945, %and3A_1946 : vector<16xi32>
      %xor3A_1948 = arith.xori %get3A_1921, %and3A_1947 : vector<16xi32>
      %swap3A_1949 = arith.constant 672 : index
      %swap3A_1950 = tpu.vector_load %arg4[%swap3A_1949] {strides = array<i32>} : memref<1024xi32, #tpu.memory_space<vmem>>, vector<16xi32>,
      %swap3A_1951 = vector.shape_cast %swap3A_1950 : vector<16xi32> to vector<16xi32>
      %swap3A_1952 = vector.shape_cast %xor3A_1948 : vector<16xi32> to vector<16xi32>
      tpu.vector_store %arg4[%swap3A_1949], %swap3A_1952 {strides = array<i32>} : memref<1024xi32, #tpu.memory_space<vmem>>, vector<16xi32>,
      %eq3A_1953 = arith.constant 43 : i32
      %eq3A_1954 = arith.cmpi eq, %and3A_228, %eq3A_1953 : i32
      %jit3A_1955 = arith.constant 0 : i32
      %jit3A_1956 = arith.constant -1 : i32
      %select_n3A_1957 = arith.select %eq3A_1954, %jit3A_1955, %jit3A_1956 : i32
      %get3A_1958 = arith.constant 688 : index
      %get3A_1959 = tpu.vector_load %arg4[%get3A_1958] {strides = array<i32>} : memref<1024xi32, #tpu.memory_space<vmem>>, vector<16xi32>,
      %get3A_1960 = vector.shape_cast %get3A_1959 : vector<16xi32> to vector<16xi32>
      %broadcast_in_dim3A_1961 = vector.shape_cast %shift_right_arithmetic3A_190 : vector<16xi32> to vector<16x1xi32>
      %gather3A_1962 = vector.shape_cast %broadcast_in_dim3A_1961 : vector<16x1xi32> to vector<16xi32>
      %gather3A_1963 = tpu.dynamic_gather %get3A_1960[%gather3A_1962] in [0] : vector<16xi32>, vector<16xi32> -> vector<16xi32>
      %broadcast_in_dim3A_1964 = vector.shape_cast %shift_right_arithmetic3A_202 : vector<16xi32> to vector<16x1xi32>
      %gather3A_1965 = vector.shape_cast %broadcast_in_dim3A_1964 : vector<16x1xi32> to vector<16xi32>
      %gather3A_1966 = tpu.dynamic_gather %get3A_1960[%gather3A_1965] in [0] : vector<16xi32>, vector<16xi32> -> vector<16xi32>
      %shift_right_arithmetic3A_1967 = arith.shrsi %gather3A_1963, %and3A_193 : vector<16xi32>
      %and3A_1968 = arith.constant 1 : i32
      %and3A_1969 = vector.broadcast %and3A_1968 : i32 to vector<16xi32>
      %and3A_1970 = arith.andi %shift_right_arithmetic3A_1967, %and3A_1969 : vector<16xi32>
      %shift_right_arithmetic3A_1971 = arith.shrsi %gather3A_1966, %and3A_205 : vector<16xi32>
      %and3A_1972 = arith.constant 1 : i32
      %and3A_1973 = vector.broadcast %and3A_1972 : i32 to vector<16xi32>
      %and3A_1974 = arith.andi %shift_right_arithmetic3A_1971, %and3A_1973 : vector<16xi32>
      %xor3A_1975 = arith.xori %and3A_1970, %and3A_1974 : vector<16xi32>
      %sub3A_1976 = arith.constant 0 : i32
      %sub3A_1977 = vector.broadcast %sub3A_1976 : i32 to vector<16xi32>
      %sub3A_1978 = arith.subi %sub3A_1977, %xor3A_1975 : vector<16xi32>
      %and3A_1979 = arith.andi %sub3A_1978, %and3A_224 : vector<16xi32>
      %sub3A_1980 = arith.constant 0 : i32
      %sub3A_1981 = vector.broadcast %sub3A_1980 : i32 to vector<16xi32>
      %sub3A_1982 = arith.subi %sub3A_1981, %and3A_1970 : vector<16xi32>
      %and3A_1983 = arith.andi %and3A_223, %sub3A_1982 : vector<16xi32>
      %xor3A_1984 = arith.xori %and3A_1979, %and3A_1983 : vector<16xi32>
      %and3A_1985 = vector.broadcast %select_n3A_1957 : i32 to vector<16xi32>
      %and3A_1986 = arith.andi %xor3A_1984, %and3A_1985 : vector<16xi32>
      %xor3A_1987 = arith.xori %get3A_1960, %and3A_1986 : vector<16xi32>
      %swap3A_1988 = arith.constant 688 : index
      %swap3A_1989 = tpu.vector_load %arg4[%swap3A_1988] {strides = array<i32>} : memref<1024xi32, #tpu.memory_space<vmem>>, vector<16xi32>,
      %swap3A_1990 = vector.shape_cast %swap3A_1989 : vector<16xi32> to vector<16xi32>
      %swap3A_1991 = vector.shape_cast %xor3A_1987 : vector<16xi32> to vector<16xi32>
      tpu.vector_store %arg4[%swap3A_1988], %swap3A_1991 {strides = array<i32>} : memref<1024xi32, #tpu.memory_space<vmem>>, vector<16xi32>,
      %eq3A_1992 = arith.constant 44 : i32
      %eq3A_1993 = arith.cmpi eq, %and3A_228, %eq3A_1992 : i32
      %jit3A_1994 = arith.constant 0 : i32
      %jit3A_1995 = arith.constant -1 : i32
      %select_n3A_1996 = arith.select %eq3A_1993, %jit3A_1994, %jit3A_1995 : i32
      %get3A_1997 = arith.constant 704 : index
      %get3A_1998 = tpu.vector_load %arg4[%get3A_1997] {strides = array<i32>} : memref<1024xi32, #tpu.memory_space<vmem>>, vector<16xi32>,
      %get3A_1999 = vector.shape_cast %get3A_1998 : vector<16xi32> to vector<16xi32>
      %broadcast_in_dim3A_2000 = vector.shape_cast %shift_right_arithmetic3A_190 : vector<16xi32> to vector<16x1xi32>
      %gather3A_2001 = vector.shape_cast %broadcast_in_dim3A_2000 : vector<16x1xi32> to vector<16xi32>
      %gather3A_2002 = tpu.dynamic_gather %get3A_1999[%gather3A_2001] in [0] : vector<16xi32>, vector<16xi32> -> vector<16xi32>
      %broadcast_in_dim3A_2003 = vector.shape_cast %shift_right_arithmetic3A_202 : vector<16xi32> to vector<16x1xi32>
      %gather3A_2004 = vector.shape_cast %broadcast_in_dim3A_2003 : vector<16x1xi32> to vector<16xi32>
      %gather3A_2005 = tpu.dynamic_gather %get3A_1999[%gather3A_2004] in [0] : vector<16xi32>, vector<16xi32> -> vector<16xi32>
      %shift_right_arithmetic3A_2006 = arith.shrsi %gather3A_2002, %and3A_193 : vector<16xi32>
      %and3A_2007 = arith.constant 1 : i32
      %and3A_2008 = vector.broadcast %and3A_2007 : i32 to vector<16xi32>
      %and3A_2009 = arith.andi %shift_right_arithmetic3A_2006, %and3A_2008 : vector<16xi32>
      %shift_right_arithmetic3A_2010 = arith.shrsi %gather3A_2005, %and3A_205 : vector<16xi32>
      %and3A_2011 = arith.constant 1 : i32
      %and3A_2012 = vector.broadcast %and3A_2011 : i32 to vector<16xi32>
      %and3A_2013 = arith.andi %shift_right_arithmetic3A_2010, %and3A_2012 : vector<16xi32>
      %xor3A_2014 = arith.xori %and3A_2009, %and3A_2013 : vector<16xi32>
      %sub3A_2015 = arith.constant 0 : i32
      %sub3A_2016 = vector.broadcast %sub3A_2015 : i32 to vector<16xi32>
      %sub3A_2017 = arith.subi %sub3A_2016, %xor3A_2014 : vector<16xi32>
      %and3A_2018 = arith.andi %sub3A_2017, %and3A_224 : vector<16xi32>
      %sub3A_2019 = arith.constant 0 : i32
      %sub3A_2020 = vector.broadcast %sub3A_2019 : i32 to vector<16xi32>
      %sub3A_2021 = arith.subi %sub3A_2020, %and3A_2009 : vector<16xi32>
      %and3A_2022 = arith.andi %and3A_223, %sub3A_2021 : vector<16xi32>
      %xor3A_2023 = arith.xori %and3A_2018, %and3A_2022 : vector<16xi32>
      %and3A_2024 = vector.broadcast %select_n3A_1996 : i32 to vector<16xi32>
      %and3A_2025 = arith.andi %xor3A_2023, %and3A_2024 : vector<16xi32>
      %xor3A_2026 = arith.xori %get3A_1999, %and3A_2025 : vector<16xi32>
      %swap3A_2027 = arith.constant 704 : index
      %swap3A_2028 = tpu.vector_load %arg4[%swap3A_2027] {strides = array<i32>} : memref<1024xi32, #tpu.memory_space<vmem>>, vector<16xi32>,
      %swap3A_2029 = vector.shape_cast %swap3A_2028 : vector<16xi32> to vector<16xi32>
      %swap3A_2030 = vector.shape_cast %xor3A_2026 : vector<16xi32> to vector<16xi32>
      tpu.vector_store %arg4[%swap3A_2027], %swap3A_2030 {strides = array<i32>} : memref<1024xi32, #tpu.memory_space<vmem>>, vector<16xi32>,
      %eq3A_2031 = arith.constant 45 : i32
      %eq3A_2032 = arith.cmpi eq, %and3A_228, %eq3A_2031 : i32
      %jit3A_2033 = arith.constant 0 : i32
      %jit3A_2034 = arith.constant -1 : i32
      %select_n3A_2035 = arith.select %eq3A_2032, %jit3A_2033, %jit3A_2034 : i32
      %get3A_2036 = arith.constant 720 : index
      %get3A_2037 = tpu.vector_load %arg4[%get3A_2036] {strides = array<i32>} : memref<1024xi32, #tpu.memory_space<vmem>>, vector<16xi32>,
      %get3A_2038 = vector.shape_cast %get3A_2037 : vector<16xi32> to vector<16xi32>
      %broadcast_in_dim3A_2039 = vector.shape_cast %shift_right_arithmetic3A_190 : vector<16xi32> to vector<16x1xi32>
      %gather3A_2040 = vector.shape_cast %broadcast_in_dim3A_2039 : vector<16x1xi32> to vector<16xi32>
      %gather3A_2041 = tpu.dynamic_gather %get3A_2038[%gather3A_2040] in [0] : vector<16xi32>, vector<16xi32> -> vector<16xi32>
      %broadcast_in_dim3A_2042 = vector.shape_cast %shift_right_arithmetic3A_202 : vector<16xi32> to vector<16x1xi32>
      %gather3A_2043 = vector.shape_cast %broadcast_in_dim3A_2042 : vector<16x1xi32> to vector<16xi32>
      %gather3A_2044 = tpu.dynamic_gather %get3A_2038[%gather3A_2043] in [0] : vector<16xi32>, vector<16xi32> -> vector<16xi32>
      %shift_right_arithmetic3A_2045 = arith.shrsi %gather3A_2041, %and3A_193 : vector<16xi32>
      %and3A_2046 = arith.constant 1 : i32
      %and3A_2047 = vector.broadcast %and3A_2046 : i32 to vector<16xi32>
      %and3A_2048 = arith.andi %shift_right_arithmetic3A_2045, %and3A_2047 : vector<16xi32>
      %shift_right_arithmetic3A_2049 = arith.shrsi %gather3A_2044, %and3A_205 : vector<16xi32>
      %and3A_2050 = arith.constant 1 : i32
      %and3A_2051 = vector.broadcast %and3A_2050 : i32 to vector<16xi32>
      %and3A_2052 = arith.andi %shift_right_arithmetic3A_2049, %and3A_2051 : vector<16xi32>
      %xor3A_2053 = arith.xori %and3A_2048, %and3A_2052 : vector<16xi32>
      %sub3A_2054 = arith.constant 0 : i32
      %sub3A_2055 = vector.broadcast %sub3A_2054 : i32 to vector<16xi32>
      %sub3A_2056 = arith.subi %sub3A_2055, %xor3A_2053 : vector<16xi32>
      %and3A_2057 = arith.andi %sub3A_2056, %and3A_224 : vector<16xi32>
      %sub3A_2058 = arith.constant 0 : i32
      %sub3A_2059 = vector.broadcast %sub3A_2058 : i32 to vector<16xi32>
      %sub3A_2060 = arith.subi %sub3A_2059, %and3A_2048 : vector<16xi32>
      %and3A_2061 = arith.andi %and3A_223, %sub3A_2060 : vector<16xi32>
      %xor3A_2062 = arith.xori %and3A_2057, %and3A_2061 : vector<16xi32>
      %and3A_2063 = vector.broadcast %select_n3A_2035 : i32 to vector<16xi32>
      %and3A_2064 = arith.andi %xor3A_2062, %and3A_2063 : vector<16xi32>
      %xor3A_2065 = arith.xori %get3A_2038, %and3A_2064 : vector<16xi32>
      %swap3A_2066 = arith.constant 720 : index
      %swap3A_2067 = tpu.vector_load %arg4[%swap3A_2066] {strides = array<i32>} : memref<1024xi32, #tpu.memory_space<vmem>>, vector<16xi32>,
      %swap3A_2068 = vector.shape_cast %swap3A_2067 : vector<16xi32> to vector<16xi32>
      %swap3A_2069 = vector.shape_cast %xor3A_2065 : vector<16xi32> to vector<16xi32>
      tpu.vector_store %arg4[%swap3A_2066], %swap3A_2069 {strides = array<i32>} : memref<1024xi32, #tpu.memory_space<vmem>>, vector<16xi32>,
      %eq3A_2070 = arith.constant 46 : i32
      %eq3A_2071 = arith.cmpi eq, %and3A_228, %eq3A_2070 : i32
      %jit3A_2072 = arith.constant 0 : i32
      %jit3A_2073 = arith.constant -1 : i32
      %select_n3A_2074 = arith.select %eq3A_2071, %jit3A_2072, %jit3A_2073 : i32
      %get3A_2075 = arith.constant 736 : index
      %get3A_2076 = tpu.vector_load %arg4[%get3A_2075] {strides = array<i32>} : memref<1024xi32, #tpu.memory_space<vmem>>, vector<16xi32>,
      %get3A_2077 = vector.shape_cast %get3A_2076 : vector<16xi32> to vector<16xi32>
      %broadcast_in_dim3A_2078 = vector.shape_cast %shift_right_arithmetic3A_190 : vector<16xi32> to vector<16x1xi32>
      %gather3A_2079 = vector.shape_cast %broadcast_in_dim3A_2078 : vector<16x1xi32> to vector<16xi32>
      %gather3A_2080 = tpu.dynamic_gather %get3A_2077[%gather3A_2079] in [0] : vector<16xi32>, vector<16xi32> -> vector<16xi32>
      %broadcast_in_dim3A_2081 = vector.shape_cast %shift_right_arithmetic3A_202 : vector<16xi32> to vector<16x1xi32>
      %gather3A_2082 = vector.shape_cast %broadcast_in_dim3A_2081 : vector<16x1xi32> to vector<16xi32>
      %gather3A_2083 = tpu.dynamic_gather %get3A_2077[%gather3A_2082] in [0] : vector<16xi32>, vector<16xi32> -> vector<16xi32>
      %shift_right_arithmetic3A_2084 = arith.shrsi %gather3A_2080, %and3A_193 : vector<16xi32>
      %and3A_2085 = arith.constant 1 : i32
      %and3A_2086 = vector.broadcast %and3A_2085 : i32 to vector<16xi32>
      %and3A_2087 = arith.andi %shift_right_arithmetic3A_2084, %and3A_2086 : vector<16xi32>
      %shift_right_arithmetic3A_2088 = arith.shrsi %gather3A_2083, %and3A_205 : vector<16xi32>
      %and3A_2089 = arith.constant 1 : i32
      %and3A_2090 = vector.broadcast %and3A_2089 : i32 to vector<16xi32>
      %and3A_2091 = arith.andi %shift_right_arithmetic3A_2088, %and3A_2090 : vector<16xi32>
      %xor3A_2092 = arith.xori %and3A_2087, %and3A_2091 : vector<16xi32>
      %sub3A_2093 = arith.constant 0 : i32
      %sub3A_2094 = vector.broadcast %sub3A_2093 : i32 to vector<16xi32>
      %sub3A_2095 = arith.subi %sub3A_2094, %xor3A_2092 : vector<16xi32>
      %and3A_2096 = arith.andi %sub3A_2095, %and3A_224 : vector<16xi32>
      %sub3A_2097 = arith.constant 0 : i32
      %sub3A_2098 = vector.broadcast %sub3A_2097 : i32 to vector<16xi32>
      %sub3A_2099 = arith.subi %sub3A_2098, %and3A_2087 : vector<16xi32>
      %and3A_2100 = arith.andi %and3A_223, %sub3A_2099 : vector<16xi32>
      %xor3A_2101 = arith.xori %and3A_2096, %and3A_2100 : vector<16xi32>
      %and3A_2102 = vector.broadcast %select_n3A_2074 : i32 to vector<16xi32>
      %and3A_2103 = arith.andi %xor3A_2101, %and3A_2102 : vector<16xi32>
      %xor3A_2104 = arith.xori %get3A_2077, %and3A_2103 : vector<16xi32>
      %swap3A_2105 = arith.constant 736 : index
      %swap3A_2106 = tpu.vector_load %arg4[%swap3A_2105] {strides = array<i32>} : memref<1024xi32, #tpu.memory_space<vmem>>, vector<16xi32>,
      %swap3A_2107 = vector.shape_cast %swap3A_2106 : vector<16xi32> to vector<16xi32>
      %swap3A_2108 = vector.shape_cast %xor3A_2104 : vector<16xi32> to vector<16xi32>
      tpu.vector_store %arg4[%swap3A_2105], %swap3A_2108 {strides = array<i32>} : memref<1024xi32, #tpu.memory_space<vmem>>, vector<16xi32>,
      %eq3A_2109 = arith.constant 47 : i32
      %eq3A_2110 = arith.cmpi eq, %and3A_228, %eq3A_2109 : i32
      %jit3A_2111 = arith.constant 0 : i32
      %jit3A_2112 = arith.constant -1 : i32
      %select_n3A_2113 = arith.select %eq3A_2110, %jit3A_2111, %jit3A_2112 : i32
      %get3A_2114 = arith.constant 752 : index
      %get3A_2115 = tpu.vector_load %arg4[%get3A_2114] {strides = array<i32>} : memref<1024xi32, #tpu.memory_space<vmem>>, vector<16xi32>,
      %get3A_2116 = vector.shape_cast %get3A_2115 : vector<16xi32> to vector<16xi32>
      %broadcast_in_dim3A_2117 = vector.shape_cast %shift_right_arithmetic3A_190 : vector<16xi32> to vector<16x1xi32>
      %gather3A_2118 = vector.shape_cast %broadcast_in_dim3A_2117 : vector<16x1xi32> to vector<16xi32>
      %gather3A_2119 = tpu.dynamic_gather %get3A_2116[%gather3A_2118] in [0] : vector<16xi32>, vector<16xi32> -> vector<16xi32>
      %broadcast_in_dim3A_2120 = vector.shape_cast %shift_right_arithmetic3A_202 : vector<16xi32> to vector<16x1xi32>
      %gather3A_2121 = vector.shape_cast %broadcast_in_dim3A_2120 : vector<16x1xi32> to vector<16xi32>
      %gather3A_2122 = tpu.dynamic_gather %get3A_2116[%gather3A_2121] in [0] : vector<16xi32>, vector<16xi32> -> vector<16xi32>
      %shift_right_arithmetic3A_2123 = arith.shrsi %gather3A_2119, %and3A_193 : vector<16xi32>
      %and3A_2124 = arith.constant 1 : i32
      %and3A_2125 = vector.broadcast %and3A_2124 : i32 to vector<16xi32>
      %and3A_2126 = arith.andi %shift_right_arithmetic3A_2123, %and3A_2125 : vector<16xi32>
      %shift_right_arithmetic3A_2127 = arith.shrsi %gather3A_2122, %and3A_205 : vector<16xi32>
      %and3A_2128 = arith.constant 1 : i32
      %and3A_2129 = vector.broadcast %and3A_2128 : i32 to vector<16xi32>
      %and3A_2130 = arith.andi %shift_right_arithmetic3A_2127, %and3A_2129 : vector<16xi32>
      %xor3A_2131 = arith.xori %and3A_2126, %and3A_2130 : vector<16xi32>
      %sub3A_2132 = arith.constant 0 : i32
      %sub3A_2133 = vector.broadcast %sub3A_2132 : i32 to vector<16xi32>
      %sub3A_2134 = arith.subi %sub3A_2133, %xor3A_2131 : vector<16xi32>
      %and3A_2135 = arith.andi %sub3A_2134, %and3A_224 : vector<16xi32>
      %sub3A_2136 = arith.constant 0 : i32
      %sub3A_2137 = vector.broadcast %sub3A_2136 : i32 to vector<16xi32>
      %sub3A_2138 = arith.subi %sub3A_2137, %and3A_2126 : vector<16xi32>
      %and3A_2139 = arith.andi %and3A_223, %sub3A_2138 : vector<16xi32>
      %xor3A_2140 = arith.xori %and3A_2135, %and3A_2139 : vector<16xi32>
      %and3A_2141 = vector.broadcast %select_n3A_2113 : i32 to vector<16xi32>
      %and3A_2142 = arith.andi %xor3A_2140, %and3A_2141 : vector<16xi32>
      %xor3A_2143 = arith.xori %get3A_2116, %and3A_2142 : vector<16xi32>
      %swap3A_2144 = arith.constant 752 : index
      %swap3A_2145 = tpu.vector_load %arg4[%swap3A_2144] {strides = array<i32>} : memref<1024xi32, #tpu.memory_space<vmem>>, vector<16xi32>,
      %swap3A_2146 = vector.shape_cast %swap3A_2145 : vector<16xi32> to vector<16xi32>
      %swap3A_2147 = vector.shape_cast %xor3A_2143 : vector<16xi32> to vector<16xi32>
      tpu.vector_store %arg4[%swap3A_2144], %swap3A_2147 {strides = array<i32>} : memref<1024xi32, #tpu.memory_space<vmem>>, vector<16xi32>,
      %eq3A_2148 = arith.constant 48 : i32
      %eq3A_2149 = arith.cmpi eq, %and3A_228, %eq3A_2148 : i32
      %jit3A_2150 = arith.constant 0 : i32
      %jit3A_2151 = arith.constant -1 : i32
      %select_n3A_2152 = arith.select %eq3A_2149, %jit3A_2150, %jit3A_2151 : i32
      %get3A_2153 = arith.constant 768 : index
      %get3A_2154 = tpu.vector_load %arg4[%get3A_2153] {strides = array<i32>} : memref<1024xi32, #tpu.memory_space<vmem>>, vector<16xi32>,
      %get3A_2155 = vector.shape_cast %get3A_2154 : vector<16xi32> to vector<16xi32>
      %broadcast_in_dim3A_2156 = vector.shape_cast %shift_right_arithmetic3A_190 : vector<16xi32> to vector<16x1xi32>
      %gather3A_2157 = vector.shape_cast %broadcast_in_dim3A_2156 : vector<16x1xi32> to vector<16xi32>
      %gather3A_2158 = tpu.dynamic_gather %get3A_2155[%gather3A_2157] in [0] : vector<16xi32>, vector<16xi32> -> vector<16xi32>
      %broadcast_in_dim3A_2159 = vector.shape_cast %shift_right_arithmetic3A_202 : vector<16xi32> to vector<16x1xi32>
      %gather3A_2160 = vector.shape_cast %broadcast_in_dim3A_2159 : vector<16x1xi32> to vector<16xi32>
      %gather3A_2161 = tpu.dynamic_gather %get3A_2155[%gather3A_2160] in [0] : vector<16xi32>, vector<16xi32> -> vector<16xi32>
      %shift_right_arithmetic3A_2162 = arith.shrsi %gather3A_2158, %and3A_193 : vector<16xi32>
      %and3A_2163 = arith.constant 1 : i32
      %and3A_2164 = vector.broadcast %and3A_2163 : i32 to vector<16xi32>
      %and3A_2165 = arith.andi %shift_right_arithmetic3A_2162, %and3A_2164 : vector<16xi32>
      %shift_right_arithmetic3A_2166 = arith.shrsi %gather3A_2161, %and3A_205 : vector<16xi32>
      %and3A_2167 = arith.constant 1 : i32
      %and3A_2168 = vector.broadcast %and3A_2167 : i32 to vector<16xi32>
      %and3A_2169 = arith.andi %shift_right_arithmetic3A_2166, %and3A_2168 : vector<16xi32>
      %xor3A_2170 = arith.xori %and3A_2165, %and3A_2169 : vector<16xi32>
      %sub3A_2171 = arith.constant 0 : i32
      %sub3A_2172 = vector.broadcast %sub3A_2171 : i32 to vector<16xi32>
      %sub3A_2173 = arith.subi %sub3A_2172, %xor3A_2170 : vector<16xi32>
      %and3A_2174 = arith.andi %sub3A_2173, %and3A_224 : vector<16xi32>
      %sub3A_2175 = arith.constant 0 : i32
      %sub3A_2176 = vector.broadcast %sub3A_2175 : i32 to vector<16xi32>
      %sub3A_2177 = arith.subi %sub3A_2176, %and3A_2165 : vector<16xi32>
      %and3A_2178 = arith.andi %and3A_223, %sub3A_2177 : vector<16xi32>
      %xor3A_2179 = arith.xori %and3A_2174, %and3A_2178 : vector<16xi32>
      %and3A_2180 = vector.broadcast %select_n3A_2152 : i32 to vector<16xi32>
      %and3A_2181 = arith.andi %xor3A_2179, %and3A_2180 : vector<16xi32>
      %xor3A_2182 = arith.xori %get3A_2155, %and3A_2181 : vector<16xi32>
      %swap3A_2183 = arith.constant 768 : index
      %swap3A_2184 = tpu.vector_load %arg4[%swap3A_2183] {strides = array<i32>} : memref<1024xi32, #tpu.memory_space<vmem>>, vector<16xi32>,
      %swap3A_2185 = vector.shape_cast %swap3A_2184 : vector<16xi32> to vector<16xi32>
      %swap3A_2186 = vector.shape_cast %xor3A_2182 : vector<16xi32> to vector<16xi32>
      tpu.vector_store %arg4[%swap3A_2183], %swap3A_2186 {strides = array<i32>} : memref<1024xi32, #tpu.memory_space<vmem>>, vector<16xi32>,
      %eq3A_2187 = arith.constant 49 : i32
      %eq3A_2188 = arith.cmpi eq, %and3A_228, %eq3A_2187 : i32
      %jit3A_2189 = arith.constant 0 : i32
      %jit3A_2190 = arith.constant -1 : i32
      %select_n3A_2191 = arith.select %eq3A_2188, %jit3A_2189, %jit3A_2190 : i32
      %get3A_2192 = arith.constant 784 : index
      %get3A_2193 = tpu.vector_load %arg4[%get3A_2192] {strides = array<i32>} : memref<1024xi32, #tpu.memory_space<vmem>>, vector<16xi32>,
      %get3A_2194 = vector.shape_cast %get3A_2193 : vector<16xi32> to vector<16xi32>
      %broadcast_in_dim3A_2195 = vector.shape_cast %shift_right_arithmetic3A_190 : vector<16xi32> to vector<16x1xi32>
      %gather3A_2196 = vector.shape_cast %broadcast_in_dim3A_2195 : vector<16x1xi32> to vector<16xi32>
      %gather3A_2197 = tpu.dynamic_gather %get3A_2194[%gather3A_2196] in [0] : vector<16xi32>, vector<16xi32> -> vector<16xi32>
      %broadcast_in_dim3A_2198 = vector.shape_cast %shift_right_arithmetic3A_202 : vector<16xi32> to vector<16x1xi32>
      %gather3A_2199 = vector.shape_cast %broadcast_in_dim3A_2198 : vector<16x1xi32> to vector<16xi32>
      %gather3A_2200 = tpu.dynamic_gather %get3A_2194[%gather3A_2199] in [0] : vector<16xi32>, vector<16xi32> -> vector<16xi32>
      %shift_right_arithmetic3A_2201 = arith.shrsi %gather3A_2197, %and3A_193 : vector<16xi32>
      %and3A_2202 = arith.constant 1 : i32
      %and3A_2203 = vector.broadcast %and3A_2202 : i32 to vector<16xi32>
      %and3A_2204 = arith.andi %shift_right_arithmetic3A_2201, %and3A_2203 : vector<16xi32>
      %shift_right_arithmetic3A_2205 = arith.shrsi %gather3A_2200, %and3A_205 : vector<16xi32>
      %and3A_2206 = arith.constant 1 : i32
      %and3A_2207 = vector.broadcast %and3A_2206 : i32 to vector<16xi32>
      %and3A_2208 = arith.andi %shift_right_arithmetic3A_2205, %and3A_2207 : vector<16xi32>
      %xor3A_2209 = arith.xori %and3A_2204, %and3A_2208 : vector<16xi32>
      %sub3A_2210 = arith.constant 0 : i32
      %sub3A_2211 = vector.broadcast %sub3A_2210 : i32 to vector<16xi32>
      %sub3A_2212 = arith.subi %sub3A_2211, %xor3A_2209 : vector<16xi32>
      %and3A_2213 = arith.andi %sub3A_2212, %and3A_224 : vector<16xi32>
      %sub3A_2214 = arith.constant 0 : i32
      %sub3A_2215 = vector.broadcast %sub3A_2214 : i32 to vector<16xi32>
      %sub3A_2216 = arith.subi %sub3A_2215, %and3A_2204 : vector<16xi32>
      %and3A_2217 = arith.andi %and3A_223, %sub3A_2216 : vector<16xi32>
      %xor3A_2218 = arith.xori %and3A_2213, %and3A_2217 : vector<16xi32>
      %and3A_2219 = vector.broadcast %select_n3A_2191 : i32 to vector<16xi32>
      %and3A_2220 = arith.andi %xor3A_2218, %and3A_2219 : vector<16xi32>
      %xor3A_2221 = arith.xori %get3A_2194, %and3A_2220 : vector<16xi32>
      %swap3A_2222 = arith.constant 784 : index
      %swap3A_2223 = tpu.vector_load %arg4[%swap3A_2222] {strides = array<i32>} : memref<1024xi32, #tpu.memory_space<vmem>>, vector<16xi32>,
      %swap3A_2224 = vector.shape_cast %swap3A_2223 : vector<16xi32> to vector<16xi32>
      %swap3A_2225 = vector.shape_cast %xor3A_2221 : vector<16xi32> to vector<16xi32>
      tpu.vector_store %arg4[%swap3A_2222], %swap3A_2225 {strides = array<i32>} : memref<1024xi32, #tpu.memory_space<vmem>>, vector<16xi32>,
      %eq3A_2226 = arith.constant 50 : i32
      %eq3A_2227 = arith.cmpi eq, %and3A_228, %eq3A_2226 : i32
      %jit3A_2228 = arith.constant 0 : i32
      %jit3A_2229 = arith.constant -1 : i32
      %select_n3A_2230 = arith.select %eq3A_2227, %jit3A_2228, %jit3A_2229 : i32
      %get3A_2231 = arith.constant 800 : index
      %get3A_2232 = tpu.vector_load %arg4[%get3A_2231] {strides = array<i32>} : memref<1024xi32, #tpu.memory_space<vmem>>, vector<16xi32>,
      %get3A_2233 = vector.shape_cast %get3A_2232 : vector<16xi32> to vector<16xi32>
      %broadcast_in_dim3A_2234 = vector.shape_cast %shift_right_arithmetic3A_190 : vector<16xi32> to vector<16x1xi32>
      %gather3A_2235 = vector.shape_cast %broadcast_in_dim3A_2234 : vector<16x1xi32> to vector<16xi32>
      %gather3A_2236 = tpu.dynamic_gather %get3A_2233[%gather3A_2235] in [0] : vector<16xi32>, vector<16xi32> -> vector<16xi32>
      %broadcast_in_dim3A_2237 = vector.shape_cast %shift_right_arithmetic3A_202 : vector<16xi32> to vector<16x1xi32>
      %gather3A_2238 = vector.shape_cast %broadcast_in_dim3A_2237 : vector<16x1xi32> to vector<16xi32>
      %gather3A_2239 = tpu.dynamic_gather %get3A_2233[%gather3A_2238] in [0] : vector<16xi32>, vector<16xi32> -> vector<16xi32>
      %shift_right_arithmetic3A_2240 = arith.shrsi %gather3A_2236, %and3A_193 : vector<16xi32>
      %and3A_2241 = arith.constant 1 : i32
      %and3A_2242 = vector.broadcast %and3A_2241 : i32 to vector<16xi32>
      %and3A_2243 = arith.andi %shift_right_arithmetic3A_2240, %and3A_2242 : vector<16xi32>
      %shift_right_arithmetic3A_2244 = arith.shrsi %gather3A_2239, %and3A_205 : vector<16xi32>
      %and3A_2245 = arith.constant 1 : i32
      %and3A_2246 = vector.broadcast %and3A_2245 : i32 to vector<16xi32>
      %and3A_2247 = arith.andi %shift_right_arithmetic3A_2244, %and3A_2246 : vector<16xi32>
      %xor3A_2248 = arith.xori %and3A_2243, %and3A_2247 : vector<16xi32>
      %sub3A_2249 = arith.constant 0 : i32
      %sub3A_2250 = vector.broadcast %sub3A_2249 : i32 to vector<16xi32>
      %sub3A_2251 = arith.subi %sub3A_2250, %xor3A_2248 : vector<16xi32>
      %and3A_2252 = arith.andi %sub3A_2251, %and3A_224 : vector<16xi32>
      %sub3A_2253 = arith.constant 0 : i32
      %sub3A_2254 = vector.broadcast %sub3A_2253 : i32 to vector<16xi32>
      %sub3A_2255 = arith.subi %sub3A_2254, %and3A_2243 : vector<16xi32>
      %and3A_2256 = arith.andi %and3A_223, %sub3A_2255 : vector<16xi32>
      %xor3A_2257 = arith.xori %and3A_2252, %and3A_2256 : vector<16xi32>
      %and3A_2258 = vector.broadcast %select_n3A_2230 : i32 to vector<16xi32>
      %and3A_2259 = arith.andi %xor3A_2257, %and3A_2258 : vector<16xi32>
      %xor3A_2260 = arith.xori %get3A_2233, %and3A_2259 : vector<16xi32>
      %swap3A_2261 = arith.constant 800 : index
      %swap3A_2262 = tpu.vector_load %arg4[%swap3A_2261] {strides = array<i32>} : memref<1024xi32, #tpu.memory_space<vmem>>, vector<16xi32>,
      %swap3A_2263 = vector.shape_cast %swap3A_2262 : vector<16xi32> to vector<16xi32>
      %swap3A_2264 = vector.shape_cast %xor3A_2260 : vector<16xi32> to vector<16xi32>
      tpu.vector_store %arg4[%swap3A_2261], %swap3A_2264 {strides = array<i32>} : memref<1024xi32, #tpu.memory_space<vmem>>, vector<16xi32>,
      %eq3A_2265 = arith.constant 51 : i32
      %eq3A_2266 = arith.cmpi eq, %and3A_228, %eq3A_2265 : i32
      %jit3A_2267 = arith.constant 0 : i32
      %jit3A_2268 = arith.constant -1 : i32
      %select_n3A_2269 = arith.select %eq3A_2266, %jit3A_2267, %jit3A_2268 : i32
      %get3A_2270 = arith.constant 816 : index
      %get3A_2271 = tpu.vector_load %arg4[%get3A_2270] {strides = array<i32>} : memref<1024xi32, #tpu.memory_space<vmem>>, vector<16xi32>,
      %get3A_2272 = vector.shape_cast %get3A_2271 : vector<16xi32> to vector<16xi32>
      %broadcast_in_dim3A_2273 = vector.shape_cast %shift_right_arithmetic3A_190 : vector<16xi32> to vector<16x1xi32>
      %gather3A_2274 = vector.shape_cast %broadcast_in_dim3A_2273 : vector<16x1xi32> to vector<16xi32>
      %gather3A_2275 = tpu.dynamic_gather %get3A_2272[%gather3A_2274] in [0] : vector<16xi32>, vector<16xi32> -> vector<16xi32>
      %broadcast_in_dim3A_2276 = vector.shape_cast %shift_right_arithmetic3A_202 : vector<16xi32> to vector<16x1xi32>
      %gather3A_2277 = vector.shape_cast %broadcast_in_dim3A_2276 : vector<16x1xi32> to vector<16xi32>
      %gather3A_2278 = tpu.dynamic_gather %get3A_2272[%gather3A_2277] in [0] : vector<16xi32>, vector<16xi32> -> vector<16xi32>
      %shift_right_arithmetic3A_2279 = arith.shrsi %gather3A_2275, %and3A_193 : vector<16xi32>
      %and3A_2280 = arith.constant 1 : i32
      %and3A_2281 = vector.broadcast %and3A_2280 : i32 to vector<16xi32>
      %and3A_2282 = arith.andi %shift_right_arithmetic3A_2279, %and3A_2281 : vector<16xi32>
      %shift_right_arithmetic3A_2283 = arith.shrsi %gather3A_2278, %and3A_205 : vector<16xi32>
      %and3A_2284 = arith.constant 1 : i32
      %and3A_2285 = vector.broadcast %and3A_2284 : i32 to vector<16xi32>
      %and3A_2286 = arith.andi %shift_right_arithmetic3A_2283, %and3A_2285 : vector<16xi32>
      %xor3A_2287 = arith.xori %and3A_2282, %and3A_2286 : vector<16xi32>
      %sub3A_2288 = arith.constant 0 : i32
      %sub3A_2289 = vector.broadcast %sub3A_2288 : i32 to vector<16xi32>
      %sub3A_2290 = arith.subi %sub3A_2289, %xor3A_2287 : vector<16xi32>
      %and3A_2291 = arith.andi %sub3A_2290, %and3A_224 : vector<16xi32>
      %sub3A_2292 = arith.constant 0 : i32
      %sub3A_2293 = vector.broadcast %sub3A_2292 : i32 to vector<16xi32>
      %sub3A_2294 = arith.subi %sub3A_2293, %and3A_2282 : vector<16xi32>
      %and3A_2295 = arith.andi %and3A_223, %sub3A_2294 : vector<16xi32>
      %xor3A_2296 = arith.xori %and3A_2291, %and3A_2295 : vector<16xi32>
      %and3A_2297 = vector.broadcast %select_n3A_2269 : i32 to vector<16xi32>
      %and3A_2298 = arith.andi %xor3A_2296, %and3A_2297 : vector<16xi32>
      %xor3A_2299 = arith.xori %get3A_2272, %and3A_2298 : vector<16xi32>
      %swap3A_2300 = arith.constant 816 : index
      %swap3A_2301 = tpu.vector_load %arg4[%swap3A_2300] {strides = array<i32>} : memref<1024xi32, #tpu.memory_space<vmem>>, vector<16xi32>,
      %swap3A_2302 = vector.shape_cast %swap3A_2301 : vector<16xi32> to vector<16xi32>
      %swap3A_2303 = vector.shape_cast %xor3A_2299 : vector<16xi32> to vector<16xi32>
      tpu.vector_store %arg4[%swap3A_2300], %swap3A_2303 {strides = array<i32>} : memref<1024xi32, #tpu.memory_space<vmem>>, vector<16xi32>,
      %eq3A_2304 = arith.constant 52 : i32
      %eq3A_2305 = arith.cmpi eq, %and3A_228, %eq3A_2304 : i32
      %jit3A_2306 = arith.constant 0 : i32
      %jit3A_2307 = arith.constant -1 : i32
      %select_n3A_2308 = arith.select %eq3A_2305, %jit3A_2306, %jit3A_2307 : i32
      %get3A_2309 = arith.constant 832 : index
      %get3A_2310 = tpu.vector_load %arg4[%get3A_2309] {strides = array<i32>} : memref<1024xi32, #tpu.memory_space<vmem>>, vector<16xi32>,
      %get3A_2311 = vector.shape_cast %get3A_2310 : vector<16xi32> to vector<16xi32>
      %broadcast_in_dim3A_2312 = vector.shape_cast %shift_right_arithmetic3A_190 : vector<16xi32> to vector<16x1xi32>
      %gather3A_2313 = vector.shape_cast %broadcast_in_dim3A_2312 : vector<16x1xi32> to vector<16xi32>
      %gather3A_2314 = tpu.dynamic_gather %get3A_2311[%gather3A_2313] in [0] : vector<16xi32>, vector<16xi32> -> vector<16xi32>
      %broadcast_in_dim3A_2315 = vector.shape_cast %shift_right_arithmetic3A_202 : vector<16xi32> to vector<16x1xi32>
      %gather3A_2316 = vector.shape_cast %broadcast_in_dim3A_2315 : vector<16x1xi32> to vector<16xi32>
      %gather3A_2317 = tpu.dynamic_gather %get3A_2311[%gather3A_2316] in [0] : vector<16xi32>, vector<16xi32> -> vector<16xi32>
      %shift_right_arithmetic3A_2318 = arith.shrsi %gather3A_2314, %and3A_193 : vector<16xi32>
      %and3A_2319 = arith.constant 1 : i32
      %and3A_2320 = vector.broadcast %and3A_2319 : i32 to vector<16xi32>
      %and3A_2321 = arith.andi %shift_right_arithmetic3A_2318, %and3A_2320 : vector<16xi32>
      %shift_right_arithmetic3A_2322 = arith.shrsi %gather3A_2317, %and3A_205 : vector<16xi32>
      %and3A_2323 = arith.constant 1 : i32
      %and3A_2324 = vector.broadcast %and3A_2323 : i32 to vector<16xi32>
      %and3A_2325 = arith.andi %shift_right_arithmetic3A_2322, %and3A_2324 : vector<16xi32>
      %xor3A_2326 = arith.xori %and3A_2321, %and3A_2325 : vector<16xi32>
      %sub3A_2327 = arith.constant 0 : i32
      %sub3A_2328 = vector.broadcast %sub3A_2327 : i32 to vector<16xi32>
      %sub3A_2329 = arith.subi %sub3A_2328, %xor3A_2326 : vector<16xi32>
      %and3A_2330 = arith.andi %sub3A_2329, %and3A_224 : vector<16xi32>
      %sub3A_2331 = arith.constant 0 : i32
      %sub3A_2332 = vector.broadcast %sub3A_2331 : i32 to vector<16xi32>
      %sub3A_2333 = arith.subi %sub3A_2332, %and3A_2321 : vector<16xi32>
      %and3A_2334 = arith.andi %and3A_223, %sub3A_2333 : vector<16xi32>
      %xor3A_2335 = arith.xori %and3A_2330, %and3A_2334 : vector<16xi32>
      %and3A_2336 = vector.broadcast %select_n3A_2308 : i32 to vector<16xi32>
      %and3A_2337 = arith.andi %xor3A_2335, %and3A_2336 : vector<16xi32>
      %xor3A_2338 = arith.xori %get3A_2311, %and3A_2337 : vector<16xi32>
      %swap3A_2339 = arith.constant 832 : index
      %swap3A_2340 = tpu.vector_load %arg4[%swap3A_2339] {strides = array<i32>} : memref<1024xi32, #tpu.memory_space<vmem>>, vector<16xi32>,
      %swap3A_2341 = vector.shape_cast %swap3A_2340 : vector<16xi32> to vector<16xi32>
      %swap3A_2342 = vector.shape_cast %xor3A_2338 : vector<16xi32> to vector<16xi32>
      tpu.vector_store %arg4[%swap3A_2339], %swap3A_2342 {strides = array<i32>} : memref<1024xi32, #tpu.memory_space<vmem>>, vector<16xi32>,
      %eq3A_2343 = arith.constant 53 : i32
      %eq3A_2344 = arith.cmpi eq, %and3A_228, %eq3A_2343 : i32
      %jit3A_2345 = arith.constant 0 : i32
      %jit3A_2346 = arith.constant -1 : i32
      %select_n3A_2347 = arith.select %eq3A_2344, %jit3A_2345, %jit3A_2346 : i32
      %get3A_2348 = arith.constant 848 : index
      %get3A_2349 = tpu.vector_load %arg4[%get3A_2348] {strides = array<i32>} : memref<1024xi32, #tpu.memory_space<vmem>>, vector<16xi32>,
      %get3A_2350 = vector.shape_cast %get3A_2349 : vector<16xi32> to vector<16xi32>
      %broadcast_in_dim3A_2351 = vector.shape_cast %shift_right_arithmetic3A_190 : vector<16xi32> to vector<16x1xi32>
      %gather3A_2352 = vector.shape_cast %broadcast_in_dim3A_2351 : vector<16x1xi32> to vector<16xi32>
      %gather3A_2353 = tpu.dynamic_gather %get3A_2350[%gather3A_2352] in [0] : vector<16xi32>, vector<16xi32> -> vector<16xi32>
      %broadcast_in_dim3A_2354 = vector.shape_cast %shift_right_arithmetic3A_202 : vector<16xi32> to vector<16x1xi32>
      %gather3A_2355 = vector.shape_cast %broadcast_in_dim3A_2354 : vector<16x1xi32> to vector<16xi32>
      %gather3A_2356 = tpu.dynamic_gather %get3A_2350[%gather3A_2355] in [0] : vector<16xi32>, vector<16xi32> -> vector<16xi32>
      %shift_right_arithmetic3A_2357 = arith.shrsi %gather3A_2353, %and3A_193 : vector<16xi32>
      %and3A_2358 = arith.constant 1 : i32
      %and3A_2359 = vector.broadcast %and3A_2358 : i32 to vector<16xi32>
      %and3A_2360 = arith.andi %shift_right_arithmetic3A_2357, %and3A_2359 : vector<16xi32>
      %shift_right_arithmetic3A_2361 = arith.shrsi %gather3A_2356, %and3A_205 : vector<16xi32>
      %and3A_2362 = arith.constant 1 : i32
      %and3A_2363 = vector.broadcast %and3A_2362 : i32 to vector<16xi32>
      %and3A_2364 = arith.andi %shift_right_arithmetic3A_2361, %and3A_2363 : vector<16xi32>
      %xor3A_2365 = arith.xori %and3A_2360, %and3A_2364 : vector<16xi32>
      %sub3A_2366 = arith.constant 0 : i32
      %sub3A_2367 = vector.broadcast %sub3A_2366 : i32 to vector<16xi32>
      %sub3A_2368 = arith.subi %sub3A_2367, %xor3A_2365 : vector<16xi32>
      %and3A_2369 = arith.andi %sub3A_2368, %and3A_224 : vector<16xi32>
      %sub3A_2370 = arith.constant 0 : i32
      %sub3A_2371 = vector.broadcast %sub3A_2370 : i32 to vector<16xi32>
      %sub3A_2372 = arith.subi %sub3A_2371, %and3A_2360 : vector<16xi32>
      %and3A_2373 = arith.andi %and3A_223, %sub3A_2372 : vector<16xi32>
      %xor3A_2374 = arith.xori %and3A_2369, %and3A_2373 : vector<16xi32>
      %and3A_2375 = vector.broadcast %select_n3A_2347 : i32 to vector<16xi32>
      %and3A_2376 = arith.andi %xor3A_2374, %and3A_2375 : vector<16xi32>
      %xor3A_2377 = arith.xori %get3A_2350, %and3A_2376 : vector<16xi32>
      %swap3A_2378 = arith.constant 848 : index
      %swap3A_2379 = tpu.vector_load %arg4[%swap3A_2378] {strides = array<i32>} : memref<1024xi32, #tpu.memory_space<vmem>>, vector<16xi32>,
      %swap3A_2380 = vector.shape_cast %swap3A_2379 : vector<16xi32> to vector<16xi32>
      %swap3A_2381 = vector.shape_cast %xor3A_2377 : vector<16xi32> to vector<16xi32>
      tpu.vector_store %arg4[%swap3A_2378], %swap3A_2381 {strides = array<i32>} : memref<1024xi32, #tpu.memory_space<vmem>>, vector<16xi32>,
      %eq3A_2382 = arith.constant 54 : i32
      %eq3A_2383 = arith.cmpi eq, %and3A_228, %eq3A_2382 : i32
      %jit3A_2384 = arith.constant 0 : i32
      %jit3A_2385 = arith.constant -1 : i32
      %select_n3A_2386 = arith.select %eq3A_2383, %jit3A_2384, %jit3A_2385 : i32
      %get3A_2387 = arith.constant 864 : index
      %get3A_2388 = tpu.vector_load %arg4[%get3A_2387] {strides = array<i32>} : memref<1024xi32, #tpu.memory_space<vmem>>, vector<16xi32>,
      %get3A_2389 = vector.shape_cast %get3A_2388 : vector<16xi32> to vector<16xi32>
      %broadcast_in_dim3A_2390 = vector.shape_cast %shift_right_arithmetic3A_190 : vector<16xi32> to vector<16x1xi32>
      %gather3A_2391 = vector.shape_cast %broadcast_in_dim3A_2390 : vector<16x1xi32> to vector<16xi32>
      %gather3A_2392 = tpu.dynamic_gather %get3A_2389[%gather3A_2391] in [0] : vector<16xi32>, vector<16xi32> -> vector<16xi32>
      %broadcast_in_dim3A_2393 = vector.shape_cast %shift_right_arithmetic3A_202 : vector<16xi32> to vector<16x1xi32>
      %gather3A_2394 = vector.shape_cast %broadcast_in_dim3A_2393 : vector<16x1xi32> to vector<16xi32>
      %gather3A_2395 = tpu.dynamic_gather %get3A_2389[%gather3A_2394] in [0] : vector<16xi32>, vector<16xi32> -> vector<16xi32>
      %shift_right_arithmetic3A_2396 = arith.shrsi %gather3A_2392, %and3A_193 : vector<16xi32>
      %and3A_2397 = arith.constant 1 : i32
      %and3A_2398 = vector.broadcast %and3A_2397 : i32 to vector<16xi32>
      %and3A_2399 = arith.andi %shift_right_arithmetic3A_2396, %and3A_2398 : vector<16xi32>
      %shift_right_arithmetic3A_2400 = arith.shrsi %gather3A_2395, %and3A_205 : vector<16xi32>
      %and3A_2401 = arith.constant 1 : i32
      %and3A_2402 = vector.broadcast %and3A_2401 : i32 to vector<16xi32>
      %and3A_2403 = arith.andi %shift_right_arithmetic3A_2400, %and3A_2402 : vector<16xi32>
      %xor3A_2404 = arith.xori %and3A_2399, %and3A_2403 : vector<16xi32>
      %sub3A_2405 = arith.constant 0 : i32
      %sub3A_2406 = vector.broadcast %sub3A_2405 : i32 to vector<16xi32>
      %sub3A_2407 = arith.subi %sub3A_2406, %xor3A_2404 : vector<16xi32>
      %and3A_2408 = arith.andi %sub3A_2407, %and3A_224 : vector<16xi32>
      %sub3A_2409 = arith.constant 0 : i32
      %sub3A_2410 = vector.broadcast %sub3A_2409 : i32 to vector<16xi32>
      %sub3A_2411 = arith.subi %sub3A_2410, %and3A_2399 : vector<16xi32>
      %and3A_2412 = arith.andi %and3A_223, %sub3A_2411 : vector<16xi32>
      %xor3A_2413 = arith.xori %and3A_2408, %and3A_2412 : vector<16xi32>
      %and3A_2414 = vector.broadcast %select_n3A_2386 : i32 to vector<16xi32>
      %and3A_2415 = arith.andi %xor3A_2413, %and3A_2414 : vector<16xi32>
      %xor3A_2416 = arith.xori %get3A_2389, %and3A_2415 : vector<16xi32>
      %swap3A_2417 = arith.constant 864 : index
      %swap3A_2418 = tpu.vector_load %arg4[%swap3A_2417] {strides = array<i32>} : memref<1024xi32, #tpu.memory_space<vmem>>, vector<16xi32>,
      %swap3A_2419 = vector.shape_cast %swap3A_2418 : vector<16xi32> to vector<16xi32>
      %swap3A_2420 = vector.shape_cast %xor3A_2416 : vector<16xi32> to vector<16xi32>
      tpu.vector_store %arg4[%swap3A_2417], %swap3A_2420 {strides = array<i32>} : memref<1024xi32, #tpu.memory_space<vmem>>, vector<16xi32>,
      %eq3A_2421 = arith.constant 55 : i32
      %eq3A_2422 = arith.cmpi eq, %and3A_228, %eq3A_2421 : i32
      %jit3A_2423 = arith.constant 0 : i32
      %jit3A_2424 = arith.constant -1 : i32
      %select_n3A_2425 = arith.select %eq3A_2422, %jit3A_2423, %jit3A_2424 : i32
      %get3A_2426 = arith.constant 880 : index
      %get3A_2427 = tpu.vector_load %arg4[%get3A_2426] {strides = array<i32>} : memref<1024xi32, #tpu.memory_space<vmem>>, vector<16xi32>,
      %get3A_2428 = vector.shape_cast %get3A_2427 : vector<16xi32> to vector<16xi32>
      %broadcast_in_dim3A_2429 = vector.shape_cast %shift_right_arithmetic3A_190 : vector<16xi32> to vector<16x1xi32>
      %gather3A_2430 = vector.shape_cast %broadcast_in_dim3A_2429 : vector<16x1xi32> to vector<16xi32>
      %gather3A_2431 = tpu.dynamic_gather %get3A_2428[%gather3A_2430] in [0] : vector<16xi32>, vector<16xi32> -> vector<16xi32>
      %broadcast_in_dim3A_2432 = vector.shape_cast %shift_right_arithmetic3A_202 : vector<16xi32> to vector<16x1xi32>
      %gather3A_2433 = vector.shape_cast %broadcast_in_dim3A_2432 : vector<16x1xi32> to vector<16xi32>
      %gather3A_2434 = tpu.dynamic_gather %get3A_2428[%gather3A_2433] in [0] : vector<16xi32>, vector<16xi32> -> vector<16xi32>
      %shift_right_arithmetic3A_2435 = arith.shrsi %gather3A_2431, %and3A_193 : vector<16xi32>
      %and3A_2436 = arith.constant 1 : i32
      %and3A_2437 = vector.broadcast %and3A_2436 : i32 to vector<16xi32>
      %and3A_2438 = arith.andi %shift_right_arithmetic3A_2435, %and3A_2437 : vector<16xi32>
      %shift_right_arithmetic3A_2439 = arith.shrsi %gather3A_2434, %and3A_205 : vector<16xi32>
      %and3A_2440 = arith.constant 1 : i32
      %and3A_2441 = vector.broadcast %and3A_2440 : i32 to vector<16xi32>
      %and3A_2442 = arith.andi %shift_right_arithmetic3A_2439, %and3A_2441 : vector<16xi32>
      %xor3A_2443 = arith.xori %and3A_2438, %and3A_2442 : vector<16xi32>
      %sub3A_2444 = arith.constant 0 : i32
      %sub3A_2445 = vector.broadcast %sub3A_2444 : i32 to vector<16xi32>
      %sub3A_2446 = arith.subi %sub3A_2445, %xor3A_2443 : vector<16xi32>
      %and3A_2447 = arith.andi %sub3A_2446, %and3A_224 : vector<16xi32>
      %sub3A_2448 = arith.constant 0 : i32
      %sub3A_2449 = vector.broadcast %sub3A_2448 : i32 to vector<16xi32>
      %sub3A_2450 = arith.subi %sub3A_2449, %and3A_2438 : vector<16xi32>
      %and3A_2451 = arith.andi %and3A_223, %sub3A_2450 : vector<16xi32>
      %xor3A_2452 = arith.xori %and3A_2447, %and3A_2451 : vector<16xi32>
      %and3A_2453 = vector.broadcast %select_n3A_2425 : i32 to vector<16xi32>
      %and3A_2454 = arith.andi %xor3A_2452, %and3A_2453 : vector<16xi32>
      %xor3A_2455 = arith.xori %get3A_2428, %and3A_2454 : vector<16xi32>
      %swap3A_2456 = arith.constant 880 : index
      %swap3A_2457 = tpu.vector_load %arg4[%swap3A_2456] {strides = array<i32>} : memref<1024xi32, #tpu.memory_space<vmem>>, vector<16xi32>,
      %swap3A_2458 = vector.shape_cast %swap3A_2457 : vector<16xi32> to vector<16xi32>
      %swap3A_2459 = vector.shape_cast %xor3A_2455 : vector<16xi32> to vector<16xi32>
      tpu.vector_store %arg4[%swap3A_2456], %swap3A_2459 {strides = array<i32>} : memref<1024xi32, #tpu.memory_space<vmem>>, vector<16xi32>,
      %eq3A_2460 = arith.constant 56 : i32
      %eq3A_2461 = arith.cmpi eq, %and3A_228, %eq3A_2460 : i32
      %jit3A_2462 = arith.constant 0 : i32
      %jit3A_2463 = arith.constant -1 : i32
      %select_n3A_2464 = arith.select %eq3A_2461, %jit3A_2462, %jit3A_2463 : i32
      %get3A_2465 = arith.constant 896 : index
      %get3A_2466 = tpu.vector_load %arg4[%get3A_2465] {strides = array<i32>} : memref<1024xi32, #tpu.memory_space<vmem>>, vector<16xi32>,
      %get3A_2467 = vector.shape_cast %get3A_2466 : vector<16xi32> to vector<16xi32>
      %broadcast_in_dim3A_2468 = vector.shape_cast %shift_right_arithmetic3A_190 : vector<16xi32> to vector<16x1xi32>
      %gather3A_2469 = vector.shape_cast %broadcast_in_dim3A_2468 : vector<16x1xi32> to vector<16xi32>
      %gather3A_2470 = tpu.dynamic_gather %get3A_2467[%gather3A_2469] in [0] : vector<16xi32>, vector<16xi32> -> vector<16xi32>
      %broadcast_in_dim3A_2471 = vector.shape_cast %shift_right_arithmetic3A_202 : vector<16xi32> to vector<16x1xi32>
      %gather3A_2472 = vector.shape_cast %broadcast_in_dim3A_2471 : vector<16x1xi32> to vector<16xi32>
      %gather3A_2473 = tpu.dynamic_gather %get3A_2467[%gather3A_2472] in [0] : vector<16xi32>, vector<16xi32> -> vector<16xi32>
      %shift_right_arithmetic3A_2474 = arith.shrsi %gather3A_2470, %and3A_193 : vector<16xi32>
      %and3A_2475 = arith.constant 1 : i32
      %and3A_2476 = vector.broadcast %and3A_2475 : i32 to vector<16xi32>
      %and3A_2477 = arith.andi %shift_right_arithmetic3A_2474, %and3A_2476 : vector<16xi32>
      %shift_right_arithmetic3A_2478 = arith.shrsi %gather3A_2473, %and3A_205 : vector<16xi32>
      %and3A_2479 = arith.constant 1 : i32
      %and3A_2480 = vector.broadcast %and3A_2479 : i32 to vector<16xi32>
      %and3A_2481 = arith.andi %shift_right_arithmetic3A_2478, %and3A_2480 : vector<16xi32>
      %xor3A_2482 = arith.xori %and3A_2477, %and3A_2481 : vector<16xi32>
      %sub3A_2483 = arith.constant 0 : i32
      %sub3A_2484 = vector.broadcast %sub3A_2483 : i32 to vector<16xi32>
      %sub3A_2485 = arith.subi %sub3A_2484, %xor3A_2482 : vector<16xi32>
      %and3A_2486 = arith.andi %sub3A_2485, %and3A_224 : vector<16xi32>
      %sub3A_2487 = arith.constant 0 : i32
      %sub3A_2488 = vector.broadcast %sub3A_2487 : i32 to vector<16xi32>
      %sub3A_2489 = arith.subi %sub3A_2488, %and3A_2477 : vector<16xi32>
      %and3A_2490 = arith.andi %and3A_223, %sub3A_2489 : vector<16xi32>
      %xor3A_2491 = arith.xori %and3A_2486, %and3A_2490 : vector<16xi32>
      %and3A_2492 = vector.broadcast %select_n3A_2464 : i32 to vector<16xi32>
      %and3A_2493 = arith.andi %xor3A_2491, %and3A_2492 : vector<16xi32>
      %xor3A_2494 = arith.xori %get3A_2467, %and3A_2493 : vector<16xi32>
      %swap3A_2495 = arith.constant 896 : index
      %swap3A_2496 = tpu.vector_load %arg4[%swap3A_2495] {strides = array<i32>} : memref<1024xi32, #tpu.memory_space<vmem>>, vector<16xi32>,
      %swap3A_2497 = vector.shape_cast %swap3A_2496 : vector<16xi32> to vector<16xi32>
      %swap3A_2498 = vector.shape_cast %xor3A_2494 : vector<16xi32> to vector<16xi32>
      tpu.vector_store %arg4[%swap3A_2495], %swap3A_2498 {strides = array<i32>} : memref<1024xi32, #tpu.memory_space<vmem>>, vector<16xi32>,
      %eq3A_2499 = arith.constant 57 : i32
      %eq3A_2500 = arith.cmpi eq, %and3A_228, %eq3A_2499 : i32
      %jit3A_2501 = arith.constant 0 : i32
      %jit3A_2502 = arith.constant -1 : i32
      %select_n3A_2503 = arith.select %eq3A_2500, %jit3A_2501, %jit3A_2502 : i32
      %get3A_2504 = arith.constant 912 : index
      %get3A_2505 = tpu.vector_load %arg4[%get3A_2504] {strides = array<i32>} : memref<1024xi32, #tpu.memory_space<vmem>>, vector<16xi32>,
      %get3A_2506 = vector.shape_cast %get3A_2505 : vector<16xi32> to vector<16xi32>
      %broadcast_in_dim3A_2507 = vector.shape_cast %shift_right_arithmetic3A_190 : vector<16xi32> to vector<16x1xi32>
      %gather3A_2508 = vector.shape_cast %broadcast_in_dim3A_2507 : vector<16x1xi32> to vector<16xi32>
      %gather3A_2509 = tpu.dynamic_gather %get3A_2506[%gather3A_2508] in [0] : vector<16xi32>, vector<16xi32> -> vector<16xi32>
      %broadcast_in_dim3A_2510 = vector.shape_cast %shift_right_arithmetic3A_202 : vector<16xi32> to vector<16x1xi32>
      %gather3A_2511 = vector.shape_cast %broadcast_in_dim3A_2510 : vector<16x1xi32> to vector<16xi32>
      %gather3A_2512 = tpu.dynamic_gather %get3A_2506[%gather3A_2511] in [0] : vector<16xi32>, vector<16xi32> -> vector<16xi32>
      %shift_right_arithmetic3A_2513 = arith.shrsi %gather3A_2509, %and3A_193 : vector<16xi32>
      %and3A_2514 = arith.constant 1 : i32
      %and3A_2515 = vector.broadcast %and3A_2514 : i32 to vector<16xi32>
      %and3A_2516 = arith.andi %shift_right_arithmetic3A_2513, %and3A_2515 : vector<16xi32>
      %shift_right_arithmetic3A_2517 = arith.shrsi %gather3A_2512, %and3A_205 : vector<16xi32>
      %and3A_2518 = arith.constant 1 : i32
      %and3A_2519 = vector.broadcast %and3A_2518 : i32 to vector<16xi32>
      %and3A_2520 = arith.andi %shift_right_arithmetic3A_2517, %and3A_2519 : vector<16xi32>
      %xor3A_2521 = arith.xori %and3A_2516, %and3A_2520 : vector<16xi32>
      %sub3A_2522 = arith.constant 0 : i32
      %sub3A_2523 = vector.broadcast %sub3A_2522 : i32 to vector<16xi32>
      %sub3A_2524 = arith.subi %sub3A_2523, %xor3A_2521 : vector<16xi32>
      %and3A_2525 = arith.andi %sub3A_2524, %and3A_224 : vector<16xi32>
      %sub3A_2526 = arith.constant 0 : i32
      %sub3A_2527 = vector.broadcast %sub3A_2526 : i32 to vector<16xi32>
      %sub3A_2528 = arith.subi %sub3A_2527, %and3A_2516 : vector<16xi32>
      %and3A_2529 = arith.andi %and3A_223, %sub3A_2528 : vector<16xi32>
      %xor3A_2530 = arith.xori %and3A_2525, %and3A_2529 : vector<16xi32>
      %and3A_2531 = vector.broadcast %select_n3A_2503 : i32 to vector<16xi32>
      %and3A_2532 = arith.andi %xor3A_2530, %and3A_2531 : vector<16xi32>
      %xor3A_2533 = arith.xori %get3A_2506, %and3A_2532 : vector<16xi32>
      %swap3A_2534 = arith.constant 912 : index
      %swap3A_2535 = tpu.vector_load %arg4[%swap3A_2534] {strides = array<i32>} : memref<1024xi32, #tpu.memory_space<vmem>>, vector<16xi32>,
      %swap3A_2536 = vector.shape_cast %swap3A_2535 : vector<16xi32> to vector<16xi32>
      %swap3A_2537 = vector.shape_cast %xor3A_2533 : vector<16xi32> to vector<16xi32>
      tpu.vector_store %arg4[%swap3A_2534], %swap3A_2537 {strides = array<i32>} : memref<1024xi32, #tpu.memory_space<vmem>>, vector<16xi32>,
      %eq3A_2538 = arith.constant 58 : i32
      %eq3A_2539 = arith.cmpi eq, %and3A_228, %eq3A_2538 : i32
      %jit3A_2540 = arith.constant 0 : i32
      %jit3A_2541 = arith.constant -1 : i32
      %select_n3A_2542 = arith.select %eq3A_2539, %jit3A_2540, %jit3A_2541 : i32
      %get3A_2543 = arith.constant 928 : index
      %get3A_2544 = tpu.vector_load %arg4[%get3A_2543] {strides = array<i32>} : memref<1024xi32, #tpu.memory_space<vmem>>, vector<16xi32>,
      %get3A_2545 = vector.shape_cast %get3A_2544 : vector<16xi32> to vector<16xi32>
      %broadcast_in_dim3A_2546 = vector.shape_cast %shift_right_arithmetic3A_190 : vector<16xi32> to vector<16x1xi32>
      %gather3A_2547 = vector.shape_cast %broadcast_in_dim3A_2546 : vector<16x1xi32> to vector<16xi32>
      %gather3A_2548 = tpu.dynamic_gather %get3A_2545[%gather3A_2547] in [0] : vector<16xi32>, vector<16xi32> -> vector<16xi32>
      %broadcast_in_dim3A_2549 = vector.shape_cast %shift_right_arithmetic3A_202 : vector<16xi32> to vector<16x1xi32>
      %gather3A_2550 = vector.shape_cast %broadcast_in_dim3A_2549 : vector<16x1xi32> to vector<16xi32>
      %gather3A_2551 = tpu.dynamic_gather %get3A_2545[%gather3A_2550] in [0] : vector<16xi32>, vector<16xi32> -> vector<16xi32>
      %shift_right_arithmetic3A_2552 = arith.shrsi %gather3A_2548, %and3A_193 : vector<16xi32>
      %and3A_2553 = arith.constant 1 : i32
      %and3A_2554 = vector.broadcast %and3A_2553 : i32 to vector<16xi32>
      %and3A_2555 = arith.andi %shift_right_arithmetic3A_2552, %and3A_2554 : vector<16xi32>
      %shift_right_arithmetic3A_2556 = arith.shrsi %gather3A_2551, %and3A_205 : vector<16xi32>
      %and3A_2557 = arith.constant 1 : i32
      %and3A_2558 = vector.broadcast %and3A_2557 : i32 to vector<16xi32>
      %and3A_2559 = arith.andi %shift_right_arithmetic3A_2556, %and3A_2558 : vector<16xi32>
      %xor3A_2560 = arith.xori %and3A_2555, %and3A_2559 : vector<16xi32>
      %sub3A_2561 = arith.constant 0 : i32
      %sub3A_2562 = vector.broadcast %sub3A_2561 : i32 to vector<16xi32>
      %sub3A_2563 = arith.subi %sub3A_2562, %xor3A_2560 : vector<16xi32>
      %and3A_2564 = arith.andi %sub3A_2563, %and3A_224 : vector<16xi32>
      %sub3A_2565 = arith.constant 0 : i32
      %sub3A_2566 = vector.broadcast %sub3A_2565 : i32 to vector<16xi32>
      %sub3A_2567 = arith.subi %sub3A_2566, %and3A_2555 : vector<16xi32>
      %and3A_2568 = arith.andi %and3A_223, %sub3A_2567 : vector<16xi32>
      %xor3A_2569 = arith.xori %and3A_2564, %and3A_2568 : vector<16xi32>
      %and3A_2570 = vector.broadcast %select_n3A_2542 : i32 to vector<16xi32>
      %and3A_2571 = arith.andi %xor3A_2569, %and3A_2570 : vector<16xi32>
      %xor3A_2572 = arith.xori %get3A_2545, %and3A_2571 : vector<16xi32>
      %swap3A_2573 = arith.constant 928 : index
      %swap3A_2574 = tpu.vector_load %arg4[%swap3A_2573] {strides = array<i32>} : memref<1024xi32, #tpu.memory_space<vmem>>, vector<16xi32>,
      %swap3A_2575 = vector.shape_cast %swap3A_2574 : vector<16xi32> to vector<16xi32>
      %swap3A_2576 = vector.shape_cast %xor3A_2572 : vector<16xi32> to vector<16xi32>
      tpu.vector_store %arg4[%swap3A_2573], %swap3A_2576 {strides = array<i32>} : memref<1024xi32, #tpu.memory_space<vmem>>, vector<16xi32>,
      %eq3A_2577 = arith.constant 59 : i32
      %eq3A_2578 = arith.cmpi eq, %and3A_228, %eq3A_2577 : i32
      %jit3A_2579 = arith.constant 0 : i32
      %jit3A_2580 = arith.constant -1 : i32
      %select_n3A_2581 = arith.select %eq3A_2578, %jit3A_2579, %jit3A_2580 : i32
      %get3A_2582 = arith.constant 944 : index
      %get3A_2583 = tpu.vector_load %arg4[%get3A_2582] {strides = array<i32>} : memref<1024xi32, #tpu.memory_space<vmem>>, vector<16xi32>,
      %get3A_2584 = vector.shape_cast %get3A_2583 : vector<16xi32> to vector<16xi32>
      %broadcast_in_dim3A_2585 = vector.shape_cast %shift_right_arithmetic3A_190 : vector<16xi32> to vector<16x1xi32>
      %gather3A_2586 = vector.shape_cast %broadcast_in_dim3A_2585 : vector<16x1xi32> to vector<16xi32>
      %gather3A_2587 = tpu.dynamic_gather %get3A_2584[%gather3A_2586] in [0] : vector<16xi32>, vector<16xi32> -> vector<16xi32>
      %broadcast_in_dim3A_2588 = vector.shape_cast %shift_right_arithmetic3A_202 : vector<16xi32> to vector<16x1xi32>
      %gather3A_2589 = vector.shape_cast %broadcast_in_dim3A_2588 : vector<16x1xi32> to vector<16xi32>
      %gather3A_2590 = tpu.dynamic_gather %get3A_2584[%gather3A_2589] in [0] : vector<16xi32>, vector<16xi32> -> vector<16xi32>
      %shift_right_arithmetic3A_2591 = arith.shrsi %gather3A_2587, %and3A_193 : vector<16xi32>
      %and3A_2592 = arith.constant 1 : i32
      %and3A_2593 = vector.broadcast %and3A_2592 : i32 to vector<16xi32>
      %and3A_2594 = arith.andi %shift_right_arithmetic3A_2591, %and3A_2593 : vector<16xi32>
      %shift_right_arithmetic3A_2595 = arith.shrsi %gather3A_2590, %and3A_205 : vector<16xi32>
      %and3A_2596 = arith.constant 1 : i32
      %and3A_2597 = vector.broadcast %and3A_2596 : i32 to vector<16xi32>
      %and3A_2598 = arith.andi %shift_right_arithmetic3A_2595, %and3A_2597 : vector<16xi32>
      %xor3A_2599 = arith.xori %and3A_2594, %and3A_2598 : vector<16xi32>
      %sub3A_2600 = arith.constant 0 : i32
      %sub3A_2601 = vector.broadcast %sub3A_2600 : i32 to vector<16xi32>
      %sub3A_2602 = arith.subi %sub3A_2601, %xor3A_2599 : vector<16xi32>
      %and3A_2603 = arith.andi %sub3A_2602, %and3A_224 : vector<16xi32>
      %sub3A_2604 = arith.constant 0 : i32
      %sub3A_2605 = vector.broadcast %sub3A_2604 : i32 to vector<16xi32>
      %sub3A_2606 = arith.subi %sub3A_2605, %and3A_2594 : vector<16xi32>
      %and3A_2607 = arith.andi %and3A_223, %sub3A_2606 : vector<16xi32>
      %xor3A_2608 = arith.xori %and3A_2603, %and3A_2607 : vector<16xi32>
      %and3A_2609 = vector.broadcast %select_n3A_2581 : i32 to vector<16xi32>
      %and3A_2610 = arith.andi %xor3A_2608, %and3A_2609 : vector<16xi32>
      %xor3A_2611 = arith.xori %get3A_2584, %and3A_2610 : vector<16xi32>
      %swap3A_2612 = arith.constant 944 : index
      %swap3A_2613 = tpu.vector_load %arg4[%swap3A_2612] {strides = array<i32>} : memref<1024xi32, #tpu.memory_space<vmem>>, vector<16xi32>,
      %swap3A_2614 = vector.shape_cast %swap3A_2613 : vector<16xi32> to vector<16xi32>
      %swap3A_2615 = vector.shape_cast %xor3A_2611 : vector<16xi32> to vector<16xi32>
      tpu.vector_store %arg4[%swap3A_2612], %swap3A_2615 {strides = array<i32>} : memref<1024xi32, #tpu.memory_space<vmem>>, vector<16xi32>,
      %eq3A_2616 = arith.constant 60 : i32
      %eq3A_2617 = arith.cmpi eq, %and3A_228, %eq3A_2616 : i32
      %jit3A_2618 = arith.constant 0 : i32
      %jit3A_2619 = arith.constant -1 : i32
      %select_n3A_2620 = arith.select %eq3A_2617, %jit3A_2618, %jit3A_2619 : i32
      %get3A_2621 = arith.constant 960 : index
      %get3A_2622 = tpu.vector_load %arg4[%get3A_2621] {strides = array<i32>} : memref<1024xi32, #tpu.memory_space<vmem>>, vector<16xi32>,
      %get3A_2623 = vector.shape_cast %get3A_2622 : vector<16xi32> to vector<16xi32>
      %broadcast_in_dim3A_2624 = vector.shape_cast %shift_right_arithmetic3A_190 : vector<16xi32> to vector<16x1xi32>
      %gather3A_2625 = vector.shape_cast %broadcast_in_dim3A_2624 : vector<16x1xi32> to vector<16xi32>
      %gather3A_2626 = tpu.dynamic_gather %get3A_2623[%gather3A_2625] in [0] : vector<16xi32>, vector<16xi32> -> vector<16xi32>
      %broadcast_in_dim3A_2627 = vector.shape_cast %shift_right_arithmetic3A_202 : vector<16xi32> to vector<16x1xi32>
      %gather3A_2628 = vector.shape_cast %broadcast_in_dim3A_2627 : vector<16x1xi32> to vector<16xi32>
      %gather3A_2629 = tpu.dynamic_gather %get3A_2623[%gather3A_2628] in [0] : vector<16xi32>, vector<16xi32> -> vector<16xi32>
      %shift_right_arithmetic3A_2630 = arith.shrsi %gather3A_2626, %and3A_193 : vector<16xi32>
      %and3A_2631 = arith.constant 1 : i32
      %and3A_2632 = vector.broadcast %and3A_2631 : i32 to vector<16xi32>
      %and3A_2633 = arith.andi %shift_right_arithmetic3A_2630, %and3A_2632 : vector<16xi32>
      %shift_right_arithmetic3A_2634 = arith.shrsi %gather3A_2629, %and3A_205 : vector<16xi32>
      %and3A_2635 = arith.constant 1 : i32
      %and3A_2636 = vector.broadcast %and3A_2635 : i32 to vector<16xi32>
      %and3A_2637 = arith.andi %shift_right_arithmetic3A_2634, %and3A_2636 : vector<16xi32>
      %xor3A_2638 = arith.xori %and3A_2633, %and3A_2637 : vector<16xi32>
      %sub3A_2639 = arith.constant 0 : i32
      %sub3A_2640 = vector.broadcast %sub3A_2639 : i32 to vector<16xi32>
      %sub3A_2641 = arith.subi %sub3A_2640, %xor3A_2638 : vector<16xi32>
      %and3A_2642 = arith.andi %sub3A_2641, %and3A_224 : vector<16xi32>
      %sub3A_2643 = arith.constant 0 : i32
      %sub3A_2644 = vector.broadcast %sub3A_2643 : i32 to vector<16xi32>
      %sub3A_2645 = arith.subi %sub3A_2644, %and3A_2633 : vector<16xi32>
      %and3A_2646 = arith.andi %and3A_223, %sub3A_2645 : vector<16xi32>
      %xor3A_2647 = arith.xori %and3A_2642, %and3A_2646 : vector<16xi32>
      %and3A_2648 = vector.broadcast %select_n3A_2620 : i32 to vector<16xi32>
      %and3A_2649 = arith.andi %xor3A_2647, %and3A_2648 : vector<16xi32>
      %xor3A_2650 = arith.xori %get3A_2623, %and3A_2649 : vector<16xi32>
      %swap3A_2651 = arith.constant 960 : index
      %swap3A_2652 = tpu.vector_load %arg4[%swap3A_2651] {strides = array<i32>} : memref<1024xi32, #tpu.memory_space<vmem>>, vector<16xi32>,
      %swap3A_2653 = vector.shape_cast %swap3A_2652 : vector<16xi32> to vector<16xi32>
      %swap3A_2654 = vector.shape_cast %xor3A_2650 : vector<16xi32> to vector<16xi32>
      tpu.vector_store %arg4[%swap3A_2651], %swap3A_2654 {strides = array<i32>} : memref<1024xi32, #tpu.memory_space<vmem>>, vector<16xi32>,
      %eq3A_2655 = arith.constant 61 : i32
      %eq3A_2656 = arith.cmpi eq, %and3A_228, %eq3A_2655 : i32
      %jit3A_2657 = arith.constant 0 : i32
      %jit3A_2658 = arith.constant -1 : i32
      %select_n3A_2659 = arith.select %eq3A_2656, %jit3A_2657, %jit3A_2658 : i32
      %get3A_2660 = arith.constant 976 : index
      %get3A_2661 = tpu.vector_load %arg4[%get3A_2660] {strides = array<i32>} : memref<1024xi32, #tpu.memory_space<vmem>>, vector<16xi32>,
      %get3A_2662 = vector.shape_cast %get3A_2661 : vector<16xi32> to vector<16xi32>
      %broadcast_in_dim3A_2663 = vector.shape_cast %shift_right_arithmetic3A_190 : vector<16xi32> to vector<16x1xi32>
      %gather3A_2664 = vector.shape_cast %broadcast_in_dim3A_2663 : vector<16x1xi32> to vector<16xi32>
      %gather3A_2665 = tpu.dynamic_gather %get3A_2662[%gather3A_2664] in [0] : vector<16xi32>, vector<16xi32> -> vector<16xi32>
      %broadcast_in_dim3A_2666 = vector.shape_cast %shift_right_arithmetic3A_202 : vector<16xi32> to vector<16x1xi32>
      %gather3A_2667 = vector.shape_cast %broadcast_in_dim3A_2666 : vector<16x1xi32> to vector<16xi32>
      %gather3A_2668 = tpu.dynamic_gather %get3A_2662[%gather3A_2667] in [0] : vector<16xi32>, vector<16xi32> -> vector<16xi32>
      %shift_right_arithmetic3A_2669 = arith.shrsi %gather3A_2665, %and3A_193 : vector<16xi32>
      %and3A_2670 = arith.constant 1 : i32
      %and3A_2671 = vector.broadcast %and3A_2670 : i32 to vector<16xi32>
      %and3A_2672 = arith.andi %shift_right_arithmetic3A_2669, %and3A_2671 : vector<16xi32>
      %shift_right_arithmetic3A_2673 = arith.shrsi %gather3A_2668, %and3A_205 : vector<16xi32>
      %and3A_2674 = arith.constant 1 : i32
      %and3A_2675 = vector.broadcast %and3A_2674 : i32 to vector<16xi32>
      %and3A_2676 = arith.andi %shift_right_arithmetic3A_2673, %and3A_2675 : vector<16xi32>
      %xor3A_2677 = arith.xori %and3A_2672, %and3A_2676 : vector<16xi32>
      %sub3A_2678 = arith.constant 0 : i32
      %sub3A_2679 = vector.broadcast %sub3A_2678 : i32 to vector<16xi32>
      %sub3A_2680 = arith.subi %sub3A_2679, %xor3A_2677 : vector<16xi32>
      %and3A_2681 = arith.andi %sub3A_2680, %and3A_224 : vector<16xi32>
      %sub3A_2682 = arith.constant 0 : i32
      %sub3A_2683 = vector.broadcast %sub3A_2682 : i32 to vector<16xi32>
      %sub3A_2684 = arith.subi %sub3A_2683, %and3A_2672 : vector<16xi32>
      %and3A_2685 = arith.andi %and3A_223, %sub3A_2684 : vector<16xi32>
      %xor3A_2686 = arith.xori %and3A_2681, %and3A_2685 : vector<16xi32>
      %and3A_2687 = vector.broadcast %select_n3A_2659 : i32 to vector<16xi32>
      %and3A_2688 = arith.andi %xor3A_2686, %and3A_2687 : vector<16xi32>
      %xor3A_2689 = arith.xori %get3A_2662, %and3A_2688 : vector<16xi32>
      %swap3A_2690 = arith.constant 976 : index
      %swap3A_2691 = tpu.vector_load %arg4[%swap3A_2690] {strides = array<i32>} : memref<1024xi32, #tpu.memory_space<vmem>>, vector<16xi32>,
      %swap3A_2692 = vector.shape_cast %swap3A_2691 : vector<16xi32> to vector<16xi32>
      %swap3A_2693 = vector.shape_cast %xor3A_2689 : vector<16xi32> to vector<16xi32>
      tpu.vector_store %arg4[%swap3A_2690], %swap3A_2693 {strides = array<i32>} : memref<1024xi32, #tpu.memory_space<vmem>>, vector<16xi32>,
      %eq3A_2694 = arith.constant 62 : i32
      %eq3A_2695 = arith.cmpi eq, %and3A_228, %eq3A_2694 : i32
      %jit3A_2696 = arith.constant 0 : i32
      %jit3A_2697 = arith.constant -1 : i32
      %select_n3A_2698 = arith.select %eq3A_2695, %jit3A_2696, %jit3A_2697 : i32
      %get3A_2699 = arith.constant 992 : index
      %get3A_2700 = tpu.vector_load %arg4[%get3A_2699] {strides = array<i32>} : memref<1024xi32, #tpu.memory_space<vmem>>, vector<16xi32>,
      %get3A_2701 = vector.shape_cast %get3A_2700 : vector<16xi32> to vector<16xi32>
      %broadcast_in_dim3A_2702 = vector.shape_cast %shift_right_arithmetic3A_190 : vector<16xi32> to vector<16x1xi32>
      %gather3A_2703 = vector.shape_cast %broadcast_in_dim3A_2702 : vector<16x1xi32> to vector<16xi32>
      %gather3A_2704 = tpu.dynamic_gather %get3A_2701[%gather3A_2703] in [0] : vector<16xi32>, vector<16xi32> -> vector<16xi32>
      %broadcast_in_dim3A_2705 = vector.shape_cast %shift_right_arithmetic3A_202 : vector<16xi32> to vector<16x1xi32>
      %gather3A_2706 = vector.shape_cast %broadcast_in_dim3A_2705 : vector<16x1xi32> to vector<16xi32>
      %gather3A_2707 = tpu.dynamic_gather %get3A_2701[%gather3A_2706] in [0] : vector<16xi32>, vector<16xi32> -> vector<16xi32>
      %shift_right_arithmetic3A_2708 = arith.shrsi %gather3A_2704, %and3A_193 : vector<16xi32>
      %and3A_2709 = arith.constant 1 : i32
      %and3A_2710 = vector.broadcast %and3A_2709 : i32 to vector<16xi32>
      %and3A_2711 = arith.andi %shift_right_arithmetic3A_2708, %and3A_2710 : vector<16xi32>
      %shift_right_arithmetic3A_2712 = arith.shrsi %gather3A_2707, %and3A_205 : vector<16xi32>
      %and3A_2713 = arith.constant 1 : i32
      %and3A_2714 = vector.broadcast %and3A_2713 : i32 to vector<16xi32>
      %and3A_2715 = arith.andi %shift_right_arithmetic3A_2712, %and3A_2714 : vector<16xi32>
      %xor3A_2716 = arith.xori %and3A_2711, %and3A_2715 : vector<16xi32>
      %sub3A_2717 = arith.constant 0 : i32
      %sub3A_2718 = vector.broadcast %sub3A_2717 : i32 to vector<16xi32>
      %sub3A_2719 = arith.subi %sub3A_2718, %xor3A_2716 : vector<16xi32>
      %and3A_2720 = arith.andi %sub3A_2719, %and3A_224 : vector<16xi32>
      %sub3A_2721 = arith.constant 0 : i32
      %sub3A_2722 = vector.broadcast %sub3A_2721 : i32 to vector<16xi32>
      %sub3A_2723 = arith.subi %sub3A_2722, %and3A_2711 : vector<16xi32>
      %and3A_2724 = arith.andi %and3A_223, %sub3A_2723 : vector<16xi32>
      %xor3A_2725 = arith.xori %and3A_2720, %and3A_2724 : vector<16xi32>
      %and3A_2726 = vector.broadcast %select_n3A_2698 : i32 to vector<16xi32>
      %and3A_2727 = arith.andi %xor3A_2725, %and3A_2726 : vector<16xi32>
      %xor3A_2728 = arith.xori %get3A_2701, %and3A_2727 : vector<16xi32>
      %swap3A_2729 = arith.constant 992 : index
      %swap3A_2730 = tpu.vector_load %arg4[%swap3A_2729] {strides = array<i32>} : memref<1024xi32, #tpu.memory_space<vmem>>, vector<16xi32>,
      %swap3A_2731 = vector.shape_cast %swap3A_2730 : vector<16xi32> to vector<16xi32>
      %swap3A_2732 = vector.shape_cast %xor3A_2728 : vector<16xi32> to vector<16xi32>
      tpu.vector_store %arg4[%swap3A_2729], %swap3A_2732 {strides = array<i32>} : memref<1024xi32, #tpu.memory_space<vmem>>, vector<16xi32>,
      %eq3A_2733 = arith.constant 63 : i32
      %eq3A_2734 = arith.cmpi eq, %and3A_228, %eq3A_2733 : i32
      %jit3A_2735 = arith.constant 0 : i32
      %jit3A_2736 = arith.constant -1 : i32
      %select_n3A_2737 = arith.select %eq3A_2734, %jit3A_2735, %jit3A_2736 : i32
      %get3A_2738 = arith.constant 1008 : index
      %get3A_2739 = tpu.vector_load %arg4[%get3A_2738] {strides = array<i32>} : memref<1024xi32, #tpu.memory_space<vmem>>, vector<16xi32>,
      %get3A_2740 = vector.shape_cast %get3A_2739 : vector<16xi32> to vector<16xi32>
      %broadcast_in_dim3A_2741 = vector.shape_cast %shift_right_arithmetic3A_190 : vector<16xi32> to vector<16x1xi32>
      %gather3A_2742 = vector.shape_cast %broadcast_in_dim3A_2741 : vector<16x1xi32> to vector<16xi32>
      %gather3A_2743 = tpu.dynamic_gather %get3A_2740[%gather3A_2742] in [0] : vector<16xi32>, vector<16xi32> -> vector<16xi32>
      %broadcast_in_dim3A_2744 = vector.shape_cast %shift_right_arithmetic3A_202 : vector<16xi32> to vector<16x1xi32>
      %gather3A_2745 = vector.shape_cast %broadcast_in_dim3A_2744 : vector<16x1xi32> to vector<16xi32>
      %gather3A_2746 = tpu.dynamic_gather %get3A_2740[%gather3A_2745] in [0] : vector<16xi32>, vector<16xi32> -> vector<16xi32>
      %shift_right_arithmetic3A_2747 = arith.shrsi %gather3A_2743, %and3A_193 : vector<16xi32>
      %and3A_2748 = arith.constant 1 : i32
      %and3A_2749 = vector.broadcast %and3A_2748 : i32 to vector<16xi32>
      %and3A_2750 = arith.andi %shift_right_arithmetic3A_2747, %and3A_2749 : vector<16xi32>
      %shift_right_arithmetic3A_2751 = arith.shrsi %gather3A_2746, %and3A_205 : vector<16xi32>
      %and3A_2752 = arith.constant 1 : i32
      %and3A_2753 = vector.broadcast %and3A_2752 : i32 to vector<16xi32>
      %and3A_2754 = arith.andi %shift_right_arithmetic3A_2751, %and3A_2753 : vector<16xi32>
      %xor3A_2755 = arith.xori %and3A_2750, %and3A_2754 : vector<16xi32>
      %sub3A_2756 = arith.constant 0 : i32
      %sub3A_2757 = vector.broadcast %sub3A_2756 : i32 to vector<16xi32>
      %sub3A_2758 = arith.subi %sub3A_2757, %xor3A_2755 : vector<16xi32>
      %and3A_2759 = arith.andi %sub3A_2758, %and3A_224 : vector<16xi32>
      %sub3A_2760 = arith.constant 0 : i32
      %sub3A_2761 = vector.broadcast %sub3A_2760 : i32 to vector<16xi32>
      %sub3A_2762 = arith.subi %sub3A_2761, %and3A_2750 : vector<16xi32>
      %and3A_2763 = arith.andi %and3A_223, %sub3A_2762 : vector<16xi32>
      %xor3A_2764 = arith.xori %and3A_2759, %and3A_2763 : vector<16xi32>
      %and3A_2765 = vector.broadcast %select_n3A_2737 : i32 to vector<16xi32>
      %and3A_2766 = arith.andi %xor3A_2764, %and3A_2765 : vector<16xi32>
      %xor3A_2767 = arith.xori %get3A_2740, %and3A_2766 : vector<16xi32>
      %swap3A_2768 = arith.constant 1008 : index
      %swap3A_2769 = tpu.vector_load %arg4[%swap3A_2768] {strides = array<i32>} : memref<1024xi32, #tpu.memory_space<vmem>>, vector<16xi32>,
      %swap3A_2770 = vector.shape_cast %swap3A_2769 : vector<16xi32> to vector<16xi32>
      %swap3A_2771 = vector.shape_cast %xor3A_2767 : vector<16xi32> to vector<16xi32>
      tpu.vector_store %arg4[%swap3A_2768], %swap3A_2771 {strides = array<i32>} : memref<1024xi32, #tpu.memory_space<vmem>>, vector<16xi32>,
      %dma_wait3A = arith.constant 0 : i32
      %dma_wait3A_2772 = tpu.memref_slice %arg8[%rem3A_270, %arg1, %dma_wait3A] : memref<2x16x16xi32, #tpu.memory_space<vmem_shared>> -> memref<1x1x16xi32, #tpu.memory_space<vmem_shared>>
      %dma_wait3A_2773 = tpu.memref_squeeze %dma_wait3A_2772 : memref<1x1x16xi32, #tpu.memory_space<vmem_shared>> -> memref<16xi32, #tpu.memory_space<vmem_shared>>
      %dma_wait3A_2774 = arith.constant 0 : i32
      %dma_wait3A_2775 = tpu.memref_slice %arg8[%rem3A_270, %arg1, %dma_wait3A_2774] : memref<2x16x16xi32, #tpu.memory_space<vmem_shared>> -> memref<1x1x16xi32, #tpu.memory_space<vmem_shared>>
      %dma_wait3A_2776 = tpu.memref_squeeze %dma_wait3A_2775 : memref<1x1x16xi32, #tpu.memory_space<vmem_shared>> -> memref<16xi32, #tpu.memory_space<vmem_shared>>
      tpu.wait_dma2 semaphore(%arg9 : memref<!tpu.dma_semaphore, #tpu.memory_space<semaphore_mem>>) src(%arg5 : memref<16xi32, #tpu.memory_space<vmem>>) dst(%dma_wait3A_2776 : memref<16xi32, #tpu.memory_space<vmem_shared>>)
      %ne3A_2777 = arith.constant 0 : i32
      %ne3A_2778 = vector.broadcast %ne3A_2777 : i32 to vector<16xi32>
      %ne3A_2779 = arith.cmpi ne, %select_n3A_184, %ne3A_2778 : vector<16xi32>
      %sub3A_2780 = arith.constant 1 : i32
      %sub3A_2781 = vector.broadcast %sub3A_2780 : i32 to vector<16xi32>
      %sub3A_2782 = arith.subi %get3A_40, %sub3A_2781 : vector<16xi32>
      %select_n3A_2783 = arith.select %ne3A_2779, %sub3A_2782, %get3A_40 : vector<16xi1>, vector<16xi32>
      %swap3A_2784 = arith.constant 0 : index
      %swap3A_2785 = tpu.vector_load %arg7[%swap3A_2784] {strides = array<i32>} : memref<16xi32, #tpu.memory_space<vmem>>, vector<16xi32>,
      %swap3A_2786 = vector.shape_cast %swap3A_2785 : vector<16xi32> to vector<16xi32>
      %swap3A_2787 = vector.shape_cast %select_n3A_2783 : vector<16xi32> to vector<16xi32>
      tpu.vector_store %arg7[%swap3A_2784], %swap3A_2787 {strides = array<i32>} : memref<16xi32, #tpu.memory_space<vmem>>, vector<16xi32>,
      %barrier3A_2788 = arith.constant 0 : index
      tpu.barrier barrier_id(%barrier3A_2788)
      %scan3A_2789 = arith.constant 0 : i32
      scf.yield %scan3A_2789 : i32
    }
    %scan3A_33 = arith.constant 1024 : i32
    %eq3A = arith.constant 0 : i32
    %eq3A_34 = arith.cmpi eq, %arg0, %eq3A : i32
    %convert_element_type3A = arith.extui %eq3A_34 : i1 to i32
    %cond3A = arith.constant 0 : i32
    %cond3A_35 = arith.cmpi ne, %convert_element_type3A, %cond3A : i32
    scf.if %cond3A_35 {
      "tpu.region"() ({
        %run_scoped3A_36 = tpu.sem_alloc : memref<!tpu.dma_semaphore, #tpu.memory_space<semaphore_mem>>
        %dma_start3A = arith.constant 0 : i32
        %dma_start3A_37 = tpu.memref_slice %arg3[%arg1, %dma_start3A] : memref<16x1024xi32, #tpu.memory_space<hbm>> -> memref<1x1024xi32, #tpu.memory_space<hbm>>
        %dma_start3A_38 = tpu.memref_squeeze %dma_start3A_37 : memref<1x1024xi32, #tpu.memory_space<hbm>> -> memref<1024xi32, #tpu.memory_space<hbm>>
        %dma_start3A_39 = arith.constant 0 : i32
        %dma_start3A_40 = tpu.memref_slice %arg3[%arg1, %dma_start3A_39] : memref<16x1024xi32, #tpu.memory_space<hbm>> -> memref<1x1024xi32, #tpu.memory_space<hbm>>
        %dma_start3A_41 = tpu.memref_squeeze %dma_start3A_40 : memref<1x1024xi32, #tpu.memory_space<hbm>> -> memref<1024xi32, #tpu.memory_space<hbm>>
        tpu.enqueue_dma source(%arg4 : memref<1024xi32, #tpu.memory_space<vmem>>) target(%dma_start3A_41 : memref<1024xi32, #tpu.memory_space<hbm>>) target_semaphore(%run_scoped3A_36 : memref<!tpu.dma_semaphore, #tpu.memory_space<semaphore_mem>>)
        %dma_wait3A = arith.constant 0 : i32
        %dma_wait3A_42 = tpu.memref_slice %arg3[%arg1, %dma_wait3A] : memref<16x1024xi32, #tpu.memory_space<hbm>> -> memref<1x1024xi32, #tpu.memory_space<hbm>>
        %dma_wait3A_43 = tpu.memref_squeeze %dma_wait3A_42 : memref<1x1024xi32, #tpu.memory_space<hbm>> -> memref<1024xi32, #tpu.memory_space<hbm>>
        %dma_wait3A_44 = arith.constant 0 : i32
        %dma_wait3A_45 = tpu.memref_slice %arg3[%arg1, %dma_wait3A_44] : memref<16x1024xi32, #tpu.memory_space<hbm>> -> memref<1x1024xi32, #tpu.memory_space<hbm>>
        %dma_wait3A_46 = tpu.memref_squeeze %dma_wait3A_45 : memref<1x1024xi32, #tpu.memory_space<hbm>> -> memref<1024xi32, #tpu.memory_space<hbm>>
        tpu.wait_dma2 semaphore(%run_scoped3A_36 : memref<!tpu.dma_semaphore, #tpu.memory_space<semaphore_mem>>) src(%arg4 : memref<1024xi32, #tpu.memory_space<vmem>>) dst(%dma_wait3A_46 : memref<1024xi32, #tpu.memory_space<hbm>>)
        tpu.yield
      }) : () -> ()
    } else {
    }
    return
  }
}

module attributes {stable_mosaic.version = 14 : i64} {
  func.func @_pack_body(%arg0: memref<512x1024xf32, #tpu.memory_space<vmem>>, %arg1: memref<16x1024xi32, #tpu.memory_space<vmem>>) attributes {dimension_semantics = [], scalar_prefetch = 0 : i64, scratch_operands = 0 : i64, tpu.core_type = #tpu.core_type<tc>} {
    %iota3A = tpu.iota {dimensions = array<i32: 0>} : vector<32x1xi32>
    %get3A = arith.constant 0 : index
    %get3A_0 = arith.constant 0 : index
    %get3A_1 = vector.load %arg0[%get3A, %get3A_0] : memref<512x1024xf32, #tpu.memory_space<vmem>>, vector<32x1024xf32>
    %convert_element_type3A = arith.fptosi %get3A_1 : vector<32x1024xf32> to vector<32x1024xi32>
    %shift_left3A = vector.broadcast %iota3A : vector<32x1xi32> to vector<32x1024xi32>
    %shift_left3A_2 = arith.shli %convert_element_type3A, %shift_left3A : vector<32x1024xi32>
    %reduce_sum3A = arith.constant dense<0> : vector<1024xi32>
    %reduce_sum3A_3 = vector.multi_reduction <add>, %shift_left3A_2, %reduce_sum3A [0] : vector<32x1024xi32> to vector<1024xi32>
    %broadcast_in_dim3A = vector.shape_cast %reduce_sum3A_3 : vector<1024xi32> to vector<1x1024xi32>
    %swap3A = arith.constant 0 : index
    %swap3A_4 = arith.constant 0 : index
    %swap3A_5 = vector.load %arg1[%swap3A, %swap3A_4] : memref<16x1024xi32, #tpu.memory_space<vmem>>, vector<1x1024xi32>
    tpu.vector_store %arg1[%swap3A, %swap3A_4], %broadcast_in_dim3A {strides = array<i32>} : memref<16x1024xi32, #tpu.memory_space<vmem>>, vector<1x1024xi32>,
    %get3A_6 = arith.constant 32 : index
    %get3A_7 = arith.constant 0 : index
    %get3A_8 = vector.load %arg0[%get3A_6, %get3A_7] : memref<512x1024xf32, #tpu.memory_space<vmem>>, vector<32x1024xf32>
    %convert_element_type3A_9 = arith.fptosi %get3A_8 : vector<32x1024xf32> to vector<32x1024xi32>
    %shift_left3A_10 = vector.broadcast %iota3A : vector<32x1xi32> to vector<32x1024xi32>
    %shift_left3A_11 = arith.shli %convert_element_type3A_9, %shift_left3A_10 : vector<32x1024xi32>
    %reduce_sum3A_12 = arith.constant dense<0> : vector<1024xi32>
    %reduce_sum3A_13 = vector.multi_reduction <add>, %shift_left3A_11, %reduce_sum3A_12 [0] : vector<32x1024xi32> to vector<1024xi32>
    %broadcast_in_dim3A_14 = vector.shape_cast %reduce_sum3A_13 : vector<1024xi32> to vector<1x1024xi32>
    %swap3A_15 = arith.constant 1 : index
    %swap3A_16 = arith.constant 0 : index
    %swap3A_17 = vector.load %arg1[%swap3A_15, %swap3A_16] : memref<16x1024xi32, #tpu.memory_space<vmem>>, vector<1x1024xi32>
    tpu.vector_store %arg1[%swap3A_15, %swap3A_16], %broadcast_in_dim3A_14 {strides = array<i32>} : memref<16x1024xi32, #tpu.memory_space<vmem>>, vector<1x1024xi32>,
    %get3A_18 = arith.constant 64 : index
    %get3A_19 = arith.constant 0 : index
    %get3A_20 = vector.load %arg0[%get3A_18, %get3A_19] : memref<512x1024xf32, #tpu.memory_space<vmem>>, vector<32x1024xf32>
    %convert_element_type3A_21 = arith.fptosi %get3A_20 : vector<32x1024xf32> to vector<32x1024xi32>
    %shift_left3A_22 = vector.broadcast %iota3A : vector<32x1xi32> to vector<32x1024xi32>
    %shift_left3A_23 = arith.shli %convert_element_type3A_21, %shift_left3A_22 : vector<32x1024xi32>
    %reduce_sum3A_24 = arith.constant dense<0> : vector<1024xi32>
    %reduce_sum3A_25 = vector.multi_reduction <add>, %shift_left3A_23, %reduce_sum3A_24 [0] : vector<32x1024xi32> to vector<1024xi32>
    %broadcast_in_dim3A_26 = vector.shape_cast %reduce_sum3A_25 : vector<1024xi32> to vector<1x1024xi32>
    %swap3A_27 = arith.constant 2 : index
    %swap3A_28 = arith.constant 0 : index
    %swap3A_29 = vector.load %arg1[%swap3A_27, %swap3A_28] : memref<16x1024xi32, #tpu.memory_space<vmem>>, vector<1x1024xi32>
    tpu.vector_store %arg1[%swap3A_27, %swap3A_28], %broadcast_in_dim3A_26 {strides = array<i32>} : memref<16x1024xi32, #tpu.memory_space<vmem>>, vector<1x1024xi32>,
    %get3A_30 = arith.constant 96 : index
    %get3A_31 = arith.constant 0 : index
    %get3A_32 = vector.load %arg0[%get3A_30, %get3A_31] : memref<512x1024xf32, #tpu.memory_space<vmem>>, vector<32x1024xf32>
    %convert_element_type3A_33 = arith.fptosi %get3A_32 : vector<32x1024xf32> to vector<32x1024xi32>
    %shift_left3A_34 = vector.broadcast %iota3A : vector<32x1xi32> to vector<32x1024xi32>
    %shift_left3A_35 = arith.shli %convert_element_type3A_33, %shift_left3A_34 : vector<32x1024xi32>
    %reduce_sum3A_36 = arith.constant dense<0> : vector<1024xi32>
    %reduce_sum3A_37 = vector.multi_reduction <add>, %shift_left3A_35, %reduce_sum3A_36 [0] : vector<32x1024xi32> to vector<1024xi32>
    %broadcast_in_dim3A_38 = vector.shape_cast %reduce_sum3A_37 : vector<1024xi32> to vector<1x1024xi32>
    %swap3A_39 = arith.constant 3 : index
    %swap3A_40 = arith.constant 0 : index
    %swap3A_41 = vector.load %arg1[%swap3A_39, %swap3A_40] : memref<16x1024xi32, #tpu.memory_space<vmem>>, vector<1x1024xi32>
    tpu.vector_store %arg1[%swap3A_39, %swap3A_40], %broadcast_in_dim3A_38 {strides = array<i32>} : memref<16x1024xi32, #tpu.memory_space<vmem>>, vector<1x1024xi32>,
    %get3A_42 = arith.constant 128 : index
    %get3A_43 = arith.constant 0 : index
    %get3A_44 = vector.load %arg0[%get3A_42, %get3A_43] : memref<512x1024xf32, #tpu.memory_space<vmem>>, vector<32x1024xf32>
    %convert_element_type3A_45 = arith.fptosi %get3A_44 : vector<32x1024xf32> to vector<32x1024xi32>
    %shift_left3A_46 = vector.broadcast %iota3A : vector<32x1xi32> to vector<32x1024xi32>
    %shift_left3A_47 = arith.shli %convert_element_type3A_45, %shift_left3A_46 : vector<32x1024xi32>
    %reduce_sum3A_48 = arith.constant dense<0> : vector<1024xi32>
    %reduce_sum3A_49 = vector.multi_reduction <add>, %shift_left3A_47, %reduce_sum3A_48 [0] : vector<32x1024xi32> to vector<1024xi32>
    %broadcast_in_dim3A_50 = vector.shape_cast %reduce_sum3A_49 : vector<1024xi32> to vector<1x1024xi32>
    %swap3A_51 = arith.constant 4 : index
    %swap3A_52 = arith.constant 0 : index
    %swap3A_53 = vector.load %arg1[%swap3A_51, %swap3A_52] : memref<16x1024xi32, #tpu.memory_space<vmem>>, vector<1x1024xi32>
    tpu.vector_store %arg1[%swap3A_51, %swap3A_52], %broadcast_in_dim3A_50 {strides = array<i32>} : memref<16x1024xi32, #tpu.memory_space<vmem>>, vector<1x1024xi32>,
    %get3A_54 = arith.constant 160 : index
    %get3A_55 = arith.constant 0 : index
    %get3A_56 = vector.load %arg0[%get3A_54, %get3A_55] : memref<512x1024xf32, #tpu.memory_space<vmem>>, vector<32x1024xf32>
    %convert_element_type3A_57 = arith.fptosi %get3A_56 : vector<32x1024xf32> to vector<32x1024xi32>
    %shift_left3A_58 = vector.broadcast %iota3A : vector<32x1xi32> to vector<32x1024xi32>
    %shift_left3A_59 = arith.shli %convert_element_type3A_57, %shift_left3A_58 : vector<32x1024xi32>
    %reduce_sum3A_60 = arith.constant dense<0> : vector<1024xi32>
    %reduce_sum3A_61 = vector.multi_reduction <add>, %shift_left3A_59, %reduce_sum3A_60 [0] : vector<32x1024xi32> to vector<1024xi32>
    %broadcast_in_dim3A_62 = vector.shape_cast %reduce_sum3A_61 : vector<1024xi32> to vector<1x1024xi32>
    %swap3A_63 = arith.constant 5 : index
    %swap3A_64 = arith.constant 0 : index
    %swap3A_65 = vector.load %arg1[%swap3A_63, %swap3A_64] : memref<16x1024xi32, #tpu.memory_space<vmem>>, vector<1x1024xi32>
    tpu.vector_store %arg1[%swap3A_63, %swap3A_64], %broadcast_in_dim3A_62 {strides = array<i32>} : memref<16x1024xi32, #tpu.memory_space<vmem>>, vector<1x1024xi32>,
    %get3A_66 = arith.constant 192 : index
    %get3A_67 = arith.constant 0 : index
    %get3A_68 = vector.load %arg0[%get3A_66, %get3A_67] : memref<512x1024xf32, #tpu.memory_space<vmem>>, vector<32x1024xf32>
    %convert_element_type3A_69 = arith.fptosi %get3A_68 : vector<32x1024xf32> to vector<32x1024xi32>
    %shift_left3A_70 = vector.broadcast %iota3A : vector<32x1xi32> to vector<32x1024xi32>
    %shift_left3A_71 = arith.shli %convert_element_type3A_69, %shift_left3A_70 : vector<32x1024xi32>
    %reduce_sum3A_72 = arith.constant dense<0> : vector<1024xi32>
    %reduce_sum3A_73 = vector.multi_reduction <add>, %shift_left3A_71, %reduce_sum3A_72 [0] : vector<32x1024xi32> to vector<1024xi32>
    %broadcast_in_dim3A_74 = vector.shape_cast %reduce_sum3A_73 : vector<1024xi32> to vector<1x1024xi32>
    %swap3A_75 = arith.constant 6 : index
    %swap3A_76 = arith.constant 0 : index
    %swap3A_77 = vector.load %arg1[%swap3A_75, %swap3A_76] : memref<16x1024xi32, #tpu.memory_space<vmem>>, vector<1x1024xi32>
    tpu.vector_store %arg1[%swap3A_75, %swap3A_76], %broadcast_in_dim3A_74 {strides = array<i32>} : memref<16x1024xi32, #tpu.memory_space<vmem>>, vector<1x1024xi32>,
    %get3A_78 = arith.constant 224 : index
    %get3A_79 = arith.constant 0 : index
    %get3A_80 = vector.load %arg0[%get3A_78, %get3A_79] : memref<512x1024xf32, #tpu.memory_space<vmem>>, vector<32x1024xf32>
    %convert_element_type3A_81 = arith.fptosi %get3A_80 : vector<32x1024xf32> to vector<32x1024xi32>
    %shift_left3A_82 = vector.broadcast %iota3A : vector<32x1xi32> to vector<32x1024xi32>
    %shift_left3A_83 = arith.shli %convert_element_type3A_81, %shift_left3A_82 : vector<32x1024xi32>
    %reduce_sum3A_84 = arith.constant dense<0> : vector<1024xi32>
    %reduce_sum3A_85 = vector.multi_reduction <add>, %shift_left3A_83, %reduce_sum3A_84 [0] : vector<32x1024xi32> to vector<1024xi32>
    %broadcast_in_dim3A_86 = vector.shape_cast %reduce_sum3A_85 : vector<1024xi32> to vector<1x1024xi32>
    %swap3A_87 = arith.constant 7 : index
    %swap3A_88 = arith.constant 0 : index
    %swap3A_89 = vector.load %arg1[%swap3A_87, %swap3A_88] : memref<16x1024xi32, #tpu.memory_space<vmem>>, vector<1x1024xi32>
    tpu.vector_store %arg1[%swap3A_87, %swap3A_88], %broadcast_in_dim3A_86 {strides = array<i32>} : memref<16x1024xi32, #tpu.memory_space<vmem>>, vector<1x1024xi32>,
    %get3A_90 = arith.constant 256 : index
    %get3A_91 = arith.constant 0 : index
    %get3A_92 = vector.load %arg0[%get3A_90, %get3A_91] : memref<512x1024xf32, #tpu.memory_space<vmem>>, vector<32x1024xf32>
    %convert_element_type3A_93 = arith.fptosi %get3A_92 : vector<32x1024xf32> to vector<32x1024xi32>
    %shift_left3A_94 = vector.broadcast %iota3A : vector<32x1xi32> to vector<32x1024xi32>
    %shift_left3A_95 = arith.shli %convert_element_type3A_93, %shift_left3A_94 : vector<32x1024xi32>
    %reduce_sum3A_96 = arith.constant dense<0> : vector<1024xi32>
    %reduce_sum3A_97 = vector.multi_reduction <add>, %shift_left3A_95, %reduce_sum3A_96 [0] : vector<32x1024xi32> to vector<1024xi32>
    %broadcast_in_dim3A_98 = vector.shape_cast %reduce_sum3A_97 : vector<1024xi32> to vector<1x1024xi32>
    %swap3A_99 = arith.constant 8 : index
    %swap3A_100 = arith.constant 0 : index
    %swap3A_101 = vector.load %arg1[%swap3A_99, %swap3A_100] : memref<16x1024xi32, #tpu.memory_space<vmem>>, vector<1x1024xi32>
    tpu.vector_store %arg1[%swap3A_99, %swap3A_100], %broadcast_in_dim3A_98 {strides = array<i32>} : memref<16x1024xi32, #tpu.memory_space<vmem>>, vector<1x1024xi32>,
    %get3A_102 = arith.constant 288 : index
    %get3A_103 = arith.constant 0 : index
    %get3A_104 = vector.load %arg0[%get3A_102, %get3A_103] : memref<512x1024xf32, #tpu.memory_space<vmem>>, vector<32x1024xf32>
    %convert_element_type3A_105 = arith.fptosi %get3A_104 : vector<32x1024xf32> to vector<32x1024xi32>
    %shift_left3A_106 = vector.broadcast %iota3A : vector<32x1xi32> to vector<32x1024xi32>
    %shift_left3A_107 = arith.shli %convert_element_type3A_105, %shift_left3A_106 : vector<32x1024xi32>
    %reduce_sum3A_108 = arith.constant dense<0> : vector<1024xi32>
    %reduce_sum3A_109 = vector.multi_reduction <add>, %shift_left3A_107, %reduce_sum3A_108 [0] : vector<32x1024xi32> to vector<1024xi32>
    %broadcast_in_dim3A_110 = vector.shape_cast %reduce_sum3A_109 : vector<1024xi32> to vector<1x1024xi32>
    %swap3A_111 = arith.constant 9 : index
    %swap3A_112 = arith.constant 0 : index
    %swap3A_113 = vector.load %arg1[%swap3A_111, %swap3A_112] : memref<16x1024xi32, #tpu.memory_space<vmem>>, vector<1x1024xi32>
    tpu.vector_store %arg1[%swap3A_111, %swap3A_112], %broadcast_in_dim3A_110 {strides = array<i32>} : memref<16x1024xi32, #tpu.memory_space<vmem>>, vector<1x1024xi32>,
    %get3A_114 = arith.constant 320 : index
    %get3A_115 = arith.constant 0 : index
    %get3A_116 = vector.load %arg0[%get3A_114, %get3A_115] : memref<512x1024xf32, #tpu.memory_space<vmem>>, vector<32x1024xf32>
    %convert_element_type3A_117 = arith.fptosi %get3A_116 : vector<32x1024xf32> to vector<32x1024xi32>
    %shift_left3A_118 = vector.broadcast %iota3A : vector<32x1xi32> to vector<32x1024xi32>
    %shift_left3A_119 = arith.shli %convert_element_type3A_117, %shift_left3A_118 : vector<32x1024xi32>
    %reduce_sum3A_120 = arith.constant dense<0> : vector<1024xi32>
    %reduce_sum3A_121 = vector.multi_reduction <add>, %shift_left3A_119, %reduce_sum3A_120 [0] : vector<32x1024xi32> to vector<1024xi32>
    %broadcast_in_dim3A_122 = vector.shape_cast %reduce_sum3A_121 : vector<1024xi32> to vector<1x1024xi32>
    %swap3A_123 = arith.constant 10 : index
    %swap3A_124 = arith.constant 0 : index
    %swap3A_125 = vector.load %arg1[%swap3A_123, %swap3A_124] : memref<16x1024xi32, #tpu.memory_space<vmem>>, vector<1x1024xi32>
    tpu.vector_store %arg1[%swap3A_123, %swap3A_124], %broadcast_in_dim3A_122 {strides = array<i32>} : memref<16x1024xi32, #tpu.memory_space<vmem>>, vector<1x1024xi32>,
    %get3A_126 = arith.constant 352 : index
    %get3A_127 = arith.constant 0 : index
    %get3A_128 = vector.load %arg0[%get3A_126, %get3A_127] : memref<512x1024xf32, #tpu.memory_space<vmem>>, vector<32x1024xf32>
    %convert_element_type3A_129 = arith.fptosi %get3A_128 : vector<32x1024xf32> to vector<32x1024xi32>
    %shift_left3A_130 = vector.broadcast %iota3A : vector<32x1xi32> to vector<32x1024xi32>
    %shift_left3A_131 = arith.shli %convert_element_type3A_129, %shift_left3A_130 : vector<32x1024xi32>
    %reduce_sum3A_132 = arith.constant dense<0> : vector<1024xi32>
    %reduce_sum3A_133 = vector.multi_reduction <add>, %shift_left3A_131, %reduce_sum3A_132 [0] : vector<32x1024xi32> to vector<1024xi32>
    %broadcast_in_dim3A_134 = vector.shape_cast %reduce_sum3A_133 : vector<1024xi32> to vector<1x1024xi32>
    %swap3A_135 = arith.constant 11 : index
    %swap3A_136 = arith.constant 0 : index
    %swap3A_137 = vector.load %arg1[%swap3A_135, %swap3A_136] : memref<16x1024xi32, #tpu.memory_space<vmem>>, vector<1x1024xi32>
    tpu.vector_store %arg1[%swap3A_135, %swap3A_136], %broadcast_in_dim3A_134 {strides = array<i32>} : memref<16x1024xi32, #tpu.memory_space<vmem>>, vector<1x1024xi32>,
    %get3A_138 = arith.constant 384 : index
    %get3A_139 = arith.constant 0 : index
    %get3A_140 = vector.load %arg0[%get3A_138, %get3A_139] : memref<512x1024xf32, #tpu.memory_space<vmem>>, vector<32x1024xf32>
    %convert_element_type3A_141 = arith.fptosi %get3A_140 : vector<32x1024xf32> to vector<32x1024xi32>
    %shift_left3A_142 = vector.broadcast %iota3A : vector<32x1xi32> to vector<32x1024xi32>
    %shift_left3A_143 = arith.shli %convert_element_type3A_141, %shift_left3A_142 : vector<32x1024xi32>
    %reduce_sum3A_144 = arith.constant dense<0> : vector<1024xi32>
    %reduce_sum3A_145 = vector.multi_reduction <add>, %shift_left3A_143, %reduce_sum3A_144 [0] : vector<32x1024xi32> to vector<1024xi32>
    %broadcast_in_dim3A_146 = vector.shape_cast %reduce_sum3A_145 : vector<1024xi32> to vector<1x1024xi32>
    %swap3A_147 = arith.constant 12 : index
    %swap3A_148 = arith.constant 0 : index
    %swap3A_149 = vector.load %arg1[%swap3A_147, %swap3A_148] : memref<16x1024xi32, #tpu.memory_space<vmem>>, vector<1x1024xi32>
    tpu.vector_store %arg1[%swap3A_147, %swap3A_148], %broadcast_in_dim3A_146 {strides = array<i32>} : memref<16x1024xi32, #tpu.memory_space<vmem>>, vector<1x1024xi32>,
    %get3A_150 = arith.constant 416 : index
    %get3A_151 = arith.constant 0 : index
    %get3A_152 = vector.load %arg0[%get3A_150, %get3A_151] : memref<512x1024xf32, #tpu.memory_space<vmem>>, vector<32x1024xf32>
    %convert_element_type3A_153 = arith.fptosi %get3A_152 : vector<32x1024xf32> to vector<32x1024xi32>
    %shift_left3A_154 = vector.broadcast %iota3A : vector<32x1xi32> to vector<32x1024xi32>
    %shift_left3A_155 = arith.shli %convert_element_type3A_153, %shift_left3A_154 : vector<32x1024xi32>
    %reduce_sum3A_156 = arith.constant dense<0> : vector<1024xi32>
    %reduce_sum3A_157 = vector.multi_reduction <add>, %shift_left3A_155, %reduce_sum3A_156 [0] : vector<32x1024xi32> to vector<1024xi32>
    %broadcast_in_dim3A_158 = vector.shape_cast %reduce_sum3A_157 : vector<1024xi32> to vector<1x1024xi32>
    %swap3A_159 = arith.constant 13 : index
    %swap3A_160 = arith.constant 0 : index
    %swap3A_161 = vector.load %arg1[%swap3A_159, %swap3A_160] : memref<16x1024xi32, #tpu.memory_space<vmem>>, vector<1x1024xi32>
    tpu.vector_store %arg1[%swap3A_159, %swap3A_160], %broadcast_in_dim3A_158 {strides = array<i32>} : memref<16x1024xi32, #tpu.memory_space<vmem>>, vector<1x1024xi32>,
    %get3A_162 = arith.constant 448 : index
    %get3A_163 = arith.constant 0 : index
    %get3A_164 = vector.load %arg0[%get3A_162, %get3A_163] : memref<512x1024xf32, #tpu.memory_space<vmem>>, vector<32x1024xf32>
    %convert_element_type3A_165 = arith.fptosi %get3A_164 : vector<32x1024xf32> to vector<32x1024xi32>
    %shift_left3A_166 = vector.broadcast %iota3A : vector<32x1xi32> to vector<32x1024xi32>
    %shift_left3A_167 = arith.shli %convert_element_type3A_165, %shift_left3A_166 : vector<32x1024xi32>
    %reduce_sum3A_168 = arith.constant dense<0> : vector<1024xi32>
    %reduce_sum3A_169 = vector.multi_reduction <add>, %shift_left3A_167, %reduce_sum3A_168 [0] : vector<32x1024xi32> to vector<1024xi32>
    %broadcast_in_dim3A_170 = vector.shape_cast %reduce_sum3A_169 : vector<1024xi32> to vector<1x1024xi32>
    %swap3A_171 = arith.constant 14 : index
    %swap3A_172 = arith.constant 0 : index
    %swap3A_173 = vector.load %arg1[%swap3A_171, %swap3A_172] : memref<16x1024xi32, #tpu.memory_space<vmem>>, vector<1x1024xi32>
    tpu.vector_store %arg1[%swap3A_171, %swap3A_172], %broadcast_in_dim3A_170 {strides = array<i32>} : memref<16x1024xi32, #tpu.memory_space<vmem>>, vector<1x1024xi32>,
    %get3A_174 = arith.constant 480 : index
    %get3A_175 = arith.constant 0 : index
    %get3A_176 = vector.load %arg0[%get3A_174, %get3A_175] : memref<512x1024xf32, #tpu.memory_space<vmem>>, vector<32x1024xf32>
    %convert_element_type3A_177 = arith.fptosi %get3A_176 : vector<32x1024xf32> to vector<32x1024xi32>
    %shift_left3A_178 = vector.broadcast %iota3A : vector<32x1xi32> to vector<32x1024xi32>
    %shift_left3A_179 = arith.shli %convert_element_type3A_177, %shift_left3A_178 : vector<32x1024xi32>
    %reduce_sum3A_180 = arith.constant dense<0> : vector<1024xi32>
    %reduce_sum3A_181 = vector.multi_reduction <add>, %shift_left3A_179, %reduce_sum3A_180 [0] : vector<32x1024xi32> to vector<1024xi32>
    %broadcast_in_dim3A_182 = vector.shape_cast %reduce_sum3A_181 : vector<1024xi32> to vector<1x1024xi32>
    %swap3A_183 = arith.constant 15 : index
    %swap3A_184 = arith.constant 0 : index
    %swap3A_185 = vector.load %arg1[%swap3A_183, %swap3A_184] : memref<16x1024xi32, #tpu.memory_space<vmem>>, vector<1x1024xi32>
    tpu.vector_store %arg1[%swap3A_183, %swap3A_184], %broadcast_in_dim3A_182 {strides = array<i32>} : memref<16x1024xi32, #tpu.memory_space<vmem>>, vector<1x1024xi32>,
    return
  }
}

module attributes {stable_mosaic.version = 14 : i64} {
  func.func @_asm_body(%arg0: memref<16x1024xi32, #tpu.memory_space<vmem>>, %arg1: memref<512x1024xf32, #tpu.memory_space<vmem>>, %arg2: memref<1x512xi32, #tpu.memory_space<vmem>>, %arg3: memref<512x512xf32, #tpu.memory_space<vmem>>, %arg4: memref<512x1024xf32, #tpu.memory_space<vmem>>) attributes {dimension_semantics = [], scalar_prefetch = 0 : i64, scratch_operands = 2 : i64, tpu.core_type = #tpu.core_type<tc>} {
    %iota3A = tpu.iota {dimensions = array<i32: 0>} : vector<32x1xi32>
    %iota3A_0 = tpu.iota {dimensions = array<i32: 0>} : vector<16x1xi32>
    %iota3A_1 = tpu.iota {dimensions = array<i32: 1>} : vector<1x1024xi32>
    %get3A = arith.constant 0 : index
    %get3A_2 = arith.constant 0 : index
    %get3A_3 = vector.load %arg0[%get3A, %get3A_2] : memref<16x1024xi32, #tpu.memory_space<vmem>>, vector<16x1024xi32>
    %ne3A = arith.constant 0 : i32
    %ne3A_4 = vector.broadcast %ne3A : i32 to vector<16x1024xi32>
    %ne3A_5 = arith.cmpi ne, %get3A_3, %ne3A_4 : vector<16x1024xi32>
    %sub3A = arith.constant 1 : i32
    %sub3A_6 = vector.broadcast %sub3A : i32 to vector<16x1024xi32>
    %sub3A_7 = arith.subi %get3A_3, %sub3A_6 : vector<16x1024xi32>
    %and3A = arith.andi %get3A_3, %sub3A_7 : vector<16x1024xi32>
    %eq3A = arith.constant 0 : i32
    %eq3A_8 = vector.broadcast %eq3A : i32 to vector<16x1024xi32>
    %eq3A_9 = arith.cmpi eq, %and3A, %eq3A_8 : vector<16x1024xi32>
    %reduce_and3A = arith.constant 1.000000e+00 : f32
    %reduce_and3A_10 = arith.constant 0.000000e+00 : f32
    %reduce_and3A_11 = vector.broadcast %reduce_and3A : f32 to vector<16x1024xf32>
    %reduce_and3A_12 = vector.broadcast %reduce_and3A_10 : f32 to vector<16x1024xf32>
    %reduce_and3A_13 = arith.select %eq3A_9, %reduce_and3A_11, %reduce_and3A_12 : vector<16x1024xi1>, vector<16x1024xf32>
    %reduce_and3A_14 = arith.constant dense<0x7F800000> : vector<1024xf32>
    %reduce_and3A_15 = vector.multi_reduction <minimumf>, %reduce_and3A_13, %reduce_and3A_14 [0] : vector<16x1024xf32> to vector<1024xf32>
    %reduce_and3A_16 = arith.constant 0.000000e+00 : f32
    %reduce_and3A_17 = vector.broadcast %reduce_and3A_16 : f32 to vector<1024xf32>
    %reduce_and3A_18 = arith.cmpf ogt, %reduce_and3A_15, %reduce_and3A_17 : vector<1024xf32>
    %broadcast_in_dim3A = vector.shape_cast %reduce_and3A_18 : vector<1024xi1> to vector<1x1024xi1>
    %convert_element_type3A = arith.extui %ne3A_5 : vector<16x1024xi1> to vector<16x1024xi32>
    %reduce_sum3A = arith.constant dense<0> : vector<1024xi32>
    %reduce_sum3A_19 = vector.multi_reduction <add>, %convert_element_type3A, %reduce_sum3A [0] : vector<16x1024xi32> to vector<1024xi32>
    %broadcast_in_dim3A_20 = vector.shape_cast %reduce_sum3A_19 : vector<1024xi32> to vector<1x1024xi32>
    %and3A_21 = arith.constant -1431655766 : i32
    %and3A_22 = vector.broadcast %and3A_21 : i32 to vector<16x1024xi32>
    %and3A_23 = arith.andi %get3A_3, %and3A_22 : vector<16x1024xi32>
    %ne3A_24 = arith.constant 0 : i32
    %ne3A_25 = vector.broadcast %ne3A_24 : i32 to vector<16x1024xi32>
    %ne3A_26 = arith.cmpi ne, %and3A_23, %ne3A_25 : vector<16x1024xi32>
    %convert_element_type3A_27 = arith.extui %ne3A_26 : vector<16x1024xi1> to vector<16x1024xi32>
    %and3A_28 = arith.constant -858993460 : i32
    %and3A_29 = vector.broadcast %and3A_28 : i32 to vector<16x1024xi32>
    %and3A_30 = arith.andi %get3A_3, %and3A_29 : vector<16x1024xi32>
    %ne3A_31 = arith.constant 0 : i32
    %ne3A_32 = vector.broadcast %ne3A_31 : i32 to vector<16x1024xi32>
    %ne3A_33 = arith.cmpi ne, %and3A_30, %ne3A_32 : vector<16x1024xi32>
    %convert_element_type3A_34 = arith.extui %ne3A_33 : vector<16x1024xi1> to vector<16x1024xi32>
    %shift_left3A = arith.constant 1 : i32
    %shift_left3A_35 = vector.broadcast %shift_left3A : i32 to vector<16x1024xi32>
    %shift_left3A_36 = arith.shli %convert_element_type3A_34, %shift_left3A_35 : vector<16x1024xi32>
    %add3A = arith.addi %convert_element_type3A_27, %shift_left3A_36 : vector<16x1024xi32>
    %and3A_37 = arith.constant -252645136 : i32
    %and3A_38 = vector.broadcast %and3A_37 : i32 to vector<16x1024xi32>
    %and3A_39 = arith.andi %get3A_3, %and3A_38 : vector<16x1024xi32>
    %ne3A_40 = arith.constant 0 : i32
    %ne3A_41 = vector.broadcast %ne3A_40 : i32 to vector<16x1024xi32>
    %ne3A_42 = arith.cmpi ne, %and3A_39, %ne3A_41 : vector<16x1024xi32>
    %convert_element_type3A_43 = arith.extui %ne3A_42 : vector<16x1024xi1> to vector<16x1024xi32>
    %shift_left3A_44 = arith.constant 2 : i32
    %shift_left3A_45 = vector.broadcast %shift_left3A_44 : i32 to vector<16x1024xi32>
    %shift_left3A_46 = arith.shli %convert_element_type3A_43, %shift_left3A_45 : vector<16x1024xi32>
    %add3A_47 = arith.addi %add3A, %shift_left3A_46 : vector<16x1024xi32>
    %and3A_48 = arith.constant -16711936 : i32
    %and3A_49 = vector.broadcast %and3A_48 : i32 to vector<16x1024xi32>
    %and3A_50 = arith.andi %get3A_3, %and3A_49 : vector<16x1024xi32>
    %ne3A_51 = arith.constant 0 : i32
    %ne3A_52 = vector.broadcast %ne3A_51 : i32 to vector<16x1024xi32>
    %ne3A_53 = arith.cmpi ne, %and3A_50, %ne3A_52 : vector<16x1024xi32>
    %convert_element_type3A_54 = arith.extui %ne3A_53 : vector<16x1024xi1> to vector<16x1024xi32>
    %shift_left3A_55 = arith.constant 3 : i32
    %shift_left3A_56 = vector.broadcast %shift_left3A_55 : i32 to vector<16x1024xi32>
    %shift_left3A_57 = arith.shli %convert_element_type3A_54, %shift_left3A_56 : vector<16x1024xi32>
    %add3A_58 = arith.addi %add3A_47, %shift_left3A_57 : vector<16x1024xi32>
    %and3A_59 = arith.constant -65536 : i32
    %and3A_60 = vector.broadcast %and3A_59 : i32 to vector<16x1024xi32>
    %and3A_61 = arith.andi %get3A_3, %and3A_60 : vector<16x1024xi32>
    %ne3A_62 = arith.constant 0 : i32
    %ne3A_63 = vector.broadcast %ne3A_62 : i32 to vector<16x1024xi32>
    %ne3A_64 = arith.cmpi ne, %and3A_61, %ne3A_63 : vector<16x1024xi32>
    %convert_element_type3A_65 = arith.extui %ne3A_64 : vector<16x1024xi1> to vector<16x1024xi32>
    %shift_left3A_66 = arith.constant 4 : i32
    %shift_left3A_67 = vector.broadcast %shift_left3A_66 : i32 to vector<16x1024xi32>
    %shift_left3A_68 = arith.shli %convert_element_type3A_65, %shift_left3A_67 : vector<16x1024xi32>
    %add3A_69 = arith.addi %add3A_58, %shift_left3A_68 : vector<16x1024xi32>
    %mul3A = arith.constant 32 : i32
    %mul3A_70 = vector.broadcast %mul3A : i32 to vector<16x1xi32>
    %mul3A_71 = arith.muli %iota3A_0, %mul3A_70 : vector<16x1xi32>
    %add3A_72 = vector.broadcast %mul3A_71 : vector<16x1xi32> to vector<16x1024xi32>
    %add3A_73 = arith.addi %add3A_72, %add3A_69 : vector<16x1024xi32>
    %jit3A = arith.constant 0 : i32
    %broadcast_in_dim3A_74 = vector.broadcast %jit3A : i32 to vector<16x1024xi32>
    %select_n3A = arith.select %ne3A_5, %add3A_73, %broadcast_in_dim3A_74 : vector<16x1024xi1>, vector<16x1024xi32>
    %reduce_sum3A_75 = arith.constant dense<0> : vector<1024xi32>
    %reduce_sum3A_76 = vector.multi_reduction <add>, %select_n3A, %reduce_sum3A_75 [0] : vector<16x1024xi32> to vector<1024xi32>
    %broadcast_in_dim3A_77 = vector.shape_cast %reduce_sum3A_76 : vector<1024xi32> to vector<1x1024xi32>
    %eq3A_78 = arith.constant 1 : i32
    %eq3A_79 = vector.broadcast %eq3A_78 : i32 to vector<1x1024xi32>
    %eq3A_80 = arith.cmpi eq, %broadcast_in_dim3A_20, %eq3A_79 : vector<1x1024xi32>
    %and3A_81 = arith.andi %broadcast_in_dim3A, %eq3A_80 : vector<1x1024xi1>
    %jit3A_82 = arith.constant -1 : i32
    %broadcast_in_dim3A_83 = vector.broadcast %jit3A_82 : i32 to vector<1x1024xi32>
    %select_n3A_84 = arith.select %and3A_81, %broadcast_in_dim3A_77, %broadcast_in_dim3A_83 : vector<1x1024xi1>, vector<1x1024xi32>
    %shift_left3A_85 = arith.constant 1 : i32
    %shift_left3A_86 = arith.constant 20 : i32
    %shift_left3A_87 = arith.shli %shift_left3A_85, %shift_left3A_86 : i32
    %iota3A_88 = tpu.iota {dimensions = array<i32: 0>} : vector<512x1xi32>
    %eq3A_89 = vector.broadcast %select_n3A_84 : vector<1x1024xi32> to vector<512x1024xi32>
    %eq3A_90 = vector.broadcast %iota3A_88 : vector<512x1xi32> to vector<512x1024xi32>
    %eq3A_91 = arith.cmpi eq, %eq3A_89, %eq3A_90 : vector<512x1024xi32>
    %broadcast_in_dim3A_92 = vector.shape_cast %iota3A_1 : vector<1x1024xi32> to vector<1x1024xi32>
    %broadcast_in_dim3A_93 = vector.broadcast %broadcast_in_dim3A_92 : vector<1x1024xi32> to vector<512x1024xi32>
    %broadcast_in_dim3A_94 = vector.broadcast %shift_left3A_87 : i32 to vector<512x1024xi32>
    %select_n3A_95 = arith.select %eq3A_91, %broadcast_in_dim3A_93, %broadcast_in_dim3A_94 : vector<512x1024xi1>, vector<512x1024xi32>
    %reduce_min3A = arith.constant dense<2147483647> : vector<512xi32>
    %reduce_min3A_96 = vector.multi_reduction <minsi>, %select_n3A_95, %reduce_min3A [1] : vector<512x1024xi32> to vector<512xi32>
    %broadcast_in_dim3A_97 = vector.shape_cast %reduce_min3A_96 : vector<512xi32> to vector<512x1xi32>
    %add3A_98 = arith.constant 512 : i32
    %add3A_99 = vector.broadcast %add3A_98 : i32 to vector<512x1xi32>
    %add3A_100 = arith.addi %add3A_99, %iota3A_88 : vector<512x1xi32>
    %eq3A_101 = arith.cmpi eq, %broadcast_in_dim3A_97, %add3A_100 : vector<512x1xi32>
    %ge3A = vector.broadcast %shift_left3A_87 : i32 to vector<512x1xi32>
    %ge3A_102 = arith.cmpi sge, %broadcast_in_dim3A_97, %ge3A : vector<512x1xi32>
    %or3A = arith.ori %eq3A_101, %ge3A_102 : vector<512x1xi1>
    %jit3A_103 = arith.constant 512 : i32
    %broadcast_in_dim3A_104 = vector.broadcast %jit3A_103 : i32 to vector<512x1xi32>
    %select_n3A_105 = arith.select %or3A, %broadcast_in_dim3A_104, %iota3A_88 : vector<512x1xi1>, vector<512x1xi32>
    %reduce_min3A_106 = vector.shape_cast %select_n3A_105 : vector<512x1xi32> to vector<1x512x1xi32>
    %reduce_min3A_107 = arith.constant dense<2147483647> : vector<1xi32>
    %reduce_min3A_108 = vector.multi_reduction <minsi>, %reduce_min3A_106, %reduce_min3A_107 [1, 2] : vector<1x512x1xi32> to vector<1xi32>
    %reduce_min3A_109 = vector.shape_cast %reduce_min3A_108 : vector<1xi32> to vector<1x1x1xi32>
    %reduce_min3A_110 = vector.extract %reduce_min3A_109[0, 0, 0] : i32 from vector<1x1x1xi32>
    %iota3A_111 = tpu.iota {dimensions = array<i32: 1>} : vector<1x1024xi32>
    %while3A:3 = scf.while (%while3A_340 = %reduce_min3A_110, %while3A_341 = %select_n3A_84, %while3A_342 = %iota3A_111) : (i32, vector<1x1024xi32>, vector<1x1024xi32>) -> (i32, vector<1x1024xi32>, vector<1x1024xi32>) {
      %lt3A = arith.constant 512 : i32
      %lt3A_343 = arith.cmpi slt, %while3A_340, %lt3A : i32
      scf.condition(%lt3A_343) %while3A_340, %while3A_341, %while3A_342 : i32, vector<1x1024xi32>, vector<1x1024xi32>
    } do {
    ^bb0(%while3A_340: i32, %while3A_341: vector<1x1024xi32>, %while3A_342: vector<1x1024xi32>):
      %eq3A_343 = vector.broadcast %while3A_340 : i32 to vector<1x1024xi32>
      %eq3A_344 = arith.cmpi eq, %while3A_341, %eq3A_343 : vector<1x1024xi32>
      %reduce_or3A = arith.constant 1.000000e+00 : f32
      %reduce_or3A_345 = arith.constant 0.000000e+00 : f32
      %reduce_or3A_346 = vector.broadcast %reduce_or3A : f32 to vector<1x1024xf32>
      %reduce_or3A_347 = vector.broadcast %reduce_or3A_345 : f32 to vector<1x1024xf32>
      %reduce_or3A_348 = arith.select %eq3A_344, %reduce_or3A_346, %reduce_or3A_347 : vector<1x1024xi1>, vector<1x1024xf32>
      %reduce_or3A_349 = vector.shape_cast %reduce_or3A_348 : vector<1x1024xf32> to vector<1x1x1024xf32>
      %reduce_or3A_350 = arith.constant dense<0xFF800000> : vector<1xf32>
      %reduce_or3A_351 = vector.multi_reduction <maximumf>, %reduce_or3A_349, %reduce_or3A_350 [1, 2] : vector<1x1x1024xf32> to vector<1xf32>
      %reduce_or3A_352 = vector.shape_cast %reduce_or3A_351 : vector<1xf32> to vector<1x1x1xf32>
      %reduce_or3A_353 = vector.extract %reduce_or3A_352[0, 0, 0] : f32 from vector<1x1x1xf32>
      %reduce_or3A_354 = arith.constant 0.000000e+00 : f32
      %reduce_or3A_355 = arith.cmpf ogt, %reduce_or3A_353, %reduce_or3A_354 : f32
      %broadcast_in_dim3A_356 = vector.broadcast %shift_left3A_87 : i32 to vector<1x1024xi32>
      %select_n3A_357 = arith.select %eq3A_344, %iota3A_1, %broadcast_in_dim3A_356 : vector<1x1024xi1>, vector<1x1024xi32>
      %reduce_min3A_358 = vector.shape_cast %select_n3A_357 : vector<1x1024xi32> to vector<1x1x1024xi32>
      %reduce_min3A_359 = arith.constant dense<2147483647> : vector<1xi32>
      %reduce_min3A_360 = vector.multi_reduction <minsi>, %reduce_min3A_358, %reduce_min3A_359 [1, 2] : vector<1x1x1024xi32> to vector<1xi32>
      %reduce_min3A_361 = vector.shape_cast %reduce_min3A_360 : vector<1xi32> to vector<1x1x1xi32>
      %reduce_min3A_362 = vector.extract %reduce_min3A_361[0, 0, 0] : i32 from vector<1x1x1xi32>
      %jit3A_363 = arith.constant 0 : i32
      %select_n3A_364 = arith.select %reduce_or3A_355, %reduce_min3A_362, %jit3A_363 : i32
      %add3A_365 = arith.constant 512 : i32
      %add3A_366 = arith.addi %add3A_365, %while3A_340 : i32
      %eq3A_367 = vector.broadcast %select_n3A_364 : i32 to vector<1x1024xi32>
      %eq3A_368 = arith.cmpi eq, %iota3A_1, %eq3A_367 : vector<1x1024xi32>
      %eq3A_369 = vector.broadcast %add3A_366 : i32 to vector<1x1024xi32>
      %eq3A_370 = arith.cmpi eq, %iota3A_1, %eq3A_369 : vector<1x1024xi32>
      %jit3A_371 = arith.constant 0 : i32
      %broadcast_in_dim3A_372 = vector.broadcast %jit3A_371 : i32 to vector<1x1024xi32>
      %select_n3A_373 = arith.select %eq3A_370, %while3A_341, %broadcast_in_dim3A_372 : vector<1x1024xi1>, vector<1x1024xi32>
      %reduce_sum3A_374 = vector.shape_cast %select_n3A_373 : vector<1x1024xi32> to vector<1x1x1024xi32>
      %reduce_sum3A_375 = arith.constant dense<0> : vector<1xi32>
      %reduce_sum3A_376 = vector.multi_reduction <add>, %reduce_sum3A_374, %reduce_sum3A_375 [1, 2] : vector<1x1x1024xi32> to vector<1xi32>
      %reduce_sum3A_377 = vector.shape_cast %reduce_sum3A_376 : vector<1xi32> to vector<1x1x1xi32>
      %reduce_sum3A_378 = vector.extract %reduce_sum3A_377[0, 0, 0] : i32 from vector<1x1x1xi32>
      %broadcast_in_dim3A_379 = vector.broadcast %while3A_340 : i32 to vector<1x1024xi32>
      %select_n3A_380 = arith.select %eq3A_370, %broadcast_in_dim3A_379, %while3A_341 : vector<1x1024xi1>, vector<1x1024xi32>
      %broadcast_in_dim3A_381 = vector.broadcast %reduce_sum3A_378 : i32 to vector<1x1024xi32>
      %select_n3A_382 = arith.select %eq3A_368, %broadcast_in_dim3A_381, %select_n3A_380 : vector<1x1024xi1>, vector<1x1024xi32>
      %select_n3A_383 = arith.select %reduce_or3A_355, %select_n3A_382, %while3A_341 : vector<1x1024xi32>
      %jit3A_384 = arith.constant 0 : i32
      %broadcast_in_dim3A_385 = vector.broadcast %jit3A_384 : i32 to vector<1x1024xi32>
      %select_n3A_386 = arith.select %eq3A_368, %while3A_342, %broadcast_in_dim3A_385 : vector<1x1024xi1>, vector<1x1024xi32>
      %reduce_sum3A_387 = vector.shape_cast %select_n3A_386 : vector<1x1024xi32> to vector<1x1x1024xi32>
      %reduce_sum3A_388 = arith.constant dense<0> : vector<1xi32>
      %reduce_sum3A_389 = vector.multi_reduction <add>, %reduce_sum3A_387, %reduce_sum3A_388 [1, 2] : vector<1x1x1024xi32> to vector<1xi32>
      %reduce_sum3A_390 = vector.shape_cast %reduce_sum3A_389 : vector<1xi32> to vector<1x1x1xi32>
      %reduce_sum3A_391 = vector.extract %reduce_sum3A_390[0, 0, 0] : i32 from vector<1x1x1xi32>
      %jit3A_392 = arith.constant 0 : i32
      %broadcast_in_dim3A_393 = vector.broadcast %jit3A_392 : i32 to vector<1x1024xi32>
      %select_n3A_394 = arith.select %eq3A_370, %while3A_342, %broadcast_in_dim3A_393 : vector<1x1024xi1>, vector<1x1024xi32>
      %reduce_sum3A_395 = vector.shape_cast %select_n3A_394 : vector<1x1024xi32> to vector<1x1x1024xi32>
      %reduce_sum3A_396 = arith.constant dense<0> : vector<1xi32>
      %reduce_sum3A_397 = vector.multi_reduction <add>, %reduce_sum3A_395, %reduce_sum3A_396 [1, 2] : vector<1x1x1024xi32> to vector<1xi32>
      %reduce_sum3A_398 = vector.shape_cast %reduce_sum3A_397 : vector<1xi32> to vector<1x1x1xi32>
      %reduce_sum3A_399 = vector.extract %reduce_sum3A_398[0, 0, 0] : i32 from vector<1x1x1xi32>
      %broadcast_in_dim3A_400 = vector.broadcast %reduce_sum3A_391 : i32 to vector<1x1024xi32>
      %select_n3A_401 = arith.select %eq3A_370, %broadcast_in_dim3A_400, %while3A_342 : vector<1x1024xi1>, vector<1x1024xi32>
      %broadcast_in_dim3A_402 = vector.broadcast %reduce_sum3A_399 : i32 to vector<1x1024xi32>
      %select_n3A_403 = arith.select %eq3A_368, %broadcast_in_dim3A_402, %select_n3A_401 : vector<1x1024xi1>, vector<1x1024xi32>
      %add3A_404 = arith.constant 1 : i32
      %add3A_405 = arith.addi %while3A_340, %add3A_404 : i32
      %select_n3A_406 = arith.select %reduce_or3A_355, %select_n3A_403, %while3A_342 : vector<1x1024xi32>
      scf.yield %add3A_405, %select_n3A_383, %select_n3A_406 : i32, vector<1x1024xi32>, vector<1x1024xi32>
    }
    %slice3A = vector.extract_strided_slice %get3A_3 {offsets = [0, 0], sizes = [1, 1024], strides = [1, 1]} : vector<16x1024xi32> to vector<1x1024xi32>
    %shift_right_arithmetic3A = vector.broadcast %slice3A : vector<1x1024xi32> to vector<32x1024xi32>
    %shift_right_arithmetic3A_112 = vector.broadcast %iota3A : vector<32x1xi32> to vector<32x1024xi32>
    %shift_right_arithmetic3A_113 = arith.shrsi %shift_right_arithmetic3A, %shift_right_arithmetic3A_112 : vector<32x1024xi32>
    %and3A_114 = arith.constant 1 : i32
    %and3A_115 = vector.broadcast %and3A_114 : i32 to vector<32x1024xi32>
    %and3A_116 = arith.andi %shift_right_arithmetic3A_113, %and3A_115 : vector<32x1024xi32>
    %convert_element_type3A_117 = arith.sitofp %and3A_116 : vector<32x1024xi32> to vector<32x1024xf32>
    %swap3A = arith.constant 0 : index
    %swap3A_118 = arith.constant 0 : index
    %swap3A_119 = vector.load %arg1[%swap3A, %swap3A_118] : memref<512x1024xf32, #tpu.memory_space<vmem>>, vector<32x1024xf32>
    tpu.vector_store %arg1[%swap3A, %swap3A_118], %convert_element_type3A_117 {strides = array<i32>} : memref<512x1024xf32, #tpu.memory_space<vmem>>, vector<32x1024xf32>,
    %slice3A_120 = vector.extract_strided_slice %get3A_3 {offsets = [1, 0], sizes = [1, 1024], strides = [1, 1]} : vector<16x1024xi32> to vector<1x1024xi32>
    %shift_right_arithmetic3A_121 = vector.broadcast %slice3A_120 : vector<1x1024xi32> to vector<32x1024xi32>
    %shift_right_arithmetic3A_122 = vector.broadcast %iota3A : vector<32x1xi32> to vector<32x1024xi32>
    %shift_right_arithmetic3A_123 = arith.shrsi %shift_right_arithmetic3A_121, %shift_right_arithmetic3A_122 : vector<32x1024xi32>
    %and3A_124 = arith.constant 1 : i32
    %and3A_125 = vector.broadcast %and3A_124 : i32 to vector<32x1024xi32>
    %and3A_126 = arith.andi %shift_right_arithmetic3A_123, %and3A_125 : vector<32x1024xi32>
    %convert_element_type3A_127 = arith.sitofp %and3A_126 : vector<32x1024xi32> to vector<32x1024xf32>
    %swap3A_128 = arith.constant 32 : index
    %swap3A_129 = arith.constant 0 : index
    %swap3A_130 = vector.load %arg1[%swap3A_128, %swap3A_129] : memref<512x1024xf32, #tpu.memory_space<vmem>>, vector<32x1024xf32>
    tpu.vector_store %arg1[%swap3A_128, %swap3A_129], %convert_element_type3A_127 {strides = array<i32>} : memref<512x1024xf32, #tpu.memory_space<vmem>>, vector<32x1024xf32>,
    %slice3A_131 = vector.extract_strided_slice %get3A_3 {offsets = [2, 0], sizes = [1, 1024], strides = [1, 1]} : vector<16x1024xi32> to vector<1x1024xi32>
    %shift_right_arithmetic3A_132 = vector.broadcast %slice3A_131 : vector<1x1024xi32> to vector<32x1024xi32>
    %shift_right_arithmetic3A_133 = vector.broadcast %iota3A : vector<32x1xi32> to vector<32x1024xi32>
    %shift_right_arithmetic3A_134 = arith.shrsi %shift_right_arithmetic3A_132, %shift_right_arithmetic3A_133 : vector<32x1024xi32>
    %and3A_135 = arith.constant 1 : i32
    %and3A_136 = vector.broadcast %and3A_135 : i32 to vector<32x1024xi32>
    %and3A_137 = arith.andi %shift_right_arithmetic3A_134, %and3A_136 : vector<32x1024xi32>
    %convert_element_type3A_138 = arith.sitofp %and3A_137 : vector<32x1024xi32> to vector<32x1024xf32>
    %swap3A_139 = arith.constant 64 : index
    %swap3A_140 = arith.constant 0 : index
    %swap3A_141 = vector.load %arg1[%swap3A_139, %swap3A_140] : memref<512x1024xf32, #tpu.memory_space<vmem>>, vector<32x1024xf32>
    tpu.vector_store %arg1[%swap3A_139, %swap3A_140], %convert_element_type3A_138 {strides = array<i32>} : memref<512x1024xf32, #tpu.memory_space<vmem>>, vector<32x1024xf32>,
    %slice3A_142 = vector.extract_strided_slice %get3A_3 {offsets = [3, 0], sizes = [1, 1024], strides = [1, 1]} : vector<16x1024xi32> to vector<1x1024xi32>
    %shift_right_arithmetic3A_143 = vector.broadcast %slice3A_142 : vector<1x1024xi32> to vector<32x1024xi32>
    %shift_right_arithmetic3A_144 = vector.broadcast %iota3A : vector<32x1xi32> to vector<32x1024xi32>
    %shift_right_arithmetic3A_145 = arith.shrsi %shift_right_arithmetic3A_143, %shift_right_arithmetic3A_144 : vector<32x1024xi32>
    %and3A_146 = arith.constant 1 : i32
    %and3A_147 = vector.broadcast %and3A_146 : i32 to vector<32x1024xi32>
    %and3A_148 = arith.andi %shift_right_arithmetic3A_145, %and3A_147 : vector<32x1024xi32>
    %convert_element_type3A_149 = arith.sitofp %and3A_148 : vector<32x1024xi32> to vector<32x1024xf32>
    %swap3A_150 = arith.constant 96 : index
    %swap3A_151 = arith.constant 0 : index
    %swap3A_152 = vector.load %arg1[%swap3A_150, %swap3A_151] : memref<512x1024xf32, #tpu.memory_space<vmem>>, vector<32x1024xf32>
    tpu.vector_store %arg1[%swap3A_150, %swap3A_151], %convert_element_type3A_149 {strides = array<i32>} : memref<512x1024xf32, #tpu.memory_space<vmem>>, vector<32x1024xf32>,
    %slice3A_153 = vector.extract_strided_slice %get3A_3 {offsets = [4, 0], sizes = [1, 1024], strides = [1, 1]} : vector<16x1024xi32> to vector<1x1024xi32>
    %shift_right_arithmetic3A_154 = vector.broadcast %slice3A_153 : vector<1x1024xi32> to vector<32x1024xi32>
    %shift_right_arithmetic3A_155 = vector.broadcast %iota3A : vector<32x1xi32> to vector<32x1024xi32>
    %shift_right_arithmetic3A_156 = arith.shrsi %shift_right_arithmetic3A_154, %shift_right_arithmetic3A_155 : vector<32x1024xi32>
    %and3A_157 = arith.constant 1 : i32
    %and3A_158 = vector.broadcast %and3A_157 : i32 to vector<32x1024xi32>
    %and3A_159 = arith.andi %shift_right_arithmetic3A_156, %and3A_158 : vector<32x1024xi32>
    %convert_element_type3A_160 = arith.sitofp %and3A_159 : vector<32x1024xi32> to vector<32x1024xf32>
    %swap3A_161 = arith.constant 128 : index
    %swap3A_162 = arith.constant 0 : index
    %swap3A_163 = vector.load %arg1[%swap3A_161, %swap3A_162] : memref<512x1024xf32, #tpu.memory_space<vmem>>, vector<32x1024xf32>
    tpu.vector_store %arg1[%swap3A_161, %swap3A_162], %convert_element_type3A_160 {strides = array<i32>} : memref<512x1024xf32, #tpu.memory_space<vmem>>, vector<32x1024xf32>,
    %slice3A_164 = vector.extract_strided_slice %get3A_3 {offsets = [5, 0], sizes = [1, 1024], strides = [1, 1]} : vector<16x1024xi32> to vector<1x1024xi32>
    %shift_right_arithmetic3A_165 = vector.broadcast %slice3A_164 : vector<1x1024xi32> to vector<32x1024xi32>
    %shift_right_arithmetic3A_166 = vector.broadcast %iota3A : vector<32x1xi32> to vector<32x1024xi32>
    %shift_right_arithmetic3A_167 = arith.shrsi %shift_right_arithmetic3A_165, %shift_right_arithmetic3A_166 : vector<32x1024xi32>
    %and3A_168 = arith.constant 1 : i32
    %and3A_169 = vector.broadcast %and3A_168 : i32 to vector<32x1024xi32>
    %and3A_170 = arith.andi %shift_right_arithmetic3A_167, %and3A_169 : vector<32x1024xi32>
    %convert_element_type3A_171 = arith.sitofp %and3A_170 : vector<32x1024xi32> to vector<32x1024xf32>
    %swap3A_172 = arith.constant 160 : index
    %swap3A_173 = arith.constant 0 : index
    %swap3A_174 = vector.load %arg1[%swap3A_172, %swap3A_173] : memref<512x1024xf32, #tpu.memory_space<vmem>>, vector<32x1024xf32>
    tpu.vector_store %arg1[%swap3A_172, %swap3A_173], %convert_element_type3A_171 {strides = array<i32>} : memref<512x1024xf32, #tpu.memory_space<vmem>>, vector<32x1024xf32>,
    %slice3A_175 = vector.extract_strided_slice %get3A_3 {offsets = [6, 0], sizes = [1, 1024], strides = [1, 1]} : vector<16x1024xi32> to vector<1x1024xi32>
    %shift_right_arithmetic3A_176 = vector.broadcast %slice3A_175 : vector<1x1024xi32> to vector<32x1024xi32>
    %shift_right_arithmetic3A_177 = vector.broadcast %iota3A : vector<32x1xi32> to vector<32x1024xi32>
    %shift_right_arithmetic3A_178 = arith.shrsi %shift_right_arithmetic3A_176, %shift_right_arithmetic3A_177 : vector<32x1024xi32>
    %and3A_179 = arith.constant 1 : i32
    %and3A_180 = vector.broadcast %and3A_179 : i32 to vector<32x1024xi32>
    %and3A_181 = arith.andi %shift_right_arithmetic3A_178, %and3A_180 : vector<32x1024xi32>
    %convert_element_type3A_182 = arith.sitofp %and3A_181 : vector<32x1024xi32> to vector<32x1024xf32>
    %swap3A_183 = arith.constant 192 : index
    %swap3A_184 = arith.constant 0 : index
    %swap3A_185 = vector.load %arg1[%swap3A_183, %swap3A_184] : memref<512x1024xf32, #tpu.memory_space<vmem>>, vector<32x1024xf32>
    tpu.vector_store %arg1[%swap3A_183, %swap3A_184], %convert_element_type3A_182 {strides = array<i32>} : memref<512x1024xf32, #tpu.memory_space<vmem>>, vector<32x1024xf32>,
    %slice3A_186 = vector.extract_strided_slice %get3A_3 {offsets = [7, 0], sizes = [1, 1024], strides = [1, 1]} : vector<16x1024xi32> to vector<1x1024xi32>
    %shift_right_arithmetic3A_187 = vector.broadcast %slice3A_186 : vector<1x1024xi32> to vector<32x1024xi32>
    %shift_right_arithmetic3A_188 = vector.broadcast %iota3A : vector<32x1xi32> to vector<32x1024xi32>
    %shift_right_arithmetic3A_189 = arith.shrsi %shift_right_arithmetic3A_187, %shift_right_arithmetic3A_188 : vector<32x1024xi32>
    %and3A_190 = arith.constant 1 : i32
    %and3A_191 = vector.broadcast %and3A_190 : i32 to vector<32x1024xi32>
    %and3A_192 = arith.andi %shift_right_arithmetic3A_189, %and3A_191 : vector<32x1024xi32>
    %convert_element_type3A_193 = arith.sitofp %and3A_192 : vector<32x1024xi32> to vector<32x1024xf32>
    %swap3A_194 = arith.constant 224 : index
    %swap3A_195 = arith.constant 0 : index
    %swap3A_196 = vector.load %arg1[%swap3A_194, %swap3A_195] : memref<512x1024xf32, #tpu.memory_space<vmem>>, vector<32x1024xf32>
    tpu.vector_store %arg1[%swap3A_194, %swap3A_195], %convert_element_type3A_193 {strides = array<i32>} : memref<512x1024xf32, #tpu.memory_space<vmem>>, vector<32x1024xf32>,
    %slice3A_197 = vector.extract_strided_slice %get3A_3 {offsets = [8, 0], sizes = [1, 1024], strides = [1, 1]} : vector<16x1024xi32> to vector<1x1024xi32>
    %shift_right_arithmetic3A_198 = vector.broadcast %slice3A_197 : vector<1x1024xi32> to vector<32x1024xi32>
    %shift_right_arithmetic3A_199 = vector.broadcast %iota3A : vector<32x1xi32> to vector<32x1024xi32>
    %shift_right_arithmetic3A_200 = arith.shrsi %shift_right_arithmetic3A_198, %shift_right_arithmetic3A_199 : vector<32x1024xi32>
    %and3A_201 = arith.constant 1 : i32
    %and3A_202 = vector.broadcast %and3A_201 : i32 to vector<32x1024xi32>
    %and3A_203 = arith.andi %shift_right_arithmetic3A_200, %and3A_202 : vector<32x1024xi32>
    %convert_element_type3A_204 = arith.sitofp %and3A_203 : vector<32x1024xi32> to vector<32x1024xf32>
    %swap3A_205 = arith.constant 256 : index
    %swap3A_206 = arith.constant 0 : index
    %swap3A_207 = vector.load %arg1[%swap3A_205, %swap3A_206] : memref<512x1024xf32, #tpu.memory_space<vmem>>, vector<32x1024xf32>
    tpu.vector_store %arg1[%swap3A_205, %swap3A_206], %convert_element_type3A_204 {strides = array<i32>} : memref<512x1024xf32, #tpu.memory_space<vmem>>, vector<32x1024xf32>,
    %slice3A_208 = vector.extract_strided_slice %get3A_3 {offsets = [9, 0], sizes = [1, 1024], strides = [1, 1]} : vector<16x1024xi32> to vector<1x1024xi32>
    %shift_right_arithmetic3A_209 = vector.broadcast %slice3A_208 : vector<1x1024xi32> to vector<32x1024xi32>
    %shift_right_arithmetic3A_210 = vector.broadcast %iota3A : vector<32x1xi32> to vector<32x1024xi32>
    %shift_right_arithmetic3A_211 = arith.shrsi %shift_right_arithmetic3A_209, %shift_right_arithmetic3A_210 : vector<32x1024xi32>
    %and3A_212 = arith.constant 1 : i32
    %and3A_213 = vector.broadcast %and3A_212 : i32 to vector<32x1024xi32>
    %and3A_214 = arith.andi %shift_right_arithmetic3A_211, %and3A_213 : vector<32x1024xi32>
    %convert_element_type3A_215 = arith.sitofp %and3A_214 : vector<32x1024xi32> to vector<32x1024xf32>
    %swap3A_216 = arith.constant 288 : index
    %swap3A_217 = arith.constant 0 : index
    %swap3A_218 = vector.load %arg1[%swap3A_216, %swap3A_217] : memref<512x1024xf32, #tpu.memory_space<vmem>>, vector<32x1024xf32>
    tpu.vector_store %arg1[%swap3A_216, %swap3A_217], %convert_element_type3A_215 {strides = array<i32>} : memref<512x1024xf32, #tpu.memory_space<vmem>>, vector<32x1024xf32>,
    %slice3A_219 = vector.extract_strided_slice %get3A_3 {offsets = [10, 0], sizes = [1, 1024], strides = [1, 1]} : vector<16x1024xi32> to vector<1x1024xi32>
    %shift_right_arithmetic3A_220 = vector.broadcast %slice3A_219 : vector<1x1024xi32> to vector<32x1024xi32>
    %shift_right_arithmetic3A_221 = vector.broadcast %iota3A : vector<32x1xi32> to vector<32x1024xi32>
    %shift_right_arithmetic3A_222 = arith.shrsi %shift_right_arithmetic3A_220, %shift_right_arithmetic3A_221 : vector<32x1024xi32>
    %and3A_223 = arith.constant 1 : i32
    %and3A_224 = vector.broadcast %and3A_223 : i32 to vector<32x1024xi32>
    %and3A_225 = arith.andi %shift_right_arithmetic3A_222, %and3A_224 : vector<32x1024xi32>
    %convert_element_type3A_226 = arith.sitofp %and3A_225 : vector<32x1024xi32> to vector<32x1024xf32>
    %swap3A_227 = arith.constant 320 : index
    %swap3A_228 = arith.constant 0 : index
    %swap3A_229 = vector.load %arg1[%swap3A_227, %swap3A_228] : memref<512x1024xf32, #tpu.memory_space<vmem>>, vector<32x1024xf32>
    tpu.vector_store %arg1[%swap3A_227, %swap3A_228], %convert_element_type3A_226 {strides = array<i32>} : memref<512x1024xf32, #tpu.memory_space<vmem>>, vector<32x1024xf32>,
    %slice3A_230 = vector.extract_strided_slice %get3A_3 {offsets = [11, 0], sizes = [1, 1024], strides = [1, 1]} : vector<16x1024xi32> to vector<1x1024xi32>
    %shift_right_arithmetic3A_231 = vector.broadcast %slice3A_230 : vector<1x1024xi32> to vector<32x1024xi32>
    %shift_right_arithmetic3A_232 = vector.broadcast %iota3A : vector<32x1xi32> to vector<32x1024xi32>
    %shift_right_arithmetic3A_233 = arith.shrsi %shift_right_arithmetic3A_231, %shift_right_arithmetic3A_232 : vector<32x1024xi32>
    %and3A_234 = arith.constant 1 : i32
    %and3A_235 = vector.broadcast %and3A_234 : i32 to vector<32x1024xi32>
    %and3A_236 = arith.andi %shift_right_arithmetic3A_233, %and3A_235 : vector<32x1024xi32>
    %convert_element_type3A_237 = arith.sitofp %and3A_236 : vector<32x1024xi32> to vector<32x1024xf32>
    %swap3A_238 = arith.constant 352 : index
    %swap3A_239 = arith.constant 0 : index
    %swap3A_240 = vector.load %arg1[%swap3A_238, %swap3A_239] : memref<512x1024xf32, #tpu.memory_space<vmem>>, vector<32x1024xf32>
    tpu.vector_store %arg1[%swap3A_238, %swap3A_239], %convert_element_type3A_237 {strides = array<i32>} : memref<512x1024xf32, #tpu.memory_space<vmem>>, vector<32x1024xf32>,
    %slice3A_241 = vector.extract_strided_slice %get3A_3 {offsets = [12, 0], sizes = [1, 1024], strides = [1, 1]} : vector<16x1024xi32> to vector<1x1024xi32>
    %shift_right_arithmetic3A_242 = vector.broadcast %slice3A_241 : vector<1x1024xi32> to vector<32x1024xi32>
    %shift_right_arithmetic3A_243 = vector.broadcast %iota3A : vector<32x1xi32> to vector<32x1024xi32>
    %shift_right_arithmetic3A_244 = arith.shrsi %shift_right_arithmetic3A_242, %shift_right_arithmetic3A_243 : vector<32x1024xi32>
    %and3A_245 = arith.constant 1 : i32
    %and3A_246 = vector.broadcast %and3A_245 : i32 to vector<32x1024xi32>
    %and3A_247 = arith.andi %shift_right_arithmetic3A_244, %and3A_246 : vector<32x1024xi32>
    %convert_element_type3A_248 = arith.sitofp %and3A_247 : vector<32x1024xi32> to vector<32x1024xf32>
    %swap3A_249 = arith.constant 384 : index
    %swap3A_250 = arith.constant 0 : index
    %swap3A_251 = vector.load %arg1[%swap3A_249, %swap3A_250] : memref<512x1024xf32, #tpu.memory_space<vmem>>, vector<32x1024xf32>
    tpu.vector_store %arg1[%swap3A_249, %swap3A_250], %convert_element_type3A_248 {strides = array<i32>} : memref<512x1024xf32, #tpu.memory_space<vmem>>, vector<32x1024xf32>,
    %slice3A_252 = vector.extract_strided_slice %get3A_3 {offsets = [13, 0], sizes = [1, 1024], strides = [1, 1]} : vector<16x1024xi32> to vector<1x1024xi32>
    %shift_right_arithmetic3A_253 = vector.broadcast %slice3A_252 : vector<1x1024xi32> to vector<32x1024xi32>
    %shift_right_arithmetic3A_254 = vector.broadcast %iota3A : vector<32x1xi32> to vector<32x1024xi32>
    %shift_right_arithmetic3A_255 = arith.shrsi %shift_right_arithmetic3A_253, %shift_right_arithmetic3A_254 : vector<32x1024xi32>
    %and3A_256 = arith.constant 1 : i32
    %and3A_257 = vector.broadcast %and3A_256 : i32 to vector<32x1024xi32>
    %and3A_258 = arith.andi %shift_right_arithmetic3A_255, %and3A_257 : vector<32x1024xi32>
    %convert_element_type3A_259 = arith.sitofp %and3A_258 : vector<32x1024xi32> to vector<32x1024xf32>
    %swap3A_260 = arith.constant 416 : index
    %swap3A_261 = arith.constant 0 : index
    %swap3A_262 = vector.load %arg1[%swap3A_260, %swap3A_261] : memref<512x1024xf32, #tpu.memory_space<vmem>>, vector<32x1024xf32>
    tpu.vector_store %arg1[%swap3A_260, %swap3A_261], %convert_element_type3A_259 {strides = array<i32>} : memref<512x1024xf32, #tpu.memory_space<vmem>>, vector<32x1024xf32>,
    %slice3A_263 = vector.extract_strided_slice %get3A_3 {offsets = [14, 0], sizes = [1, 1024], strides = [1, 1]} : vector<16x1024xi32> to vector<1x1024xi32>
    %shift_right_arithmetic3A_264 = vector.broadcast %slice3A_263 : vector<1x1024xi32> to vector<32x1024xi32>
    %shift_right_arithmetic3A_265 = vector.broadcast %iota3A : vector<32x1xi32> to vector<32x1024xi32>
    %shift_right_arithmetic3A_266 = arith.shrsi %shift_right_arithmetic3A_264, %shift_right_arithmetic3A_265 : vector<32x1024xi32>
    %and3A_267 = arith.constant 1 : i32
    %and3A_268 = vector.broadcast %and3A_267 : i32 to vector<32x1024xi32>
    %and3A_269 = arith.andi %shift_right_arithmetic3A_266, %and3A_268 : vector<32x1024xi32>
    %convert_element_type3A_270 = arith.sitofp %and3A_269 : vector<32x1024xi32> to vector<32x1024xf32>
    %swap3A_271 = arith.constant 448 : index
    %swap3A_272 = arith.constant 0 : index
    %swap3A_273 = vector.load %arg1[%swap3A_271, %swap3A_272] : memref<512x1024xf32, #tpu.memory_space<vmem>>, vector<32x1024xf32>
    tpu.vector_store %arg1[%swap3A_271, %swap3A_272], %convert_element_type3A_270 {strides = array<i32>} : memref<512x1024xf32, #tpu.memory_space<vmem>>, vector<32x1024xf32>,
    %slice3A_274 = vector.extract_strided_slice %get3A_3 {offsets = [15, 0], sizes = [1, 1024], strides = [1, 1]} : vector<16x1024xi32> to vector<1x1024xi32>
    %shift_right_arithmetic3A_275 = vector.broadcast %slice3A_274 : vector<1x1024xi32> to vector<32x1024xi32>
    %shift_right_arithmetic3A_276 = vector.broadcast %iota3A : vector<32x1xi32> to vector<32x1024xi32>
    %shift_right_arithmetic3A_277 = arith.shrsi %shift_right_arithmetic3A_275, %shift_right_arithmetic3A_276 : vector<32x1024xi32>
    %and3A_278 = arith.constant 1 : i32
    %and3A_279 = vector.broadcast %and3A_278 : i32 to vector<32x1024xi32>
    %and3A_280 = arith.andi %shift_right_arithmetic3A_277, %and3A_279 : vector<32x1024xi32>
    %convert_element_type3A_281 = arith.sitofp %and3A_280 : vector<32x1024xi32> to vector<32x1024xf32>
    %swap3A_282 = arith.constant 480 : index
    %swap3A_283 = arith.constant 0 : index
    %swap3A_284 = vector.load %arg1[%swap3A_282, %swap3A_283] : memref<512x1024xf32, #tpu.memory_space<vmem>>, vector<32x1024xf32>
    tpu.vector_store %arg1[%swap3A_282, %swap3A_283], %convert_element_type3A_281 {strides = array<i32>} : memref<512x1024xf32, #tpu.memory_space<vmem>>, vector<32x1024xf32>,
    %iota3A_285 = tpu.iota {dimensions = array<i32: 0>} : vector<1024x512xi32>
    %slice3A_286 = vector.extract_strided_slice %while3A#2 {offsets = [0, 0], sizes = [1, 512], strides = [1, 1]} : vector<1x1024xi32> to vector<1x512xi32>
    %eq3A_287 = vector.broadcast %slice3A_286 : vector<1x512xi32> to vector<1024x512xi32>
    %eq3A_288 = arith.cmpi eq, %iota3A_285, %eq3A_287 : vector<1024x512xi32>
    %convert_element_type3A_289 = arith.extui %eq3A_288 : vector<1024x512xi1> to vector<1024x512xi32>
    %convert_element_type3A_290 = arith.sitofp %convert_element_type3A_289 : vector<1024x512xi32> to vector<1024x512xf32>
    %get3A_291 = arith.constant 0 : index
    %get3A_292 = arith.constant 0 : index
    %get3A_293 = vector.load %arg1[%get3A_291, %get3A_292] : memref<512x1024xf32, #tpu.memory_space<vmem>>, vector<512x1024xf32>
    %dot_general3A = arith.constant dense<0.000000e+00> : vector<512x512xf32>
    %dot_general3A_294 = tpu.matmul %get3A_293, %convert_element_type3A_290, %dot_general3A {dimension_numbers = #tpu.dot_dimension_numbers<[1], [0], [0], [1], [0, 0, 1, 1], [], []>, transpose_lhs_hint = false} : vector<512x1024xf32>, vector<1024x512xf32>, vector<512x512xf32> -> vector<512x512xf32>
    %swap3A_295 = arith.constant 0 : index
    %swap3A_296 = arith.constant 0 : index
    %swap3A_297 = vector.load %arg3[%swap3A_295, %swap3A_296] : memref<512x512xf32, #tpu.memory_space<vmem>>, vector<512x512xf32>
    tpu.vector_store %arg3[%swap3A_295, %swap3A_296], %dot_general3A_294 {strides = array<i32>} : memref<512x512xf32, #tpu.memory_space<vmem>>, vector<512x512xf32>,
    %convert_element_type3A_298 = arith.sitofp %while3A#2 : vector<1x1024xi32> to vector<1x1024xf32>
    %iota3A_299 = tpu.iota {dimensions = array<i32: 0>} : vector<512x512xi32>
    %iota3A_300 = tpu.iota {dimensions = array<i32: 1>} : vector<512x512xi32>
    %eq3A_301 = arith.cmpi eq, %iota3A_299, %iota3A_300 : vector<512x512xi32>
    %convert_element_type3A_302 = arith.extui %eq3A_301 : vector<512x512xi1> to vector<512x512xi32>
    %convert_element_type3A_303 = arith.sitofp %convert_element_type3A_302 : vector<512x512xi32> to vector<512x512xf32>
    %slice3A_304 = vector.extract_strided_slice %convert_element_type3A_298 {offsets = [0, 0], sizes = [1, 512], strides = [1, 1]} : vector<1x1024xf32> to vector<1x512xf32>
    %dot_general3A_305 = arith.constant dense<0.000000e+00> : vector<512x1xf32>
    %dot_general3A_306 = tpu.matmul %convert_element_type3A_303, %slice3A_304, %dot_general3A_305 {dimension_numbers = #tpu.dot_dimension_numbers<[1], [1], [0], [0], [0, 0, 1, 0], [], []>, transpose_lhs_hint = false} : vector<512x512xf32>, vector<1x512xf32>, vector<512x1xf32> -> vector<512x1xf32>
    %slice3A_307 = vector.extract_strided_slice %convert_element_type3A_298 {offsets = [0, 512], sizes = [1, 512], strides = [1, 1]} : vector<1x1024xf32> to vector<1x512xf32>
    %dot_general3A_308 = arith.constant dense<0.000000e+00> : vector<512x1xf32>
    %dot_general3A_309 = tpu.matmul %convert_element_type3A_303, %slice3A_307, %dot_general3A_308 {dimension_numbers = #tpu.dot_dimension_numbers<[1], [1], [0], [0], [0, 0, 1, 0], [], []>, transpose_lhs_hint = false} : vector<512x512xf32>, vector<1x512xf32>, vector<512x1xf32> -> vector<512x1xf32>
    %iota3A_310 = tpu.iota {dimensions = array<i32: 1>} : vector<512x1024xi32>
    %convert_element_type3A_311 = arith.fptosi %dot_general3A_309 : vector<512x1xf32> to vector<512x1xi32>
    %eq3A_312 = vector.broadcast %convert_element_type3A_311 : vector<512x1xi32> to vector<512x1024xi32>
    %eq3A_313 = arith.cmpi eq, %eq3A_312, %iota3A_310 : vector<512x1024xi32>
    %convert_element_type3A_314 = arith.extui %eq3A_313 : vector<512x1024xi1> to vector<512x1024xi32>
    %convert_element_type3A_315 = arith.sitofp %convert_element_type3A_314 : vector<512x1024xi32> to vector<512x1024xf32>
    %swap3A_316 = arith.constant 0 : index
    %swap3A_317 = arith.constant 0 : index
    %swap3A_318 = vector.load %arg4[%swap3A_316, %swap3A_317] : memref<512x1024xf32, #tpu.memory_space<vmem>>, vector<512x1024xf32>
    tpu.vector_store %arg4[%swap3A_316, %swap3A_317], %convert_element_type3A_315 {strides = array<i32>} : memref<512x1024xf32, #tpu.memory_space<vmem>>, vector<512x1024xf32>,
    %convert_element_type3A_319 = arith.fptosi %dot_general3A_306 : vector<512x1xf32> to vector<512x1xi32>
    %eq3A_320 = vector.broadcast %convert_element_type3A_319 : vector<512x1xi32> to vector<512x1024xi32>
    %eq3A_321 = arith.cmpi eq, %eq3A_320, %iota3A_310 : vector<512x1024xi32>
    %convert_element_type3A_322 = arith.extui %eq3A_321 : vector<512x1024xi1> to vector<512x1024xi32>
    %convert_element_type3A_323 = arith.sitofp %convert_element_type3A_322 : vector<512x1024xi32> to vector<512x1024xf32>
    %get3A_324 = arith.constant 0 : index
    %get3A_325 = arith.constant 0 : index
    %get3A_326 = vector.load %arg3[%get3A_324, %get3A_325] : memref<512x512xf32, #tpu.memory_space<vmem>>, vector<512x512xf32>
    %get3A_327 = arith.constant 0 : index
    %get3A_328 = arith.constant 0 : index
    %get3A_329 = vector.load %arg4[%get3A_327, %get3A_328] : memref<512x1024xf32, #tpu.memory_space<vmem>>, vector<512x1024xf32>
    %dot_general3A_330 = arith.constant dense<0.000000e+00> : vector<512x1024xf32>
    %dot_general3A_331 = tpu.matmul %get3A_326, %get3A_329, %dot_general3A_330 {dimension_numbers = #tpu.dot_dimension_numbers<[0], [0], [1], [1], [0, 1, 1, 1], [], []>, transpose_lhs_hint = false} : vector<512x512xf32>, vector<512x1024xf32>, vector<512x1024xf32> -> vector<512x1024xf32>
    %add3A_332 = arith.addf %convert_element_type3A_323, %dot_general3A_331 : vector<512x1024xf32>
    %swap3A_333 = arith.constant 0 : index
    %swap3A_334 = arith.constant 0 : index
    %swap3A_335 = vector.load %arg1[%swap3A_333, %swap3A_334] : memref<512x1024xf32, #tpu.memory_space<vmem>>, vector<512x1024xf32>
    tpu.vector_store %arg1[%swap3A_333, %swap3A_334], %add3A_332 {strides = array<i32>} : memref<512x1024xf32, #tpu.memory_space<vmem>>, vector<512x1024xf32>,
    %slice3A_336 = vector.extract_strided_slice %while3A#2 {offsets = [0, 0], sizes = [1, 512], strides = [1, 1]} : vector<1x1024xi32> to vector<1x512xi32>
    %swap3A_337 = arith.constant 0 : index
    %swap3A_338 = arith.constant 0 : index
    %swap3A_339 = vector.load %arg2[%swap3A_337, %swap3A_338] : memref<1x512xi32, #tpu.memory_space<vmem>>, vector<1x512xi32>
    tpu.vector_store %arg2[%swap3A_337, %swap3A_338], %slice3A_336 {strides = array<i32>} : memref<1x512xi32, #tpu.memory_space<vmem>>, vector<1x512xi32>,
    return
  }
}

</mosaic_0001>

<sc_bundles>
// kernel: kernel.5.cloned.1.call-start
scs
__scs_entry_jumppad:
0x0: {  	(pc) =	sbr.rel $0x88, $3  }
0x1: {  	(tag) =	ssettag $0x0;
	lr =	simm.s32 $0x1  }
0x2: {  	[smem:$0x3FA0] =	sst lr;
	_ =	strace $0xD0000000  }
0x3: {  	_ = 	snop  }
0x4: {  	_ = 	snop  }
0x5: {  	_ = 	snop  }
0x6: {  	_ = 	snop  }
0x7: {  	_ = 	snop  }
__scs_overlays_trampoline_lowered:
0x8: {  	[smem:$0x3FAF] =	sst s0  }
0x9: {  	[smem:$0x3FB0] =	sst s1  }
0xa: {  	[smem:$0x3FB1] =	sst s2  }
0xb: {  	[smem:$0x3FB2] =	sst s3  }
0xc: {  	[smem:$0x3FB3] =	sst s4  }
0xd: {  	[smem:$0x3FB4] =	sst s5  }
0xe: {  	[smem:$0x3FB5] =	sst s6  }
0xf: {  	[smem:$0x3FB6] =	sst s7  }
0x10: {  	[smem:$0x3FB7] =	sst s8  }
0x11: {  	[smem:$0x3FB8] =	sst s9;
	s0 =	simm.s32 @!p0 $0x0  }
0x12: {  	s1 =	sld [smem:$0x3F9E];
	s0 =	simm.s32 @p0 $0x1  }
0x13: {  	[smem:$0x3FB9] =	sst s0;
	s0 =	simm.s32 @!p1 $0x0  }
0x14: {  	s2 =	sld [smem:$0x3F9D];
	s0 =	simm.s32 @p1 $0x1  }
0x15: {  	[smem:$0x3FBA] =	sst s0;
	s0 =	simm.s32 @!p2 $0x0  }
0x16: {  	s3 =	sld [smem:$0x3FDB];
	s0 =	simm.s32 @p2 $0x1  }
0x17: {  	s4 =	simm.s32 $0x1BF5;
	[smem:$0x3FBC] =	sst s0  }
0x18: {  	s0 =	sld [smem:$0x3F9F];
	_ =	swait.ge [sflag:s4], $0x0  }
0x19: {  	s7 =	sld [smem:$0x3FA0]  }
0x1a: {  	s8 =	sadd.s32 $0xFFFFE003, lr  }
0x1b: {  	s9 =	sadd.s32 $0xFFFFFEF7, lr;
	s5 =	simm.s32 $0xFFFFFFFF;
	p2 =	slt.u32 s8, $0xFFFFF086  }
0x1c: {  	p1 =	slt.u32 s9, $0xF7A;
	s5 =	simm.s32 @!p2 $0x0  }
0x1d: {  	s5 =	simm.s32 @p1 $0x1;
	p0 =	seq.s32 s7, s2  }
0x1e: {  	s7 =	smul.u32 @!p0 $0xF7A, s2;
	p2 =	seq.s32 @!p0 s5, $0x0  }
0x1f: {  	s9 =	smul.u32 $0xF7A, s1;
	s8 =	simm.s32 @!p0 $0x1BF5;
	p2 =	por !p2, p0  }
0x20: {  	[sflag:s8] =	ssyncset.s32 @!p0 $0xFFFFF086;
	s6 =	sadd.s32 @!p0 s3, s7;
	s7 =	simm.s32 @!p0 $0x108  }
0x21: {  	s3 =	sadd.s32 s3, s9;
	s6 =	sadd.s32 @!p0 $0x88, s6;
	s7 =	simm.s32 @p2 $0x1082  }
0x22: {  	[simem:s7], [sflag:s8] =	dma.local @!p0 [hbm:s6], $0xF7A  }
0x23: {  	s9 =	sor.u32 $0xD0000000, s2;
	s6 =	simm.s32 $0x108;
	_ =	swait.ge @!p0 [sflag:s8], $0x0  }
0x24: {  	s3 =	sadd.s32 $0x88, s3;
	s6 =	simm.s32 @!p1 $0x1082;
	[sflag:s4] =	ssyncset.s32 $0xFFFFF086  }
0x25: {  	[simem:s6], [sflag:s4] =	dma.local [hbm:s3], $0xF7A  }
0x26: {  	[smem:$0x3FA0] =	sst s1;
	(tag) =	ssettag s2;
	_ =	strace s9  }
0x27: {  	s1 =	sld [smem:$0x3FB0]  }
0x28: {  	s2 =	sld [smem:$0x3FB1]  }
0x29: {  	s4 =	sld [smem:$0x3FB3]  }
0x2a: {  	p0 =	seq.s32 s5, $0x0;
	s5 =	sld [smem:$0x3FB4]  }
0x2b: {  	s6 =	sld [smem:$0x3FB5]  }
0x2c: {  	s7 =	sld [smem:$0x3FB6]  }
0x2d: {  	s3 =	simm.s32 $0x108;
	s8 =	sld [smem:$0x3FB7]  }
0x2e: {  	s3 =	simm.s32 @!p0 $0x1082;
	s9 =	sld [smem:$0x3FB8]  }
0x2f: {  	lr =	sadd.s32 s0, s3;
	s0 =	sld [smem:$0x3FAF]  }
0x30: {  	s3 =	sld [smem:$0x3FB2]  }
0x31: {  	[smem:$0x3FBB] =	sst s10  }
0x32: {  	s10 =	sld [smem:$0x3FB9];
	_ =	sdelay $0x3  }
0x33: {  	p0 =	seq.s32 s10, $0x1;
	s10 =	sld [smem:$0x3FBB];
	_ =	sdelay $0x3  }
0x34: {  	[smem:$0x3FBB] =	sst s10  }
0x35: {  	s10 =	sld [smem:$0x3FBA];
	_ =	sdelay $0x3  }
0x36: {  	p1 =	seq.s32 s10, $0x1;
	s10 =	sld [smem:$0x3FBB];
	_ =	sdelay $0x3  }
0x37: {  	[smem:$0x3FBB] =	sst s10  }
0x38: {  	s10 =	sld [smem:$0x3FBC]  }
0x39: {  	_ = 	snop;
	(pc) =	sbr.ind lr, $3  }
0x3a: {  	_ = 	snop  }
0x3b: {  	_ = 	snop  }
0x3c: {  	p2 =	seq.s32 s10, $0x1;
	s10 =	sld [smem:$0x3FBB]  }
0x3d: {  	_ =	shalt  }
0x3e: {  	_ =	shalt  }
0x3f: {  	_ =	shalt  }
0x40: {  	_ =	shalt  }
0x41: {  	_ =	shalt  }
0x42: {  	_ =	shalt  }
0x43: {  	_ =	shalt  }
0x44: {  	_ =	shalt  }
0x45: {  	_ =	shalt  }
0x46: {  	_ =	shalt  }
0x47: {  	_ =	shalt  }
0x48: {  	_ =	shalt  }
0x49: {  	_ =	shalt  }
0x4a: {  	_ =	shalt  }
0x4b: {  	_ =	shalt  }
0x4c: {  	_ =	shalt  }
0x4d: {  	_ =	shalt  }
0x4e: {  	_ =	shalt  }
0x4f: {  	_ =	shalt  }
0x50: {  	_ =	shalt  }
0x51: {  	_ =	shalt  }
0x52: {  	_ =	shalt  }
0x53: {  	_ =	shalt  }
0x54: {  	_ =	shalt  }
0x55: {  	_ =	shalt  }
0x56: {  	_ =	shalt  }
0x57: {  	_ =	shalt  }
0x58: {  	_ =	shalt  }
0x59: {  	_ =	shalt  }
0x5a: {  	_ =	shalt  }
0x5b: {  	_ =	shalt  }
0x5c: {  	_ =	shalt  }
0x5d: {  	_ =	shalt  }
0x5e: {  	_ =	shalt  }
0x5f: {  	_ =	shalt  }
0x60: {  	_ =	shalt  }
0x61: {  	_ =	shalt  }
0x62: {  	_ =	shalt  }
0x63: {  	_ =	shalt  }
0x64: {  	_ =	shalt  }
0x65: {  	_ =	shalt  }
0x66: {  	_ =	shalt  }
0x67: {  	_ =	shalt  }
0x68: {  	_ =	shalt  }
0x69: {  	_ =	shalt  }
0x6a: {  	_ =	shalt  }
0x6b: {  	_ =	shalt  }
0x6c: {  	_ =	shalt  }
0x6d: {  	_ =	shalt  }
0x6e: {  	_ =	shalt  }
0x6f: {  	_ =	shalt  }
0x70: {  	_ =	shalt  }
0x71: {  	_ =	shalt  }
0x72: {  	_ =	shalt  }
0x73: {  	_ =	shalt  }
0x74: {  	_ =	shalt  }
0x75: {  	_ =	shalt  }
0x76: {  	_ =	shalt  }
0x77: {  	_ =	shalt  }
0x78: {  	_ =	shalt  }
0x79: {  	_ =	shalt  }
0x7a: {  	_ =	shalt  }
0x7b: {  	_ =	shalt  }
0x7c: {  	_ =	shalt  }
0x7d: {  	_ =	shalt  }
0x7e: {  	_ =	shalt  }
0x7f: {  	_ =	shalt  }
0x80: {  	_ =	shalt  }
0x81: {  	_ =	shalt  }
0x82: {  	_ =	shalt  }
0x83: {  	_ =	shalt  }
0x84: {  	_ =	shalt  }
0x85: {  	_ =	shalt  }
0x86: {  	_ =	shalt  }
0x87: {  	_ =	shalt  }
.Lfunc_end0:
.L_simem_size_0:
called_computation_lowered:
.L_overlay_start_0:
0x88: {  	s2 =	sld [smem:$0x3FD9]  }
0x89: {  	s3 =	sld [smem:$0x3FFE];
	_ =	sdelay $0x1  }
0x8a: {  	s1 =	srdreg.scid  }
0x8b: {  	s0 =	sand.u32 $0x1, s1  }
0x8c: {  	s14 =	sshll.u32 s0, $0xA;
	s2 =	sadd.s32 s3, s2  }
0x8d: {  	s2 =	sadd.s32 s2, s14  }
0x8e: {  	[smem:$0x3FC7] =	sst s2  }
0x8f: {  	_ = 	snop  }
0x90: {  	s2 =	sld [smem:$0x3FD0];
	_ =	sdelay $0x2  }
0x91: {  	s15 =	simm.s32 $0xA;
	s4 =	simm.s32 $0x10  }
0x92: {  	[smem:s4], [sflag:s15] =	dma.local [hbm:s2], $0x1  }
0x93: {  	_ =	swait.eq [sflag:s15], $0x1  }
0x94: {  	[sflag:s15] =	ssyncset.done $0x0  }
0x95: {  	[sflag:s15] =	ssyncadd.s32 $0xFFFFFFFF  }
0x96: {  	s16 =	sld [smem:$0x10];
	(tm) =	ssettm $0x1  }
0x97: {  	s17 =	sld [smem:$0x3FFB];
	_ =	sdelay $0x3  }
0x98: {  	_ =	strace s17  }
0x99: {  	s3 =	sld [smem:$0x3FFC];
	_ =	sdelay $0x3  }
0x9a: {  	_ =	strace s3  }
0x9b: {  	s3 =	sld [smem:$0x3FFD];
	_ =	sdelay $0x3  }
0x9c: {  	_ =	strace s3  }
0x9d: {  	_ =	strace $0x8FFFFFFF  }
0x9e: {  	s18 =	sld [smem:$0x3FDB];
	_ =	sdelay $0x1  }
0x9f: {  	s19 =	simm.s32 $_scs_section_size  }
0xa0: {  	s5 =	simm.s32 $_size__tile_overlayer_lowered;
	s6 =	simm.s32 $_tile_overlayer_lowered  }
0xa1: {  	s22 =	simm.s32 $0x1BFF;
	s21 =	sshll.u32 s6, $0x1;
	s3 =	sadd.s32 s19, s18  }
0xa2: {  	s7 =	simm.s32 $0x0;
	s20 =	sshll.u32 s5, $0x1;
	s5 =	sadd.s32 s21, s3  }
0xa3: {  	[timem:s7], [sflag:s22] =	dma.local [hbm:s5], s20  }
0xa4: {  	_ =	swait.ge [sflag:s22], s20  }
0xa5: {  	s4 =	ssub.s32 $0x0, s20;
	[sflag:s22] =	ssyncset.done $0x0  }
0xa6: {  	[sflag:s22] =	ssyncadd.s32 s4;
	_ =	sdelay $0x1  }
0xa7: {  	s23 =	simm.s32 $0x1B8B  }
0xa8: {  	_ =	swait.ge [sflag:s23], $0x1  }
0xa9: {  	[sflag:s23] =	ssyncset.done $0x0  }
0xaa: {  	s25 =	simm.s32 $0x1B8E;
	s24 =	sld [smem:$0x3FFE];
	[sflag:s23] =	ssyncadd.s32 $0xFFFFFFFF  }
0xab: {  	s26 =	simm.s32 $execute0_lowered;
	[smem:$0x3FD2] =	sst s25  }
0xac: {  	s5 =	sshll.u32 s26, $0x1;
	_ =	strace $0x80000046;
	[dreg:$0x1] =	wrdreg $0xFFFFFFFF  }
0xad: {  	s28 =	simm.s32 $_size_execute0_lowered;
	s3 =	sadd.s32 s3, s5;
	[dreg:$0x0] =	wrdreg $0x0  }
0xae: {  	s5 =	sshll.u32 s28, $0x1;
	[dreg:$0x2] =	wrdreg s3  }
0xaf: {  	[dreg:$0x3] =	wrdreg s5  }
0xb0: {  	[dreg:$0x4] =	wrdreg $0xC0  }
0xb1: {  	_ =	task [dreg:s7], $0x5FFFF  }
0xb2: {  	[dreg:$0x1] =	wrdreg $0xFFFFFFFF  }
0xb3: {  	[dreg:$0x0] =	wrdreg $0x60  }
0xb4: {  	[dreg:$0x2] =	wrdreg s16  }
0xb5: {  	[dreg:$0x3] =	wrdreg s24  }
0xb6: {  	[dreg:$0x4] =	wrdreg $0x5800  }
0xb7: {  	[dreg:$0x5] =	wrdreg $0x9  }
0xb8: {  	_ =	task.clear_ibuf [dreg:s7], $0x6FFFF;
	_ =	strace $0x90000046  }
0xb9: {  	s29 =	simm.s32 $0x9;
	_ =	strace $0x80000048  }
0xba: {  	_ =	swait.ge [sflag:s29], $0x1  }
0xbb: {  	[sflag:s29] =	ssyncadd.s32 $0xFFFFFFFF  }
0xbc: {  	_ =	strace $0x90000048  }
0xbd: {  	_ =	sfence  }
0xbe: {  	s30 =	sld [smem:$0x0];
	_ =	sdelay $0x2  }
0xbf: {  	s31 =	sshll.u32 s1, $0xD;
	s1 =	sshrl.u32 s1, $0x2  }
0xc0: {  	s3 =	sand.u32 $0x4000, s31;
	s1 =	sadd.s32 s1, s30  }
0xc1: {  	s0 =	sor.u32 s3, s0;
	s1 =	sshll.u32 s1, $0x11  }
0xc2: {  	s0 =	sor.u32 s1, s0  }
0xc3: {  	s0 =	sadd.s32 $0x8F2B, s0  }
0xc4: {  	[sflag:s0] =	ssyncadd.remote.s32 $0x1  }
0xc5: {  	_ =	sfence.sel $0xFFFF  }
0xc6: {  	[dreg:$0x0] =	wrdreg $0xFFFFFFFF;
	(pc) =	sbr.abs _section_cstart, $3  }
0xc7: {  	[dreg:$0x1] =	wrdreg $0xFFFFFFFF  }
0xc8: {  	_ =	task.clear_ibuf [dreg:s7], $0x2FFFF;
	_ =	strace $0x9FFFFFFF  }
0xc9: {  	(tm) =	ssettm $0x7FFFFFFF  }
tec
execute0_lowered:
.L_overlay_start_1:
0x0: {  	(tag) =	ssettag $0x1  }
0x1: {  	v4 =	vlaneseq.u32;
	v0 =	vimm.s32 $0xEFCDAB89;
	v1 =	vimm.s32 $0x67452301  }
0x2: {  	s4 =	rddreg [dreg:$0x0];
	v8 =	vimm.s32 $0xFFFFFFFF;
	v2 =	vimm.s32 $0xDCFE98BA;
	v61 =	vimm.s32 $0x54761032  }
0x3: {  	s5 =	rddreg [dreg:$0x1];
	v62 =	vimm.s32 $0xBA98FEDC;
	v3 =	vimm.s32 $0xFEDCBA98;
	v5 =	vimm.s32 $0x32107654  }
0x4: {  	s1 =	rddreg [dreg:$0x2];
	s0 =	stileid.u32;
	v6 =	vimm.s32 $0x76543210;
	v7 =	vmul.u32 $0xFFFFFFE0, v4;
	v0 =	vunpack.c.l.s4.s8 v0  }
0x5: {  	s7 =	srdreg.scid;
	s2 =	rddreg [dreg:$0x3];
	s11 =	simm.s32 $0x480;
	v1 =	vunpack.c.l.s4.s8 v1;
	v34 =	vmul.u32 $0x20, v4;
	v60 =	vunpack.c.l.s4.s8 v2  }
0x6: {  	s3 =	sshll.u32 s0, $0xA;
	s6 =	sshll.u32 s0, $0x7;
	s12 =	sand.u32 $0x1, s7;
	v3 =	vunpack.c.l.s4.s8 v3;
	v2 =	vunpack.c.l.s4.s8 v62;
	v5 =	vunpack.c.l.s4.s8 v5  }
0x7: {  	v6 =	vunpack.c.l.s4.s8 v6;
	s8 =	sor.u32 s6, s3;
	s3 =	simm.s32 $0x0;
	s31 =	ssub.s32 $0x2, s12;
	v0 =	vunpack.c.0.s8.s32 v0;
	v1 =	vunpack.c.0.s8.s32 v1  }
0x8: {  	p0 =	sne.s32 s12, $0x0;
	s12 =	simm.s32 $0x0;
	s30 =	sand.u32 $0x2380, s8;
	v3 =	vunpack.c.0.s8.s32 v3;
	v2 =	vunpack.c.0.s8.s32 v2;
	v5 =	vunpack.c.0.s8.s32 v5  }
0x9: {  	[smem:$0x7FF] =	sst s3;
	s9 =	sshrl.u32 s31, $0x1;
	v6 =	vunpack.c.0.s8.s32 v6;
	s7 =	sshrl.u32 s30, $0x3;
	v14 =	vcombine.low v1, v0;
	v1 =	vunpack.c.l.s4.s8 v61  }
0xa: {  	v18 =	vor.u32 $0x10, v34;
	_ =	strace $0x80000047;
	s8 =	ssub.s32 s31, s9;
	s9 =	simm.s32 $0x400;
	[tilespmem:$0x1FFC0] =	vst v7;
	v63 =	vand.u32 $0xF, v3;
	v17 =	vcombine.low v5, v2  }
0xb: {  	[dreg:$0x4] =	wrdreg s11;
	s11 =	simm.s32 $0x1;
	[tilespmem:$0x1FFE0] =	vst v18;
	s10 =	sadd.s32 s7, s5;
	v0 =	vunpack.c.0.s8.s32 v60;
	v19 =	vcombine.low v63, v6;
	v1 =	vunpack.c.0.s8.s32 v1  }
0xc: {  	v9 =	vimm.s32 $0x1;
	v10 =	vimm.s32 $0x2;
	v11 =	vimm.s32 $0x4;
	s4 =	sadd.s32 s4, s7;
	s5 =	sadd.s32 s6, s1;
	s7 =	smax.u32 s8, $0x1;
	[tilespmem:$0x1FFD0] =	vst v17  }
0xd: {  	v12 =	vimm.s32 $0x8;
	v16 =	vimm.s32 $0x0;
	s8 =	simm.s32 $0x80;
	s6 =	sadd.s32 $0x800, s10;
	s10 =	simm.s32 $0x2;
	[tilespmem:$0x1FFF0] =	vst v19;
	v15 =	vcombine.low v1, v0  }
.LBB2_1:
0xe: {  	[tilespmem:s3], [sflag:$0x2] =	stream.strided.gather [hbm4b:s4+s8], $0x400, s9, s8, $0x38;
	[tilespmem:$0x5A0] =	vst v63  }
0xf: {  	_ =	swait.ge [sflag:s10], $0x400  }
0x10: {  	[sflag:s10] =	ssyncset.done $0x0  }
0x11: {  	[sflag:s10] =	ssyncadd.s32 $0xFFFFFC00  }
0x12: {  	v0 =	vld [tilespmem:$0x3F0];
	_ =	sdelay $0x2  }
0x13: {  	v1 =	vimm.s32 $0x200  }
0x14: {  	[tilespmem:$0x500] =	vst v1  }
0x15: {  	[tilespmem:$0x400] =	vst v0  }
0x16: {  	[spmem:s5] =	stream.linear.scatter [tilespmem:s9], [sflag:$0x2], $0x80, $0x38;
	[tilespmem:$0x5A0] =	vst v63  }
0x17: {  	_ =	swait.ge [sflag:s10], $0x80  }
0x18: {  	[sflag:s10] =	ssyncset.done $0x0  }
0x19: {  	s13 =	simm.s32 $0x7FE;
	[sflag:s10] =	ssyncadd.s32 $0xFFFFFF80  }
0x1a: {  	s14 =	simm.s32 $0x2000;
	s15 =	simm.s32 $0x3E;
	[bflag:$0x0] =	sbarrier.arrive $0xFFFF  }
.LBB2_2:
0x1b: {  	s16 =	sadd.s32 $0xFFFFE000, s14  }
0x1c: {  	s16 =	sand.u32 $0x2000, s16  }
0x1d: {  	v36 =	vld [tilespmem:$0x500];
	s16 =	sshrl.u32 s16, $0x2  }
0x1e: {  	s18 =	sand.u32 $0x780, s13;
	s16 =	sadd.s32 s16, s1  }
0x1f: {  	s17 =	rddreg [dreg:$0x4];
	s16 =	sadd.s32 s18, s16  }
0x20: {  	[tilespmem:s17], [sflag:$0x2] =	stream.linear.gather [spmem:s16], $0x80, $0x38;
	[tilespmem:$0x5A0] =	vst v63  }
0x21: {  	_ =	swait.ge [sflag:s10], $0x80  }
0x22: {  	v0 =	vadd.s32 v7, v36;
	[sflag:s10] =	ssyncset.done $0x0  }
0x23: {  	vm0 =	vgt.s32 v0, $0x0;
	[sflag:s10] =	ssyncadd.s32 $0xFFFFFF80  }
0x24: {  	v2 =	vnsel vm0, $0x0, v0;
	v1 =	vld [tilespmem:$0x480]  }
0x25: {  	v2 =	vmin.u32 v2, $0x1F  }
0x26: {  	v2 =	vshll.u32 v8, v2  }
0x27: {  	vm8 =	vgt.s32 v0, $0x1F;
	v27 =	vxor.u32 $0xFFFFFFFF, v2  }
0x28: {  	v0 =	vsel vm8, $0xFFFFFFFF, v27  }
0x29: {  	v0 =	vand.u32 v0, v1  }
0x2a: {  	v28 =	vshrl.u32 v0, $0x1  }
0x2b: {  	v2 =	vor.u32 v0, v28  }
0x2c: {  	v3 =	vshrl.u32 v2, $0x2  }
0x2d: {  	v2 =	vor.u32 v2, v3  }
0x2e: {  	v3 =	vshrl.u32 v2, $0x4  }
0x2f: {  	v2 =	vor.u32 v2, v3  }
0x30: {  	v3 =	vshrl.u32 v2, $0x8  }
0x31: {  	v2 =	vor.u32 v2, v3  }
0x32: {  	v3 =	vshrl.u32 v2, $0x10  }
0x33: {  	v2 =	vor.u32 v2, v3  }
0x34: {  	v3 =	vshrl.u32 v2, $0x1  }
0x35: {  	v2 =	vxor.u32 v2, v3  }
0x36: {  	v3 =	vand.u32 $0xAAAAAAAA, v2;
	vm1 =	vlt.u32 v2, $0x10000;
	v6 =	vand.u32 $0xF0F0F0F0, v2  }
0x37: {  	vm9 =	vne.s32 v3, $0x0;
	v3 =	vand.u32 $0xCCCCCCCC, v2;
	v7 =	vsel vm1, v34, v18  }
0x38: {  	vm11 =	veq.s32 v6, $0x0;
	v5 =	vsel vm9, $0x1, v16;
	vm10 =	veq.s32 v3, $0x0  }
0x39: {  	v2 =	vand.u32 $0xFF00FF00, v2;
	v3 =	vsel vm10, $0x0, v10;
	v5 =	vor.u32 v5, v7  }
0x3a: {  	v6 =	vsel vm11, $0x0, v11;
	vm12 =	veq.s32 v2, $0x0;
	v29 =	vor.u32 v3, v5  }
0x3b: {  	v3 =	vsel vm12, $0x0, v12;
	v2 =	vor.u32 v6, v29  }
0x3c: {  	vm13 =	veq.s32 v0, $0x0;
	v30 =	vor.u32 v3, v2  }
0x3d: {  	v0 =	vsel vm13, $0xFFFFFFFF, v30  }
0x3e: {  	v31 =	vperm.xlane v0, v14;
	_ =	sdelay $0x1  }
0x3f: {  	vm0 =	vgt.s32 v0, v31  }
0x40: {  	v0 =	vsel vm0, v0, v31  }
0x41: {  	v2 =	vperm.xlane v0, v15;
	_ =	sdelay $0x1  }
0x42: {  	vm0 =	vgt.s32 v0, v2  }
0x43: {  	v0 =	vsel vm0, v0, v2  }
0x44: {  	v2 =	vperm.xlane v0, v17;
	_ =	sdelay $0x1  }
0x45: {  	vm0 =	vgt.s32 v0, v2  }
0x46: {  	s28 =	sand.u32 $0x3F, s15;
	v0 =	vsel vm0, v0, v2  }
0x47: {  	s29 =	sshll.u32 s28, $0x4;
	v38 =	vadd.s32 $0xFFFFFFFF, v36;
	v2 =	vperm.xlane v0, v19  }
0x48: {  	vm14 =	vgt.s32 v38, $0x0;
	v32 =	vld [tilespmem:s29+$0x0]  }
0x49: {  	v3 =	vnsel vm14, $0x0, v38;
	vm0 =	vgt.s32 v0, v2  }
0x4a: {  	v33 =	vshrl.u32 v3, $0x5;
	v0 =	vsel vm0, v0, v2  }
0x4b: {  	vm4 =	veq.s32 v33, v4;
	vm0 =	vgt.s32 v0, $0x0  }
0x4c: {  	v22 =	vand.u32 $0xF, v33;
	vm2 =	vgt.s32 v0, $0xFFFFFFFF;
	v0 =	vnsel vm0, $0x0, v0  }
0x4d: {  	v6 =	vperm.xlane v32, v22;
	v19 =	vand.u32 $0x1F, v3;
	v5 =	vshrl.u32 v0, $0x5  }
0x4e: {  	v35 =	vshll.u32 v9, v19;
	v18 =	vand.u32 $0x1F, v0;
	v21 =	vand.u32 $0xF, v5  }
0x4f: {  	vm15 =	veq.s32 v5, v4;
	v3 =	vshll.u32 v9, v18;
	v5 =	vperm.xlane v32, v21  }
0x50: {  	vm5 =	vgt.s32 v36, $0x0;
	v0 =	vnsel vm4, $0x0, v35;
	v3 =	vnsel vm15, $0x0, v3  }
0x51: {  	v0 =	vor.u32 v0, v3;
	v3 =	vshrl.u32 v5, v18;
	v5 =	vshrl.u32 v6, v19  }
0x52: {  	vm0 =	vmand vm5, vm2;
	v1 =	vandn.u32 v1, v0;
	v5 =	vxor.u32 v5, v3  }
0x53: {  	v20 =	vnsel vm0, $0x0, v0;
	v37 =	vand.u32 $0x1, v3;
	v3 =	vand.u32 $0x1, v5  }
0x54: {  	v17 =	vnsel vm0, $0x0, v1;
	vm7 =	veq.s32 v37, $0x0;
	vm6 =	veq.s32 v3, $0x0  }
0x55: {  	v1 =	vsel vm7, $0x0, v17;
	v0 =	vsel vm6, $0x0, v20  }
0x56: {  	v0 =	vxor.u32 v1, v0  }
0x57: {  	s30 =	sand.u32 $0x2000, s14;
	v0 =	vxor.u32 v32, v0  }
0x58: {  	s31 =	sshrl.u32 s30, $0x2;
	[tilespmem:s29+$0x0] =	vst v0  }
0x59: {  	s17 =	sadd.s32 s31, s5;
	[tilespmem:$0x400] =	vst v0  }
0x5a: {  	[spmem:s17] =	stream.linear.scatter [tilespmem:s9], [sflag:$0x1], $0x80, $0x38;
	[tilespmem:$0x5A0] =	vst v63  }
0x5b: {  	v39 =	vld [tilespmem:$0x0];
	_ =	sdelay $0x1  }
0x5c: {  	v3 =	vld [tilespmem:$0x10]  }
0x5d: {  	v5 =	vld [tilespmem:$0x20]  }
0x5e: {  	v57 =	vld [tilespmem:$0x90]  }
0x5f: {  	v40 =	vperm.xlane v39, v21;
	v41 =	vperm.xlane v39, v22;
	_ =	sdelay $0x1  }
0x60: {  	v42 =	vperm.xlane v3, v21;
	v1 =	vshrl.u32 v40, v18;
	v2 =	vshrl.u32 v41, v19  }
0x61: {  	v6 =	vperm.xlane v3, v22;
	v11 =	vperm.xlane v5, v22;
	v2 =	vxor.u32 v2, v1  }
0x62: {  	v31 =	vperm.xlane v57, v21;
	v1 =	vand.u32 $0x1, v1;
	v2 =	vand.u32 $0x1, v2  }
0x63: {  	v6 =	vshrl.u32 v6, v19;
	vm9 =	veq.s32 v1, $0x0;
	vm8 =	veq.s32 v2, $0x0  }
0x64: {  	v1 =	vsel vm9, $0x0, v17;
	v2 =	vshrl.u32 v42, v18;
	v7 =	vsel vm8, $0x0, v20  }
0x65: {  	v6 =	vxor.u32 v6, v2;
	v2 =	vand.u32 $0x1, v2;
	v1 =	vxor.u32 v7, v1  }
0x66: {  	v6 =	vand.u32 $0x1, v6;
	v7 =	vperm.xlane v5, v21;
	vm11 =	veq.s32 v2, $0x0  }
0x67: {  	p1 =	sne.s32 s28, $0x0;
	s17 =	simm.s32 $0xFFFFFFFF;
	v27 =	vld [tilespmem:$0x40];
	v60 =	vperm.xlane v57, v22;
	vm10 =	veq.s32 v6, $0x0;
	v23 =	vsel vm11, $0x0, v17  }
0x68: {  	s17 =	simm.s32 @!p1 $0x0;
	v6 =	vld [tilespmem:$0x30];
	v43 =	vshrl.u32 v7, v18;
	v7 =	vshrl.u32 v11, v19;
	v11 =	vsel vm10, $0x0, v20  }
0x69: {  	p1 =	sne.s32 s28, $0x1;
	v1 =	vand.u32 s17, v1;
	s17 =	simm.s32 $0xFFFFFFFF;
	v7 =	vxor.u32 v7, v43;
	v11 =	vxor.u32 v11, v23  }
0x6a: {  	s17 =	simm.s32 @!p1 $0x0;
	v2 =	vand.u32 $0x1, v43;
	v23 =	vxor.u32 v39, v1;
	v7 =	vand.u32 $0x1, v7  }
0x6b: {  	v11 =	vand.u32 s17, v11;
	vm13 =	veq.s32 v2, $0x0;
	vm12 =	veq.s32 v7, $0x0  }
0x6c: {  	v7 =	vsel vm13, $0x0, v17;
	v47 =	vxor.u32 v3, v11;
	v3 =	vperm.xlane v27, v21  }
0x6d: {  	p1 =	sne.s32 s28, $0x2;
	s17 =	simm.s32 $0xFFFFFFFF;
	v44 =	vsel vm12, $0x0, v20;
	v25 =	vperm.xlane v6, v21;
	v46 =	vperm.xlane v6, v22  }
0x6e: {  	s17 =	simm.s32 @!p1 $0x0;
	v45 =	vxor.u32 v44, v7;
	v7 =	vperm.xlane v27, v22;
	v3 =	vshrl.u32 v3, v18  }
0x6f: {  	v50 =	vld [tilespmem:$0x50];
	v0 =	vand.u32 s17, v45;
	v48 =	vshrl.u32 v25, v18;
	v1 =	vshrl.u32 v46, v19  }
0x70: {  	v0 =	vxor.u32 v5, v0;
	v49 =	vand.u32 $0x1, v48;
	v1 =	vxor.u32 v1, v48  }
0x71: {  	v5 =	vshrl.u32 v7, v19;
	v1 =	vand.u32 $0x1, v1;
	vm15 =	veq.s32 v49, $0x0  }
0x72: {  	v51 =	vxor.u32 v3, v5;
	v3 =	vand.u32 $0x1, v3;
	vm14 =	veq.s32 v1, $0x0  }
0x73: {  	v52 =	vld [tilespmem:$0x60];
	[tilespmem:$0x1FF60] =	vst v0;
	v5 =	vsel vm15, $0x0, v17;
	v0 =	vand.u32 $0x1, v51;
	vm5 =	veq.s32 v3, $0x0  }
0x74: {  	p1 =	sne.s32 s28, $0x3;
	s17 =	simm.s32 $0xFFFFFFFF;
	v3 =	vperm.xlane v50, v21;
	v1 =	vsel vm14, $0x0, v20;
	vm4 =	veq.s32 v0, $0x0  }
0x75: {  	s17 =	simm.s32 @!p1 $0x0;
	v11 =	vsel vm5, $0x0, v17;
	v1 =	vxor.u32 v1, v5;
	v5 =	vperm.xlane v50, v22  }
0x76: {  	v7 =	vsel vm4, $0x0, v20;
	v3 =	vshrl.u32 v3, v18;
	v1 =	vand.u32 s17, v1  }
0x77: {  	p1 =	sne.s32 s28, $0x4;
	s17 =	simm.s32 $0xFFFFFFFF;
	v7 =	vxor.u32 v11, v7;
	v54 =	vand.u32 $0x1, v3;
	v5 =	vshrl.u32 v5, v19  }
0x78: {  	v11 =	vld [tilespmem:$0x70];
	s17 =	simm.s32 @!p1 $0x0;
	v1 =	vxor.u32 v6, v1;
	v6 =	vperm.xlane v52, v21;
	vm7 =	veq.s32 v54, $0x0  }
0x79: {  	v53 =	vand.u32 s17, v7;
	v5 =	vxor.u32 v3, v5;
	v7 =	vperm.xlane v52, v22  }
0x7a: {  	[tilespmem:$0x1FF70] =	vst v1;
	v5 =	vand.u32 $0x1, v5;
	v1 =	vxor.u32 v27, v53;
	v55 =	vshrl.u32 v6, v18  }
0x7b: {  	v6 =	vsel vm7, $0x0, v17;
	vm6 =	veq.s32 v5, $0x0;
	v3 =	vshrl.u32 v7, v19  }
0x7c: {  	[tilespmem:$0x1FF80] =	vst v1;
	v1 =	vand.u32 $0x1, v55;
	v5 =	vsel vm6, $0x0, v20;
	v3 =	vxor.u32 v55, v3  }
0x7d: {  	p1 =	sne.s32 s28, $0x5;
	s17 =	simm.s32 $0xFFFFFFFF;
	v7 =	vperm.xlane v11, v22;
	v5 =	vxor.u32 v6, v5;
	v3 =	vand.u32 $0x1, v3;
	v6 =	vld [tilespmem:$0x80]  }
0x7e: {  	s17 =	simm.s32 @!p1 $0x0;
	vm9 =	veq.s32 v1, $0x0;
	vm8 =	veq.s32 v3, $0x0;
	v3 =	vperm.xlane v11, v21  }
0x7f: {  	p1 =	sne.s32 s28, $0x6;
	v1 =	vsel vm9, $0x0, v17;
	v5 =	vand.u32 s17, v5;
	s17 =	simm.s32 $0xFFFFFFFF;
	v29 =	vsel vm8, $0x0, v20  }
0x80: {  	v7 =	vshrl.u32 v7, v19;
	s17 =	simm.s32 @!p1 $0x0;
	v3 =	vshrl.u32 v3, v18;
	v1 =	vxor.u32 v1, v29  }
0x81: {  	v2 =	vxor.u32 v50, v5;
	v56 =	vxor.u32 v3, v7;
	v1 =	vand.u32 s17, v1  }
0x82: {  	v3 =	vand.u32 $0x1, v3;
	v5 =	vperm.xlane v6, v21;
	v7 =	vperm.xlane v6, v22  }
0x83: {  	[tilespmem:$0x1FF90] =	vst v2;
	v2 =	vand.u32 $0x1, v56;
	vm11 =	veq.s32 v3, $0x0;
	v0 =	vxor.u32 v52, v1  }
0x84: {  	v33 =	vld [tilespmem:$0xA0];
	v1 =	vshrl.u32 v60, v19;
	v3 =	vshrl.u32 v5, v18;
	v5 =	vshrl.u32 v7, v19  }
0x85: {  	vm10 =	veq.s32 v2, $0x0;
	v58 =	vsel vm11, $0x0, v17;
	v5 =	vxor.u32 v3, v5  }
0x86: {  	p1 =	sne.s32 s28, $0x7;
	s17 =	simm.s32 $0xFFFFFFFF;
	v7 =	vsel vm10, $0x0, v20;
	v3 =	vand.u32 $0x1, v3;
	v5 =	vand.u32 $0x1, v5  }
0x87: {  	s17 =	simm.s32 @!p1 $0x0;
	v7 =	vxor.u32 v58, v7;
	vm13 =	veq.s32 v3, $0x0;
	vm12 =	veq.s32 v5, $0x0  }
0x88: {  	p1 =	sne.s32 s28, $0x8;
	v7 =	vand.u32 s17, v7;
	s17 =	simm.s32 $0xFFFFFFFF;
	v5 =	vsel vm13, $0x0, v17;
	v3 =	vsel vm12, $0x0, v20  }
0x89: {  	[tilespmem:$0x1FFA0] =	vst v0;
	s17 =	simm.s32 @!p1 $0x0;
	v59 =	vxor.u32 v5, v3;
	v3 =	vxor.u32 v11, v7;
	v5 =	vperm.xlane v33, v21  }
0x8a: {  	v7 =	vperm.xlane v33, v22;
	[tilespmem:$0x1FFB0] =	vst v3;
	v0 =	vand.u32 s17, v59;
	v3 =	vshrl.u32 v31, v18  }
0x8b: {  	v31 =	vxor.u32 v6, v0;
	v61 =	vand.u32 $0x1, v3;
	v1 =	vxor.u32 v3, v1  }
0x8c: {  	v3 =	vld [tilespmem:$0xB0];
	v5 =	vshrl.u32 v5, v18;
	v6 =	vshrl.u32 v7, v19;
	v1 =	vand.u32 $0x1, v1  }
0x8d: {  	v59 =	vld [tilespmem:$0x150];
	vm15 =	veq.s32 v61, $0x0;
	v62 =	vxor.u32 v5, v6;
	v5 =	vand.u32 $0x1, v5  }
0x8e: {  	vm14 =	veq.s32 v1, $0x0;
	v6 =	vsel vm15, $0x0, v17;
	v0 =	vand.u32 $0x1, v62  }
0x8f: {  	v63 =	vld [tilespmem:$0xC0];
	p1 =	sne.s32 s28, $0x9;
	s17 =	simm.s32 $0xFFFFFFFF;
	vm5 =	veq.s32 v5, $0x0;
	v1 =	vsel vm14, $0x0, v20;
	vm4 =	veq.s32 v0, $0x0  }
0x90: {  	s17 =	simm.s32 @!p1 $0x0;
	v11 =	vsel vm5, $0x0, v17;
	v1 =	vxor.u32 v6, v1;
	v7 =	vsel vm4, $0x0, v20  }
0x91: {  	p1 =	sne.s32 s28, $0xA;
	v5 =	vperm.xlane v3, v21;
	v6 =	vperm.xlane v3, v22;
	v1 =	vand.u32 s17, v1;
	s17 =	simm.s32 $0xFFFFFFFF  }
0x92: {  	v62 =	vperm.xlane v59, v22;
	v7 =	vxor.u32 v11, v7;
	v11 =	vld [tilespmem:$0xD0];
	s17 =	simm.s32 @!p1 $0x0;
	v28 =	vxor.u32 v57, v1  }
0x93: {  	v5 =	vshrl.u32 v5, v18;
	v6 =	vshrl.u32 v6, v19;
	v39 =	vand.u32 s17, v7  }
0x94: {  	v7 =	vperm.xlane v63, v22;
	v40 =	vxor.u32 v5, v6;
	v6 =	vperm.xlane v63, v21  }
0x95: {  	v33 =	vxor.u32 v33, v39;
	v41 =	vand.u32 $0x1, v5;
	v2 =	vand.u32 $0x1, v40  }
0x96: {  	vm7 =	veq.s32 v41, $0x0;
	v43 =	vshrl.u32 v7, v19;
	vm6 =	veq.s32 v2, $0x0  }
0x97: {  	v42 =	vshrl.u32 v6, v18;
	v6 =	vsel vm7, $0x0, v17;
	v44 =	vperm.xlane v11, v21  }
0x98: {  	v7 =	vperm.xlane v11, v22;
	v5 =	vsel vm6, $0x0, v20;
	v2 =	vxor.u32 v42, v43  }
0x99: {  	p1 =	sne.s32 s28, $0xB;
	s17 =	simm.s32 $0xFFFFFFFF;
	v1 =	vand.u32 $0x1, v42;
	v5 =	vxor.u32 v6, v5;
	v2 =	vand.u32 $0x1, v2;
	v6 =	vld [tilespmem:$0xE0]  }
0x9a: {  	s17 =	simm.s32 @!p1 $0x0;
	vm9 =	veq.s32 v1, $0x0;
	v7 =	vshrl.u32 v7, v19;
	vm8 =	veq.s32 v2, $0x0  }
0x9b: {  	v5 =	vand.u32 s17, v5;
	v1 =	vsel vm9, $0x0, v17;
	v2 =	vshrl.u32 v44, v18  }
0x9c: {  	v35 =	vsel vm8, $0x0, v20;
	v25 =	vxor.u32 v3, v5;
	v3 =	vxor.u32 v2, v7  }
0x9d: {  	p1 =	sne.s32 s28, $0xC;
	s17 =	simm.s32 $0xFFFFFFFF;
	v2 =	vand.u32 $0x1, v2;
	v1 =	vxor.u32 v1, v35;
	v3 =	vand.u32 $0x1, v3  }
0x9e: {  	s17 =	simm.s32 @!p1 $0x0;
	vm10 =	veq.s32 v3, $0x0;
	v3 =	vld [tilespmem:$0xF0];
	v5 =	vperm.xlane v6, v21;
	v7 =	vperm.xlane v6, v22  }
0x9f: {  	v43 =	vperm.xlane v59, v21;
	vm11 =	veq.s32 v2, $0x0;
	v1 =	vand.u32 s17, v1  }
0xa0: {  	v39 =	vld [tilespmem:$0x100];
	v46 =	vsel vm11, $0x0, v17;
	v45 =	vshrl.u32 v5, v18;
	v5 =	vshrl.u32 v7, v19  }
0xa1: {  	p1 =	sne.s32 s28, $0xD;
	s17 =	simm.s32 $0xFFFFFFFF;
	v27 =	vxor.u32 v63, v1;
	v7 =	vsel vm10, $0x0, v20;
	v5 =	vxor.u32 v45, v5  }
0xa2: {  	s17 =	simm.s32 @!p1 $0x0;
	v7 =	vxor.u32 v46, v7;
	v2 =	vand.u32 $0x1, v45;
	v5 =	vand.u32 $0x1, v5  }
0xa3: {  	v7 =	vand.u32 s17, v7;
	vm13 =	veq.s32 v2, $0x0;
	v37 =	vperm.xlane v3, v21  }
0xa4: {  	v49 =	vperm.xlane v3, v22;
	vm12 =	veq.s32 v5, $0x0;
	v5 =	vsel vm13, $0x0, v17  }
0xa5: {  	[tilespmem:$0x1FF50] =	vst v47;
	p1 =	sne.s32 s28, $0xE;
	s17 =	simm.s32 $0xFFFFFFFF;
	v35 =	vxor.u32 v11, v7;
	v7 =	vperm.xlane v39, v22;
	v47 =	vsel vm12, $0x0, v20  }
0xa6: {  	s17 =	simm.s32 @!p1 $0x0;
	v50 =	vshrl.u32 v37, v18;
	v1 =	vshrl.u32 v49, v19;
	v48 =	vxor.u32 v5, v47  }
0xa7: {  	v52 =	vld [tilespmem:$0x110];
	v5 =	vperm.xlane v39, v21;
	v1 =	vxor.u32 v50, v1;
	v0 =	vand.u32 s17, v48  }
0xa8: {  	v51 =	vand.u32 $0x1, v50;
	v1 =	vand.u32 $0x1, v1;
	v37 =	vxor.u32 v6, v0  }
0xa9: {  	v5 =	vshrl.u32 v5, v18;
	v6 =	vshrl.u32 v7, v19;
	vm14 =	veq.s32 v1, $0x0  }
0xaa: {  	vm15 =	veq.s32 v51, $0x0;
	v53 =	vxor.u32 v5, v6;
	v1 =	vsel vm14, $0x0, v20  }
0xab: {  	v54 =	vld [tilespmem:$0x120];
	p1 =	sne.s32 s28, $0xF;
	s17 =	simm.s32 $0xFFFFFFFF;
	v6 =	vsel vm15, $0x0, v17;
	v5 =	vand.u32 $0x1, v5;
	v0 =	vand.u32 $0x1, v53  }
0xac: {  	s17 =	simm.s32 @!p1 $0x0;
	v1 =	vxor.u32 v6, v1;
	vm5 =	veq.s32 v5, $0x0;
	v5 =	vperm.xlane v52, v21  }
0xad: {  	v6 =	vperm.xlane v52, v22;
	vm4 =	veq.s32 v0, $0x0;
	v1 =	vand.u32 s17, v1  }
0xae: {  	v11 =	vsel vm5, $0x0, v17;
	v7 =	vsel vm4, $0x0, v20;
	v5 =	vshrl.u32 v5, v18  }
0xaf: {  	p1 =	sne.s32 s28, $0x10;
	s17 =	simm.s32 $0xFFFFFFFF;
	v6 =	vshrl.u32 v6, v19;
	v26 =	vxor.u32 v3, v1;
	v7 =	vxor.u32 v11, v7  }
0xb0: {  	s17 =	simm.s32 @!p1 $0x0;
	v3 =	vxor.u32 v5, v6;
	v6 =	vperm.xlane v54, v21;
	v11 =	vld [tilespmem:$0x130];
	v56 =	vand.u32 $0x1, v5  }
0xb1: {  	v55 =	vand.u32 s17, v7;
	v3 =	vand.u32 $0x1, v3;
	v7 =	vperm.xlane v54, v22  }
0xb2: {  	vm7 =	veq.s32 v56, $0x0;
	vm6 =	veq.s32 v3, $0x0;
	v57 =	vshrl.u32 v6, v18  }
0xb3: {  	v6 =	vsel vm7, $0x0, v17;
	v3 =	vshrl.u32 v7, v19;
	v5 =	vsel vm6, $0x0, v20  }
0xb4: {  	p1 =	sne.s32 s28, $0x11;
	s17 =	simm.s32 $0xFFFFFFFF;
	v1 =	vand.u32 $0x1, v57;
	v3 =	vxor.u32 v57, v3;
	v5 =	vxor.u32 v6, v5;
	v6 =	vld [tilespmem:$0x140]  }
0xb5: {  	s17 =	simm.s32 @!p1 $0x0;
	vm9 =	veq.s32 v1, $0x0;
	v3 =	vand.u32 $0x1, v3;
	v7 =	vperm.xlane v11, v22  }
0xb6: {  	v5 =	vand.u32 s17, v5;
	vm8 =	veq.s32 v3, $0x0;
	v3 =	vperm.xlane v11, v21  }
0xb7: {  	v39 =	vxor.u32 v39, v55;
	v1 =	vsel vm9, $0x0, v17;
	v40 =	vxor.u32 v52, v5  }
0xb8: {  	p1 =	sne.s32 s28, $0x12;
	s17 =	simm.s32 $0xFFFFFFFF;
	v41 =	vsel vm8, $0x0, v20;
	v7 =	vshrl.u32 v7, v19;
	v3 =	vshrl.u32 v3, v18  }
0xb9: {  	s17 =	simm.s32 @!p1 $0x0;
	v1 =	vxor.u32 v1, v41;
	v58 =	vxor.u32 v3, v7;
	v5 =	vperm.xlane v6, v21  }
0xba: {  	v7 =	vperm.xlane v6, v22;
	v1 =	vand.u32 s17, v1;
	v3 =	vand.u32 $0x1, v3  }
0xbb: {  	v2 =	vand.u32 $0x1, v58;
	vm11 =	veq.s32 v3, $0x0;
	v42 =	vxor.u32 v54, v1  }
0xbc: {  	v45 =	vld [tilespmem:$0x160];
	v1 =	vshrl.u32 v62, v19;
	v3 =	vshrl.u32 v5, v18;
	v5 =	vshrl.u32 v7, v19  }
0xbd: {  	vm10 =	veq.s32 v2, $0x0;
	v60 =	vsel vm11, $0x0, v17;
	v5 =	vxor.u32 v3, v5  }
0xbe: {  	p1 =	sne.s32 s28, $0x13;
	s17 =	simm.s32 $0xFFFFFFFF;
	v7 =	vsel vm10, $0x0, v20;
	v3 =	vand.u32 $0x1, v3;
	v5 =	vand.u32 $0x1, v5  }
0xbf: {  	s17 =	simm.s32 @!p1 $0x0;
	v7 =	vxor.u32 v60, v7;
	vm13 =	veq.s32 v3, $0x0;
	vm12 =	veq.s32 v5, $0x0  }
0xc0: {  	p1 =	sne.s32 s28, $0x14;
	v7 =	vand.u32 s17, v7;
	s17 =	simm.s32 $0xFFFFFFFF;
	v5 =	vsel vm13, $0x0, v17;
	v3 =	vsel vm12, $0x0, v20  }
0xc1: {  	s17 =	simm.s32 @!p1 $0x0;
	v41 =	vxor.u32 v11, v7;
	v7 =	vperm.xlane v45, v22;
	v61 =	vxor.u32 v5, v3  }
0xc2: {  	v3 =	vshrl.u32 v43, v18;
	v5 =	vperm.xlane v45, v21;
	v0 =	vand.u32 s17, v61  }
0xc3: {  	v63 =	vand.u32 $0x1, v3;
	v1 =	vxor.u32 v3, v1;
	v3 =	vld [tilespmem:$0x170];
	v43 =	vxor.u32 v6, v0  }
0xc4: {  	v1 =	vand.u32 $0x1, v1;
	v5 =	vshrl.u32 v5, v18;
	v6 =	vshrl.u32 v7, v19  }
0xc5: {  	vm15 =	veq.s32 v63, $0x0;
	vm14 =	veq.s32 v1, $0x0;
	v24 =	vxor.u32 v5, v6  }
0xc6: {  	v29 =	vld [tilespmem:$0x180];
	v6 =	vsel vm15, $0x0, v17;
	v5 =	vand.u32 $0x1, v5;
	v1 =	vsel vm14, $0x0, v20  }
0xc7: {  	p1 =	sne.s32 s28, $0x15;
	s17 =	simm.s32 $0xFFFFFFFF;
	v0 =	vand.u32 $0x1, v24;
	vm5 =	veq.s32 v5, $0x0;
	v1 =	vxor.u32 v6, v1  }
0xc8: {  	s17 =	simm.s32 @!p1 $0x0;
	vm4 =	veq.s32 v0, $0x0;
	v11 =	vsel vm5, $0x0, v17;
	v5 =	vperm.xlane v3, v21  }
0xc9: {  	p1 =	sne.s32 s28, $0x16;
	v6 =	vperm.xlane v3, v22;
	v1 =	vand.u32 s17, v1;
	s17 =	simm.s32 $0xFFFFFFFF;
	v7 =	vsel vm4, $0x0, v20  }
0xca: {  	s17 =	simm.s32 @!p1 $0x0;
	v7 =	vxor.u32 v11, v7;
	v44 =	vxor.u32 v59, v1;
	v5 =	vshrl.u32 v5, v18  }
0xcb: {  	v11 =	vld [tilespmem:$0x190];
	v6 =	vshrl.u32 v6, v19;
	v30 =	vand.u32 s17, v7;
	v7 =	vperm.xlane v29, v22  }
0xcc: {  	v32 =	vxor.u32 v5, v6;
	v6 =	vperm.xlane v29, v21;
	v46 =	vand.u32 $0x1, v5  }
0xcd: {  	v2 =	vand.u32 $0x1, v32;
	vm7 =	veq.s32 v46, $0x0;
	v48 =	vshrl.u32 v7, v19  }
0xce: {  	vm6 =	veq.s32 v2, $0x0;
	v47 =	vshrl.u32 v6, v18;
	v6 =	vsel vm7, $0x0, v17  }
0xcf: {  	v5 =	vsel vm6, $0x0, v20;
	v2 =	vxor.u32 v47, v48;
	v1 =	vand.u32 $0x1, v47  }
0xd0: {  	p1 =	sne.s32 s28, $0x17;
	s17 =	simm.s32 $0xFFFFFFFF;
	v49 =	vperm.xlane v11, v21;
	v7 =	vperm.xlane v11, v22;
	v2 =	vand.u32 $0x1, v2  }
0xd1: {  	s17 =	simm.s32 @!p1 $0x0;
	v5 =	vxor.u32 v6, v5;
	v6 =	vld [tilespmem:$0x1A0];
	vm9 =	veq.s32 v1, $0x0;
	vm8 =	veq.s32 v2, $0x0  }
0xd2: {  	v5 =	vand.u32 s17, v5;
	v1 =	vsel vm9, $0x0, v17;
	v2 =	vshrl.u32 v49, v18  }
0xd3: {  	p1 =	sne.s32 s28, $0x18;
	v7 =	vshrl.u32 v7, v19;
	s17 =	simm.s32 $0xFFFFFFFF;
	v47 =	vsel vm8, $0x0, v20;
	v46 =	vxor.u32 v3, v5  }
0xd4: {  	v3 =	vxor.u32 v2, v7;
	s17 =	simm.s32 @!p1 $0x0;
	v2 =	vand.u32 $0x1, v2;
	v1 =	vxor.u32 v1, v47  }
0xd5: {  	v3 =	vand.u32 $0x1, v3;
	vm11 =	veq.s32 v2, $0x0;
	v1 =	vand.u32 s17, v1  }
0xd6: {  	vm10 =	veq.s32 v3, $0x0;
	v3 =	vld [tilespmem:$0x1B0];
	v5 =	vperm.xlane v6, v21;
	v7 =	vperm.xlane v6, v22  }
0xd7: {  	v45 =	vxor.u32 v45, v30;
	v51 =	vsel vm11, $0x0, v17;
	v48 =	vxor.u32 v29, v1  }
0xd8: {  	p1 =	sne.s32 s28, $0x19;
	s17 =	simm.s32 $0xFFFFFFFF;
	v50 =	vshrl.u32 v5, v18;
	v5 =	vshrl.u32 v7, v19;
	v7 =	vsel vm10, $0x0, v20  }
0xd9: {  	s17 =	simm.s32 @!p1 $0x0;
	v29 =	vld [tilespmem:$0x210];
	v5 =	vxor.u32 v50, v5;
	v7 =	vxor.u32 v51, v7;
	v2 =	vand.u32 $0x1, v50  }
0xda: {  	v51 =	vld [tilespmem:$0x1C0];
	v5 =	vand.u32 $0x1, v5;
	v7 =	vand.u32 s17, v7;
	vm13 =	veq.s32 v2, $0x0  }
0xdb: {  	v53 =	vperm.xlane v3, v21;
	v55 =	vperm.xlane v3, v22;
	vm12 =	veq.s32 v5, $0x0  }
0xdc: {  	v5 =	vsel vm13, $0x0, v17;
	v49 =	vxor.u32 v11, v7;
	v52 =	vsel vm12, $0x0, v20  }
0xdd: {  	p1 =	sne.s32 s28, $0x1A;
	s17 =	simm.s32 $0xFFFFFFFF;
	v56 =	vshrl.u32 v53, v18;
	v1 =	vshrl.u32 v55, v19;
	v54 =	vxor.u32 v5, v52  }
0xde: {  	s17 =	simm.s32 @!p1 $0x0;
	v57 =	vand.u32 $0x1, v56;
	v1 =	vxor.u32 v56, v1;
	v56 =	vperm.xlane v29, v22  }
0xdf: {  	v58 =	vld [tilespmem:$0x1D0];
	v0 =	vand.u32 s17, v54;
	v5 =	vperm.xlane v51, v21;
	v7 =	vperm.xlane v51, v22  }
0xe0: {  	v1 =	vand.u32 $0x1, v1;
	vm15 =	veq.s32 v57, $0x0;
	v47 =	vxor.u32 v6, v0  }
0xe1: {  	vm14 =	veq.s32 v1, $0x0;
	v5 =	vshrl.u32 v5, v18;
	v6 =	vshrl.u32 v7, v19  }
0xe2: {  	v54 =	vperm.xlane v29, v21;
	v1 =	vsel vm14, $0x0, v20;
	v59 =	vxor.u32 v5, v6  }
0xe3: {  	v60 =	vld [tilespmem:$0x1E0];
	p1 =	sne.s32 s28, $0x1B;
	s17 =	simm.s32 $0xFFFFFFFF;
	v6 =	vsel vm15, $0x0, v17;
	v5 =	vand.u32 $0x1, v5;
	v0 =	vand.u32 $0x1, v59  }
0xe4: {  	s17 =	simm.s32 @!p1 $0x0;
	v1 =	vxor.u32 v6, v1;
	vm5 =	veq.s32 v5, $0x0;
	v5 =	vperm.xlane v58, v21  }
0xe5: {  	v6 =	vperm.xlane v58, v22;
	vm4 =	veq.s32 v0, $0x0;
	v1 =	vand.u32 s17, v1  }
0xe6: {  	v11 =	vsel vm5, $0x0, v17;
	v7 =	vsel vm4, $0x0, v20;
	v5 =	vshrl.u32 v5, v18  }
0xe7: {  	p1 =	sne.s32 s28, $0x1C;
	s17 =	simm.s32 $0xFFFFFFFF;
	v6 =	vshrl.u32 v6, v19;
	v50 =	vxor.u32 v3, v1;
	v7 =	vxor.u32 v11, v7  }
0xe8: {  	s17 =	simm.s32 @!p1 $0x0;
	v3 =	vxor.u32 v5, v6;
	v6 =	vperm.xlane v60, v21;
	v11 =	vld [tilespmem:$0x1F0];
	v62 =	vand.u32 $0x1, v5  }
0xe9: {  	v61 =	vand.u32 s17, v7;
	v3 =	vand.u32 $0x1, v3;
	v7 =	vperm.xlane v60, v22  }
0xea: {  	vm7 =	veq.s32 v62, $0x0;
	vm6 =	veq.s32 v3, $0x0;
	v63 =	vshrl.u32 v6, v18  }
0xeb: {  	v6 =	vsel vm7, $0x0, v17;
	v3 =	vshrl.u32 v7, v19;
	v5 =	vsel vm6, $0x0, v20  }
0xec: {  	p1 =	sne.s32 s28, $0x1D;
	s17 =	simm.s32 $0xFFFFFFFF;
	v1 =	vand.u32 $0x1, v63;
	v3 =	vxor.u32 v63, v3;
	v5 =	vxor.u32 v6, v5;
	v6 =	vld [tilespmem:$0x200]  }
0xed: {  	s17 =	simm.s32 @!p1 $0x0;
	vm9 =	veq.s32 v1, $0x0;
	v3 =	vand.u32 $0x1, v3;
	v7 =	vperm.xlane v11, v22  }
0xee: {  	v5 =	vand.u32 s17, v5;
	vm8 =	veq.s32 v3, $0x0;
	v3 =	vperm.xlane v11, v21  }
0xef: {  	v51 =	vxor.u32 v51, v61;
	v1 =	vsel vm9, $0x0, v17;
	v52 =	vxor.u32 v58, v5  }
0xf0: {  	p1 =	sne.s32 s28, $0x1E;
	s17 =	simm.s32 $0xFFFFFFFF;
	v53 =	vsel vm8, $0x0, v20;
	v7 =	vshrl.u32 v7, v19;
	v3 =	vshrl.u32 v3, v18  }
0xf1: {  	s17 =	simm.s32 @!p1 $0x0;
	v1 =	vxor.u32 v1, v53;
	v24 =	vxor.u32 v3, v7;
	v5 =	vperm.xlane v6, v21  }
0xf2: {  	v7 =	vperm.xlane v6, v22;
	v1 =	vand.u32 s17, v1;
	v3 =	vand.u32 $0x1, v3  }
0xf3: {  	v2 =	vand.u32 $0x1, v24;
	vm11 =	veq.s32 v3, $0x0;
	v55 =	vxor.u32 v60, v1  }
0xf4: {  	v57 =	vld [tilespmem:$0x220];
	v1 =	vshrl.u32 v56, v19;
	v3 =	vshrl.u32 v5, v18;
	v5 =	vshrl.u32 v7, v19  }
0xf5: {  	vm10 =	veq.s32 v2, $0x0;
	v30 =	vsel vm11, $0x0, v17;
	v5 =	vxor.u32 v3, v5  }
0xf6: {  	p1 =	sne.s32 s28, $0x1F;
	s17 =	simm.s32 $0xFFFFFFFF;
	v7 =	vsel vm10, $0x0, v20;
	v3 =	vand.u32 $0x1, v3;
	v5 =	vand.u32 $0x1, v5  }
0xf7: {  	s17 =	simm.s32 @!p1 $0x0;
	v7 =	vxor.u32 v30, v7;
	vm13 =	veq.s32 v3, $0x0;
	vm12 =	veq.s32 v5, $0x0  }
0xf8: {  	p1 =	sne.s32 s28, $0x20;
	v7 =	vand.u32 s17, v7;
	s17 =	simm.s32 $0xFFFFFFFF;
	v5 =	vsel vm13, $0x0, v17;
	v3 =	vsel vm12, $0x0, v20  }
0xf9: {  	s17 =	simm.s32 @!p1 $0x0;
	v53 =	vxor.u32 v11, v7;
	v7 =	vperm.xlane v57, v22;
	v32 =	vxor.u32 v5, v3  }
0xfa: {  	v3 =	vshrl.u32 v54, v18;
	v5 =	vperm.xlane v57, v21;
	v0 =	vand.u32 s17, v32  }
0xfb: {  	v58 =	vand.u32 $0x1, v3;
	v1 =	vxor.u32 v3, v1;
	v3 =	vld [tilespmem:$0x230];
	v54 =	vxor.u32 v6, v0  }
0xfc: {  	v1 =	vand.u32 $0x1, v1;
	v5 =	vshrl.u32 v5, v18;
	v6 =	vshrl.u32 v7, v19  }
0xfd: {  	vm15 =	veq.s32 v58, $0x0;
	vm14 =	veq.s32 v1, $0x0;
	v59 =	vxor.u32 v5, v6  }
0xfe: {  	v6 =	vsel vm15, $0x0, v17;
	v5 =	vand.u32 $0x1, v5;
	v0 =	vand.u32 $0x1, v59  }
0xff: {  	p1 =	sne.s32 s28, $0x21;
	s17 =	simm.s32 $0xFFFFFFFF;
	v1 =	vsel vm14, $0x0, v20;
	vm5 =	veq.s32 v5, $0x0;
	vm4 =	veq.s32 v0, $0x0;
	v0 =	vld [tilespmem:$0x240]  }
0x100: {  	s17 =	simm.s32 @!p1 $0x0;
	v1 =	vxor.u32 v6, v1;
	v5 =	vperm.xlane v3, v21;
	v6 =	vperm.xlane v3, v22  }
0x101: {  	p1 =	sne.s32 s28, $0x22;
	v11 =	vsel vm5, $0x0, v17;
	v1 =	vand.u32 s17, v1;
	s17 =	simm.s32 $0xFFFFFFFF;
	v7 =	vsel vm4, $0x0, v20  }
0x102: {  	s17 =	simm.s32 @!p1 $0x0;
	v7 =	vxor.u32 v11, v7;
	v11 =	vld [tilespmem:$0x250];
	v5 =	vshrl.u32 v5, v18;
	v6 =	vshrl.u32 v6, v19  }
0x103: {  	v56 =	vxor.u32 v29, v1;
	v60 =	vand.u32 s17, v7;
	v61 =	vxor.u32 v5, v6  }
0x104: {  	v62 =	vand.u32 $0x1, v5;
	v6 =	vperm.xlane v0, v21;
	v7 =	vperm.xlane v0, v22  }
0x105: {  	v57 =	vxor.u32 v57, v60;
	v2 =	vand.u32 $0x1, v61;
	vm7 =	veq.s32 v62, $0x0  }
0x106: {  	vm6 =	veq.s32 v2, $0x0;
	v63 =	vshrl.u32 v6, v18;
	v24 =	vshrl.u32 v7, v19  }
0x107: {  	p1 =	sne.s32 s28, $0x23;
	s17 =	simm.s32 $0xFFFFFFFF;
	v5 =	vsel vm6, $0x0, v20;
	v6 =	vsel vm7, $0x0, v17;
	v29 =	vperm.xlane v11, v21  }
0x108: {  	s17 =	simm.s32 @!p1 $0x0;
	v7 =	vperm.xlane v11, v22;
	v2 =	vxor.u32 v63, v24;
	v5 =	vxor.u32 v6, v5;
	v6 =	vld [tilespmem:$0x260]  }
0x109: {  	v1 =	vand.u32 $0x1, v63;
	v2 =	vand.u32 $0x1, v2;
	v5 =	vand.u32 s17, v5  }
0x10a: {  	vm9 =	veq.s32 v1, $0x0;
	v7 =	vshrl.u32 v7, v19;
	vm8 =	veq.s32 v2, $0x0  }
0x10b: {  	v1 =	vsel vm9, $0x0, v17;
	v2 =	vshrl.u32 v29, v18;
	v58 =	vxor.u32 v3, v5  }
0x10c: {  	v59 =	vsel vm8, $0x0, v20;
	v3 =	vxor.u32 v2, v7;
	v2 =	vand.u32 $0x1, v2  }
0x10d: {  	p1 =	sne.s32 s28, $0x24;
	s17 =	simm.s32 $0xFFFFFFFF;
	v3 =	vand.u32 $0x1, v3;
	v5 =	vperm.xlane v6, v21;
	v7 =	vperm.xlane v6, v22  }
0x10e: {  	s17 =	simm.s32 @!p1 $0x0;
	v1 =	vxor.u32 v1, v59;
	vm11 =	veq.s32 v2, $0x0;
	vm10 =	veq.s32 v3, $0x0;
	v3 =	vld [tilespmem:$0x270]  }
0x10f: {  	v1 =	vand.u32 s17, v1;
	v30 =	vshrl.u32 v5, v18;
	v5 =	vshrl.u32 v7, v19  }
0x110: {  	v32 =	vsel vm11, $0x0, v17;
	v5 =	vxor.u32 v30, v5;
	v2 =	vand.u32 $0x1, v30  }
0x111: {  	v63 =	vld [tilespmem:$0x280];
	v7 =	vsel vm10, $0x0, v20;
	v5 =	vand.u32 $0x1, v5;
	vm13 =	veq.s32 v2, $0x0  }
0x112: {  	p1 =	sne.s32 s28, $0x25;
	s17 =	simm.s32 $0xFFFFFFFF;
	v7 =	vxor.u32 v32, v7;
	vm12 =	veq.s32 v5, $0x0;
	v5 =	vsel vm13, $0x0, v17  }
0x113: {  	s17 =	simm.s32 @!p1 $0x0;
	v60 =	vperm.xlane v3, v21;
	v24 =	vperm.xlane v3, v22;
	v59 =	vsel vm12, $0x0, v20  }
0x114: {  	p1 =	sne.s32 s28, $0x26;
	v61 =	vxor.u32 v0, v1;
	v7 =	vand.u32 s17, v7;
	s17 =	simm.s32 $0xFFFFFFFF;
	v2 =	vld [tilespmem:$0x290];
	v62 =	vxor.u32 v5, v59  }
0x115: {  	s17 =	simm.s32 @!p1 $0x0;
	v59 =	vxor.u32 v11, v7;
	v29 =	vshrl.u32 v60, v18;
	v1 =	vshrl.u32 v24, v19  }
0x116: {  	v5 =	vperm.xlane v63, v21;
	v7 =	vperm.xlane v63, v22;
	v0 =	vand.u32 s17, v62  }
0x117: {  	v30 =	vand.u32 $0x1, v29;
	v1 =	vxor.u32 v29, v1;
	v60 =	vxor.u32 v6, v0  }
0x118: {  	v1 =	vand.u32 $0x1, v1;
	v5 =	vshrl.u32 v5, v18;
	v6 =	vshrl.u32 v7, v19  }
0x119: {  	vm15 =	veq.s32 v30, $0x0;
	v62 =	vperm.xlane v2, v21;
	vm14 =	veq.s32 v1, $0x0  }
0x11a: {  	v32 =	vxor.u32 v5, v6;
	v6 =	vsel vm15, $0x0, v17;
	v1 =	vsel vm14, $0x0, v20  }
0x11b: {  	v5 =	vand.u32 $0x1, v5;
	v0 =	vand.u32 $0x1, v32;
	v1 =	vxor.u32 v6, v1;
	v6 =	vld [tilespmem:$0x2A0]  }
0x11c: {  	p1 =	sne.s32 s28, $0x27;
	s17 =	simm.s32 $0xFFFFFFFF;
	vm5 =	veq.s32 v5, $0x0;
	v5 =	vperm.xlane v2, v22;
	vm4 =	veq.s32 v0, $0x0  }
0x11d: {  	s17 =	simm.s32 @!p1 $0x0;
	v11 =	vsel vm5, $0x0, v17;
	v0 =	vshrl.u32 v62, v18;
	v7 =	vsel vm4, $0x0, v20  }
0x11e: {  	p1 =	sne.s32 s28, $0x28;
	v1 =	vand.u32 s17, v1;
	s17 =	simm.s32 $0xFFFFFFFF;
	v5 =	vshrl.u32 v5, v19;
	v7 =	vxor.u32 v11, v7;
	v11 =	vld [tilespmem:$0x2B0]  }
0x11f: {  	s17 =	simm.s32 @!p1 $0x0;
	v62 =	vxor.u32 v3, v1;
	v3 =	vxor.u32 v0, v5;
	v0 =	vand.u32 $0x1, v0  }
0x120: {  	v24 =	vand.u32 s17, v7;
	v3 =	vand.u32 $0x1, v3;
	v5 =	vperm.xlane v6, v21  }
0x121: {  	vm7 =	veq.s32 v0, $0x0;
	vm6 =	veq.s32 v3, $0x0;
	v7 =	vperm.xlane v6, v22  }
0x122: {  	v63 =	vxor.u32 v63, v24;
	v3 =	vsel vm6, $0x0, v20;
	v29 =	vshrl.u32 v5, v18  }
0x123: {  	p1 =	sne.s32 s28, $0x29;
	s17 =	simm.s32 $0xFFFFFFFF;
	v30 =	vshrl.u32 v7, v19;
	v5 =	vsel vm7, $0x0, v17;
	v32 =	vperm.xlane v11, v21  }
0x124: {  	s17 =	simm.s32 @!p1 $0x0;
	v7 =	vperm.xlane v11, v22;
	v1 =	vxor.u32 v29, v30;
	v3 =	vxor.u32 v5, v3;
	v5 =	vld [tilespmem:$0x2C0]  }
0x125: {  	v0 =	vand.u32 $0x1, v29;
	v1 =	vand.u32 $0x1, v1;
	v3 =	vand.u32 s17, v3  }
0x126: {  	vm9 =	veq.s32 v0, $0x0;
	v7 =	vshrl.u32 v7, v19;
	vm8 =	veq.s32 v1, $0x0  }
0x127: {  	v8 =	vsel vm9, $0x0, v17;
	v1 =	vshrl.u32 v32, v18;
	v29 =	vxor.u32 v2, v3  }
0x128: {  	p1 =	sne.s32 s28, $0x2A;
	s17 =	simm.s32 $0xFFFFFFFF;
	v4 =	vsel vm8, $0x0, v20;
	v3 =	vxor.u32 v1, v7;
	v1 =	vand.u32 $0x1, v1  }
0x129: {  	s17 =	simm.s32 @!p1 $0x0;
	v24 =	vxor.u32 v8, v4;
	v3 =	vand.u32 $0x1, v3;
	v4 =	vperm.xlane v5, v21  }
0x12a: {  	v8 =	vld [tilespmem:$0x2D0];
	vm11 =	veq.s32 v1, $0x0;
	v7 =	vperm.xlane v5, v22;
	v2 =	vand.u32 s17, v24  }
0x12b: {  	v9 =	vld [tilespmem:$0x2E0];
	vm10 =	veq.s32 v3, $0x0;
	v6 =	vxor.u32 v6, v2;
	v30 =	vshrl.u32 v4, v18  }
0x12c: {  	p1 =	sne.s32 s28, $0x2B;
	s17 =	simm.s32 $0xFFFFFFFF;
	v3 =	vshrl.u32 v7, v19;
	v4 =	vsel vm10, $0x0, v20;
	v7 =	vsel vm11, $0x0, v17  }
0x12d: {  	s17 =	simm.s32 @!p1 $0x0;
	v3 =	vxor.u32 v30, v3;
	v4 =	vxor.u32 v7, v4;
	v1 =	vand.u32 $0x1, v30  }
0x12e: {  	v3 =	vand.u32 $0x1, v3;
	v4 =	vand.u32 s17, v4;
	vm13 =	veq.s32 v1, $0x0  }
0x12f: {  	v7 =	vperm.xlane v8, v21;
	v24 =	vperm.xlane v8, v22;
	vm12 =	veq.s32 v3, $0x0  }
0x130: {  	v3 =	vsel vm13, $0x0, v17;
	v30 =	vxor.u32 v11, v4;
	v11 =	vperm.xlane v9, v22  }
0x131: {  	p1 =	sne.s32 s28, $0x2C;
	s17 =	simm.s32 $0xFFFFFFFF;
	v32 =	vsel vm12, $0x0, v20;
	v4 =	vshrl.u32 v7, v18;
	v2 =	vshrl.u32 v24, v19  }
0x132: {  	s17 =	simm.s32 @!p1 $0x0;
	v7 =	vperm.xlane v9, v21;
	v1 =	vxor.u32 v3, v32;
	v24 =	vand.u32 $0x1, v4  }
0x133: {  	v2 =	vxor.u32 v4, v2;
	v4 =	vld [tilespmem:$0x2F0];
	v11 =	vshrl.u32 v11, v19;
	v1 =	vand.u32 s17, v1  }
0x134: {  	v2 =	vand.u32 $0x1, v2;
	v7 =	vshrl.u32 v7, v18;
	vm15 =	veq.s32 v24, $0x0  }
0x135: {  	v10 =	vld [tilespmem:$0x300];
	v32 =	vxor.u32 v5, v1;
	vm14 =	veq.s32 v2, $0x0;
	v24 =	vxor.u32 v7, v11  }
0x136: {  	v11 =	vsel vm15, $0x0, v17;
	v7 =	vand.u32 $0x1, v7;
	v2 =	vsel vm14, $0x0, v20  }
0x137: {  	p1 =	sne.s32 s28, $0x2D;
	s17 =	simm.s32 $0xFFFFFFFF;
	v1 =	vand.u32 $0x1, v24;
	vm5 =	veq.s32 v7, $0x0;
	v2 =	vxor.u32 v11, v2  }
0x138: {  	s17 =	simm.s32 @!p1 $0x0;
	vm4 =	veq.s32 v1, $0x0;
	v12 =	vsel vm5, $0x0, v17;
	v24 =	vperm.xlane v4, v21  }
0x139: {  	p1 =	sne.s32 s28, $0x2E;
	v7 =	vperm.xlane v4, v22;
	v2 =	vand.u32 s17, v2;
	s17 =	simm.s32 $0xFFFFFFFF;
	v11 =	vsel vm4, $0x0, v20  }
0x13a: {  	v13 =	vperm.xlane v10, v22;
	s17 =	simm.s32 @!p1 $0x0;
	v11 =	vxor.u32 v12, v11;
	v1 =	vshrl.u32 v24, v18  }
0x13b: {  	v12 =	vshrl.u32 v7, v19;
	v7 =	vxor.u32 v8, v2;
	v24 =	vand.u32 s17, v11  }
0x13c: {  	v8 =	vxor.u32 v1, v12;
	v12 =	vperm.xlane v10, v21;
	v11 =	vxor.u32 v9, v24  }
0x13d: {  	v1 =	vand.u32 $0x1, v1;
	v24 =	vshrl.u32 v13, v19;
	v8 =	vand.u32 $0x1, v8  }
0x13e: {  	vm7 =	veq.s32 v1, $0x0;
	vm6 =	veq.s32 v8, $0x0;
	v1 =	vshrl.u32 v12, v18  }
0x13f: {  	p1 =	sne.s32 s28, $0x2F;
	s17 =	simm.s32 $0xFFFFFFFF;
	v12 =	vsel vm7, $0x0, v17;
	v9 =	vsel vm6, $0x0, v20;
	v2 =	vxor.u32 v1, v24  }
0x140: {  	s17 =	simm.s32 @!p1 $0x0;
	v1 =	vand.u32 $0x1, v1;
	v9 =	vxor.u32 v12, v9;
	v2 =	vand.u32 $0x1, v2  }
0x141: {  	vm9 =	veq.s32 v1, $0x0;
	v9 =	vand.u32 s17, v9;
	vm8 =	veq.s32 v2, $0x0  }
0x142: {  	p1 =	sne.s32 s28, $0x30;
	s17 =	simm.s32 $0xFFFFFFFF;
	v5 =	vxor.u32 v4, v9;
	v2 =	vsel vm8, $0x0, v20;
	v4 =	vsel vm9, $0x0, v17  }
0x143: {  	s17 =	simm.s32 @!p1 $0x0;
	v2 =	vxor.u32 v4, v2  }
0x144: {  	v2 =	vand.u32 s17, v2  }
0x145: {  	v3 =	vxor.u32 v10, v2;
	v10 =	vld [tilespmem:$0x330];
	_ =	sdelay $0x2  }
0x146: {  	v13 =	vld [tilespmem:$0x320]  }
0x147: {  	v8 =	vld [tilespmem:$0x310]  }
0x148: {  	v24 =	vperm.xlane v10, v22;
	_ =	sdelay $0x1  }
0x149: {  	v1 =	vshrl.u32 v24, v19;
	v24 =	vld [tilespmem:$0x1FF60]  }
0x14a: {  	v16 =	vmovc v15;
	v15 =	vmov v14;
	v12 =	vperm.xlane v13, v21;
	v14 =	vperm.xlane v13, v22  }
0x14b: {  	v4 =	vperm.xlane v8, v21;
	v9 =	vperm.xlane v8, v22  }
0x14c: {  	v12 =	vshrl.u32 v12, v18  }
0x14d: {  	v14 =	vshrl.u32 v14, v19;
	v4 =	vshrl.u32 v4, v18;
	v9 =	vshrl.u32 v9, v19  }
0x14e: {  	v14 =	vxor.u32 v12, v14;
	v9 =	vxor.u32 v4, v9;
	v4 =	vand.u32 $0x1, v4;
	[tilespmem:$0x20] =	vst v24;
	v24 =	vld [tilespmem:$0x1FF70]  }
0x14f: {  	[tilespmem:$0x0] =	vst v23;
	v23 =	vld [tilespmem:$0x1FF50];
	vm11 =	veq.s32 v4, $0x0;
	v4 =	vand.u32 $0x1, v14  }
0x150: {  	v9 =	vand.u32 $0x1, v9;
	vm12 =	veq.s32 v4, $0x0;
	v4 =	vld [tilespmem:$0x340]  }
0x151: {  	vm10 =	veq.s32 v9, $0x0  }
0x152: {  	p1 =	sne.s32 s28, $0x31;
	s17 =	simm.s32 $0xFFFFFFFF;
	v14 =	vsel vm11, $0x0, v17;
	v9 =	vsel vm10, $0x0, v20  }
0x153: {  	v12 =	vand.u32 $0x1, v12;
	s17 =	simm.s32 @!p1 $0x0;
	v9 =	vxor.u32 v14, v9;
	[tilespmem:$0x30] =	vst v24;
	v24 =	vld [tilespmem:$0x1FF80]  }
0x154: {  	vm13 =	veq.s32 v12, $0x0;
	v9 =	vand.u32 s17, v9  }
0x155: {  	[tilespmem:$0x10] =	vst v23;
	v23 =	vxor.u32 v8, v9;
	v9 =	vperm.xlane v4, v21;
	v14 =	vperm.xlane v4, v22  }
0x156: {  	p1 =	sne.s32 s28, $0x32;
	v12 =	vsel vm12, $0x0, v20;
	s17 =	simm.s32 $0xFFFFFFFF;
	v8 =	vsel vm13, $0x0, v17  }
0x157: {  	[tilespmem:$0x200] =	vst v54;
	v54 =	vld [tilespmem:$0x3D0];
	s17 =	simm.s32 @!p1 $0x0;
	v8 =	vxor.u32 v8, v12;
	v9 =	vshrl.u32 v9, v18;
	v12 =	vshrl.u32 v14, v19  }
0x158: {  	[tilespmem:$0x40] =	vst v24;
	v24 =	vand.u32 s17, v8;
	v8 =	vxor.u32 v9, v12;
	v12 =	vld [tilespmem:$0x1FFA0]  }
0x159: {  	v0 =	vperm.xlane v10, v21;
	v14 =	vld [tilespmem:$0x1FF90];
	_ =	sdelay $0x1  }
0x15a: {  	v0 =	vshrl.u32 v0, v18  }
0x15b: {  	[tilespmem:$0x2D0] =	vst v7;
	v2 =	vld [tilespmem:$0x350];
	v1 =	vxor.u32 v0, v1  }
0x15c: {  	v7 =	vperm.xlane v54, v21;
	v0 =	vand.u32 $0x1, v0;
	v1 =	vand.u32 $0x1, v1;
	[tilespmem:$0x60] =	vst v12;
	v12 =	vld [tilespmem:$0x1FFB0]  }
0x15d: {  	vm15 =	veq.s32 v0, $0x0;
	vm14 =	veq.s32 v1, $0x0;
	[tilespmem:$0x50] =	vst v14;
	v14 =	vld [tilespmem:$0x380]  }
0x15e: {  	[tilespmem:$0x2F0] =	vst v5;
	v5 =	vshrl.u32 v7, v18;
	v0 =	vsel vm15, $0x0, v17;
	v1 =	vsel vm14, $0x0, v20  }
0x15f: {  	[tilespmem:$0x80] =	vst v31;
	p1 =	sne.s32 s28, $0x33;
	v31 =	vand.u32 $0x1, v9;
	v0 =	vxor.u32 v0, v1;
	s17 =	simm.s32 $0xFFFFFFFF;
	v8 =	vand.u32 $0x1, v8  }
0x160: {  	[tilespmem:$0xB0] =	vst v25;
	vm5 =	veq.s32 v31, $0x0;
	v24 =	vxor.u32 v13, v24;
	v13 =	vld [tilespmem:$0x360];
	s17 =	simm.s32 @!p1 $0x0;
	vm4 =	veq.s32 v8, $0x0  }
0x161: {  	v8 =	vperm.xlane v2, v21;
	v0 =	vand.u32 s17, v0;
	[tilespmem:$0x70] =	vst v12;
	v12 =	vperm.xlane v2, v22  }
0x162: {  	[tilespmem:$0x140] =	vst v43;
	v43 =	vperm.xlane v14, v21;
	v9 =	vsel vm4, $0x0, v20;
	v25 =	vxor.u32 v10, v0  }
0x163: {  	v31 =	vshrl.u32 v8, v18;
	v8 =	vshrl.u32 v12, v19;
	v12 =	vsel vm5, $0x0, v17  }
0x164: {  	[tilespmem:$0xA0] =	vst v33;
	p1 =	sne.s32 s28, $0x34;
	s17 =	simm.s32 $0xFFFFFFFF;
	v1 =	vand.u32 $0x1, v31;
	v8 =	vxor.u32 v31, v8;
	v33 =	vxor.u32 v12, v9;
	v9 =	vld [tilespmem:$0x370]  }
0x165: {  	[tilespmem:$0xE0] =	vst v37;
	s17 =	simm.s32 @!p1 $0x0;
	v10 =	vperm.xlane v13, v22;
	vm7 =	veq.s32 v1, $0x0;
	v8 =	vand.u32 $0x1, v8  }
0x166: {  	[tilespmem:$0xF0] =	vst v26;
	v0 =	vand.u32 s17, v33;
	vm6 =	veq.s32 v8, $0x0;
	v8 =	vperm.xlane v13, v21  }
0x167: {  	[tilespmem:$0x150] =	vst v44;
	v44 =	vperm.xlane v14, v22;
	v37 =	vsel vm7, $0x0, v17;
	v26 =	vxor.u32 v4, v0  }
0x168: {  	[tilespmem:$0xD0] =	vst v35;
	p1 =	sne.s32 s28, $0x35;
	s17 =	simm.s32 $0xFFFFFFFF;
	v12 =	vsel vm6, $0x0, v20;
	v35 =	vshrl.u32 v8, v18;
	v8 =	vshrl.u32 v10, v19  }
0x169: {  	s17 =	simm.s32 @!p1 $0x0;
	v0 =	vxor.u32 v37, v12;
	v4 =	vxor.u32 v35, v8;
	v8 =	vperm.xlane v9, v21  }
0x16a: {  	v10 =	vperm.xlane v9, v22;
	v1 =	vand.u32 $0x1, v35;
	v0 =	vand.u32 s17, v0  }
0x16b: {  	[tilespmem:$0x130] =	vst v41;
	v4 =	vand.u32 $0x1, v4;
	vm9 =	veq.s32 v1, $0x0;
	v41 =	vxor.u32 v2, v0  }
0x16c: {  	[tilespmem:$0x110] =	vst v40;
	vm8 =	veq.s32 v4, $0x0;
	v8 =	vshrl.u32 v8, v18;
	v10 =	vshrl.u32 v10, v19  }
0x16d: {  	[tilespmem:$0x120] =	vst v42;
	v42 =	vsel vm9, $0x0, v17;
	v4 =	vsel vm8, $0x0, v20;
	v40 =	vxor.u32 v8, v10  }
0x16e: {  	[tilespmem:$0x90] =	vst v28;
	p1 =	sne.s32 s28, $0x36;
	s17 =	simm.s32 $0xFFFFFFFF;
	v10 =	vld [tilespmem:$0x390];
	v1 =	vand.u32 $0x1, v40;
	v0 =	vxor.u32 v42, v4;
	v4 =	vand.u32 $0x1, v8  }
0x16f: {  	[tilespmem:$0xC0] =	vst v27;
	s17 =	simm.s32 @!p1 $0x0;
	v2 =	vshrl.u32 v44, v19;
	vm10 =	veq.s32 v1, $0x0;
	vm11 =	veq.s32 v4, $0x0  }
0x170: {  	[tilespmem:$0x100] =	vst v39;
	v1 =	vshrl.u32 v43, v18;
	v0 =	vand.u32 s17, v0;
	v8 =	vsel vm10, $0x0, v20  }
0x171: {  	[tilespmem:$0x170] =	vst v46;
	v4 =	vsel vm11, $0x0, v17;
	v2 =	vxor.u32 v1, v2;
	v46 =	vxor.u32 v13, v0  }
0x172: {  	[tilespmem:$0x180] =	vst v48;
	p1 =	sne.s32 s28, $0x37;
	s17 =	simm.s32 $0xFFFFFFFF;
	v1 =	vand.u32 $0x1, v1;
	v48 =	vxor.u32 v4, v8;
	v2 =	vand.u32 $0x1, v2;
	v4 =	vld [tilespmem:$0x3A0]  }
0x173: {  	[tilespmem:$0x190] =	vst v49;
	s17 =	simm.s32 @!p1 $0x0;
	vm12 =	veq.s32 v2, $0x0;
	v49 =	vperm.xlane v10, v21;
	v8 =	vperm.xlane v10, v22  }
0x174: {  	[tilespmem:$0x1B0] =	vst v50;
	vm13 =	veq.s32 v1, $0x0;
	v0 =	vand.u32 s17, v48;
	v12 =	vsel vm12, $0x0, v20  }
0x175: {  	[tilespmem:$0x1C0] =	vst v51;
	v50 =	vshrl.u32 v49, v18;
	v51 =	vshrl.u32 v8, v19;
	v8 =	vsel vm13, $0x0, v17  }
0x176: {  	[tilespmem:$0x1D0] =	vst v52;
	v52 =	vld [tilespmem:$0x3B0];
	p1 =	sne.s32 s28, $0x38;
	s17 =	simm.s32 $0xFFFFFFFF;
	v0 =	vxor.u32 v9, v0;
	v2 =	vxor.u32 v50, v51;
	v8 =	vxor.u32 v8, v12  }
0x177: {  	[tilespmem:$0x160] =	vst v45;
	s17 =	simm.s32 @!p1 $0x0;
	v1 =	vand.u32 $0x1, v50;
	v9 =	vperm.xlane v4, v21;
	v13 =	vperm.xlane v4, v22  }
0x178: {  	[tilespmem:$0x1F0] =	vst v53;
	v2 =	vand.u32 $0x1, v2;
	vm15 =	veq.s32 v1, $0x0;
	v53 =	vand.u32 s17, v8  }
0x179: {  	[tilespmem:$0x1A0] =	vst v47;
	vm14 =	veq.s32 v2, $0x0;
	v9 =	vshrl.u32 v9, v18;
	v12 =	vshrl.u32 v13, v19  }
0x17a: {  	[tilespmem:$0x1E0] =	vst v55;
	v1 =	vxor.u32 v14, v53;
	v2 =	vsel vm14, $0x0, v20;
	v8 =	vxor.u32 v9, v12  }
0x17b: {  	[tilespmem:$0x210] =	vst v56;
	v14 =	vld [tilespmem:$0x3C0];
	v13 =	vperm.xlane v52, v22;
	v12 =	vsel vm15, $0x0, v17;
	v8 =	vand.u32 $0x1, v8  }
0x17c: {  	[tilespmem:$0x220] =	vst v57;
	p1 =	sne.s32 s28, $0x39;
	s17 =	simm.s32 $0xFFFFFFFF;
	v9 =	vand.u32 $0x1, v9;
	vm4 =	veq.s32 v8, $0x0;
	v8 =	vperm.xlane v52, v21  }
0x17d: {  	[tilespmem:$0x230] =	vst v58;
	s17 =	simm.s32 @!p1 $0x0;
	v2 =	vxor.u32 v12, v2;
	vm5 =	veq.s32 v9, $0x0;
	v9 =	vshrl.u32 v13, v19  }
0x17e: {  	[tilespmem:$0x240] =	vst v61;
	v2 =	vand.u32 s17, v2;
	v13 =	vsel vm5, $0x0, v17;
	v8 =	vshrl.u32 v8, v18  }
0x17f: {  	[tilespmem:$0x250] =	vst v59;
	v12 =	vsel vm4, $0x0, v20;
	v2 =	vxor.u32 v10, v2;
	v9 =	vxor.u32 v8, v9  }
0x180: {  	[tilespmem:$0x260] =	vst v60;
	p1 =	sne.s32 s28, $0x3A;
	s17 =	simm.s32 $0xFFFFFFFF;
	v12 =	vxor.u32 v13, v12;
	v13 =	vperm.xlane v14, v22;
	v9 =	vand.u32 $0x1, v9  }
0x181: {  	[tilespmem:$0x270] =	vst v62;
	s17 =	simm.s32 @!p1 $0x0;
	v8 =	vand.u32 $0x1, v8;
	vm6 =	veq.s32 v9, $0x0;
	v9 =	vperm.xlane v14, v21  }
0x182: {  	[tilespmem:$0x2A0] =	vst v6;
	vm7 =	veq.s32 v8, $0x0;
	v8 =	vand.u32 s17, v12;
	v12 =	vshrl.u32 v13, v19  }
0x183: {  	[tilespmem:$0x2E0] =	vst v11;
	v11 =	vld [tilespmem:$0x3F0];
	p1 =	sne.s32 s28, $0x3B;
	s17 =	simm.s32 $0xFFFFFFFF;
	v6 =	vsel vm7, $0x0, v17;
	v55 =	vsel vm6, $0x0, v20;
	v9 =	vshrl.u32 v9, v18  }
0x184: {  	[tilespmem:$0x280] =	vst v63;
	s17 =	simm.s32 @!p1 $0x0;
	v4 =	vxor.u32 v4, v8;
	v6 =	vxor.u32 v6, v55;
	v10 =	vxor.u32 v9, v12;
	v12 =	vld [tilespmem:$0x3E0]  }
0x185: {  	[tilespmem:$0x290] =	vst v29;
	v6 =	vand.u32 s17, v6;
	v9 =	vand.u32 $0x1, v9;
	v8 =	vand.u32 $0x1, v10  }
0x186: {  	[tilespmem:$0x2B0] =	vst v30;
	vm9 =	veq.s32 v9, $0x0;
	vm8 =	veq.s32 v8, $0x0;
	v8 =	vperm.xlane v54, v22  }
0x187: {  	[tilespmem:$0x300] =	vst v3;
	v6 =	vxor.u32 v52, v6;
	v3 =	vsel vm9, $0x0, v17;
	v10 =	vsel vm8, $0x0, v20  }
0x188: {  	[tilespmem:$0x2C0] =	vst v32;
	p1 =	sne.s32 s28, $0x3C;
	s17 =	simm.s32 $0xFFFFFFFF;
	v7 =	vshrl.u32 v8, v19;
	v3 =	vxor.u32 v3, v10;
	v10 =	vperm.xlane v11, v22  }
0x189: {  	[tilespmem:$0x310] =	vst v23;
	s17 =	simm.s32 @!p1 $0x0;
	v7 =	vxor.u32 v5, v7;
	v8 =	vperm.xlane v12, v21;
	v9 =	vperm.xlane v12, v22  }
0x18a: {  	[tilespmem:$0x320] =	vst v24;
	v5 =	vand.u32 $0x1, v5;
	v57 =	vand.u32 s17, v3;
	v7 =	vand.u32 $0x1, v7  }
0x18b: {  	[tilespmem:$0x380] =	vst v1;
	vm11 =	veq.s32 v5, $0x0;
	v1 =	vxor.u32 v14, v57;
	vm10 =	veq.s32 v7, $0x0  }
0x18c: {  	[tilespmem:$0x330] =	vst v25;
	v7 =	vshrl.u32 v8, v18;
	v8 =	vshrl.u32 v9, v19;
	v9 =	vperm.xlane v11, v21  }
0x18d: {  	[tilespmem:$0x340] =	vst v26;
	v13 =	vsel vm10, $0x0, v20;
	v5 =	vxor.u32 v7, v8;
	v3 =	vand.u32 $0x1, v7  }
0x18e: {  	[tilespmem:$0x350] =	vst v41;
	v8 =	vshrl.u32 v9, v18;
	v9 =	vshrl.u32 v10, v19;
	v5 =	vand.u32 $0x1, v5  }
0x18f: {  	[tilespmem:$0x360] =	vst v46;
	v10 =	vsel vm11, $0x0, v17;
	vm14 =	veq.s32 v3, $0x0;
	vm12 =	veq.s32 v5, $0x0  }
0x190: {  	[tilespmem:$0x370] =	vst v0;
	p1 =	sne.s32 s28, $0x3D;
	s17 =	simm.s32 $0xFFFFFFFF;
	v5 =	vxor.u32 v8, v9;
	v56 =	vxor.u32 v10, v13;
	v3 =	vand.u32 $0x1, v8  }
0x191: {  	[tilespmem:$0x3A0] =	vst v4;
	s17 =	simm.s32 @!p1 $0x0;
	v4 =	vsel vm14, $0x0, v17;
	v9 =	vsel vm12, $0x0, v20;
	v5 =	vand.u32 $0x1, v5  }
0x192: {  	[tilespmem:$0x390] =	vst v2;
	p1 =	sne.s32 s28, $0x3E;
	vm15 =	veq.s32 v3, $0x0;
	v0 =	vand.u32 s17, v56;
	s17 =	simm.s32 $0xFFFFFFFF;
	vm13 =	veq.s32 v5, $0x0  }
0x193: {  	s16 =	simm.s32 $0xFFFFFFFF;
	[tilespmem:$0x3B0] =	vst v6;
	s17 =	simm.s32 @!p1 $0x0;
	v3 =	vxor.u32 v4, v9;
	p1 =	sne.s32 s28, $0x3F;
	v4 =	vsel vm15, $0x0, v17;
	v58 =	vsel vm13, $0x0, v20  }
0x194: {  	[tilespmem:$0x3C0] =	vst v1;
	v0 =	vxor.u32 v54, v0;
	v59 =	vand.u32 s17, v3;
	s16 =	simm.s32 @!p1 $0x0;
	v2 =	vxor.u32 v4, v58  }
0x195: {  	v7 =	vld [tilespmem:$0x1FFC0];
	[tilespmem:$0x3D0] =	vst v0;
	v60 =	vxor.u32 v12, v59;
	v61 =	vand.u32 s16, v2  }
0x196: {  	v18 =	vld [tilespmem:$0x1FFE0];
	[tilespmem:$0x3E0] =	vst v60;
	v62 =	vxor.u32 v11, v61  }
0x197: {  	v19 =	vld [tilespmem:$0x1FFF0];
	[tilespmem:$0x3F0] =	vst v62  }
0x198: {  	v17 =	vld [tilespmem:$0x1FFD0];
	p1 =	sne.s32 s13, $0x0;
	_ =	swait.ge [sflag:s11], $0x80  }
.Ltmp0:
0x199: {  	[sflag:s11] =	ssyncset.done $0x0;
	(pc) =	sbr.rel @p1 .LBB2_2-.Ltmp0, $4  }
0x19a: {  	v63 =	vsel vm0, v38, v36;
	[sflag:s11] =	ssyncadd.s32 $0xFFFFFF80  }
0x19b: {  	v14 =	vmov v15;
	v15 =	vmov v16;
	v16 =	vimm.s32 $0x0;
	[tilespmem:$0x500] =	vst v63  }
0x19c: {  	v10 =	vimm.s32 $0x2;
	v8 =	vimm.s32 $0xFFFFFFFF;
	v9 =	vimm.s32 $0x1;
	[bflag:$0x0] =	sbarrier.arrive $0xFFFF  }
0x19d: {  	s14 =	sadd.s32 $0x2000, s14;
	s15 =	sadd.s32 $0xFFFFFFFF, s15;
	s13 =	sadd.s32 $0xFFFFFFFE, s13;
	v4 =	vlaneseq.u32;
	v12 =	vimm.s32 $0x8;
	v11 =	vimm.s32 $0x4  }
0x19e: {  	s13 =	simm.s32 @!p0 $0x80  }
0x19f: {  	s14 =	simm.s32 @!p0 $0x400;
	s15 =	simm.s32 @!p0 $0x0;
	s12 =	sadd.s32 $0x1, s12  }
0x1a0: {  	[hbm4b:s6+s13] =	stream.strided.scatter @!p0 [tilespmem:s15], [sflag:$0x2], $0x400, s14, s13, $0x38;
	[tilespmem:$0x5A0] =	vst v63  }
0x1a1: {  	p1 =	sne.s32 s12, s7  }
.Ltmp1:
0x1a2: {  	_ = 	snop;
	(pc) =	sbr.rel @p1 .LBB2_1-.Ltmp1, $4  }
0x1a3: {  	s13 =	simm.s32 @!p0 $0x2  }
0x1a4: {  	_ =	swait.ge @!p0 [sflag:s13], $0x400  }
0x1a5: {  	[sflag:s13] =	ssyncset.done @!p0 $0x0  }
0x1a6: {  	[sflag:s13] =	ssyncadd.s32 @!p0 $0xFFFFFC00  }
0x1a7: {  	_ =	sfence.sel $0x180000  }
0x1a8: {  	[bflag:$0x0] =	sbarrier.arrive $0xFFFF  }
0x1a9: {  	p0 =	sne.s32 s0, $0x0;
	_ =	strace $0x90000047  }
0x1aa: {  	s0 =	sadd.s32 @!p0 $0x100000, s2;
	[bflag:$0x2] =	sbarrier.arrive $0xFFFF  }
0x1ab: {  	[sflag:s0] =	ssyncadd.tile.s32 @!p0 $0x1;
	_ =	shalt  }
.Lfunc_end2:
_tile_overlayer_lowered:
.L_overlay_start_2:
0x1ac: {  	(tag) =	ssettag $0x2  }
0x1ad: {  	s0 =	rddreg [dreg:$0x0];
	s2 =	stileid.u32  }
0x1ae: {  	s1 =	rddreg [dreg:$0x1];
	p0 =	sne.s32 s2, $0x0  }
0x1af: {  	s3 =	rddreg [dreg:$0x2];
	[bflag:$0x3] =	sbarrier.arrive $0xFFFF;
	s2 =	simm.s32 @!p0 $0x1C02  }
0x1b0: {  	[timem:s3], [sflag:s2] =	dma.local @!p0 [hbm:s0], s1  }
0x1b1: {  	s0 =	simm.s32 @!p0 $0x2  }
0x1b2: {  	_ =	swait.ge @!p0 [sflag:s0], s1  }
0x1b3: {  	s1 =	ssub.s32 @!p0 $0x0, s1;
	[sflag:s0] =	ssyncset.done @!p0 $0x0  }
0x1b4: {  	[sflag:s0] =	ssyncadd.s32 @!p0 s1  }
0x1b5: {  	[bflag:$0x3] =	sbarrier.arrive $0xFFFF  }
0x1b6: {  	_ =	shalt  }

</sc_bundles>
